<compile_context>
chip_gen: v7x
topology: tpu7x:2x2x1
jax: 0.10.2.dev20260603
libtpu: 0.0.44.dev20260713+nightly
codegen_flags: <defaults>
</compile_context>

<pallas_src>
import jax
import jax.numpy as jnp
from jax import lax
from jax.experimental import pallas as pl
from jax.experimental.pallas import tpu as pltpu, tpu_sc as plsc

_INFO = plsc.get_sparse_core_info()
_NC = _INFO.num_cores
_NS = _INFO.num_subcores
_NW = _NC * _NS
_L = 16

_F = 200
_B = 16384
_CPW = _B // _NW
_CHUNKS = (8, 40, 48, 48, 40, 16)
_RMAX = max(_CHUNKS)
_STARTS = tuple(sum(_CHUNKS[:i]) for i in range(len(_CHUNKS)))


def _lookup_body(x_hbm, table_hbm, out_hbm, table_v,
                 x0, x1, y0, y1, st, sx0, sx1, sy0, sy1):
    wid = lax.axis_index("s") * _NC + lax.axis_index("c")
    col0 = wid * _CPW
    x_bufs, y_bufs = (x0, x1), (y0, y1)
    sx, sy = (sx0, sx1), (sy0, sy1)

    def start_x(c):
        b = c % 2
        return pltpu.async_copy(
            x_hbm.at[pl.ds(_STARTS[c], _CHUNKS[c]), pl.ds(col0, _CPW)],
            x_bufs[b].at[pl.ds(0, _CHUNKS[c])], sx[b])

    xc = [None, None]
    yc = [None, None]
    xc[0] = start_x(0)
    tc = pltpu.async_copy(table_hbm, table_v, st)
    xc[1] = start_x(1)
    tc.wait()
    for c in range(len(_CHUNKS)):
        b = c % 2
        xc[b].wait()
        if c >= 2:
            yc[b].wait()
        x_v, y_v = x_bufs[b], y_bufs[b]

        @plsc.parallel_loop(0, _CHUNKS[c], step=1)
        def _gather(r):
            for cs in range(0, _CPW, _L):
                idx = x_v[r, pl.ds(cs, _L)]
                y_v[r, pl.ds(cs, _L)] = plsc.load_gather(table_v, [idx])

        yc[b] = pltpu.async_copy(
            y_v.at[pl.ds(0, _CHUNKS[c])],
            out_hbm.at[pl.ds(_STARTS[c], _CHUNKS[c]), pl.ds(col0, _CPW)],
            sy[b])
        if c + 2 < len(_CHUNKS):
            xc[b] = start_x(c + 2)

    yc[len(_CHUNKS) % 2].wait()
    yc[(len(_CHUNKS) - 1) % 2].wait()


@jax.jit
def kernel(x, table):
    mesh = plsc.VectorSubcoreMesh(core_axis_name="c", subcore_axis_name="s")
    fn = pl.kernel(
        _lookup_body,
        mesh=mesh,
        out_type=jax.ShapeDtypeStruct((_F, _B), jnp.float32),
        scratch_types=[
            pltpu.VMEM((256,), jnp.float32),
            pltpu.VMEM((_RMAX, _CPW), jnp.int32),
            pltpu.VMEM((_RMAX, _CPW), jnp.int32),
            pltpu.VMEM((_RMAX, _CPW), jnp.float32),
            pltpu.VMEM((_RMAX, _CPW), jnp.float32),
            pltpu.SemaphoreType.DMA,
            pltpu.SemaphoreType.DMA,
            pltpu.SemaphoreType.DMA,
            pltpu.SemaphoreType.DMA,
            pltpu.SemaphoreType.DMA,
        ],
        compiler_params=pltpu.CompilerParams(needs_layout_passes=False),
    )
    return fn(x.T, table).T

# --- scband reference (transcript-rebuilt; emitter-appended) ---
"""Pipeline reference for scband-symmetry-quant-table-13958643712615 (READ-ONLY COPY).

The authoritative reference and input builder live on the scoring server;
editing this copy changes nothing except your own understanding.
"""

import jax, jax.numpy as jnp
import numpy as np

INPUT_BIT = 8
INPUT_AMAX = 6.0
OUTPUT_BIT = 8
NARROW = False
# input_unsign=True, output_unsign=True -> quant range [0, 2^bit - 1]


def _build_table():
    # QuantConfig(bit=8, narrow=False, unsign=True, amax=INPUT_AMAX)
    in_quant_max = 2 ** INPUT_BIT - 1  # 255
    input_quant = jnp.arange(0, in_quant_max + 1, dtype=jnp.float32)  # qconfig.range
    in_scale = INPUT_AMAX / in_quant_max
    input_float = input_quant * in_scale  # dequantize
    output_float = jax.nn.sigmoid(input_float)  # func
    output_amax = jnp.abs(output_float).max()  # output_amax defaults to amax(func(DQ(range)))
    out_quant_max = 2 ** OUTPUT_BIT - 1
    out_scale = output_amax / out_quant_max
    output_quant = jnp.clip(jnp.round(output_float / out_scale), 0, out_quant_max)
    # input_unsign=True -> table = output_quant directly (no signed reshuffle)
    return output_quant.astype(jnp.float32)


def setup_inputs(seed: int = 0) -> dict:
    key = jax.random.key(seed)
    x = jax.random.randint(key, (16384, 200), 0, 256, dtype=jnp.int32)
    table = _build_table()
    return {"x": x, "table": table}


def reference(x, table):
    # forward: y = self._table[x.to(torch.int64)]
    y = jnp.take(table, x, axis=0)
    return y

if __name__ == "__main__":
    import jax
    _d = setup_inputs()
    print(jax.jit(kernel)(*tuple(_d.values())))

</pallas_src>

<mosaic_0001>
#map = affine_map<(d0, d1) -> (0, 0)>
#map1 = affine_map<(d0, d1) -> (0)>
module attributes {stable_mosaic.version = 14 : i64} {
  func.func @_lookup_body(%arg0: i32, %arg1: i32, %arg2: memref<200x16384xi32, #tpu.memory_space<hbm>>, %arg3: memref<256xf32, #tpu.memory_space<hbm>>, %arg4: memref<200x16384xf32, #tpu.memory_space<hbm>>, %arg5: memref<256xf32, #tpu.memory_space<vmem>>, %arg6: memref<48x512xi32, #tpu.memory_space<vmem>>, %arg7: memref<48x512xi32, #tpu.memory_space<vmem>>, %arg8: memref<48x512xf32, #tpu.memory_space<vmem>>, %arg9: memref<48x512xf32, #tpu.memory_space<vmem>>, %arg10: memref<!tpu.dma_semaphore, #tpu.memory_space<semaphore_mem>>, %arg11: memref<!tpu.dma_semaphore, #tpu.memory_space<semaphore_mem>>, %arg12: memref<!tpu.dma_semaphore, #tpu.memory_space<semaphore_mem>>, %arg13: memref<!tpu.dma_semaphore, #tpu.memory_space<semaphore_mem>>, %arg14: memref<!tpu.dma_semaphore, #tpu.memory_space<semaphore_mem>>) attributes {dimension_semantics = [#tpu.dimension_semantics<core_parallel>, #tpu.dimension_semantics<subcore_parallel>], iteration_bounds = array<i64: 2, 16>, scalar_prefetch = 0 : i64, scratch_operands = 10 : i64, tpu.core_type = #tpu.core_type<sc_vector_subcore>, window_params = [{transform_indices = #map}, {transform_indices = #map1}, {transform_indices = #map}]} {
    %mul3A = arith.constant 2 : i32
    %mul3A_0 = arith.muli %arg1, %mul3A : i32
    %add3A = arith.addi %mul3A_0, %arg0 : i32
    %mul3A_1 = arith.constant 512 : i32
    %mul3A_2 = arith.muli %add3A, %mul3A_1 : i32
    %dma_start3A = arith.constant 0 : i32
    %dma_start3A_3 = arith.constant 0 : i32
    %dma_start3A_4 = tpu.memref_slice %arg6[%dma_start3A, %dma_start3A_3] : memref<48x512xi32, #tpu.memory_space<vmem>> -> memref<8x512xi32, #tpu.memory_space<vmem>>
    %dma_start3A_5 = arith.constant 0 : i32
    %dma_start3A_6 = tpu.memref_slice %arg2[%dma_start3A_5, %mul3A_2] : memref<200x16384xi32, #tpu.memory_space<hbm>> -> memref<8x512xi32, #tpu.memory_space<hbm>>
    %dma_start3A_7 = arith.constant 0 : i32
    %dma_start3A_8 = arith.constant 0 : i32
    %dma_start3A_9 = tpu.memref_slice %arg6[%dma_start3A_7, %dma_start3A_8] : memref<48x512xi32, #tpu.memory_space<vmem>> -> memref<8x512xi32, #tpu.memory_space<vmem>>
    %dma_start3A_10 = arith.constant 0 : i32
    %dma_start3A_11 = tpu.memref_slice %arg2[%dma_start3A_10, %mul3A_2] : memref<200x16384xi32, #tpu.memory_space<hbm>> -> memref<8x512xi32, #tpu.memory_space<hbm>>
    tpu.enqueue_dma source(%dma_start3A_11 : memref<8x512xi32, #tpu.memory_space<hbm>>) target(%dma_start3A_9 : memref<8x512xi32, #tpu.memory_space<vmem>>) target_semaphore(%arg11 : memref<!tpu.dma_semaphore, #tpu.memory_space<semaphore_mem>>)
    tpu.enqueue_dma source(%arg3 : memref<256xf32, #tpu.memory_space<hbm>>) target(%arg5 : memref<256xf32, #tpu.memory_space<vmem>>) target_semaphore(%arg10 : memref<!tpu.dma_semaphore, #tpu.memory_space<semaphore_mem>>)
    %dma_start3A_12 = arith.constant 0 : i32
    %dma_start3A_13 = arith.constant 0 : i32
    %dma_start3A_14 = tpu.memref_slice %arg7[%dma_start3A_12, %dma_start3A_13] : memref<48x512xi32, #tpu.memory_space<vmem>> -> memref<40x512xi32, #tpu.memory_space<vmem>>
    %dma_start3A_15 = arith.constant 8 : i32
    %dma_start3A_16 = tpu.memref_slice %arg2[%dma_start3A_15, %mul3A_2] : memref<200x16384xi32, #tpu.memory_space<hbm>> -> memref<40x512xi32, #tpu.memory_space<hbm>>
    %dma_start3A_17 = arith.constant 0 : i32
    %dma_start3A_18 = arith.constant 0 : i32
    %dma_start3A_19 = tpu.memref_slice %arg7[%dma_start3A_17, %dma_start3A_18] : memref<48x512xi32, #tpu.memory_space<vmem>> -> memref<40x512xi32, #tpu.memory_space<vmem>>
    %dma_start3A_20 = arith.constant 8 : i32
    %dma_start3A_21 = tpu.memref_slice %arg2[%dma_start3A_20, %mul3A_2] : memref<200x16384xi32, #tpu.memory_space<hbm>> -> memref<40x512xi32, #tpu.memory_space<hbm>>
    tpu.enqueue_dma source(%dma_start3A_21 : memref<40x512xi32, #tpu.memory_space<hbm>>) target(%dma_start3A_19 : memref<40x512xi32, #tpu.memory_space<vmem>>) target_semaphore(%arg12 : memref<!tpu.dma_semaphore, #tpu.memory_space<semaphore_mem>>)
    tpu.wait_dma2 semaphore(%arg10 : memref<!tpu.dma_semaphore, #tpu.memory_space<semaphore_mem>>) src(%arg3 : memref<256xf32, #tpu.memory_space<hbm>>) dst(%arg5 : memref<256xf32, #tpu.memory_space<vmem>>)
    %dma_wait3A = arith.constant 0 : i32
    %dma_wait3A_22 = arith.constant 0 : i32
    %dma_wait3A_23 = tpu.memref_slice %arg6[%dma_wait3A, %dma_wait3A_22] : memref<48x512xi32, #tpu.memory_space<vmem>> -> memref<8x512xi32, #tpu.memory_space<vmem>>
    %dma_wait3A_24 = arith.constant 0 : i32
    %dma_wait3A_25 = tpu.memref_slice %arg2[%dma_wait3A_24, %mul3A_2] : memref<200x16384xi32, #tpu.memory_space<hbm>> -> memref<8x512xi32, #tpu.memory_space<hbm>>
    %dma_wait3A_26 = arith.constant 0 : i32
    %dma_wait3A_27 = arith.constant 0 : i32
    %dma_wait3A_28 = tpu.memref_slice %arg6[%dma_wait3A_26, %dma_wait3A_27] : memref<48x512xi32, #tpu.memory_space<vmem>> -> memref<8x512xi32, #tpu.memory_space<vmem>>
    %dma_wait3A_29 = arith.constant 0 : i32
    %dma_wait3A_30 = tpu.memref_slice %arg2[%dma_wait3A_29, %mul3A_2] : memref<200x16384xi32, #tpu.memory_space<hbm>> -> memref<8x512xi32, #tpu.memory_space<hbm>>
    tpu.wait_dma2 semaphore(%arg11 : memref<!tpu.dma_semaphore, #tpu.memory_space<semaphore_mem>>) src(%dma_wait3A_30 : memref<8x512xi32, #tpu.memory_space<hbm>>) dst(%dma_wait3A_28 : memref<8x512xi32, #tpu.memory_space<vmem>>)
    %parallel_loop3A = arith.constant 0 : i32
    %parallel_loop3A_31 = arith.constant 8 : i32
    %parallel_loop3A_32 = arith.constant 1 : i32
    scf.for %parallel_loop3A_258 = %parallel_loop3A to %parallel_loop3A_31 step %parallel_loop3A_32  : i32 {
      %parallel_loop3A_259 = arith.index_cast %parallel_loop3A_258 : i32 to index
      %parallel_loop3A_260 = arith.constant 0 : index
      %parallel_loop3A_261 = tpu.vector_load %arg6[%parallel_loop3A_259, %parallel_loop3A_260] {strides = array<i32>} : memref<48x512xi32, #tpu.memory_space<vmem>>, vector<16xi32>,
      %parallel_loop3A_262 = tpu.vector_load_idx %arg5[%parallel_loop3A_261] : memref<256xf32, #tpu.memory_space<vmem>>[vector<16xi32>], vector<16xf32>,
      %parallel_loop3A_263 = arith.index_cast %parallel_loop3A_258 : i32 to index
      %parallel_loop3A_264 = arith.constant 0 : index
      %parallel_loop3A_265 = tpu.vector_load %arg8[%parallel_loop3A_263, %parallel_loop3A_264] {strides = array<i32>} : memref<48x512xf32, #tpu.memory_space<vmem>>, vector<16xf32>,
      tpu.vector_store %arg8[%parallel_loop3A_263, %parallel_loop3A_264], %parallel_loop3A_262 {strides = array<i32>} : memref<48x512xf32, #tpu.memory_space<vmem>>, vector<16xf32>,
      %parallel_loop3A_266 = arith.index_cast %parallel_loop3A_258 : i32 to index
      %parallel_loop3A_267 = arith.constant 16 : index
      %parallel_loop3A_268 = tpu.vector_load %arg6[%parallel_loop3A_266, %parallel_loop3A_267] {strides = array<i32>} : memref<48x512xi32, #tpu.memory_space<vmem>>, vector<16xi32>,
      %parallel_loop3A_269 = tpu.vector_load_idx %arg5[%parallel_loop3A_268] : memref<256xf32, #tpu.memory_space<vmem>>[vector<16xi32>], vector<16xf32>,
      %parallel_loop3A_270 = arith.index_cast %parallel_loop3A_258 : i32 to index
      %parallel_loop3A_271 = arith.constant 16 : index
      %parallel_loop3A_272 = tpu.vector_load %arg8[%parallel_loop3A_270, %parallel_loop3A_271] {strides = array<i32>} : memref<48x512xf32, #tpu.memory_space<vmem>>, vector<16xf32>,
      tpu.vector_store %arg8[%parallel_loop3A_270, %parallel_loop3A_271], %parallel_loop3A_269 {strides = array<i32>} : memref<48x512xf32, #tpu.memory_space<vmem>>, vector<16xf32>,
      %parallel_loop3A_273 = arith.index_cast %parallel_loop3A_258 : i32 to index
      %parallel_loop3A_274 = arith.constant 32 : index
      %parallel_loop3A_275 = tpu.vector_load %arg6[%parallel_loop3A_273, %parallel_loop3A_274] {strides = array<i32>} : memref<48x512xi32, #tpu.memory_space<vmem>>, vector<16xi32>,
      %parallel_loop3A_276 = tpu.vector_load_idx %arg5[%parallel_loop3A_275] : memref<256xf32, #tpu.memory_space<vmem>>[vector<16xi32>], vector<16xf32>,
      %parallel_loop3A_277 = arith.index_cast %parallel_loop3A_258 : i32 to index
      %parallel_loop3A_278 = arith.constant 32 : index
      %parallel_loop3A_279 = tpu.vector_load %arg8[%parallel_loop3A_277, %parallel_loop3A_278] {strides = array<i32>} : memref<48x512xf32, #tpu.memory_space<vmem>>, vector<16xf32>,
      tpu.vector_store %arg8[%parallel_loop3A_277, %parallel_loop3A_278], %parallel_loop3A_276 {strides = array<i32>} : memref<48x512xf32, #tpu.memory_space<vmem>>, vector<16xf32>,
      %parallel_loop3A_280 = arith.index_cast %parallel_loop3A_258 : i32 to index
      %parallel_loop3A_281 = arith.constant 48 : index
      %parallel_loop3A_282 = tpu.vector_load %arg6[%parallel_loop3A_280, %parallel_loop3A_281] {strides = array<i32>} : memref<48x512xi32, #tpu.memory_space<vmem>>, vector<16xi32>,
      %parallel_loop3A_283 = tpu.vector_load_idx %arg5[%parallel_loop3A_282] : memref<256xf32, #tpu.memory_space<vmem>>[vector<16xi32>], vector<16xf32>,
      %parallel_loop3A_284 = arith.index_cast %parallel_loop3A_258 : i32 to index
      %parallel_loop3A_285 = arith.constant 48 : index
      %parallel_loop3A_286 = tpu.vector_load %arg8[%parallel_loop3A_284, %parallel_loop3A_285] {strides = array<i32>} : memref<48x512xf32, #tpu.memory_space<vmem>>, vector<16xf32>,
      tpu.vector_store %arg8[%parallel_loop3A_284, %parallel_loop3A_285], %parallel_loop3A_283 {strides = array<i32>} : memref<48x512xf32, #tpu.memory_space<vmem>>, vector<16xf32>,
      %parallel_loop3A_287 = arith.index_cast %parallel_loop3A_258 : i32 to index
      %parallel_loop3A_288 = arith.constant 64 : index
      %parallel_loop3A_289 = tpu.vector_load %arg6[%parallel_loop3A_287, %parallel_loop3A_288] {strides = array<i32>} : memref<48x512xi32, #tpu.memory_space<vmem>>, vector<16xi32>,
      %parallel_loop3A_290 = tpu.vector_load_idx %arg5[%parallel_loop3A_289] : memref<256xf32, #tpu.memory_space<vmem>>[vector<16xi32>], vector<16xf32>,
      %parallel_loop3A_291 = arith.index_cast %parallel_loop3A_258 : i32 to index
      %parallel_loop3A_292 = arith.constant 64 : index
      %parallel_loop3A_293 = tpu.vector_load %arg8[%parallel_loop3A_291, %parallel_loop3A_292] {strides = array<i32>} : memref<48x512xf32, #tpu.memory_space<vmem>>, vector<16xf32>,
      tpu.vector_store %arg8[%parallel_loop3A_291, %parallel_loop3A_292], %parallel_loop3A_290 {strides = array<i32>} : memref<48x512xf32, #tpu.memory_space<vmem>>, vector<16xf32>,
      %parallel_loop3A_294 = arith.index_cast %parallel_loop3A_258 : i32 to index
      %parallel_loop3A_295 = arith.constant 80 : index
      %parallel_loop3A_296 = tpu.vector_load %arg6[%parallel_loop3A_294, %parallel_loop3A_295] {strides = array<i32>} : memref<48x512xi32, #tpu.memory_space<vmem>>, vector<16xi32>,
      %parallel_loop3A_297 = tpu.vector_load_idx %arg5[%parallel_loop3A_296] : memref<256xf32, #tpu.memory_space<vmem>>[vector<16xi32>], vector<16xf32>,
      %parallel_loop3A_298 = arith.index_cast %parallel_loop3A_258 : i32 to index
      %parallel_loop3A_299 = arith.constant 80 : index
      %parallel_loop3A_300 = tpu.vector_load %arg8[%parallel_loop3A_298, %parallel_loop3A_299] {strides = array<i32>} : memref<48x512xf32, #tpu.memory_space<vmem>>, vector<16xf32>,
      tpu.vector_store %arg8[%parallel_loop3A_298, %parallel_loop3A_299], %parallel_loop3A_297 {strides = array<i32>} : memref<48x512xf32, #tpu.memory_space<vmem>>, vector<16xf32>,
      %parallel_loop3A_301 = arith.index_cast %parallel_loop3A_258 : i32 to index
      %parallel_loop3A_302 = arith.constant 96 : index
      %parallel_loop3A_303 = tpu.vector_load %arg6[%parallel_loop3A_301, %parallel_loop3A_302] {strides = array<i32>} : memref<48x512xi32, #tpu.memory_space<vmem>>, vector<16xi32>,
      %parallel_loop3A_304 = tpu.vector_load_idx %arg5[%parallel_loop3A_303] : memref<256xf32, #tpu.memory_space<vmem>>[vector<16xi32>], vector<16xf32>,
      %parallel_loop3A_305 = arith.index_cast %parallel_loop3A_258 : i32 to index
      %parallel_loop3A_306 = arith.constant 96 : index
      %parallel_loop3A_307 = tpu.vector_load %arg8[%parallel_loop3A_305, %parallel_loop3A_306] {strides = array<i32>} : memref<48x512xf32, #tpu.memory_space<vmem>>, vector<16xf32>,
      tpu.vector_store %arg8[%parallel_loop3A_305, %parallel_loop3A_306], %parallel_loop3A_304 {strides = array<i32>} : memref<48x512xf32, #tpu.memory_space<vmem>>, vector<16xf32>,
      %parallel_loop3A_308 = arith.index_cast %parallel_loop3A_258 : i32 to index
      %parallel_loop3A_309 = arith.constant 112 : index
      %parallel_loop3A_310 = tpu.vector_load %arg6[%parallel_loop3A_308, %parallel_loop3A_309] {strides = array<i32>} : memref<48x512xi32, #tpu.memory_space<vmem>>, vector<16xi32>,
      %parallel_loop3A_311 = tpu.vector_load_idx %arg5[%parallel_loop3A_310] : memref<256xf32, #tpu.memory_space<vmem>>[vector<16xi32>], vector<16xf32>,
      %parallel_loop3A_312 = arith.index_cast %parallel_loop3A_258 : i32 to index
      %parallel_loop3A_313 = arith.constant 112 : index
      %parallel_loop3A_314 = tpu.vector_load %arg8[%parallel_loop3A_312, %parallel_loop3A_313] {strides = array<i32>} : memref<48x512xf32, #tpu.memory_space<vmem>>, vector<16xf32>,
      tpu.vector_store %arg8[%parallel_loop3A_312, %parallel_loop3A_313], %parallel_loop3A_311 {strides = array<i32>} : memref<48x512xf32, #tpu.memory_space<vmem>>, vector<16xf32>,
      %parallel_loop3A_315 = arith.index_cast %parallel_loop3A_258 : i32 to index
      %parallel_loop3A_316 = arith.constant 128 : index
      %parallel_loop3A_317 = tpu.vector_load %arg6[%parallel_loop3A_315, %parallel_loop3A_316] {strides = array<i32>} : memref<48x512xi32, #tpu.memory_space<vmem>>, vector<16xi32>,
      %parallel_loop3A_318 = tpu.vector_load_idx %arg5[%parallel_loop3A_317] : memref<256xf32, #tpu.memory_space<vmem>>[vector<16xi32>], vector<16xf32>,
      %parallel_loop3A_319 = arith.index_cast %parallel_loop3A_258 : i32 to index
      %parallel_loop3A_320 = arith.constant 128 : index
      %parallel_loop3A_321 = tpu.vector_load %arg8[%parallel_loop3A_319, %parallel_loop3A_320] {strides = array<i32>} : memref<48x512xf32, #tpu.memory_space<vmem>>, vector<16xf32>,
      tpu.vector_store %arg8[%parallel_loop3A_319, %parallel_loop3A_320], %parallel_loop3A_318 {strides = array<i32>} : memref<48x512xf32, #tpu.memory_space<vmem>>, vector<16xf32>,
      %parallel_loop3A_322 = arith.index_cast %parallel_loop3A_258 : i32 to index
      %parallel_loop3A_323 = arith.constant 144 : index
      %parallel_loop3A_324 = tpu.vector_load %arg6[%parallel_loop3A_322, %parallel_loop3A_323] {strides = array<i32>} : memref<48x512xi32, #tpu.memory_space<vmem>>, vector<16xi32>,
      %parallel_loop3A_325 = tpu.vector_load_idx %arg5[%parallel_loop3A_324] : memref<256xf32, #tpu.memory_space<vmem>>[vector<16xi32>], vector<16xf32>,
      %parallel_loop3A_326 = arith.index_cast %parallel_loop3A_258 : i32 to index
      %parallel_loop3A_327 = arith.constant 144 : index
      %parallel_loop3A_328 = tpu.vector_load %arg8[%parallel_loop3A_326, %parallel_loop3A_327] {strides = array<i32>} : memref<48x512xf32, #tpu.memory_space<vmem>>, vector<16xf32>,
      tpu.vector_store %arg8[%parallel_loop3A_326, %parallel_loop3A_327], %parallel_loop3A_325 {strides = array<i32>} : memref<48x512xf32, #tpu.memory_space<vmem>>, vector<16xf32>,
      %parallel_loop3A_329 = arith.index_cast %parallel_loop3A_258 : i32 to index
      %parallel_loop3A_330 = arith.constant 160 : index
      %parallel_loop3A_331 = tpu.vector_load %arg6[%parallel_loop3A_329, %parallel_loop3A_330] {strides = array<i32>} : memref<48x512xi32, #tpu.memory_space<vmem>>, vector<16xi32>,
      %parallel_loop3A_332 = tpu.vector_load_idx %arg5[%parallel_loop3A_331] : memref<256xf32, #tpu.memory_space<vmem>>[vector<16xi32>], vector<16xf32>,
      %parallel_loop3A_333 = arith.index_cast %parallel_loop3A_258 : i32 to index
      %parallel_loop3A_334 = arith.constant 160 : index
      %parallel_loop3A_335 = tpu.vector_load %arg8[%parallel_loop3A_333, %parallel_loop3A_334] {strides = array<i32>} : memref<48x512xf32, #tpu.memory_space<vmem>>, vector<16xf32>,
      tpu.vector_store %arg8[%parallel_loop3A_333, %parallel_loop3A_334], %parallel_loop3A_332 {strides = array<i32>} : memref<48x512xf32, #tpu.memory_space<vmem>>, vector<16xf32>,
      %parallel_loop3A_336 = arith.index_cast %parallel_loop3A_258 : i32 to index
      %parallel_loop3A_337 = arith.constant 176 : index
      %parallel_loop3A_338 = tpu.vector_load %arg6[%parallel_loop3A_336, %parallel_loop3A_337] {strides = array<i32>} : memref<48x512xi32, #tpu.memory_space<vmem>>, vector<16xi32>,
      %parallel_loop3A_339 = tpu.vector_load_idx %arg5[%parallel_loop3A_338] : memref<256xf32, #tpu.memory_space<vmem>>[vector<16xi32>], vector<16xf32>,
      %parallel_loop3A_340 = arith.index_cast %parallel_loop3A_258 : i32 to index
      %parallel_loop3A_341 = arith.constant 176 : index
      %parallel_loop3A_342 = tpu.vector_load %arg8[%parallel_loop3A_340, %parallel_loop3A_341] {strides = array<i32>} : memref<48x512xf32, #tpu.memory_space<vmem>>, vector<16xf32>,
      tpu.vector_store %arg8[%parallel_loop3A_340, %parallel_loop3A_341], %parallel_loop3A_339 {strides = array<i32>} : memref<48x512xf32, #tpu.memory_space<vmem>>, vector<16xf32>,
      %parallel_loop3A_343 = arith.index_cast %parallel_loop3A_258 : i32 to index
      %parallel_loop3A_344 = arith.constant 192 : index
      %parallel_loop3A_345 = tpu.vector_load %arg6[%parallel_loop3A_343, %parallel_loop3A_344] {strides = array<i32>} : memref<48x512xi32, #tpu.memory_space<vmem>>, vector<16xi32>,
      %parallel_loop3A_346 = tpu.vector_load_idx %arg5[%parallel_loop3A_345] : memref<256xf32, #tpu.memory_space<vmem>>[vector<16xi32>], vector<16xf32>,
      %parallel_loop3A_347 = arith.index_cast %parallel_loop3A_258 : i32 to index
      %parallel_loop3A_348 = arith.constant 192 : index
      %parallel_loop3A_349 = tpu.vector_load %arg8[%parallel_loop3A_347, %parallel_loop3A_348] {strides = array<i32>} : memref<48x512xf32, #tpu.memory_space<vmem>>, vector<16xf32>,
      tpu.vector_store %arg8[%parallel_loop3A_347, %parallel_loop3A_348], %parallel_loop3A_346 {strides = array<i32>} : memref<48x512xf32, #tpu.memory_space<vmem>>, vector<16xf32>,
      %parallel_loop3A_350 = arith.index_cast %parallel_loop3A_258 : i32 to index
      %parallel_loop3A_351 = arith.constant 208 : index
      %parallel_loop3A_352 = tpu.vector_load %arg6[%parallel_loop3A_350, %parallel_loop3A_351] {strides = array<i32>} : memref<48x512xi32, #tpu.memory_space<vmem>>, vector<16xi32>,
      %parallel_loop3A_353 = tpu.vector_load_idx %arg5[%parallel_loop3A_352] : memref<256xf32, #tpu.memory_space<vmem>>[vector<16xi32>], vector<16xf32>,
      %parallel_loop3A_354 = arith.index_cast %parallel_loop3A_258 : i32 to index
      %parallel_loop3A_355 = arith.constant 208 : index
      %parallel_loop3A_356 = tpu.vector_load %arg8[%parallel_loop3A_354, %parallel_loop3A_355] {strides = array<i32>} : memref<48x512xf32, #tpu.memory_space<vmem>>, vector<16xf32>,
      tpu.vector_store %arg8[%parallel_loop3A_354, %parallel_loop3A_355], %parallel_loop3A_353 {strides = array<i32>} : memref<48x512xf32, #tpu.memory_space<vmem>>, vector<16xf32>,
      %parallel_loop3A_357 = arith.index_cast %parallel_loop3A_258 : i32 to index
      %parallel_loop3A_358 = arith.constant 224 : index
      %parallel_loop3A_359 = tpu.vector_load %arg6[%parallel_loop3A_357, %parallel_loop3A_358] {strides = array<i32>} : memref<48x512xi32, #tpu.memory_space<vmem>>, vector<16xi32>,
      %parallel_loop3A_360 = tpu.vector_load_idx %arg5[%parallel_loop3A_359] : memref<256xf32, #tpu.memory_space<vmem>>[vector<16xi32>], vector<16xf32>,
      %parallel_loop3A_361 = arith.index_cast %parallel_loop3A_258 : i32 to index
      %parallel_loop3A_362 = arith.constant 224 : index
      %parallel_loop3A_363 = tpu.vector_load %arg8[%parallel_loop3A_361, %parallel_loop3A_362] {strides = array<i32>} : memref<48x512xf32, #tpu.memory_space<vmem>>, vector<16xf32>,
      tpu.vector_store %arg8[%parallel_loop3A_361, %parallel_loop3A_362], %parallel_loop3A_360 {strides = array<i32>} : memref<48x512xf32, #tpu.memory_space<vmem>>, vector<16xf32>,
      %parallel_loop3A_364 = arith.index_cast %parallel_loop3A_258 : i32 to index
      %parallel_loop3A_365 = arith.constant 240 : index
      %parallel_loop3A_366 = tpu.vector_load %arg6[%parallel_loop3A_364, %parallel_loop3A_365] {strides = array<i32>} : memref<48x512xi32, #tpu.memory_space<vmem>>, vector<16xi32>,
      %parallel_loop3A_367 = tpu.vector_load_idx %arg5[%parallel_loop3A_366] : memref<256xf32, #tpu.memory_space<vmem>>[vector<16xi32>], vector<16xf32>,
      %parallel_loop3A_368 = arith.index_cast %parallel_loop3A_258 : i32 to index
      %parallel_loop3A_369 = arith.constant 240 : index
      %parallel_loop3A_370 = tpu.vector_load %arg8[%parallel_loop3A_368, %parallel_loop3A_369] {strides = array<i32>} : memref<48x512xf32, #tpu.memory_space<vmem>>, vector<16xf32>,
      tpu.vector_store %arg8[%parallel_loop3A_368, %parallel_loop3A_369], %parallel_loop3A_367 {strides = array<i32>} : memref<48x512xf32, #tpu.memory_space<vmem>>, vector<16xf32>,
      %parallel_loop3A_371 = arith.index_cast %parallel_loop3A_258 : i32 to index
      %parallel_loop3A_372 = arith.constant 256 : index
      %parallel_loop3A_373 = tpu.vector_load %arg6[%parallel_loop3A_371, %parallel_loop3A_372] {strides = array<i32>} : memref<48x512xi32, #tpu.memory_space<vmem>>, vector<16xi32>,
      %parallel_loop3A_374 = tpu.vector_load_idx %arg5[%parallel_loop3A_373] : memref<256xf32, #tpu.memory_space<vmem>>[vector<16xi32>], vector<16xf32>,
      %parallel_loop3A_375 = arith.index_cast %parallel_loop3A_258 : i32 to index
      %parallel_loop3A_376 = arith.constant 256 : index
      %parallel_loop3A_377 = tpu.vector_load %arg8[%parallel_loop3A_375, %parallel_loop3A_376] {strides = array<i32>} : memref<48x512xf32, #tpu.memory_space<vmem>>, vector<16xf32>,
      tpu.vector_store %arg8[%parallel_loop3A_375, %parallel_loop3A_376], %parallel_loop3A_374 {strides = array<i32>} : memref<48x512xf32, #tpu.memory_space<vmem>>, vector<16xf32>,
      %parallel_loop3A_378 = arith.index_cast %parallel_loop3A_258 : i32 to index
      %parallel_loop3A_379 = arith.constant 272 : index
      %parallel_loop3A_380 = tpu.vector_load %arg6[%parallel_loop3A_378, %parallel_loop3A_379] {strides = array<i32>} : memref<48x512xi32, #tpu.memory_space<vmem>>, vector<16xi32>,
      %parallel_loop3A_381 = tpu.vector_load_idx %arg5[%parallel_loop3A_380] : memref<256xf32, #tpu.memory_space<vmem>>[vector<16xi32>], vector<16xf32>,
      %parallel_loop3A_382 = arith.index_cast %parallel_loop3A_258 : i32 to index
      %parallel_loop3A_383 = arith.constant 272 : index
      %parallel_loop3A_384 = tpu.vector_load %arg8[%parallel_loop3A_382, %parallel_loop3A_383] {strides = array<i32>} : memref<48x512xf32, #tpu.memory_space<vmem>>, vector<16xf32>,
      tpu.vector_store %arg8[%parallel_loop3A_382, %parallel_loop3A_383], %parallel_loop3A_381 {strides = array<i32>} : memref<48x512xf32, #tpu.memory_space<vmem>>, vector<16xf32>,
      %parallel_loop3A_385 = arith.index_cast %parallel_loop3A_258 : i32 to index
      %parallel_loop3A_386 = arith.constant 288 : index
      %parallel_loop3A_387 = tpu.vector_load %arg6[%parallel_loop3A_385, %parallel_loop3A_386] {strides = array<i32>} : memref<48x512xi32, #tpu.memory_space<vmem>>, vector<16xi32>,
      %parallel_loop3A_388 = tpu.vector_load_idx %arg5[%parallel_loop3A_387] : memref<256xf32, #tpu.memory_space<vmem>>[vector<16xi32>], vector<16xf32>,
      %parallel_loop3A_389 = arith.index_cast %parallel_loop3A_258 : i32 to index
      %parallel_loop3A_390 = arith.constant 288 : index
      %parallel_loop3A_391 = tpu.vector_load %arg8[%parallel_loop3A_389, %parallel_loop3A_390] {strides = array<i32>} : memref<48x512xf32, #tpu.memory_space<vmem>>, vector<16xf32>,
      tpu.vector_store %arg8[%parallel_loop3A_389, %parallel_loop3A_390], %parallel_loop3A_388 {strides = array<i32>} : memref<48x512xf32, #tpu.memory_space<vmem>>, vector<16xf32>,
      %parallel_loop3A_392 = arith.index_cast %parallel_loop3A_258 : i32 to index
      %parallel_loop3A_393 = arith.constant 304 : index
      %parallel_loop3A_394 = tpu.vector_load %arg6[%parallel_loop3A_392, %parallel_loop3A_393] {strides = array<i32>} : memref<48x512xi32, #tpu.memory_space<vmem>>, vector<16xi32>,
      %parallel_loop3A_395 = tpu.vector_load_idx %arg5[%parallel_loop3A_394] : memref<256xf32, #tpu.memory_space<vmem>>[vector<16xi32>], vector<16xf32>,
      %parallel_loop3A_396 = arith.index_cast %parallel_loop3A_258 : i32 to index
      %parallel_loop3A_397 = arith.constant 304 : index
      %parallel_loop3A_398 = tpu.vector_load %arg8[%parallel_loop3A_396, %parallel_loop3A_397] {strides = array<i32>} : memref<48x512xf32, #tpu.memory_space<vmem>>, vector<16xf32>,
      tpu.vector_store %arg8[%parallel_loop3A_396, %parallel_loop3A_397], %parallel_loop3A_395 {strides = array<i32>} : memref<48x512xf32, #tpu.memory_space<vmem>>, vector<16xf32>,
      %parallel_loop3A_399 = arith.index_cast %parallel_loop3A_258 : i32 to index
      %parallel_loop3A_400 = arith.constant 320 : index
      %parallel_loop3A_401 = tpu.vector_load %arg6[%parallel_loop3A_399, %parallel_loop3A_400] {strides = array<i32>} : memref<48x512xi32, #tpu.memory_space<vmem>>, vector<16xi32>,
      %parallel_loop3A_402 = tpu.vector_load_idx %arg5[%parallel_loop3A_401] : memref<256xf32, #tpu.memory_space<vmem>>[vector<16xi32>], vector<16xf32>,
      %parallel_loop3A_403 = arith.index_cast %parallel_loop3A_258 : i32 to index
      %parallel_loop3A_404 = arith.constant 320 : index
      %parallel_loop3A_405 = tpu.vector_load %arg8[%parallel_loop3A_403, %parallel_loop3A_404] {strides = array<i32>} : memref<48x512xf32, #tpu.memory_space<vmem>>, vector<16xf32>,
      tpu.vector_store %arg8[%parallel_loop3A_403, %parallel_loop3A_404], %parallel_loop3A_402 {strides = array<i32>} : memref<48x512xf32, #tpu.memory_space<vmem>>, vector<16xf32>,
      %parallel_loop3A_406 = arith.index_cast %parallel_loop3A_258 : i32 to index
      %parallel_loop3A_407 = arith.constant 336 : index
      %parallel_loop3A_408 = tpu.vector_load %arg6[%parallel_loop3A_406, %parallel_loop3A_407] {strides = array<i32>} : memref<48x512xi32, #tpu.memory_space<vmem>>, vector<16xi32>,
      %parallel_loop3A_409 = tpu.vector_load_idx %arg5[%parallel_loop3A_408] : memref<256xf32, #tpu.memory_space<vmem>>[vector<16xi32>], vector<16xf32>,
      %parallel_loop3A_410 = arith.index_cast %parallel_loop3A_258 : i32 to index
      %parallel_loop3A_411 = arith.constant 336 : index
      %parallel_loop3A_412 = tpu.vector_load %arg8[%parallel_loop3A_410, %parallel_loop3A_411] {strides = array<i32>} : memref<48x512xf32, #tpu.memory_space<vmem>>, vector<16xf32>,
      tpu.vector_store %arg8[%parallel_loop3A_410, %parallel_loop3A_411], %parallel_loop3A_409 {strides = array<i32>} : memref<48x512xf32, #tpu.memory_space<vmem>>, vector<16xf32>,
      %parallel_loop3A_413 = arith.index_cast %parallel_loop3A_258 : i32 to index
      %parallel_loop3A_414 = arith.constant 352 : index
      %parallel_loop3A_415 = tpu.vector_load %arg6[%parallel_loop3A_413, %parallel_loop3A_414] {strides = array<i32>} : memref<48x512xi32, #tpu.memory_space<vmem>>, vector<16xi32>,
      %parallel_loop3A_416 = tpu.vector_load_idx %arg5[%parallel_loop3A_415] : memref<256xf32, #tpu.memory_space<vmem>>[vector<16xi32>], vector<16xf32>,
      %parallel_loop3A_417 = arith.index_cast %parallel_loop3A_258 : i32 to index
      %parallel_loop3A_418 = arith.constant 352 : index
      %parallel_loop3A_419 = tpu.vector_load %arg8[%parallel_loop3A_417, %parallel_loop3A_418] {strides = array<i32>} : memref<48x512xf32, #tpu.memory_space<vmem>>, vector<16xf32>,
      tpu.vector_store %arg8[%parallel_loop3A_417, %parallel_loop3A_418], %parallel_loop3A_416 {strides = array<i32>} : memref<48x512xf32, #tpu.memory_space<vmem>>, vector<16xf32>,
      %parallel_loop3A_420 = arith.index_cast %parallel_loop3A_258 : i32 to index
      %parallel_loop3A_421 = arith.constant 368 : index
      %parallel_loop3A_422 = tpu.vector_load %arg6[%parallel_loop3A_420, %parallel_loop3A_421] {strides = array<i32>} : memref<48x512xi32, #tpu.memory_space<vmem>>, vector<16xi32>,
      %parallel_loop3A_423 = tpu.vector_load_idx %arg5[%parallel_loop3A_422] : memref<256xf32, #tpu.memory_space<vmem>>[vector<16xi32>], vector<16xf32>,
      %parallel_loop3A_424 = arith.index_cast %parallel_loop3A_258 : i32 to index
      %parallel_loop3A_425 = arith.constant 368 : index
      %parallel_loop3A_426 = tpu.vector_load %arg8[%parallel_loop3A_424, %parallel_loop3A_425] {strides = array<i32>} : memref<48x512xf32, #tpu.memory_space<vmem>>, vector<16xf32>,
      tpu.vector_store %arg8[%parallel_loop3A_424, %parallel_loop3A_425], %parallel_loop3A_423 {strides = array<i32>} : memref<48x512xf32, #tpu.memory_space<vmem>>, vector<16xf32>,
      %parallel_loop3A_427 = arith.index_cast %parallel_loop3A_258 : i32 to index
      %parallel_loop3A_428 = arith.constant 384 : index
      %parallel_loop3A_429 = tpu.vector_load %arg6[%parallel_loop3A_427, %parallel_loop3A_428] {strides = array<i32>} : memref<48x512xi32, #tpu.memory_space<vmem>>, vector<16xi32>,
      %parallel_loop3A_430 = tpu.vector_load_idx %arg5[%parallel_loop3A_429] : memref<256xf32, #tpu.memory_space<vmem>>[vector<16xi32>], vector<16xf32>,
      %parallel_loop3A_431 = arith.index_cast %parallel_loop3A_258 : i32 to index
      %parallel_loop3A_432 = arith.constant 384 : index
      %parallel_loop3A_433 = tpu.vector_load %arg8[%parallel_loop3A_431, %parallel_loop3A_432] {strides = array<i32>} : memref<48x512xf32, #tpu.memory_space<vmem>>, vector<16xf32>,
      tpu.vector_store %arg8[%parallel_loop3A_431, %parallel_loop3A_432], %parallel_loop3A_430 {strides = array<i32>} : memref<48x512xf32, #tpu.memory_space<vmem>>, vector<16xf32>,
      %parallel_loop3A_434 = arith.index_cast %parallel_loop3A_258 : i32 to index
      %parallel_loop3A_435 = arith.constant 400 : index
      %parallel_loop3A_436 = tpu.vector_load %arg6[%parallel_loop3A_434, %parallel_loop3A_435] {strides = array<i32>} : memref<48x512xi32, #tpu.memory_space<vmem>>, vector<16xi32>,
      %parallel_loop3A_437 = tpu.vector_load_idx %arg5[%parallel_loop3A_436] : memref<256xf32, #tpu.memory_space<vmem>>[vector<16xi32>], vector<16xf32>,
      %parallel_loop3A_438 = arith.index_cast %parallel_loop3A_258 : i32 to index
      %parallel_loop3A_439 = arith.constant 400 : index
      %parallel_loop3A_440 = tpu.vector_load %arg8[%parallel_loop3A_438, %parallel_loop3A_439] {strides = array<i32>} : memref<48x512xf32, #tpu.memory_space<vmem>>, vector<16xf32>,
      tpu.vector_store %arg8[%parallel_loop3A_438, %parallel_loop3A_439], %parallel_loop3A_437 {strides = array<i32>} : memref<48x512xf32, #tpu.memory_space<vmem>>, vector<16xf32>,
      %parallel_loop3A_441 = arith.index_cast %parallel_loop3A_258 : i32 to index
      %parallel_loop3A_442 = arith.constant 416 : index
      %parallel_loop3A_443 = tpu.vector_load %arg6[%parallel_loop3A_441, %parallel_loop3A_442] {strides = array<i32>} : memref<48x512xi32, #tpu.memory_space<vmem>>, vector<16xi32>,
      %parallel_loop3A_444 = tpu.vector_load_idx %arg5[%parallel_loop3A_443] : memref<256xf32, #tpu.memory_space<vmem>>[vector<16xi32>], vector<16xf32>,
      %parallel_loop3A_445 = arith.index_cast %parallel_loop3A_258 : i32 to index
      %parallel_loop3A_446 = arith.constant 416 : index
      %parallel_loop3A_447 = tpu.vector_load %arg8[%parallel_loop3A_445, %parallel_loop3A_446] {strides = array<i32>} : memref<48x512xf32, #tpu.memory_space<vmem>>, vector<16xf32>,
      tpu.vector_store %arg8[%parallel_loop3A_445, %parallel_loop3A_446], %parallel_loop3A_444 {strides = array<i32>} : memref<48x512xf32, #tpu.memory_space<vmem>>, vector<16xf32>,
      %parallel_loop3A_448 = arith.index_cast %parallel_loop3A_258 : i32 to index
      %parallel_loop3A_449 = arith.constant 432 : index
      %parallel_loop3A_450 = tpu.vector_load %arg6[%parallel_loop3A_448, %parallel_loop3A_449] {strides = array<i32>} : memref<48x512xi32, #tpu.memory_space<vmem>>, vector<16xi32>,
      %parallel_loop3A_451 = tpu.vector_load_idx %arg5[%parallel_loop3A_450] : memref<256xf32, #tpu.memory_space<vmem>>[vector<16xi32>], vector<16xf32>,
      %parallel_loop3A_452 = arith.index_cast %parallel_loop3A_258 : i32 to index
      %parallel_loop3A_453 = arith.constant 432 : index
      %parallel_loop3A_454 = tpu.vector_load %arg8[%parallel_loop3A_452, %parallel_loop3A_453] {strides = array<i32>} : memref<48x512xf32, #tpu.memory_space<vmem>>, vector<16xf32>,
      tpu.vector_store %arg8[%parallel_loop3A_452, %parallel_loop3A_453], %parallel_loop3A_451 {strides = array<i32>} : memref<48x512xf32, #tpu.memory_space<vmem>>, vector<16xf32>,
      %parallel_loop3A_455 = arith.index_cast %parallel_loop3A_258 : i32 to index
      %parallel_loop3A_456 = arith.constant 448 : index
      %parallel_loop3A_457 = tpu.vector_load %arg6[%parallel_loop3A_455, %parallel_loop3A_456] {strides = array<i32>} : memref<48x512xi32, #tpu.memory_space<vmem>>, vector<16xi32>,
      %parallel_loop3A_458 = tpu.vector_load_idx %arg5[%parallel_loop3A_457] : memref<256xf32, #tpu.memory_space<vmem>>[vector<16xi32>], vector<16xf32>,
      %parallel_loop3A_459 = arith.index_cast %parallel_loop3A_258 : i32 to index
      %parallel_loop3A_460 = arith.constant 448 : index
      %parallel_loop3A_461 = tpu.vector_load %arg8[%parallel_loop3A_459, %parallel_loop3A_460] {strides = array<i32>} : memref<48x512xf32, #tpu.memory_space<vmem>>, vector<16xf32>,
      tpu.vector_store %arg8[%parallel_loop3A_459, %parallel_loop3A_460], %parallel_loop3A_458 {strides = array<i32>} : memref<48x512xf32, #tpu.memory_space<vmem>>, vector<16xf32>,
      %parallel_loop3A_462 = arith.index_cast %parallel_loop3A_258 : i32 to index
      %parallel_loop3A_463 = arith.constant 464 : index
      %parallel_loop3A_464 = tpu.vector_load %arg6[%parallel_loop3A_462, %parallel_loop3A_463] {strides = array<i32>} : memref<48x512xi32, #tpu.memory_space<vmem>>, vector<16xi32>,
      %parallel_loop3A_465 = tpu.vector_load_idx %arg5[%parallel_loop3A_464] : memref<256xf32, #tpu.memory_space<vmem>>[vector<16xi32>], vector<16xf32>,
      %parallel_loop3A_466 = arith.index_cast %parallel_loop3A_258 : i32 to index
      %parallel_loop3A_467 = arith.constant 464 : index
      %parallel_loop3A_468 = tpu.vector_load %arg8[%parallel_loop3A_466, %parallel_loop3A_467] {strides = array<i32>} : memref<48x512xf32, #tpu.memory_space<vmem>>, vector<16xf32>,
      tpu.vector_store %arg8[%parallel_loop3A_466, %parallel_loop3A_467], %parallel_loop3A_465 {strides = array<i32>} : memref<48x512xf32, #tpu.memory_space<vmem>>, vector<16xf32>,
      %parallel_loop3A_469 = arith.index_cast %parallel_loop3A_258 : i32 to index
      %parallel_loop3A_470 = arith.constant 480 : index
      %parallel_loop3A_471 = tpu.vector_load %arg6[%parallel_loop3A_469, %parallel_loop3A_470] {strides = array<i32>} : memref<48x512xi32, #tpu.memory_space<vmem>>, vector<16xi32>,
      %parallel_loop3A_472 = tpu.vector_load_idx %arg5[%parallel_loop3A_471] : memref<256xf32, #tpu.memory_space<vmem>>[vector<16xi32>], vector<16xf32>,
      %parallel_loop3A_473 = arith.index_cast %parallel_loop3A_258 : i32 to index
      %parallel_loop3A_474 = arith.constant 480 : index
      %parallel_loop3A_475 = tpu.vector_load %arg8[%parallel_loop3A_473, %parallel_loop3A_474] {strides = array<i32>} : memref<48x512xf32, #tpu.memory_space<vmem>>, vector<16xf32>,
      tpu.vector_store %arg8[%parallel_loop3A_473, %parallel_loop3A_474], %parallel_loop3A_472 {strides = array<i32>} : memref<48x512xf32, #tpu.memory_space<vmem>>, vector<16xf32>,
      %parallel_loop3A_476 = arith.index_cast %parallel_loop3A_258 : i32 to index
      %parallel_loop3A_477 = arith.constant 496 : index
      %parallel_loop3A_478 = tpu.vector_load %arg6[%parallel_loop3A_476, %parallel_loop3A_477] {strides = array<i32>} : memref<48x512xi32, #tpu.memory_space<vmem>>, vector<16xi32>,
      %parallel_loop3A_479 = tpu.vector_load_idx %arg5[%parallel_loop3A_478] : memref<256xf32, #tpu.memory_space<vmem>>[vector<16xi32>], vector<16xf32>,
      %parallel_loop3A_480 = arith.index_cast %parallel_loop3A_258 : i32 to index
      %parallel_loop3A_481 = arith.constant 496 : index
      %parallel_loop3A_482 = tpu.vector_load %arg8[%parallel_loop3A_480, %parallel_loop3A_481] {strides = array<i32>} : memref<48x512xf32, #tpu.memory_space<vmem>>, vector<16xf32>,
      tpu.vector_store %arg8[%parallel_loop3A_480, %parallel_loop3A_481], %parallel_loop3A_479 {strides = array<i32>} : memref<48x512xf32, #tpu.memory_space<vmem>>, vector<16xf32>,
    } {sc.loop_unroll_factor = 1 : i64, sc.parallel_access}
    %dma_start3A_33 = arith.constant 0 : i32
    %dma_start3A_34 = arith.constant 0 : i32
    %dma_start3A_35 = tpu.memref_slice %arg8[%dma_start3A_33, %dma_start3A_34] : memref<48x512xf32, #tpu.memory_space<vmem>> -> memref<8x512xf32, #tpu.memory_space<vmem>>
    %dma_start3A_36 = arith.constant 0 : i32
    %dma_start3A_37 = tpu.memref_slice %arg4[%dma_start3A_36, %mul3A_2] : memref<200x16384xf32, #tpu.memory_space<hbm>> -> memref<8x512xf32, #tpu.memory_space<hbm>>
    %dma_start3A_38 = arith.constant 0 : i32
    %dma_start3A_39 = tpu.memref_slice %arg4[%dma_start3A_38, %mul3A_2] : memref<200x16384xf32, #tpu.memory_space<hbm>> -> memref<8x512xf32, #tpu.memory_space<hbm>>
    %dma_start3A_40 = arith.constant 0 : i32
    %dma_start3A_41 = arith.constant 0 : i32
    %dma_start3A_42 = tpu.memref_slice %arg8[%dma_start3A_40, %dma_start3A_41] : memref<48x512xf32, #tpu.memory_space<vmem>> -> memref<8x512xf32, #tpu.memory_space<vmem>>
    tpu.enqueue_dma source(%dma_start3A_42 : memref<8x512xf32, #tpu.memory_space<vmem>>) target(%dma_start3A_39 : memref<8x512xf32, #tpu.memory_space<hbm>>) target_semaphore(%arg13 : memref<!tpu.dma_semaphore, #tpu.memory_space<semaphore_mem>>)
    %dma_start3A_43 = arith.constant 0 : i32
    %dma_start3A_44 = arith.constant 0 : i32
    %dma_start3A_45 = tpu.memref_slice %arg6[%dma_start3A_43, %dma_start3A_44] : memref<48x512xi32, #tpu.memory_space<vmem>> -> memref<48x512xi32, #tpu.memory_space<vmem>>
    %dma_start3A_46 = arith.constant 48 : i32
    %dma_start3A_47 = tpu.memref_slice %arg2[%dma_start3A_46, %mul3A_2] : memref<200x16384xi32, #tpu.memory_space<hbm>> -> memref<48x512xi32, #tpu.memory_space<hbm>>
    %dma_start3A_48 = arith.constant 0 : i32
    %dma_start3A_49 = arith.constant 0 : i32
    %dma_start3A_50 = tpu.memref_slice %arg6[%dma_start3A_48, %dma_start3A_49] : memref<48x512xi32, #tpu.memory_space<vmem>> -> memref<48x512xi32, #tpu.memory_space<vmem>>
    %dma_start3A_51 = arith.constant 48 : i32
    %dma_start3A_52 = tpu.memref_slice %arg2[%dma_start3A_51, %mul3A_2] : memref<200x16384xi32, #tpu.memory_space<hbm>> -> memref<48x512xi32, #tpu.memory_space<hbm>>
    tpu.enqueue_dma source(%dma_start3A_52 : memref<48x512xi32, #tpu.memory_space<hbm>>) target(%dma_start3A_50 : memref<48x512xi32, #tpu.memory_space<vmem>>) target_semaphore(%arg11 : memref<!tpu.dma_semaphore, #tpu.memory_space<semaphore_mem>>)
    %dma_wait3A_53 = arith.constant 0 : i32
    %dma_wait3A_54 = arith.constant 0 : i32
    %dma_wait3A_55 = tpu.memref_slice %arg7[%dma_wait3A_53, %dma_wait3A_54] : memref<48x512xi32, #tpu.memory_space<vmem>> -> memref<40x512xi32, #tpu.memory_space<vmem>>
    %dma_wait3A_56 = arith.constant 8 : i32
    %dma_wait3A_57 = tpu.memref_slice %arg2[%dma_wait3A_56, %mul3A_2] : memref<200x16384xi32, #tpu.memory_space<hbm>> -> memref<40x512xi32, #tpu.memory_space<hbm>>
    %dma_wait3A_58 = arith.constant 0 : i32
    %dma_wait3A_59 = arith.constant 0 : i32
    %dma_wait3A_60 = tpu.memref_slice %arg7[%dma_wait3A_58, %dma_wait3A_59] : memref<48x512xi32, #tpu.memory_space<vmem>> -> memref<40x512xi32, #tpu.memory_space<vmem>>
    %dma_wait3A_61 = arith.constant 8 : i32
    %dma_wait3A_62 = tpu.memref_slice %arg2[%dma_wait3A_61, %mul3A_2] : memref<200x16384xi32, #tpu.memory_space<hbm>> -> memref<40x512xi32, #tpu.memory_space<hbm>>
    tpu.wait_dma2 semaphore(%arg12 : memref<!tpu.dma_semaphore, #tpu.memory_space<semaphore_mem>>) src(%dma_wait3A_62 : memref<40x512xi32, #tpu.memory_space<hbm>>) dst(%dma_wait3A_60 : memref<40x512xi32, #tpu.memory_space<vmem>>)
    %parallel_loop3A_63 = arith.constant 0 : i32
    %parallel_loop3A_64 = arith.constant 40 : i32
    %parallel_loop3A_65 = arith.constant 1 : i32
    scf.for %parallel_loop3A_258 = %parallel_loop3A_63 to %parallel_loop3A_64 step %parallel_loop3A_65  : i32 {
      %parallel_loop3A_259 = arith.index_cast %parallel_loop3A_258 : i32 to index
      %parallel_loop3A_260 = arith.constant 0 : index
      %parallel_loop3A_261 = tpu.vector_load %arg7[%parallel_loop3A_259, %parallel_loop3A_260] {strides = array<i32>} : memref<48x512xi32, #tpu.memory_space<vmem>>, vector<16xi32>,
      %parallel_loop3A_262 = tpu.vector_load_idx %arg5[%parallel_loop3A_261] : memref<256xf32, #tpu.memory_space<vmem>>[vector<16xi32>], vector<16xf32>,
      %parallel_loop3A_263 = arith.index_cast %parallel_loop3A_258 : i32 to index
      %parallel_loop3A_264 = arith.constant 0 : index
      %parallel_loop3A_265 = tpu.vector_load %arg9[%parallel_loop3A_263, %parallel_loop3A_264] {strides = array<i32>} : memref<48x512xf32, #tpu.memory_space<vmem>>, vector<16xf32>,
      tpu.vector_store %arg9[%parallel_loop3A_263, %parallel_loop3A_264], %parallel_loop3A_262 {strides = array<i32>} : memref<48x512xf32, #tpu.memory_space<vmem>>, vector<16xf32>,
      %parallel_loop3A_266 = arith.index_cast %parallel_loop3A_258 : i32 to index
      %parallel_loop3A_267 = arith.constant 16 : index
      %parallel_loop3A_268 = tpu.vector_load %arg7[%parallel_loop3A_266, %parallel_loop3A_267] {strides = array<i32>} : memref<48x512xi32, #tpu.memory_space<vmem>>, vector<16xi32>,
      %parallel_loop3A_269 = tpu.vector_load_idx %arg5[%parallel_loop3A_268] : memref<256xf32, #tpu.memory_space<vmem>>[vector<16xi32>], vector<16xf32>,
      %parallel_loop3A_270 = arith.index_cast %parallel_loop3A_258 : i32 to index
      %parallel_loop3A_271 = arith.constant 16 : index
      %parallel_loop3A_272 = tpu.vector_load %arg9[%parallel_loop3A_270, %parallel_loop3A_271] {strides = array<i32>} : memref<48x512xf32, #tpu.memory_space<vmem>>, vector<16xf32>,
      tpu.vector_store %arg9[%parallel_loop3A_270, %parallel_loop3A_271], %parallel_loop3A_269 {strides = array<i32>} : memref<48x512xf32, #tpu.memory_space<vmem>>, vector<16xf32>,
      %parallel_loop3A_273 = arith.index_cast %parallel_loop3A_258 : i32 to index
      %parallel_loop3A_274 = arith.constant 32 : index
      %parallel_loop3A_275 = tpu.vector_load %arg7[%parallel_loop3A_273, %parallel_loop3A_274] {strides = array<i32>} : memref<48x512xi32, #tpu.memory_space<vmem>>, vector<16xi32>,
      %parallel_loop3A_276 = tpu.vector_load_idx %arg5[%parallel_loop3A_275] : memref<256xf32, #tpu.memory_space<vmem>>[vector<16xi32>], vector<16xf32>,
      %parallel_loop3A_277 = arith.index_cast %parallel_loop3A_258 : i32 to index
      %parallel_loop3A_278 = arith.constant 32 : index
      %parallel_loop3A_279 = tpu.vector_load %arg9[%parallel_loop3A_277, %parallel_loop3A_278] {strides = array<i32>} : memref<48x512xf32, #tpu.memory_space<vmem>>, vector<16xf32>,
      tpu.vector_store %arg9[%parallel_loop3A_277, %parallel_loop3A_278], %parallel_loop3A_276 {strides = array<i32>} : memref<48x512xf32, #tpu.memory_space<vmem>>, vector<16xf32>,
      %parallel_loop3A_280 = arith.index_cast %parallel_loop3A_258 : i32 to index
      %parallel_loop3A_281 = arith.constant 48 : index
      %parallel_loop3A_282 = tpu.vector_load %arg7[%parallel_loop3A_280, %parallel_loop3A_281] {strides = array<i32>} : memref<48x512xi32, #tpu.memory_space<vmem>>, vector<16xi32>,
      %parallel_loop3A_283 = tpu.vector_load_idx %arg5[%parallel_loop3A_282] : memref<256xf32, #tpu.memory_space<vmem>>[vector<16xi32>], vector<16xf32>,
      %parallel_loop3A_284 = arith.index_cast %parallel_loop3A_258 : i32 to index
      %parallel_loop3A_285 = arith.constant 48 : index
      %parallel_loop3A_286 = tpu.vector_load %arg9[%parallel_loop3A_284, %parallel_loop3A_285] {strides = array<i32>} : memref<48x512xf32, #tpu.memory_space<vmem>>, vector<16xf32>,
      tpu.vector_store %arg9[%parallel_loop3A_284, %parallel_loop3A_285], %parallel_loop3A_283 {strides = array<i32>} : memref<48x512xf32, #tpu.memory_space<vmem>>, vector<16xf32>,
      %parallel_loop3A_287 = arith.index_cast %parallel_loop3A_258 : i32 to index
      %parallel_loop3A_288 = arith.constant 64 : index
      %parallel_loop3A_289 = tpu.vector_load %arg7[%parallel_loop3A_287, %parallel_loop3A_288] {strides = array<i32>} : memref<48x512xi32, #tpu.memory_space<vmem>>, vector<16xi32>,
      %parallel_loop3A_290 = tpu.vector_load_idx %arg5[%parallel_loop3A_289] : memref<256xf32, #tpu.memory_space<vmem>>[vector<16xi32>], vector<16xf32>,
      %parallel_loop3A_291 = arith.index_cast %parallel_loop3A_258 : i32 to index
      %parallel_loop3A_292 = arith.constant 64 : index
      %parallel_loop3A_293 = tpu.vector_load %arg9[%parallel_loop3A_291, %parallel_loop3A_292] {strides = array<i32>} : memref<48x512xf32, #tpu.memory_space<vmem>>, vector<16xf32>,
      tpu.vector_store %arg9[%parallel_loop3A_291, %parallel_loop3A_292], %parallel_loop3A_290 {strides = array<i32>} : memref<48x512xf32, #tpu.memory_space<vmem>>, vector<16xf32>,
      %parallel_loop3A_294 = arith.index_cast %parallel_loop3A_258 : i32 to index
      %parallel_loop3A_295 = arith.constant 80 : index
      %parallel_loop3A_296 = tpu.vector_load %arg7[%parallel_loop3A_294, %parallel_loop3A_295] {strides = array<i32>} : memref<48x512xi32, #tpu.memory_space<vmem>>, vector<16xi32>,
      %parallel_loop3A_297 = tpu.vector_load_idx %arg5[%parallel_loop3A_296] : memref<256xf32, #tpu.memory_space<vmem>>[vector<16xi32>], vector<16xf32>,
      %parallel_loop3A_298 = arith.index_cast %parallel_loop3A_258 : i32 to index
      %parallel_loop3A_299 = arith.constant 80 : index
      %parallel_loop3A_300 = tpu.vector_load %arg9[%parallel_loop3A_298, %parallel_loop3A_299] {strides = array<i32>} : memref<48x512xf32, #tpu.memory_space<vmem>>, vector<16xf32>,
      tpu.vector_store %arg9[%parallel_loop3A_298, %parallel_loop3A_299], %parallel_loop3A_297 {strides = array<i32>} : memref<48x512xf32, #tpu.memory_space<vmem>>, vector<16xf32>,
      %parallel_loop3A_301 = arith.index_cast %parallel_loop3A_258 : i32 to index
      %parallel_loop3A_302 = arith.constant 96 : index
      %parallel_loop3A_303 = tpu.vector_load %arg7[%parallel_loop3A_301, %parallel_loop3A_302] {strides = array<i32>} : memref<48x512xi32, #tpu.memory_space<vmem>>, vector<16xi32>,
      %parallel_loop3A_304 = tpu.vector_load_idx %arg5[%parallel_loop3A_303] : memref<256xf32, #tpu.memory_space<vmem>>[vector<16xi32>], vector<16xf32>,
      %parallel_loop3A_305 = arith.index_cast %parallel_loop3A_258 : i32 to index
      %parallel_loop3A_306 = arith.constant 96 : index
      %parallel_loop3A_307 = tpu.vector_load %arg9[%parallel_loop3A_305, %parallel_loop3A_306] {strides = array<i32>} : memref<48x512xf32, #tpu.memory_space<vmem>>, vector<16xf32>,
      tpu.vector_store %arg9[%parallel_loop3A_305, %parallel_loop3A_306], %parallel_loop3A_304 {strides = array<i32>} : memref<48x512xf32, #tpu.memory_space<vmem>>, vector<16xf32>,
      %parallel_loop3A_308 = arith.index_cast %parallel_loop3A_258 : i32 to index
      %parallel_loop3A_309 = arith.constant 112 : index
      %parallel_loop3A_310 = tpu.vector_load %arg7[%parallel_loop3A_308, %parallel_loop3A_309] {strides = array<i32>} : memref<48x512xi32, #tpu.memory_space<vmem>>, vector<16xi32>,
      %parallel_loop3A_311 = tpu.vector_load_idx %arg5[%parallel_loop3A_310] : memref<256xf32, #tpu.memory_space<vmem>>[vector<16xi32>], vector<16xf32>,
      %parallel_loop3A_312 = arith.index_cast %parallel_loop3A_258 : i32 to index
      %parallel_loop3A_313 = arith.constant 112 : index
      %parallel_loop3A_314 = tpu.vector_load %arg9[%parallel_loop3A_312, %parallel_loop3A_313] {strides = array<i32>} : memref<48x512xf32, #tpu.memory_space<vmem>>, vector<16xf32>,
      tpu.vector_store %arg9[%parallel_loop3A_312, %parallel_loop3A_313], %parallel_loop3A_311 {strides = array<i32>} : memref<48x512xf32, #tpu.memory_space<vmem>>, vector<16xf32>,
      %parallel_loop3A_315 = arith.index_cast %parallel_loop3A_258 : i32 to index
      %parallel_loop3A_316 = arith.constant 128 : index
      %parallel_loop3A_317 = tpu.vector_load %arg7[%parallel_loop3A_315, %parallel_loop3A_316] {strides = array<i32>} : memref<48x512xi32, #tpu.memory_space<vmem>>, vector<16xi32>,
      %parallel_loop3A_318 = tpu.vector_load_idx %arg5[%parallel_loop3A_317] : memref<256xf32, #tpu.memory_space<vmem>>[vector<16xi32>], vector<16xf32>,
      %parallel_loop3A_319 = arith.index_cast %parallel_loop3A_258 : i32 to index
      %parallel_loop3A_320 = arith.constant 128 : index
      %parallel_loop3A_321 = tpu.vector_load %arg9[%parallel_loop3A_319, %parallel_loop3A_320] {strides = array<i32>} : memref<48x512xf32, #tpu.memory_space<vmem>>, vector<16xf32>,
      tpu.vector_store %arg9[%parallel_loop3A_319, %parallel_loop3A_320], %parallel_loop3A_318 {strides = array<i32>} : memref<48x512xf32, #tpu.memory_space<vmem>>, vector<16xf32>,
      %parallel_loop3A_322 = arith.index_cast %parallel_loop3A_258 : i32 to index
      %parallel_loop3A_323 = arith.constant 144 : index
      %parallel_loop3A_324 = tpu.vector_load %arg7[%parallel_loop3A_322, %parallel_loop3A_323] {strides = array<i32>} : memref<48x512xi32, #tpu.memory_space<vmem>>, vector<16xi32>,
      %parallel_loop3A_325 = tpu.vector_load_idx %arg5[%parallel_loop3A_324] : memref<256xf32, #tpu.memory_space<vmem>>[vector<16xi32>], vector<16xf32>,
      %parallel_loop3A_326 = arith.index_cast %parallel_loop3A_258 : i32 to index
      %parallel_loop3A_327 = arith.constant 144 : index
      %parallel_loop3A_328 = tpu.vector_load %arg9[%parallel_loop3A_326, %parallel_loop3A_327] {strides = array<i32>} : memref<48x512xf32, #tpu.memory_space<vmem>>, vector<16xf32>,
      tpu.vector_store %arg9[%parallel_loop3A_326, %parallel_loop3A_327], %parallel_loop3A_325 {strides = array<i32>} : memref<48x512xf32, #tpu.memory_space<vmem>>, vector<16xf32>,
      %parallel_loop3A_329 = arith.index_cast %parallel_loop3A_258 : i32 to index
      %parallel_loop3A_330 = arith.constant 160 : index
      %parallel_loop3A_331 = tpu.vector_load %arg7[%parallel_loop3A_329, %parallel_loop3A_330] {strides = array<i32>} : memref<48x512xi32, #tpu.memory_space<vmem>>, vector<16xi32>,
      %parallel_loop3A_332 = tpu.vector_load_idx %arg5[%parallel_loop3A_331] : memref<256xf32, #tpu.memory_space<vmem>>[vector<16xi32>], vector<16xf32>,
      %parallel_loop3A_333 = arith.index_cast %parallel_loop3A_258 : i32 to index
      %parallel_loop3A_334 = arith.constant 160 : index
      %parallel_loop3A_335 = tpu.vector_load %arg9[%parallel_loop3A_333, %parallel_loop3A_334] {strides = array<i32>} : memref<48x512xf32, #tpu.memory_space<vmem>>, vector<16xf32>,
      tpu.vector_store %arg9[%parallel_loop3A_333, %parallel_loop3A_334], %parallel_loop3A_332 {strides = array<i32>} : memref<48x512xf32, #tpu.memory_space<vmem>>, vector<16xf32>,
      %parallel_loop3A_336 = arith.index_cast %parallel_loop3A_258 : i32 to index
      %parallel_loop3A_337 = arith.constant 176 : index
      %parallel_loop3A_338 = tpu.vector_load %arg7[%parallel_loop3A_336, %parallel_loop3A_337] {strides = array<i32>} : memref<48x512xi32, #tpu.memory_space<vmem>>, vector<16xi32>,
      %parallel_loop3A_339 = tpu.vector_load_idx %arg5[%parallel_loop3A_338] : memref<256xf32, #tpu.memory_space<vmem>>[vector<16xi32>], vector<16xf32>,
      %parallel_loop3A_340 = arith.index_cast %parallel_loop3A_258 : i32 to index
      %parallel_loop3A_341 = arith.constant 176 : index
      %parallel_loop3A_342 = tpu.vector_load %arg9[%parallel_loop3A_340, %parallel_loop3A_341] {strides = array<i32>} : memref<48x512xf32, #tpu.memory_space<vmem>>, vector<16xf32>,
      tpu.vector_store %arg9[%parallel_loop3A_340, %parallel_loop3A_341], %parallel_loop3A_339 {strides = array<i32>} : memref<48x512xf32, #tpu.memory_space<vmem>>, vector<16xf32>,
      %parallel_loop3A_343 = arith.index_cast %parallel_loop3A_258 : i32 to index
      %parallel_loop3A_344 = arith.constant 192 : index
      %parallel_loop3A_345 = tpu.vector_load %arg7[%parallel_loop3A_343, %parallel_loop3A_344] {strides = array<i32>} : memref<48x512xi32, #tpu.memory_space<vmem>>, vector<16xi32>,
      %parallel_loop3A_346 = tpu.vector_load_idx %arg5[%parallel_loop3A_345] : memref<256xf32, #tpu.memory_space<vmem>>[vector<16xi32>], vector<16xf32>,
      %parallel_loop3A_347 = arith.index_cast %parallel_loop3A_258 : i32 to index
      %parallel_loop3A_348 = arith.constant 192 : index
      %parallel_loop3A_349 = tpu.vector_load %arg9[%parallel_loop3A_347, %parallel_loop3A_348] {strides = array<i32>} : memref<48x512xf32, #tpu.memory_space<vmem>>, vector<16xf32>,
      tpu.vector_store %arg9[%parallel_loop3A_347, %parallel_loop3A_348], %parallel_loop3A_346 {strides = array<i32>} : memref<48x512xf32, #tpu.memory_space<vmem>>, vector<16xf32>,
      %parallel_loop3A_350 = arith.index_cast %parallel_loop3A_258 : i32 to index
      %parallel_loop3A_351 = arith.constant 208 : index
      %parallel_loop3A_352 = tpu.vector_load %arg7[%parallel_loop3A_350, %parallel_loop3A_351] {strides = array<i32>} : memref<48x512xi32, #tpu.memory_space<vmem>>, vector<16xi32>,
      %parallel_loop3A_353 = tpu.vector_load_idx %arg5[%parallel_loop3A_352] : memref<256xf32, #tpu.memory_space<vmem>>[vector<16xi32>], vector<16xf32>,
      %parallel_loop3A_354 = arith.index_cast %parallel_loop3A_258 : i32 to index
      %parallel_loop3A_355 = arith.constant 208 : index
      %parallel_loop3A_356 = tpu.vector_load %arg9[%parallel_loop3A_354, %parallel_loop3A_355] {strides = array<i32>} : memref<48x512xf32, #tpu.memory_space<vmem>>, vector<16xf32>,
      tpu.vector_store %arg9[%parallel_loop3A_354, %parallel_loop3A_355], %parallel_loop3A_353 {strides = array<i32>} : memref<48x512xf32, #tpu.memory_space<vmem>>, vector<16xf32>,
      %parallel_loop3A_357 = arith.index_cast %parallel_loop3A_258 : i32 to index
      %parallel_loop3A_358 = arith.constant 224 : index
      %parallel_loop3A_359 = tpu.vector_load %arg7[%parallel_loop3A_357, %parallel_loop3A_358] {strides = array<i32>} : memref<48x512xi32, #tpu.memory_space<vmem>>, vector<16xi32>,
      %parallel_loop3A_360 = tpu.vector_load_idx %arg5[%parallel_loop3A_359] : memref<256xf32, #tpu.memory_space<vmem>>[vector<16xi32>], vector<16xf32>,
      %parallel_loop3A_361 = arith.index_cast %parallel_loop3A_258 : i32 to index
      %parallel_loop3A_362 = arith.constant 224 : index
      %parallel_loop3A_363 = tpu.vector_load %arg9[%parallel_loop3A_361, %parallel_loop3A_362] {strides = array<i32>} : memref<48x512xf32, #tpu.memory_space<vmem>>, vector<16xf32>,
      tpu.vector_store %arg9[%parallel_loop3A_361, %parallel_loop3A_362], %parallel_loop3A_360 {strides = array<i32>} : memref<48x512xf32, #tpu.memory_space<vmem>>, vector<16xf32>,
      %parallel_loop3A_364 = arith.index_cast %parallel_loop3A_258 : i32 to index
      %parallel_loop3A_365 = arith.constant 240 : index
      %parallel_loop3A_366 = tpu.vector_load %arg7[%parallel_loop3A_364, %parallel_loop3A_365] {strides = array<i32>} : memref<48x512xi32, #tpu.memory_space<vmem>>, vector<16xi32>,
      %parallel_loop3A_367 = tpu.vector_load_idx %arg5[%parallel_loop3A_366] : memref<256xf32, #tpu.memory_space<vmem>>[vector<16xi32>], vector<16xf32>,
      %parallel_loop3A_368 = arith.index_cast %parallel_loop3A_258 : i32 to index
      %parallel_loop3A_369 = arith.constant 240 : index
      %parallel_loop3A_370 = tpu.vector_load %arg9[%parallel_loop3A_368, %parallel_loop3A_369] {strides = array<i32>} : memref<48x512xf32, #tpu.memory_space<vmem>>, vector<16xf32>,
      tpu.vector_store %arg9[%parallel_loop3A_368, %parallel_loop3A_369], %parallel_loop3A_367 {strides = array<i32>} : memref<48x512xf32, #tpu.memory_space<vmem>>, vector<16xf32>,
      %parallel_loop3A_371 = arith.index_cast %parallel_loop3A_258 : i32 to index
      %parallel_loop3A_372 = arith.constant 256 : index
      %parallel_loop3A_373 = tpu.vector_load %arg7[%parallel_loop3A_371, %parallel_loop3A_372] {strides = array<i32>} : memref<48x512xi32, #tpu.memory_space<vmem>>, vector<16xi32>,
      %parallel_loop3A_374 = tpu.vector_load_idx %arg5[%parallel_loop3A_373] : memref<256xf32, #tpu.memory_space<vmem>>[vector<16xi32>], vector<16xf32>,
      %parallel_loop3A_375 = arith.index_cast %parallel_loop3A_258 : i32 to index
      %parallel_loop3A_376 = arith.constant 256 : index
      %parallel_loop3A_377 = tpu.vector_load %arg9[%parallel_loop3A_375, %parallel_loop3A_376] {strides = array<i32>} : memref<48x512xf32, #tpu.memory_space<vmem>>, vector<16xf32>,
      tpu.vector_store %arg9[%parallel_loop3A_375, %parallel_loop3A_376], %parallel_loop3A_374 {strides = array<i32>} : memref<48x512xf32, #tpu.memory_space<vmem>>, vector<16xf32>,
      %parallel_loop3A_378 = arith.index_cast %parallel_loop3A_258 : i32 to index
      %parallel_loop3A_379 = arith.constant 272 : index
      %parallel_loop3A_380 = tpu.vector_load %arg7[%parallel_loop3A_378, %parallel_loop3A_379] {strides = array<i32>} : memref<48x512xi32, #tpu.memory_space<vmem>>, vector<16xi32>,
      %parallel_loop3A_381 = tpu.vector_load_idx %arg5[%parallel_loop3A_380] : memref<256xf32, #tpu.memory_space<vmem>>[vector<16xi32>], vector<16xf32>,
      %parallel_loop3A_382 = arith.index_cast %parallel_loop3A_258 : i32 to index
      %parallel_loop3A_383 = arith.constant 272 : index
      %parallel_loop3A_384 = tpu.vector_load %arg9[%parallel_loop3A_382, %parallel_loop3A_383] {strides = array<i32>} : memref<48x512xf32, #tpu.memory_space<vmem>>, vector<16xf32>,
      tpu.vector_store %arg9[%parallel_loop3A_382, %parallel_loop3A_383], %parallel_loop3A_381 {strides = array<i32>} : memref<48x512xf32, #tpu.memory_space<vmem>>, vector<16xf32>,
      %parallel_loop3A_385 = arith.index_cast %parallel_loop3A_258 : i32 to index
      %parallel_loop3A_386 = arith.constant 288 : index
      %parallel_loop3A_387 = tpu.vector_load %arg7[%parallel_loop3A_385, %parallel_loop3A_386] {strides = array<i32>} : memref<48x512xi32, #tpu.memory_space<vmem>>, vector<16xi32>,
      %parallel_loop3A_388 = tpu.vector_load_idx %arg5[%parallel_loop3A_387] : memref<256xf32, #tpu.memory_space<vmem>>[vector<16xi32>], vector<16xf32>,
      %parallel_loop3A_389 = arith.index_cast %parallel_loop3A_258 : i32 to index
      %parallel_loop3A_390 = arith.constant 288 : index
      %parallel_loop3A_391 = tpu.vector_load %arg9[%parallel_loop3A_389, %parallel_loop3A_390] {strides = array<i32>} : memref<48x512xf32, #tpu.memory_space<vmem>>, vector<16xf32>,
      tpu.vector_store %arg9[%parallel_loop3A_389, %parallel_loop3A_390], %parallel_loop3A_388 {strides = array<i32>} : memref<48x512xf32, #tpu.memory_space<vmem>>, vector<16xf32>,
      %parallel_loop3A_392 = arith.index_cast %parallel_loop3A_258 : i32 to index
      %parallel_loop3A_393 = arith.constant 304 : index
      %parallel_loop3A_394 = tpu.vector_load %arg7[%parallel_loop3A_392, %parallel_loop3A_393] {strides = array<i32>} : memref<48x512xi32, #tpu.memory_space<vmem>>, vector<16xi32>,
      %parallel_loop3A_395 = tpu.vector_load_idx %arg5[%parallel_loop3A_394] : memref<256xf32, #tpu.memory_space<vmem>>[vector<16xi32>], vector<16xf32>,
      %parallel_loop3A_396 = arith.index_cast %parallel_loop3A_258 : i32 to index
      %parallel_loop3A_397 = arith.constant 304 : index
      %parallel_loop3A_398 = tpu.vector_load %arg9[%parallel_loop3A_396, %parallel_loop3A_397] {strides = array<i32>} : memref<48x512xf32, #tpu.memory_space<vmem>>, vector<16xf32>,
      tpu.vector_store %arg9[%parallel_loop3A_396, %parallel_loop3A_397], %parallel_loop3A_395 {strides = array<i32>} : memref<48x512xf32, #tpu.memory_space<vmem>>, vector<16xf32>,
      %parallel_loop3A_399 = arith.index_cast %parallel_loop3A_258 : i32 to index
      %parallel_loop3A_400 = arith.constant 320 : index
      %parallel_loop3A_401 = tpu.vector_load %arg7[%parallel_loop3A_399, %parallel_loop3A_400] {strides = array<i32>} : memref<48x512xi32, #tpu.memory_space<vmem>>, vector<16xi32>,
      %parallel_loop3A_402 = tpu.vector_load_idx %arg5[%parallel_loop3A_401] : memref<256xf32, #tpu.memory_space<vmem>>[vector<16xi32>], vector<16xf32>,
      %parallel_loop3A_403 = arith.index_cast %parallel_loop3A_258 : i32 to index
      %parallel_loop3A_404 = arith.constant 320 : index
      %parallel_loop3A_405 = tpu.vector_load %arg9[%parallel_loop3A_403, %parallel_loop3A_404] {strides = array<i32>} : memref<48x512xf32, #tpu.memory_space<vmem>>, vector<16xf32>,
      tpu.vector_store %arg9[%parallel_loop3A_403, %parallel_loop3A_404], %parallel_loop3A_402 {strides = array<i32>} : memref<48x512xf32, #tpu.memory_space<vmem>>, vector<16xf32>,
      %parallel_loop3A_406 = arith.index_cast %parallel_loop3A_258 : i32 to index
      %parallel_loop3A_407 = arith.constant 336 : index
      %parallel_loop3A_408 = tpu.vector_load %arg7[%parallel_loop3A_406, %parallel_loop3A_407] {strides = array<i32>} : memref<48x512xi32, #tpu.memory_space<vmem>>, vector<16xi32>,
      %parallel_loop3A_409 = tpu.vector_load_idx %arg5[%parallel_loop3A_408] : memref<256xf32, #tpu.memory_space<vmem>>[vector<16xi32>], vector<16xf32>,
      %parallel_loop3A_410 = arith.index_cast %parallel_loop3A_258 : i32 to index
      %parallel_loop3A_411 = arith.constant 336 : index
      %parallel_loop3A_412 = tpu.vector_load %arg9[%parallel_loop3A_410, %parallel_loop3A_411] {strides = array<i32>} : memref<48x512xf32, #tpu.memory_space<vmem>>, vector<16xf32>,
      tpu.vector_store %arg9[%parallel_loop3A_410, %parallel_loop3A_411], %parallel_loop3A_409 {strides = array<i32>} : memref<48x512xf32, #tpu.memory_space<vmem>>, vector<16xf32>,
      %parallel_loop3A_413 = arith.index_cast %parallel_loop3A_258 : i32 to index
      %parallel_loop3A_414 = arith.constant 352 : index
      %parallel_loop3A_415 = tpu.vector_load %arg7[%parallel_loop3A_413, %parallel_loop3A_414] {strides = array<i32>} : memref<48x512xi32, #tpu.memory_space<vmem>>, vector<16xi32>,
      %parallel_loop3A_416 = tpu.vector_load_idx %arg5[%parallel_loop3A_415] : memref<256xf32, #tpu.memory_space<vmem>>[vector<16xi32>], vector<16xf32>,
      %parallel_loop3A_417 = arith.index_cast %parallel_loop3A_258 : i32 to index
      %parallel_loop3A_418 = arith.constant 352 : index
      %parallel_loop3A_419 = tpu.vector_load %arg9[%parallel_loop3A_417, %parallel_loop3A_418] {strides = array<i32>} : memref<48x512xf32, #tpu.memory_space<vmem>>, vector<16xf32>,
      tpu.vector_store %arg9[%parallel_loop3A_417, %parallel_loop3A_418], %parallel_loop3A_416 {strides = array<i32>} : memref<48x512xf32, #tpu.memory_space<vmem>>, vector<16xf32>,
      %parallel_loop3A_420 = arith.index_cast %parallel_loop3A_258 : i32 to index
      %parallel_loop3A_421 = arith.constant 368 : index
      %parallel_loop3A_422 = tpu.vector_load %arg7[%parallel_loop3A_420, %parallel_loop3A_421] {strides = array<i32>} : memref<48x512xi32, #tpu.memory_space<vmem>>, vector<16xi32>,
      %parallel_loop3A_423 = tpu.vector_load_idx %arg5[%parallel_loop3A_422] : memref<256xf32, #tpu.memory_space<vmem>>[vector<16xi32>], vector<16xf32>,
      %parallel_loop3A_424 = arith.index_cast %parallel_loop3A_258 : i32 to index
      %parallel_loop3A_425 = arith.constant 368 : index
      %parallel_loop3A_426 = tpu.vector_load %arg9[%parallel_loop3A_424, %parallel_loop3A_425] {strides = array<i32>} : memref<48x512xf32, #tpu.memory_space<vmem>>, vector<16xf32>,
      tpu.vector_store %arg9[%parallel_loop3A_424, %parallel_loop3A_425], %parallel_loop3A_423 {strides = array<i32>} : memref<48x512xf32, #tpu.memory_space<vmem>>, vector<16xf32>,
      %parallel_loop3A_427 = arith.index_cast %parallel_loop3A_258 : i32 to index
      %parallel_loop3A_428 = arith.constant 384 : index
      %parallel_loop3A_429 = tpu.vector_load %arg7[%parallel_loop3A_427, %parallel_loop3A_428] {strides = array<i32>} : memref<48x512xi32, #tpu.memory_space<vmem>>, vector<16xi32>,
      %parallel_loop3A_430 = tpu.vector_load_idx %arg5[%parallel_loop3A_429] : memref<256xf32, #tpu.memory_space<vmem>>[vector<16xi32>], vector<16xf32>,
      %parallel_loop3A_431 = arith.index_cast %parallel_loop3A_258 : i32 to index
      %parallel_loop3A_432 = arith.constant 384 : index
      %parallel_loop3A_433 = tpu.vector_load %arg9[%parallel_loop3A_431, %parallel_loop3A_432] {strides = array<i32>} : memref<48x512xf32, #tpu.memory_space<vmem>>, vector<16xf32>,
      tpu.vector_store %arg9[%parallel_loop3A_431, %parallel_loop3A_432], %parallel_loop3A_430 {strides = array<i32>} : memref<48x512xf32, #tpu.memory_space<vmem>>, vector<16xf32>,
      %parallel_loop3A_434 = arith.index_cast %parallel_loop3A_258 : i32 to index
      %parallel_loop3A_435 = arith.constant 400 : index
      %parallel_loop3A_436 = tpu.vector_load %arg7[%parallel_loop3A_434, %parallel_loop3A_435] {strides = array<i32>} : memref<48x512xi32, #tpu.memory_space<vmem>>, vector<16xi32>,
      %parallel_loop3A_437 = tpu.vector_load_idx %arg5[%parallel_loop3A_436] : memref<256xf32, #tpu.memory_space<vmem>>[vector<16xi32>], vector<16xf32>,
      %parallel_loop3A_438 = arith.index_cast %parallel_loop3A_258 : i32 to index
      %parallel_loop3A_439 = arith.constant 400 : index
      %parallel_loop3A_440 = tpu.vector_load %arg9[%parallel_loop3A_438, %parallel_loop3A_439] {strides = array<i32>} : memref<48x512xf32, #tpu.memory_space<vmem>>, vector<16xf32>,
      tpu.vector_store %arg9[%parallel_loop3A_438, %parallel_loop3A_439], %parallel_loop3A_437 {strides = array<i32>} : memref<48x512xf32, #tpu.memory_space<vmem>>, vector<16xf32>,
      %parallel_loop3A_441 = arith.index_cast %parallel_loop3A_258 : i32 to index
      %parallel_loop3A_442 = arith.constant 416 : index
      %parallel_loop3A_443 = tpu.vector_load %arg7[%parallel_loop3A_441, %parallel_loop3A_442] {strides = array<i32>} : memref<48x512xi32, #tpu.memory_space<vmem>>, vector<16xi32>,
      %parallel_loop3A_444 = tpu.vector_load_idx %arg5[%parallel_loop3A_443] : memref<256xf32, #tpu.memory_space<vmem>>[vector<16xi32>], vector<16xf32>,
      %parallel_loop3A_445 = arith.index_cast %parallel_loop3A_258 : i32 to index
      %parallel_loop3A_446 = arith.constant 416 : index
      %parallel_loop3A_447 = tpu.vector_load %arg9[%parallel_loop3A_445, %parallel_loop3A_446] {strides = array<i32>} : memref<48x512xf32, #tpu.memory_space<vmem>>, vector<16xf32>,
      tpu.vector_store %arg9[%parallel_loop3A_445, %parallel_loop3A_446], %parallel_loop3A_444 {strides = array<i32>} : memref<48x512xf32, #tpu.memory_space<vmem>>, vector<16xf32>,
      %parallel_loop3A_448 = arith.index_cast %parallel_loop3A_258 : i32 to index
      %parallel_loop3A_449 = arith.constant 432 : index
      %parallel_loop3A_450 = tpu.vector_load %arg7[%parallel_loop3A_448, %parallel_loop3A_449] {strides = array<i32>} : memref<48x512xi32, #tpu.memory_space<vmem>>, vector<16xi32>,
      %parallel_loop3A_451 = tpu.vector_load_idx %arg5[%parallel_loop3A_450] : memref<256xf32, #tpu.memory_space<vmem>>[vector<16xi32>], vector<16xf32>,
      %parallel_loop3A_452 = arith.index_cast %parallel_loop3A_258 : i32 to index
      %parallel_loop3A_453 = arith.constant 432 : index
      %parallel_loop3A_454 = tpu.vector_load %arg9[%parallel_loop3A_452, %parallel_loop3A_453] {strides = array<i32>} : memref<48x512xf32, #tpu.memory_space<vmem>>, vector<16xf32>,
      tpu.vector_store %arg9[%parallel_loop3A_452, %parallel_loop3A_453], %parallel_loop3A_451 {strides = array<i32>} : memref<48x512xf32, #tpu.memory_space<vmem>>, vector<16xf32>,
      %parallel_loop3A_455 = arith.index_cast %parallel_loop3A_258 : i32 to index
      %parallel_loop3A_456 = arith.constant 448 : index
      %parallel_loop3A_457 = tpu.vector_load %arg7[%parallel_loop3A_455, %parallel_loop3A_456] {strides = array<i32>} : memref<48x512xi32, #tpu.memory_space<vmem>>, vector<16xi32>,
      %parallel_loop3A_458 = tpu.vector_load_idx %arg5[%parallel_loop3A_457] : memref<256xf32, #tpu.memory_space<vmem>>[vector<16xi32>], vector<16xf32>,
      %parallel_loop3A_459 = arith.index_cast %parallel_loop3A_258 : i32 to index
      %parallel_loop3A_460 = arith.constant 448 : index
      %parallel_loop3A_461 = tpu.vector_load %arg9[%parallel_loop3A_459, %parallel_loop3A_460] {strides = array<i32>} : memref<48x512xf32, #tpu.memory_space<vmem>>, vector<16xf32>,
      tpu.vector_store %arg9[%parallel_loop3A_459, %parallel_loop3A_460], %parallel_loop3A_458 {strides = array<i32>} : memref<48x512xf32, #tpu.memory_space<vmem>>, vector<16xf32>,
      %parallel_loop3A_462 = arith.index_cast %parallel_loop3A_258 : i32 to index
      %parallel_loop3A_463 = arith.constant 464 : index
      %parallel_loop3A_464 = tpu.vector_load %arg7[%parallel_loop3A_462, %parallel_loop3A_463] {strides = array<i32>} : memref<48x512xi32, #tpu.memory_space<vmem>>, vector<16xi32>,
      %parallel_loop3A_465 = tpu.vector_load_idx %arg5[%parallel_loop3A_464] : memref<256xf32, #tpu.memory_space<vmem>>[vector<16xi32>], vector<16xf32>,
      %parallel_loop3A_466 = arith.index_cast %parallel_loop3A_258 : i32 to index
      %parallel_loop3A_467 = arith.constant 464 : index
      %parallel_loop3A_468 = tpu.vector_load %arg9[%parallel_loop3A_466, %parallel_loop3A_467] {strides = array<i32>} : memref<48x512xf32, #tpu.memory_space<vmem>>, vector<16xf32>,
      tpu.vector_store %arg9[%parallel_loop3A_466, %parallel_loop3A_467], %parallel_loop3A_465 {strides = array<i32>} : memref<48x512xf32, #tpu.memory_space<vmem>>, vector<16xf32>,
      %parallel_loop3A_469 = arith.index_cast %parallel_loop3A_258 : i32 to index
      %parallel_loop3A_470 = arith.constant 480 : index
      %parallel_loop3A_471 = tpu.vector_load %arg7[%parallel_loop3A_469, %parallel_loop3A_470] {strides = array<i32>} : memref<48x512xi32, #tpu.memory_space<vmem>>, vector<16xi32>,
      %parallel_loop3A_472 = tpu.vector_load_idx %arg5[%parallel_loop3A_471] : memref<256xf32, #tpu.memory_space<vmem>>[vector<16xi32>], vector<16xf32>,
      %parallel_loop3A_473 = arith.index_cast %parallel_loop3A_258 : i32 to index
      %parallel_loop3A_474 = arith.constant 480 : index
      %parallel_loop3A_475 = tpu.vector_load %arg9[%parallel_loop3A_473, %parallel_loop3A_474] {strides = array<i32>} : memref<48x512xf32, #tpu.memory_space<vmem>>, vector<16xf32>,
      tpu.vector_store %arg9[%parallel_loop3A_473, %parallel_loop3A_474], %parallel_loop3A_472 {strides = array<i32>} : memref<48x512xf32, #tpu.memory_space<vmem>>, vector<16xf32>,
      %parallel_loop3A_476 = arith.index_cast %parallel_loop3A_258 : i32 to index
      %parallel_loop3A_477 = arith.constant 496 : index
      %parallel_loop3A_478 = tpu.vector_load %arg7[%parallel_loop3A_476, %parallel_loop3A_477] {strides = array<i32>} : memref<48x512xi32, #tpu.memory_space<vmem>>, vector<16xi32>,
      %parallel_loop3A_479 = tpu.vector_load_idx %arg5[%parallel_loop3A_478] : memref<256xf32, #tpu.memory_space<vmem>>[vector<16xi32>], vector<16xf32>,
      %parallel_loop3A_480 = arith.index_cast %parallel_loop3A_258 : i32 to index
      %parallel_loop3A_481 = arith.constant 496 : index
      %parallel_loop3A_482 = tpu.vector_load %arg9[%parallel_loop3A_480, %parallel_loop3A_481] {strides = array<i32>} : memref<48x512xf32, #tpu.memory_space<vmem>>, vector<16xf32>,
      tpu.vector_store %arg9[%parallel_loop3A_480, %parallel_loop3A_481], %parallel_loop3A_479 {strides = array<i32>} : memref<48x512xf32, #tpu.memory_space<vmem>>, vector<16xf32>,
    } {sc.loop_unroll_factor = 1 : i64, sc.parallel_access}
    %dma_start3A_66 = arith.constant 0 : i32
    %dma_start3A_67 = arith.constant 0 : i32
    %dma_start3A_68 = tpu.memref_slice %arg9[%dma_start3A_66, %dma_start3A_67] : memref<48x512xf32, #tpu.memory_space<vmem>> -> memref<40x512xf32, #tpu.memory_space<vmem>>
    %dma_start3A_69 = arith.constant 8 : i32
    %dma_start3A_70 = tpu.memref_slice %arg4[%dma_start3A_69, %mul3A_2] : memref<200x16384xf32, #tpu.memory_space<hbm>> -> memref<40x512xf32, #tpu.memory_space<hbm>>
    %dma_start3A_71 = arith.constant 8 : i32
    %dma_start3A_72 = tpu.memref_slice %arg4[%dma_start3A_71, %mul3A_2] : memref<200x16384xf32, #tpu.memory_space<hbm>> -> memref<40x512xf32, #tpu.memory_space<hbm>>
    %dma_start3A_73 = arith.constant 0 : i32
    %dma_start3A_74 = arith.constant 0 : i32
    %dma_start3A_75 = tpu.memref_slice %arg9[%dma_start3A_73, %dma_start3A_74] : memref<48x512xf32, #tpu.memory_space<vmem>> -> memref<40x512xf32, #tpu.memory_space<vmem>>
    tpu.enqueue_dma source(%dma_start3A_75 : memref<40x512xf32, #tpu.memory_space<vmem>>) target(%dma_start3A_72 : memref<40x512xf32, #tpu.memory_space<hbm>>) target_semaphore(%arg14 : memref<!tpu.dma_semaphore, #tpu.memory_space<semaphore_mem>>)
    %dma_start3A_76 = arith.constant 0 : i32
    %dma_start3A_77 = arith.constant 0 : i32
    %dma_start3A_78 = tpu.memref_slice %arg7[%dma_start3A_76, %dma_start3A_77] : memref<48x512xi32, #tpu.memory_space<vmem>> -> memref<48x512xi32, #tpu.memory_space<vmem>>
    %dma_start3A_79 = arith.constant 96 : i32
    %dma_start3A_80 = tpu.memref_slice %arg2[%dma_start3A_79, %mul3A_2] : memref<200x16384xi32, #tpu.memory_space<hbm>> -> memref<48x512xi32, #tpu.memory_space<hbm>>
    %dma_start3A_81 = arith.constant 0 : i32
    %dma_start3A_82 = arith.constant 0 : i32
    %dma_start3A_83 = tpu.memref_slice %arg7[%dma_start3A_81, %dma_start3A_82] : memref<48x512xi32, #tpu.memory_space<vmem>> -> memref<48x512xi32, #tpu.memory_space<vmem>>
    %dma_start3A_84 = arith.constant 96 : i32
    %dma_start3A_85 = tpu.memref_slice %arg2[%dma_start3A_84, %mul3A_2] : memref<200x16384xi32, #tpu.memory_space<hbm>> -> memref<48x512xi32, #tpu.memory_space<hbm>>
    tpu.enqueue_dma source(%dma_start3A_85 : memref<48x512xi32, #tpu.memory_space<hbm>>) target(%dma_start3A_83 : memref<48x512xi32, #tpu.memory_space<vmem>>) target_semaphore(%arg12 : memref<!tpu.dma_semaphore, #tpu.memory_space<semaphore_mem>>)
    %dma_wait3A_86 = arith.constant 0 : i32
    %dma_wait3A_87 = arith.constant 0 : i32
    %dma_wait3A_88 = tpu.memref_slice %arg6[%dma_wait3A_86, %dma_wait3A_87] : memref<48x512xi32, #tpu.memory_space<vmem>> -> memref<48x512xi32, #tpu.memory_space<vmem>>
    %dma_wait3A_89 = arith.constant 48 : i32
    %dma_wait3A_90 = tpu.memref_slice %arg2[%dma_wait3A_89, %mul3A_2] : memref<200x16384xi32, #tpu.memory_space<hbm>> -> memref<48x512xi32, #tpu.memory_space<hbm>>
    %dma_wait3A_91 = arith.constant 0 : i32
    %dma_wait3A_92 = arith.constant 0 : i32
    %dma_wait3A_93 = tpu.memref_slice %arg6[%dma_wait3A_91, %dma_wait3A_92] : memref<48x512xi32, #tpu.memory_space<vmem>> -> memref<48x512xi32, #tpu.memory_space<vmem>>
    %dma_wait3A_94 = arith.constant 48 : i32
    %dma_wait3A_95 = tpu.memref_slice %arg2[%dma_wait3A_94, %mul3A_2] : memref<200x16384xi32, #tpu.memory_space<hbm>> -> memref<48x512xi32, #tpu.memory_space<hbm>>
    tpu.wait_dma2 semaphore(%arg11 : memref<!tpu.dma_semaphore, #tpu.memory_space<semaphore_mem>>) src(%dma_wait3A_95 : memref<48x512xi32, #tpu.memory_space<hbm>>) dst(%dma_wait3A_93 : memref<48x512xi32, #tpu.memory_space<vmem>>)
    %dma_wait3A_96 = arith.constant 0 : i32
    %dma_wait3A_97 = arith.constant 0 : i32
    %dma_wait3A_98 = tpu.memref_slice %arg8[%dma_wait3A_96, %dma_wait3A_97] : memref<48x512xf32, #tpu.memory_space<vmem>> -> memref<8x512xf32, #tpu.memory_space<vmem>>
    %dma_wait3A_99 = arith.constant 0 : i32
    %dma_wait3A_100 = tpu.memref_slice %arg4[%dma_wait3A_99, %mul3A_2] : memref<200x16384xf32, #tpu.memory_space<hbm>> -> memref<8x512xf32, #tpu.memory_space<hbm>>
    %dma_wait3A_101 = arith.constant 0 : i32
    %dma_wait3A_102 = tpu.memref_slice %arg4[%dma_wait3A_101, %mul3A_2] : memref<200x16384xf32, #tpu.memory_space<hbm>> -> memref<8x512xf32, #tpu.memory_space<hbm>>
    %dma_wait3A_103 = arith.constant 0 : i32
    %dma_wait3A_104 = arith.constant 0 : i32
    %dma_wait3A_105 = tpu.memref_slice %arg8[%dma_wait3A_103, %dma_wait3A_104] : memref<48x512xf32, #tpu.memory_space<vmem>> -> memref<8x512xf32, #tpu.memory_space<vmem>>
    tpu.wait_dma2 semaphore(%arg13 : memref<!tpu.dma_semaphore, #tpu.memory_space<semaphore_mem>>) src(%dma_wait3A_105 : memref<8x512xf32, #tpu.memory_space<vmem>>) dst(%dma_wait3A_102 : memref<8x512xf32, #tpu.memory_space<hbm>>)
    %parallel_loop3A_106 = arith.constant 0 : i32
    %parallel_loop3A_107 = arith.constant 48 : i32
    %parallel_loop3A_108 = arith.constant 1 : i32
    scf.for %parallel_loop3A_258 = %parallel_loop3A_106 to %parallel_loop3A_107 step %parallel_loop3A_108  : i32 {
      %parallel_loop3A_259 = arith.index_cast %parallel_loop3A_258 : i32 to index
      %parallel_loop3A_260 = arith.constant 0 : index
      %parallel_loop3A_261 = tpu.vector_load %arg6[%parallel_loop3A_259, %parallel_loop3A_260] {strides = array<i32>} : memref<48x512xi32, #tpu.memory_space<vmem>>, vector<16xi32>,
      %parallel_loop3A_262 = tpu.vector_load_idx %arg5[%parallel_loop3A_261] : memref<256xf32, #tpu.memory_space<vmem>>[vector<16xi32>], vector<16xf32>,
      %parallel_loop3A_263 = arith.index_cast %parallel_loop3A_258 : i32 to index
      %parallel_loop3A_264 = arith.constant 0 : index
      %parallel_loop3A_265 = tpu.vector_load %arg8[%parallel_loop3A_263, %parallel_loop3A_264] {strides = array<i32>} : memref<48x512xf32, #tpu.memory_space<vmem>>, vector<16xf32>,
      tpu.vector_store %arg8[%parallel_loop3A_263, %parallel_loop3A_264], %parallel_loop3A_262 {strides = array<i32>} : memref<48x512xf32, #tpu.memory_space<vmem>>, vector<16xf32>,
      %parallel_loop3A_266 = arith.index_cast %parallel_loop3A_258 : i32 to index
      %parallel_loop3A_267 = arith.constant 16 : index
      %parallel_loop3A_268 = tpu.vector_load %arg6[%parallel_loop3A_266, %parallel_loop3A_267] {strides = array<i32>} : memref<48x512xi32, #tpu.memory_space<vmem>>, vector<16xi32>,
      %parallel_loop3A_269 = tpu.vector_load_idx %arg5[%parallel_loop3A_268] : memref<256xf32, #tpu.memory_space<vmem>>[vector<16xi32>], vector<16xf32>,
      %parallel_loop3A_270 = arith.index_cast %parallel_loop3A_258 : i32 to index
      %parallel_loop3A_271 = arith.constant 16 : index
      %parallel_loop3A_272 = tpu.vector_load %arg8[%parallel_loop3A_270, %parallel_loop3A_271] {strides = array<i32>} : memref<48x512xf32, #tpu.memory_space<vmem>>, vector<16xf32>,
      tpu.vector_store %arg8[%parallel_loop3A_270, %parallel_loop3A_271], %parallel_loop3A_269 {strides = array<i32>} : memref<48x512xf32, #tpu.memory_space<vmem>>, vector<16xf32>,
      %parallel_loop3A_273 = arith.index_cast %parallel_loop3A_258 : i32 to index
      %parallel_loop3A_274 = arith.constant 32 : index
      %parallel_loop3A_275 = tpu.vector_load %arg6[%parallel_loop3A_273, %parallel_loop3A_274] {strides = array<i32>} : memref<48x512xi32, #tpu.memory_space<vmem>>, vector<16xi32>,
      %parallel_loop3A_276 = tpu.vector_load_idx %arg5[%parallel_loop3A_275] : memref<256xf32, #tpu.memory_space<vmem>>[vector<16xi32>], vector<16xf32>,
      %parallel_loop3A_277 = arith.index_cast %parallel_loop3A_258 : i32 to index
      %parallel_loop3A_278 = arith.constant 32 : index
      %parallel_loop3A_279 = tpu.vector_load %arg8[%parallel_loop3A_277, %parallel_loop3A_278] {strides = array<i32>} : memref<48x512xf32, #tpu.memory_space<vmem>>, vector<16xf32>,
      tpu.vector_store %arg8[%parallel_loop3A_277, %parallel_loop3A_278], %parallel_loop3A_276 {strides = array<i32>} : memref<48x512xf32, #tpu.memory_space<vmem>>, vector<16xf32>,
      %parallel_loop3A_280 = arith.index_cast %parallel_loop3A_258 : i32 to index
      %parallel_loop3A_281 = arith.constant 48 : index
      %parallel_loop3A_282 = tpu.vector_load %arg6[%parallel_loop3A_280, %parallel_loop3A_281] {strides = array<i32>} : memref<48x512xi32, #tpu.memory_space<vmem>>, vector<16xi32>,
      %parallel_loop3A_283 = tpu.vector_load_idx %arg5[%parallel_loop3A_282] : memref<256xf32, #tpu.memory_space<vmem>>[vector<16xi32>], vector<16xf32>,
      %parallel_loop3A_284 = arith.index_cast %parallel_loop3A_258 : i32 to index
      %parallel_loop3A_285 = arith.constant 48 : index
      %parallel_loop3A_286 = tpu.vector_load %arg8[%parallel_loop3A_284, %parallel_loop3A_285] {strides = array<i32>} : memref<48x512xf32, #tpu.memory_space<vmem>>, vector<16xf32>,
      tpu.vector_store %arg8[%parallel_loop3A_284, %parallel_loop3A_285], %parallel_loop3A_283 {strides = array<i32>} : memref<48x512xf32, #tpu.memory_space<vmem>>, vector<16xf32>,
      %parallel_loop3A_287 = arith.index_cast %parallel_loop3A_258 : i32 to index
      %parallel_loop3A_288 = arith.constant 64 : index
      %parallel_loop3A_289 = tpu.vector_load %arg6[%parallel_loop3A_287, %parallel_loop3A_288] {strides = array<i32>} : memref<48x512xi32, #tpu.memory_space<vmem>>, vector<16xi32>,
      %parallel_loop3A_290 = tpu.vector_load_idx %arg5[%parallel_loop3A_289] : memref<256xf32, #tpu.memory_space<vmem>>[vector<16xi32>], vector<16xf32>,
      %parallel_loop3A_291 = arith.index_cast %parallel_loop3A_258 : i32 to index
      %parallel_loop3A_292 = arith.constant 64 : index
      %parallel_loop3A_293 = tpu.vector_load %arg8[%parallel_loop3A_291, %parallel_loop3A_292] {strides = array<i32>} : memref<48x512xf32, #tpu.memory_space<vmem>>, vector<16xf32>,
      tpu.vector_store %arg8[%parallel_loop3A_291, %parallel_loop3A_292], %parallel_loop3A_290 {strides = array<i32>} : memref<48x512xf32, #tpu.memory_space<vmem>>, vector<16xf32>,
      %parallel_loop3A_294 = arith.index_cast %parallel_loop3A_258 : i32 to index
      %parallel_loop3A_295 = arith.constant 80 : index
      %parallel_loop3A_296 = tpu.vector_load %arg6[%parallel_loop3A_294, %parallel_loop3A_295] {strides = array<i32>} : memref<48x512xi32, #tpu.memory_space<vmem>>, vector<16xi32>,
      %parallel_loop3A_297 = tpu.vector_load_idx %arg5[%parallel_loop3A_296] : memref<256xf32, #tpu.memory_space<vmem>>[vector<16xi32>], vector<16xf32>,
      %parallel_loop3A_298 = arith.index_cast %parallel_loop3A_258 : i32 to index
      %parallel_loop3A_299 = arith.constant 80 : index
      %parallel_loop3A_300 = tpu.vector_load %arg8[%parallel_loop3A_298, %parallel_loop3A_299] {strides = array<i32>} : memref<48x512xf32, #tpu.memory_space<vmem>>, vector<16xf32>,
      tpu.vector_store %arg8[%parallel_loop3A_298, %parallel_loop3A_299], %parallel_loop3A_297 {strides = array<i32>} : memref<48x512xf32, #tpu.memory_space<vmem>>, vector<16xf32>,
      %parallel_loop3A_301 = arith.index_cast %parallel_loop3A_258 : i32 to index
      %parallel_loop3A_302 = arith.constant 96 : index
      %parallel_loop3A_303 = tpu.vector_load %arg6[%parallel_loop3A_301, %parallel_loop3A_302] {strides = array<i32>} : memref<48x512xi32, #tpu.memory_space<vmem>>, vector<16xi32>,
      %parallel_loop3A_304 = tpu.vector_load_idx %arg5[%parallel_loop3A_303] : memref<256xf32, #tpu.memory_space<vmem>>[vector<16xi32>], vector<16xf32>,
      %parallel_loop3A_305 = arith.index_cast %parallel_loop3A_258 : i32 to index
      %parallel_loop3A_306 = arith.constant 96 : index
      %parallel_loop3A_307 = tpu.vector_load %arg8[%parallel_loop3A_305, %parallel_loop3A_306] {strides = array<i32>} : memref<48x512xf32, #tpu.memory_space<vmem>>, vector<16xf32>,
      tpu.vector_store %arg8[%parallel_loop3A_305, %parallel_loop3A_306], %parallel_loop3A_304 {strides = array<i32>} : memref<48x512xf32, #tpu.memory_space<vmem>>, vector<16xf32>,
      %parallel_loop3A_308 = arith.index_cast %parallel_loop3A_258 : i32 to index
      %parallel_loop3A_309 = arith.constant 112 : index
      %parallel_loop3A_310 = tpu.vector_load %arg6[%parallel_loop3A_308, %parallel_loop3A_309] {strides = array<i32>} : memref<48x512xi32, #tpu.memory_space<vmem>>, vector<16xi32>,
      %parallel_loop3A_311 = tpu.vector_load_idx %arg5[%parallel_loop3A_310] : memref<256xf32, #tpu.memory_space<vmem>>[vector<16xi32>], vector<16xf32>,
      %parallel_loop3A_312 = arith.index_cast %parallel_loop3A_258 : i32 to index
      %parallel_loop3A_313 = arith.constant 112 : index
      %parallel_loop3A_314 = tpu.vector_load %arg8[%parallel_loop3A_312, %parallel_loop3A_313] {strides = array<i32>} : memref<48x512xf32, #tpu.memory_space<vmem>>, vector<16xf32>,
      tpu.vector_store %arg8[%parallel_loop3A_312, %parallel_loop3A_313], %parallel_loop3A_311 {strides = array<i32>} : memref<48x512xf32, #tpu.memory_space<vmem>>, vector<16xf32>,
      %parallel_loop3A_315 = arith.index_cast %parallel_loop3A_258 : i32 to index
      %parallel_loop3A_316 = arith.constant 128 : index
      %parallel_loop3A_317 = tpu.vector_load %arg6[%parallel_loop3A_315, %parallel_loop3A_316] {strides = array<i32>} : memref<48x512xi32, #tpu.memory_space<vmem>>, vector<16xi32>,
      %parallel_loop3A_318 = tpu.vector_load_idx %arg5[%parallel_loop3A_317] : memref<256xf32, #tpu.memory_space<vmem>>[vector<16xi32>], vector<16xf32>,
      %parallel_loop3A_319 = arith.index_cast %parallel_loop3A_258 : i32 to index
      %parallel_loop3A_320 = arith.constant 128 : index
      %parallel_loop3A_321 = tpu.vector_load %arg8[%parallel_loop3A_319, %parallel_loop3A_320] {strides = array<i32>} : memref<48x512xf32, #tpu.memory_space<vmem>>, vector<16xf32>,
      tpu.vector_store %arg8[%parallel_loop3A_319, %parallel_loop3A_320], %parallel_loop3A_318 {strides = array<i32>} : memref<48x512xf32, #tpu.memory_space<vmem>>, vector<16xf32>,
      %parallel_loop3A_322 = arith.index_cast %parallel_loop3A_258 : i32 to index
      %parallel_loop3A_323 = arith.constant 144 : index
      %parallel_loop3A_324 = tpu.vector_load %arg6[%parallel_loop3A_322, %parallel_loop3A_323] {strides = array<i32>} : memref<48x512xi32, #tpu.memory_space<vmem>>, vector<16xi32>,
      %parallel_loop3A_325 = tpu.vector_load_idx %arg5[%parallel_loop3A_324] : memref<256xf32, #tpu.memory_space<vmem>>[vector<16xi32>], vector<16xf32>,
      %parallel_loop3A_326 = arith.index_cast %parallel_loop3A_258 : i32 to index
      %parallel_loop3A_327 = arith.constant 144 : index
      %parallel_loop3A_328 = tpu.vector_load %arg8[%parallel_loop3A_326, %parallel_loop3A_327] {strides = array<i32>} : memref<48x512xf32, #tpu.memory_space<vmem>>, vector<16xf32>,
      tpu.vector_store %arg8[%parallel_loop3A_326, %parallel_loop3A_327], %parallel_loop3A_325 {strides = array<i32>} : memref<48x512xf32, #tpu.memory_space<vmem>>, vector<16xf32>,
      %parallel_loop3A_329 = arith.index_cast %parallel_loop3A_258 : i32 to index
      %parallel_loop3A_330 = arith.constant 160 : index
      %parallel_loop3A_331 = tpu.vector_load %arg6[%parallel_loop3A_329, %parallel_loop3A_330] {strides = array<i32>} : memref<48x512xi32, #tpu.memory_space<vmem>>, vector<16xi32>,
      %parallel_loop3A_332 = tpu.vector_load_idx %arg5[%parallel_loop3A_331] : memref<256xf32, #tpu.memory_space<vmem>>[vector<16xi32>], vector<16xf32>,
      %parallel_loop3A_333 = arith.index_cast %parallel_loop3A_258 : i32 to index
      %parallel_loop3A_334 = arith.constant 160 : index
      %parallel_loop3A_335 = tpu.vector_load %arg8[%parallel_loop3A_333, %parallel_loop3A_334] {strides = array<i32>} : memref<48x512xf32, #tpu.memory_space<vmem>>, vector<16xf32>,
      tpu.vector_store %arg8[%parallel_loop3A_333, %parallel_loop3A_334], %parallel_loop3A_332 {strides = array<i32>} : memref<48x512xf32, #tpu.memory_space<vmem>>, vector<16xf32>,
      %parallel_loop3A_336 = arith.index_cast %parallel_loop3A_258 : i32 to index
      %parallel_loop3A_337 = arith.constant 176 : index
      %parallel_loop3A_338 = tpu.vector_load %arg6[%parallel_loop3A_336, %parallel_loop3A_337] {strides = array<i32>} : memref<48x512xi32, #tpu.memory_space<vmem>>, vector<16xi32>,
      %parallel_loop3A_339 = tpu.vector_load_idx %arg5[%parallel_loop3A_338] : memref<256xf32, #tpu.memory_space<vmem>>[vector<16xi32>], vector<16xf32>,
      %parallel_loop3A_340 = arith.index_cast %parallel_loop3A_258 : i32 to index
      %parallel_loop3A_341 = arith.constant 176 : index
      %parallel_loop3A_342 = tpu.vector_load %arg8[%parallel_loop3A_340, %parallel_loop3A_341] {strides = array<i32>} : memref<48x512xf32, #tpu.memory_space<vmem>>, vector<16xf32>,
      tpu.vector_store %arg8[%parallel_loop3A_340, %parallel_loop3A_341], %parallel_loop3A_339 {strides = array<i32>} : memref<48x512xf32, #tpu.memory_space<vmem>>, vector<16xf32>,
      %parallel_loop3A_343 = arith.index_cast %parallel_loop3A_258 : i32 to index
      %parallel_loop3A_344 = arith.constant 192 : index
      %parallel_loop3A_345 = tpu.vector_load %arg6[%parallel_loop3A_343, %parallel_loop3A_344] {strides = array<i32>} : memref<48x512xi32, #tpu.memory_space<vmem>>, vector<16xi32>,
      %parallel_loop3A_346 = tpu.vector_load_idx %arg5[%parallel_loop3A_345] : memref<256xf32, #tpu.memory_space<vmem>>[vector<16xi32>], vector<16xf32>,
      %parallel_loop3A_347 = arith.index_cast %parallel_loop3A_258 : i32 to index
      %parallel_loop3A_348 = arith.constant 192 : index
      %parallel_loop3A_349 = tpu.vector_load %arg8[%parallel_loop3A_347, %parallel_loop3A_348] {strides = array<i32>} : memref<48x512xf32, #tpu.memory_space<vmem>>, vector<16xf32>,
      tpu.vector_store %arg8[%parallel_loop3A_347, %parallel_loop3A_348], %parallel_loop3A_346 {strides = array<i32>} : memref<48x512xf32, #tpu.memory_space<vmem>>, vector<16xf32>,
      %parallel_loop3A_350 = arith.index_cast %parallel_loop3A_258 : i32 to index
      %parallel_loop3A_351 = arith.constant 208 : index
      %parallel_loop3A_352 = tpu.vector_load %arg6[%parallel_loop3A_350, %parallel_loop3A_351] {strides = array<i32>} : memref<48x512xi32, #tpu.memory_space<vmem>>, vector<16xi32>,
      %parallel_loop3A_353 = tpu.vector_load_idx %arg5[%parallel_loop3A_352] : memref<256xf32, #tpu.memory_space<vmem>>[vector<16xi32>], vector<16xf32>,
      %parallel_loop3A_354 = arith.index_cast %parallel_loop3A_258 : i32 to index
      %parallel_loop3A_355 = arith.constant 208 : index
      %parallel_loop3A_356 = tpu.vector_load %arg8[%parallel_loop3A_354, %parallel_loop3A_355] {strides = array<i32>} : memref<48x512xf32, #tpu.memory_space<vmem>>, vector<16xf32>,
      tpu.vector_store %arg8[%parallel_loop3A_354, %parallel_loop3A_355], %parallel_loop3A_353 {strides = array<i32>} : memref<48x512xf32, #tpu.memory_space<vmem>>, vector<16xf32>,
      %parallel_loop3A_357 = arith.index_cast %parallel_loop3A_258 : i32 to index
      %parallel_loop3A_358 = arith.constant 224 : index
      %parallel_loop3A_359 = tpu.vector_load %arg6[%parallel_loop3A_357, %parallel_loop3A_358] {strides = array<i32>} : memref<48x512xi32, #tpu.memory_space<vmem>>, vector<16xi32>,
      %parallel_loop3A_360 = tpu.vector_load_idx %arg5[%parallel_loop3A_359] : memref<256xf32, #tpu.memory_space<vmem>>[vector<16xi32>], vector<16xf32>,
      %parallel_loop3A_361 = arith.index_cast %parallel_loop3A_258 : i32 to index
      %parallel_loop3A_362 = arith.constant 224 : index
      %parallel_loop3A_363 = tpu.vector_load %arg8[%parallel_loop3A_361, %parallel_loop3A_362] {strides = array<i32>} : memref<48x512xf32, #tpu.memory_space<vmem>>, vector<16xf32>,
      tpu.vector_store %arg8[%parallel_loop3A_361, %parallel_loop3A_362], %parallel_loop3A_360 {strides = array<i32>} : memref<48x512xf32, #tpu.memory_space<vmem>>, vector<16xf32>,
      %parallel_loop3A_364 = arith.index_cast %parallel_loop3A_258 : i32 to index
      %parallel_loop3A_365 = arith.constant 240 : index
      %parallel_loop3A_366 = tpu.vector_load %arg6[%parallel_loop3A_364, %parallel_loop3A_365] {strides = array<i32>} : memref<48x512xi32, #tpu.memory_space<vmem>>, vector<16xi32>,
      %parallel_loop3A_367 = tpu.vector_load_idx %arg5[%parallel_loop3A_366] : memref<256xf32, #tpu.memory_space<vmem>>[vector<16xi32>], vector<16xf32>,
      %parallel_loop3A_368 = arith.index_cast %parallel_loop3A_258 : i32 to index
      %parallel_loop3A_369 = arith.constant 240 : index
      %parallel_loop3A_370 = tpu.vector_load %arg8[%parallel_loop3A_368, %parallel_loop3A_369] {strides = array<i32>} : memref<48x512xf32, #tpu.memory_space<vmem>>, vector<16xf32>,
      tpu.vector_store %arg8[%parallel_loop3A_368, %parallel_loop3A_369], %parallel_loop3A_367 {strides = array<i32>} : memref<48x512xf32, #tpu.memory_space<vmem>>, vector<16xf32>,
      %parallel_loop3A_371 = arith.index_cast %parallel_loop3A_258 : i32 to index
      %parallel_loop3A_372 = arith.constant 256 : index
      %parallel_loop3A_373 = tpu.vector_load %arg6[%parallel_loop3A_371, %parallel_loop3A_372] {strides = array<i32>} : memref<48x512xi32, #tpu.memory_space<vmem>>, vector<16xi32>,
      %parallel_loop3A_374 = tpu.vector_load_idx %arg5[%parallel_loop3A_373] : memref<256xf32, #tpu.memory_space<vmem>>[vector<16xi32>], vector<16xf32>,
      %parallel_loop3A_375 = arith.index_cast %parallel_loop3A_258 : i32 to index
      %parallel_loop3A_376 = arith.constant 256 : index
      %parallel_loop3A_377 = tpu.vector_load %arg8[%parallel_loop3A_375, %parallel_loop3A_376] {strides = array<i32>} : memref<48x512xf32, #tpu.memory_space<vmem>>, vector<16xf32>,
      tpu.vector_store %arg8[%parallel_loop3A_375, %parallel_loop3A_376], %parallel_loop3A_374 {strides = array<i32>} : memref<48x512xf32, #tpu.memory_space<vmem>>, vector<16xf32>,
      %parallel_loop3A_378 = arith.index_cast %parallel_loop3A_258 : i32 to index
      %parallel_loop3A_379 = arith.constant 272 : index
      %parallel_loop3A_380 = tpu.vector_load %arg6[%parallel_loop3A_378, %parallel_loop3A_379] {strides = array<i32>} : memref<48x512xi32, #tpu.memory_space<vmem>>, vector<16xi32>,
      %parallel_loop3A_381 = tpu.vector_load_idx %arg5[%parallel_loop3A_380] : memref<256xf32, #tpu.memory_space<vmem>>[vector<16xi32>], vector<16xf32>,
      %parallel_loop3A_382 = arith.index_cast %parallel_loop3A_258 : i32 to index
      %parallel_loop3A_383 = arith.constant 272 : index
      %parallel_loop3A_384 = tpu.vector_load %arg8[%parallel_loop3A_382, %parallel_loop3A_383] {strides = array<i32>} : memref<48x512xf32, #tpu.memory_space<vmem>>, vector<16xf32>,
      tpu.vector_store %arg8[%parallel_loop3A_382, %parallel_loop3A_383], %parallel_loop3A_381 {strides = array<i32>} : memref<48x512xf32, #tpu.memory_space<vmem>>, vector<16xf32>,
      %parallel_loop3A_385 = arith.index_cast %parallel_loop3A_258 : i32 to index
      %parallel_loop3A_386 = arith.constant 288 : index
      %parallel_loop3A_387 = tpu.vector_load %arg6[%parallel_loop3A_385, %parallel_loop3A_386] {strides = array<i32>} : memref<48x512xi32, #tpu.memory_space<vmem>>, vector<16xi32>,
      %parallel_loop3A_388 = tpu.vector_load_idx %arg5[%parallel_loop3A_387] : memref<256xf32, #tpu.memory_space<vmem>>[vector<16xi32>], vector<16xf32>,
      %parallel_loop3A_389 = arith.index_cast %parallel_loop3A_258 : i32 to index
      %parallel_loop3A_390 = arith.constant 288 : index
      %parallel_loop3A_391 = tpu.vector_load %arg8[%parallel_loop3A_389, %parallel_loop3A_390] {strides = array<i32>} : memref<48x512xf32, #tpu.memory_space<vmem>>, vector<16xf32>,
      tpu.vector_store %arg8[%parallel_loop3A_389, %parallel_loop3A_390], %parallel_loop3A_388 {strides = array<i32>} : memref<48x512xf32, #tpu.memory_space<vmem>>, vector<16xf32>,
      %parallel_loop3A_392 = arith.index_cast %parallel_loop3A_258 : i32 to index
      %parallel_loop3A_393 = arith.constant 304 : index
      %parallel_loop3A_394 = tpu.vector_load %arg6[%parallel_loop3A_392, %parallel_loop3A_393] {strides = array<i32>} : memref<48x512xi32, #tpu.memory_space<vmem>>, vector<16xi32>,
      %parallel_loop3A_395 = tpu.vector_load_idx %arg5[%parallel_loop3A_394] : memref<256xf32, #tpu.memory_space<vmem>>[vector<16xi32>], vector<16xf32>,
      %parallel_loop3A_396 = arith.index_cast %parallel_loop3A_258 : i32 to index
      %parallel_loop3A_397 = arith.constant 304 : index
      %parallel_loop3A_398 = tpu.vector_load %arg8[%parallel_loop3A_396, %parallel_loop3A_397] {strides = array<i32>} : memref<48x512xf32, #tpu.memory_space<vmem>>, vector<16xf32>,
      tpu.vector_store %arg8[%parallel_loop3A_396, %parallel_loop3A_397], %parallel_loop3A_395 {strides = array<i32>} : memref<48x512xf32, #tpu.memory_space<vmem>>, vector<16xf32>,
      %parallel_loop3A_399 = arith.index_cast %parallel_loop3A_258 : i32 to index
      %parallel_loop3A_400 = arith.constant 320 : index
      %parallel_loop3A_401 = tpu.vector_load %arg6[%parallel_loop3A_399, %parallel_loop3A_400] {strides = array<i32>} : memref<48x512xi32, #tpu.memory_space<vmem>>, vector<16xi32>,
      %parallel_loop3A_402 = tpu.vector_load_idx %arg5[%parallel_loop3A_401] : memref<256xf32, #tpu.memory_space<vmem>>[vector<16xi32>], vector<16xf32>,
      %parallel_loop3A_403 = arith.index_cast %parallel_loop3A_258 : i32 to index
      %parallel_loop3A_404 = arith.constant 320 : index
      %parallel_loop3A_405 = tpu.vector_load %arg8[%parallel_loop3A_403, %parallel_loop3A_404] {strides = array<i32>} : memref<48x512xf32, #tpu.memory_space<vmem>>, vector<16xf32>,
      tpu.vector_store %arg8[%parallel_loop3A_403, %parallel_loop3A_404], %parallel_loop3A_402 {strides = array<i32>} : memref<48x512xf32, #tpu.memory_space<vmem>>, vector<16xf32>,
      %parallel_loop3A_406 = arith.index_cast %parallel_loop3A_258 : i32 to index
      %parallel_loop3A_407 = arith.constant 336 : index
      %parallel_loop3A_408 = tpu.vector_load %arg6[%parallel_loop3A_406, %parallel_loop3A_407] {strides = array<i32>} : memref<48x512xi32, #tpu.memory_space<vmem>>, vector<16xi32>,
      %parallel_loop3A_409 = tpu.vector_load_idx %arg5[%parallel_loop3A_408] : memref<256xf32, #tpu.memory_space<vmem>>[vector<16xi32>], vector<16xf32>,
      %parallel_loop3A_410 = arith.index_cast %parallel_loop3A_258 : i32 to index
      %parallel_loop3A_411 = arith.constant 336 : index
      %parallel_loop3A_412 = tpu.vector_load %arg8[%parallel_loop3A_410, %parallel_loop3A_411] {strides = array<i32>} : memref<48x512xf32, #tpu.memory_space<vmem>>, vector<16xf32>,
      tpu.vector_store %arg8[%parallel_loop3A_410, %parallel_loop3A_411], %parallel_loop3A_409 {strides = array<i32>} : memref<48x512xf32, #tpu.memory_space<vmem>>, vector<16xf32>,
      %parallel_loop3A_413 = arith.index_cast %parallel_loop3A_258 : i32 to index
      %parallel_loop3A_414 = arith.constant 352 : index
      %parallel_loop3A_415 = tpu.vector_load %arg6[%parallel_loop3A_413, %parallel_loop3A_414] {strides = array<i32>} : memref<48x512xi32, #tpu.memory_space<vmem>>, vector<16xi32>,
      %parallel_loop3A_416 = tpu.vector_load_idx %arg5[%parallel_loop3A_415] : memref<256xf32, #tpu.memory_space<vmem>>[vector<16xi32>], vector<16xf32>,
      %parallel_loop3A_417 = arith.index_cast %parallel_loop3A_258 : i32 to index
      %parallel_loop3A_418 = arith.constant 352 : index
      %parallel_loop3A_419 = tpu.vector_load %arg8[%parallel_loop3A_417, %parallel_loop3A_418] {strides = array<i32>} : memref<48x512xf32, #tpu.memory_space<vmem>>, vector<16xf32>,
      tpu.vector_store %arg8[%parallel_loop3A_417, %parallel_loop3A_418], %parallel_loop3A_416 {strides = array<i32>} : memref<48x512xf32, #tpu.memory_space<vmem>>, vector<16xf32>,
      %parallel_loop3A_420 = arith.index_cast %parallel_loop3A_258 : i32 to index
      %parallel_loop3A_421 = arith.constant 368 : index
      %parallel_loop3A_422 = tpu.vector_load %arg6[%parallel_loop3A_420, %parallel_loop3A_421] {strides = array<i32>} : memref<48x512xi32, #tpu.memory_space<vmem>>, vector<16xi32>,
      %parallel_loop3A_423 = tpu.vector_load_idx %arg5[%parallel_loop3A_422] : memref<256xf32, #tpu.memory_space<vmem>>[vector<16xi32>], vector<16xf32>,
      %parallel_loop3A_424 = arith.index_cast %parallel_loop3A_258 : i32 to index
      %parallel_loop3A_425 = arith.constant 368 : index
      %parallel_loop3A_426 = tpu.vector_load %arg8[%parallel_loop3A_424, %parallel_loop3A_425] {strides = array<i32>} : memref<48x512xf32, #tpu.memory_space<vmem>>, vector<16xf32>,
      tpu.vector_store %arg8[%parallel_loop3A_424, %parallel_loop3A_425], %parallel_loop3A_423 {strides = array<i32>} : memref<48x512xf32, #tpu.memory_space<vmem>>, vector<16xf32>,
      %parallel_loop3A_427 = arith.index_cast %parallel_loop3A_258 : i32 to index
      %parallel_loop3A_428 = arith.constant 384 : index
      %parallel_loop3A_429 = tpu.vector_load %arg6[%parallel_loop3A_427, %parallel_loop3A_428] {strides = array<i32>} : memref<48x512xi32, #tpu.memory_space<vmem>>, vector<16xi32>,
      %parallel_loop3A_430 = tpu.vector_load_idx %arg5[%parallel_loop3A_429] : memref<256xf32, #tpu.memory_space<vmem>>[vector<16xi32>], vector<16xf32>,
      %parallel_loop3A_431 = arith.index_cast %parallel_loop3A_258 : i32 to index
      %parallel_loop3A_432 = arith.constant 384 : index
      %parallel_loop3A_433 = tpu.vector_load %arg8[%parallel_loop3A_431, %parallel_loop3A_432] {strides = array<i32>} : memref<48x512xf32, #tpu.memory_space<vmem>>, vector<16xf32>,
      tpu.vector_store %arg8[%parallel_loop3A_431, %parallel_loop3A_432], %parallel_loop3A_430 {strides = array<i32>} : memref<48x512xf32, #tpu.memory_space<vmem>>, vector<16xf32>,
      %parallel_loop3A_434 = arith.index_cast %parallel_loop3A_258 : i32 to index
      %parallel_loop3A_435 = arith.constant 400 : index
      %parallel_loop3A_436 = tpu.vector_load %arg6[%parallel_loop3A_434, %parallel_loop3A_435] {strides = array<i32>} : memref<48x512xi32, #tpu.memory_space<vmem>>, vector<16xi32>,
      %parallel_loop3A_437 = tpu.vector_load_idx %arg5[%parallel_loop3A_436] : memref<256xf32, #tpu.memory_space<vmem>>[vector<16xi32>], vector<16xf32>,
      %parallel_loop3A_438 = arith.index_cast %parallel_loop3A_258 : i32 to index
      %parallel_loop3A_439 = arith.constant 400 : index
      %parallel_loop3A_440 = tpu.vector_load %arg8[%parallel_loop3A_438, %parallel_loop3A_439] {strides = array<i32>} : memref<48x512xf32, #tpu.memory_space<vmem>>, vector<16xf32>,
      tpu.vector_store %arg8[%parallel_loop3A_438, %parallel_loop3A_439], %parallel_loop3A_437 {strides = array<i32>} : memref<48x512xf32, #tpu.memory_space<vmem>>, vector<16xf32>,
      %parallel_loop3A_441 = arith.index_cast %parallel_loop3A_258 : i32 to index
      %parallel_loop3A_442 = arith.constant 416 : index
      %parallel_loop3A_443 = tpu.vector_load %arg6[%parallel_loop3A_441, %parallel_loop3A_442] {strides = array<i32>} : memref<48x512xi32, #tpu.memory_space<vmem>>, vector<16xi32>,
      %parallel_loop3A_444 = tpu.vector_load_idx %arg5[%parallel_loop3A_443] : memref<256xf32, #tpu.memory_space<vmem>>[vector<16xi32>], vector<16xf32>,
      %parallel_loop3A_445 = arith.index_cast %parallel_loop3A_258 : i32 to index
      %parallel_loop3A_446 = arith.constant 416 : index
      %parallel_loop3A_447 = tpu.vector_load %arg8[%parallel_loop3A_445, %parallel_loop3A_446] {strides = array<i32>} : memref<48x512xf32, #tpu.memory_space<vmem>>, vector<16xf32>,
      tpu.vector_store %arg8[%parallel_loop3A_445, %parallel_loop3A_446], %parallel_loop3A_444 {strides = array<i32>} : memref<48x512xf32, #tpu.memory_space<vmem>>, vector<16xf32>,
      %parallel_loop3A_448 = arith.index_cast %parallel_loop3A_258 : i32 to index
      %parallel_loop3A_449 = arith.constant 432 : index
      %parallel_loop3A_450 = tpu.vector_load %arg6[%parallel_loop3A_448, %parallel_loop3A_449] {strides = array<i32>} : memref<48x512xi32, #tpu.memory_space<vmem>>, vector<16xi32>,
      %parallel_loop3A_451 = tpu.vector_load_idx %arg5[%parallel_loop3A_450] : memref<256xf32, #tpu.memory_space<vmem>>[vector<16xi32>], vector<16xf32>,
      %parallel_loop3A_452 = arith.index_cast %parallel_loop3A_258 : i32 to index
      %parallel_loop3A_453 = arith.constant 432 : index
      %parallel_loop3A_454 = tpu.vector_load %arg8[%parallel_loop3A_452, %parallel_loop3A_453] {strides = array<i32>} : memref<48x512xf32, #tpu.memory_space<vmem>>, vector<16xf32>,
      tpu.vector_store %arg8[%parallel_loop3A_452, %parallel_loop3A_453], %parallel_loop3A_451 {strides = array<i32>} : memref<48x512xf32, #tpu.memory_space<vmem>>, vector<16xf32>,
      %parallel_loop3A_455 = arith.index_cast %parallel_loop3A_258 : i32 to index
      %parallel_loop3A_456 = arith.constant 448 : index
      %parallel_loop3A_457 = tpu.vector_load %arg6[%parallel_loop3A_455, %parallel_loop3A_456] {strides = array<i32>} : memref<48x512xi32, #tpu.memory_space<vmem>>, vector<16xi32>,
      %parallel_loop3A_458 = tpu.vector_load_idx %arg5[%parallel_loop3A_457] : memref<256xf32, #tpu.memory_space<vmem>>[vector<16xi32>], vector<16xf32>,
      %parallel_loop3A_459 = arith.index_cast %parallel_loop3A_258 : i32 to index
      %parallel_loop3A_460 = arith.constant 448 : index
      %parallel_loop3A_461 = tpu.vector_load %arg8[%parallel_loop3A_459, %parallel_loop3A_460] {strides = array<i32>} : memref<48x512xf32, #tpu.memory_space<vmem>>, vector<16xf32>,
      tpu.vector_store %arg8[%parallel_loop3A_459, %parallel_loop3A_460], %parallel_loop3A_458 {strides = array<i32>} : memref<48x512xf32, #tpu.memory_space<vmem>>, vector<16xf32>,
      %parallel_loop3A_462 = arith.index_cast %parallel_loop3A_258 : i32 to index
      %parallel_loop3A_463 = arith.constant 464 : index
      %parallel_loop3A_464 = tpu.vector_load %arg6[%parallel_loop3A_462, %parallel_loop3A_463] {strides = array<i32>} : memref<48x512xi32, #tpu.memory_space<vmem>>, vector<16xi32>,
      %parallel_loop3A_465 = tpu.vector_load_idx %arg5[%parallel_loop3A_464] : memref<256xf32, #tpu.memory_space<vmem>>[vector<16xi32>], vector<16xf32>,
      %parallel_loop3A_466 = arith.index_cast %parallel_loop3A_258 : i32 to index
      %parallel_loop3A_467 = arith.constant 464 : index
      %parallel_loop3A_468 = tpu.vector_load %arg8[%parallel_loop3A_466, %parallel_loop3A_467] {strides = array<i32>} : memref<48x512xf32, #tpu.memory_space<vmem>>, vector<16xf32>,
      tpu.vector_store %arg8[%parallel_loop3A_466, %parallel_loop3A_467], %parallel_loop3A_465 {strides = array<i32>} : memref<48x512xf32, #tpu.memory_space<vmem>>, vector<16xf32>,
      %parallel_loop3A_469 = arith.index_cast %parallel_loop3A_258 : i32 to index
      %parallel_loop3A_470 = arith.constant 480 : index
      %parallel_loop3A_471 = tpu.vector_load %arg6[%parallel_loop3A_469, %parallel_loop3A_470] {strides = array<i32>} : memref<48x512xi32, #tpu.memory_space<vmem>>, vector<16xi32>,
      %parallel_loop3A_472 = tpu.vector_load_idx %arg5[%parallel_loop3A_471] : memref<256xf32, #tpu.memory_space<vmem>>[vector<16xi32>], vector<16xf32>,
      %parallel_loop3A_473 = arith.index_cast %parallel_loop3A_258 : i32 to index
      %parallel_loop3A_474 = arith.constant 480 : index
      %parallel_loop3A_475 = tpu.vector_load %arg8[%parallel_loop3A_473, %parallel_loop3A_474] {strides = array<i32>} : memref<48x512xf32, #tpu.memory_space<vmem>>, vector<16xf32>,
      tpu.vector_store %arg8[%parallel_loop3A_473, %parallel_loop3A_474], %parallel_loop3A_472 {strides = array<i32>} : memref<48x512xf32, #tpu.memory_space<vmem>>, vector<16xf32>,
      %parallel_loop3A_476 = arith.index_cast %parallel_loop3A_258 : i32 to index
      %parallel_loop3A_477 = arith.constant 496 : index
      %parallel_loop3A_478 = tpu.vector_load %arg6[%parallel_loop3A_476, %parallel_loop3A_477] {strides = array<i32>} : memref<48x512xi32, #tpu.memory_space<vmem>>, vector<16xi32>,
      %parallel_loop3A_479 = tpu.vector_load_idx %arg5[%parallel_loop3A_478] : memref<256xf32, #tpu.memory_space<vmem>>[vector<16xi32>], vector<16xf32>,
      %parallel_loop3A_480 = arith.index_cast %parallel_loop3A_258 : i32 to index
      %parallel_loop3A_481 = arith.constant 496 : index
      %parallel_loop3A_482 = tpu.vector_load %arg8[%parallel_loop3A_480, %parallel_loop3A_481] {strides = array<i32>} : memref<48x512xf32, #tpu.memory_space<vmem>>, vector<16xf32>,
      tpu.vector_store %arg8[%parallel_loop3A_480, %parallel_loop3A_481], %parallel_loop3A_479 {strides = array<i32>} : memref<48x512xf32, #tpu.memory_space<vmem>>, vector<16xf32>,
    } {sc.loop_unroll_factor = 1 : i64, sc.parallel_access}
    %dma_start3A_109 = arith.constant 0 : i32
    %dma_start3A_110 = arith.constant 0 : i32
    %dma_start3A_111 = tpu.memref_slice %arg8[%dma_start3A_109, %dma_start3A_110] : memref<48x512xf32, #tpu.memory_space<vmem>> -> memref<48x512xf32, #tpu.memory_space<vmem>>
    %dma_start3A_112 = arith.constant 48 : i32
    %dma_start3A_113 = tpu.memref_slice %arg4[%dma_start3A_112, %mul3A_2] : memref<200x16384xf32, #tpu.memory_space<hbm>> -> memref<48x512xf32, #tpu.memory_space<hbm>>
    %dma_start3A_114 = arith.constant 48 : i32
    %dma_start3A_115 = tpu.memref_slice %arg4[%dma_start3A_114, %mul3A_2] : memref<200x16384xf32, #tpu.memory_space<hbm>> -> memref<48x512xf32, #tpu.memory_space<hbm>>
    %dma_start3A_116 = arith.constant 0 : i32
    %dma_start3A_117 = arith.constant 0 : i32
    %dma_start3A_118 = tpu.memref_slice %arg8[%dma_start3A_116, %dma_start3A_117] : memref<48x512xf32, #tpu.memory_space<vmem>> -> memref<48x512xf32, #tpu.memory_space<vmem>>
    tpu.enqueue_dma source(%dma_start3A_118 : memref<48x512xf32, #tpu.memory_space<vmem>>) target(%dma_start3A_115 : memref<48x512xf32, #tpu.memory_space<hbm>>) target_semaphore(%arg13 : memref<!tpu.dma_semaphore, #tpu.memory_space<semaphore_mem>>)
    %dma_start3A_119 = arith.constant 0 : i32
    %dma_start3A_120 = arith.constant 0 : i32
    %dma_start3A_121 = tpu.memref_slice %arg6[%dma_start3A_119, %dma_start3A_120] : memref<48x512xi32, #tpu.memory_space<vmem>> -> memref<40x512xi32, #tpu.memory_space<vmem>>
    %dma_start3A_122 = arith.constant 144 : i32
    %dma_start3A_123 = tpu.memref_slice %arg2[%dma_start3A_122, %mul3A_2] : memref<200x16384xi32, #tpu.memory_space<hbm>> -> memref<40x512xi32, #tpu.memory_space<hbm>>
    %dma_start3A_124 = arith.constant 0 : i32
    %dma_start3A_125 = arith.constant 0 : i32
    %dma_start3A_126 = tpu.memref_slice %arg6[%dma_start3A_124, %dma_start3A_125] : memref<48x512xi32, #tpu.memory_space<vmem>> -> memref<40x512xi32, #tpu.memory_space<vmem>>
    %dma_start3A_127 = arith.constant 144 : i32
    %dma_start3A_128 = tpu.memref_slice %arg2[%dma_start3A_127, %mul3A_2] : memref<200x16384xi32, #tpu.memory_space<hbm>> -> memref<40x512xi32, #tpu.memory_space<hbm>>
    tpu.enqueue_dma source(%dma_start3A_128 : memref<40x512xi32, #tpu.memory_space<hbm>>) target(%dma_start3A_126 : memref<40x512xi32, #tpu.memory_space<vmem>>) target_semaphore(%arg11 : memref<!tpu.dma_semaphore, #tpu.memory_space<semaphore_mem>>)
    %dma_wait3A_129 = arith.constant 0 : i32
    %dma_wait3A_130 = arith.constant 0 : i32
    %dma_wait3A_131 = tpu.memref_slice %arg7[%dma_wait3A_129, %dma_wait3A_130] : memref<48x512xi32, #tpu.memory_space<vmem>> -> memref<48x512xi32, #tpu.memory_space<vmem>>
    %dma_wait3A_132 = arith.constant 96 : i32
    %dma_wait3A_133 = tpu.memref_slice %arg2[%dma_wait3A_132, %mul3A_2] : memref<200x16384xi32, #tpu.memory_space<hbm>> -> memref<48x512xi32, #tpu.memory_space<hbm>>
    %dma_wait3A_134 = arith.constant 0 : i32
    %dma_wait3A_135 = arith.constant 0 : i32
    %dma_wait3A_136 = tpu.memref_slice %arg7[%dma_wait3A_134, %dma_wait3A_135] : memref<48x512xi32, #tpu.memory_space<vmem>> -> memref<48x512xi32, #tpu.memory_space<vmem>>
    %dma_wait3A_137 = arith.constant 96 : i32
    %dma_wait3A_138 = tpu.memref_slice %arg2[%dma_wait3A_137, %mul3A_2] : memref<200x16384xi32, #tpu.memory_space<hbm>> -> memref<48x512xi32, #tpu.memory_space<hbm>>
    tpu.wait_dma2 semaphore(%arg12 : memref<!tpu.dma_semaphore, #tpu.memory_space<semaphore_mem>>) src(%dma_wait3A_138 : memref<48x512xi32, #tpu.memory_space<hbm>>) dst(%dma_wait3A_136 : memref<48x512xi32, #tpu.memory_space<vmem>>)
    %dma_wait3A_139 = arith.constant 0 : i32
    %dma_wait3A_140 = arith.constant 0 : i32
    %dma_wait3A_141 = tpu.memref_slice %arg9[%dma_wait3A_139, %dma_wait3A_140] : memref<48x512xf32, #tpu.memory_space<vmem>> -> memref<40x512xf32, #tpu.memory_space<vmem>>
    %dma_wait3A_142 = arith.constant 8 : i32
    %dma_wait3A_143 = tpu.memref_slice %arg4[%dma_wait3A_142, %mul3A_2] : memref<200x16384xf32, #tpu.memory_space<hbm>> -> memref<40x512xf32, #tpu.memory_space<hbm>>
    %dma_wait3A_144 = arith.constant 8 : i32
    %dma_wait3A_145 = tpu.memref_slice %arg4[%dma_wait3A_144, %mul3A_2] : memref<200x16384xf32, #tpu.memory_space<hbm>> -> memref<40x512xf32, #tpu.memory_space<hbm>>
    %dma_wait3A_146 = arith.constant 0 : i32
    %dma_wait3A_147 = arith.constant 0 : i32
    %dma_wait3A_148 = tpu.memref_slice %arg9[%dma_wait3A_146, %dma_wait3A_147] : memref<48x512xf32, #tpu.memory_space<vmem>> -> memref<40x512xf32, #tpu.memory_space<vmem>>
    tpu.wait_dma2 semaphore(%arg14 : memref<!tpu.dma_semaphore, #tpu.memory_space<semaphore_mem>>) src(%dma_wait3A_148 : memref<40x512xf32, #tpu.memory_space<vmem>>) dst(%dma_wait3A_145 : memref<40x512xf32, #tpu.memory_space<hbm>>)
    %parallel_loop3A_149 = arith.constant 0 : i32
    %parallel_loop3A_150 = arith.constant 48 : i32
    %parallel_loop3A_151 = arith.constant 1 : i32
    scf.for %parallel_loop3A_258 = %parallel_loop3A_149 to %parallel_loop3A_150 step %parallel_loop3A_151  : i32 {
      %parallel_loop3A_259 = arith.index_cast %parallel_loop3A_258 : i32 to index
      %parallel_loop3A_260 = arith.constant 0 : index
      %parallel_loop3A_261 = tpu.vector_load %arg7[%parallel_loop3A_259, %parallel_loop3A_260] {strides = array<i32>} : memref<48x512xi32, #tpu.memory_space<vmem>>, vector<16xi32>,
      %parallel_loop3A_262 = tpu.vector_load_idx %arg5[%parallel_loop3A_261] : memref<256xf32, #tpu.memory_space<vmem>>[vector<16xi32>], vector<16xf32>,
      %parallel_loop3A_263 = arith.index_cast %parallel_loop3A_258 : i32 to index
      %parallel_loop3A_264 = arith.constant 0 : index
      %parallel_loop3A_265 = tpu.vector_load %arg9[%parallel_loop3A_263, %parallel_loop3A_264] {strides = array<i32>} : memref<48x512xf32, #tpu.memory_space<vmem>>, vector<16xf32>,
      tpu.vector_store %arg9[%parallel_loop3A_263, %parallel_loop3A_264], %parallel_loop3A_262 {strides = array<i32>} : memref<48x512xf32, #tpu.memory_space<vmem>>, vector<16xf32>,
      %parallel_loop3A_266 = arith.index_cast %parallel_loop3A_258 : i32 to index
      %parallel_loop3A_267 = arith.constant 16 : index
      %parallel_loop3A_268 = tpu.vector_load %arg7[%parallel_loop3A_266, %parallel_loop3A_267] {strides = array<i32>} : memref<48x512xi32, #tpu.memory_space<vmem>>, vector<16xi32>,
      %parallel_loop3A_269 = tpu.vector_load_idx %arg5[%parallel_loop3A_268] : memref<256xf32, #tpu.memory_space<vmem>>[vector<16xi32>], vector<16xf32>,
      %parallel_loop3A_270 = arith.index_cast %parallel_loop3A_258 : i32 to index
      %parallel_loop3A_271 = arith.constant 16 : index
      %parallel_loop3A_272 = tpu.vector_load %arg9[%parallel_loop3A_270, %parallel_loop3A_271] {strides = array<i32>} : memref<48x512xf32, #tpu.memory_space<vmem>>, vector<16xf32>,
      tpu.vector_store %arg9[%parallel_loop3A_270, %parallel_loop3A_271], %parallel_loop3A_269 {strides = array<i32>} : memref<48x512xf32, #tpu.memory_space<vmem>>, vector<16xf32>,
      %parallel_loop3A_273 = arith.index_cast %parallel_loop3A_258 : i32 to index
      %parallel_loop3A_274 = arith.constant 32 : index
      %parallel_loop3A_275 = tpu.vector_load %arg7[%parallel_loop3A_273, %parallel_loop3A_274] {strides = array<i32>} : memref<48x512xi32, #tpu.memory_space<vmem>>, vector<16xi32>,
      %parallel_loop3A_276 = tpu.vector_load_idx %arg5[%parallel_loop3A_275] : memref<256xf32, #tpu.memory_space<vmem>>[vector<16xi32>], vector<16xf32>,
      %parallel_loop3A_277 = arith.index_cast %parallel_loop3A_258 : i32 to index
      %parallel_loop3A_278 = arith.constant 32 : index
      %parallel_loop3A_279 = tpu.vector_load %arg9[%parallel_loop3A_277, %parallel_loop3A_278] {strides = array<i32>} : memref<48x512xf32, #tpu.memory_space<vmem>>, vector<16xf32>,
      tpu.vector_store %arg9[%parallel_loop3A_277, %parallel_loop3A_278], %parallel_loop3A_276 {strides = array<i32>} : memref<48x512xf32, #tpu.memory_space<vmem>>, vector<16xf32>,
      %parallel_loop3A_280 = arith.index_cast %parallel_loop3A_258 : i32 to index
      %parallel_loop3A_281 = arith.constant 48 : index
      %parallel_loop3A_282 = tpu.vector_load %arg7[%parallel_loop3A_280, %parallel_loop3A_281] {strides = array<i32>} : memref<48x512xi32, #tpu.memory_space<vmem>>, vector<16xi32>,
      %parallel_loop3A_283 = tpu.vector_load_idx %arg5[%parallel_loop3A_282] : memref<256xf32, #tpu.memory_space<vmem>>[vector<16xi32>], vector<16xf32>,
      %parallel_loop3A_284 = arith.index_cast %parallel_loop3A_258 : i32 to index
      %parallel_loop3A_285 = arith.constant 48 : index
      %parallel_loop3A_286 = tpu.vector_load %arg9[%parallel_loop3A_284, %parallel_loop3A_285] {strides = array<i32>} : memref<48x512xf32, #tpu.memory_space<vmem>>, vector<16xf32>,
      tpu.vector_store %arg9[%parallel_loop3A_284, %parallel_loop3A_285], %parallel_loop3A_283 {strides = array<i32>} : memref<48x512xf32, #tpu.memory_space<vmem>>, vector<16xf32>,
      %parallel_loop3A_287 = arith.index_cast %parallel_loop3A_258 : i32 to index
      %parallel_loop3A_288 = arith.constant 64 : index
      %parallel_loop3A_289 = tpu.vector_load %arg7[%parallel_loop3A_287, %parallel_loop3A_288] {strides = array<i32>} : memref<48x512xi32, #tpu.memory_space<vmem>>, vector<16xi32>,
      %parallel_loop3A_290 = tpu.vector_load_idx %arg5[%parallel_loop3A_289] : memref<256xf32, #tpu.memory_space<vmem>>[vector<16xi32>], vector<16xf32>,
      %parallel_loop3A_291 = arith.index_cast %parallel_loop3A_258 : i32 to index
      %parallel_loop3A_292 = arith.constant 64 : index
      %parallel_loop3A_293 = tpu.vector_load %arg9[%parallel_loop3A_291, %parallel_loop3A_292] {strides = array<i32>} : memref<48x512xf32, #tpu.memory_space<vmem>>, vector<16xf32>,
      tpu.vector_store %arg9[%parallel_loop3A_291, %parallel_loop3A_292], %parallel_loop3A_290 {strides = array<i32>} : memref<48x512xf32, #tpu.memory_space<vmem>>, vector<16xf32>,
      %parallel_loop3A_294 = arith.index_cast %parallel_loop3A_258 : i32 to index
      %parallel_loop3A_295 = arith.constant 80 : index
      %parallel_loop3A_296 = tpu.vector_load %arg7[%parallel_loop3A_294, %parallel_loop3A_295] {strides = array<i32>} : memref<48x512xi32, #tpu.memory_space<vmem>>, vector<16xi32>,
      %parallel_loop3A_297 = tpu.vector_load_idx %arg5[%parallel_loop3A_296] : memref<256xf32, #tpu.memory_space<vmem>>[vector<16xi32>], vector<16xf32>,
      %parallel_loop3A_298 = arith.index_cast %parallel_loop3A_258 : i32 to index
      %parallel_loop3A_299 = arith.constant 80 : index
      %parallel_loop3A_300 = tpu.vector_load %arg9[%parallel_loop3A_298, %parallel_loop3A_299] {strides = array<i32>} : memref<48x512xf32, #tpu.memory_space<vmem>>, vector<16xf32>,
      tpu.vector_store %arg9[%parallel_loop3A_298, %parallel_loop3A_299], %parallel_loop3A_297 {strides = array<i32>} : memref<48x512xf32, #tpu.memory_space<vmem>>, vector<16xf32>,
      %parallel_loop3A_301 = arith.index_cast %parallel_loop3A_258 : i32 to index
      %parallel_loop3A_302 = arith.constant 96 : index
      %parallel_loop3A_303 = tpu.vector_load %arg7[%parallel_loop3A_301, %parallel_loop3A_302] {strides = array<i32>} : memref<48x512xi32, #tpu.memory_space<vmem>>, vector<16xi32>,
      %parallel_loop3A_304 = tpu.vector_load_idx %arg5[%parallel_loop3A_303] : memref<256xf32, #tpu.memory_space<vmem>>[vector<16xi32>], vector<16xf32>,
      %parallel_loop3A_305 = arith.index_cast %parallel_loop3A_258 : i32 to index
      %parallel_loop3A_306 = arith.constant 96 : index
      %parallel_loop3A_307 = tpu.vector_load %arg9[%parallel_loop3A_305, %parallel_loop3A_306] {strides = array<i32>} : memref<48x512xf32, #tpu.memory_space<vmem>>, vector<16xf32>,
      tpu.vector_store %arg9[%parallel_loop3A_305, %parallel_loop3A_306], %parallel_loop3A_304 {strides = array<i32>} : memref<48x512xf32, #tpu.memory_space<vmem>>, vector<16xf32>,
      %parallel_loop3A_308 = arith.index_cast %parallel_loop3A_258 : i32 to index
      %parallel_loop3A_309 = arith.constant 112 : index
      %parallel_loop3A_310 = tpu.vector_load %arg7[%parallel_loop3A_308, %parallel_loop3A_309] {strides = array<i32>} : memref<48x512xi32, #tpu.memory_space<vmem>>, vector<16xi32>,
      %parallel_loop3A_311 = tpu.vector_load_idx %arg5[%parallel_loop3A_310] : memref<256xf32, #tpu.memory_space<vmem>>[vector<16xi32>], vector<16xf32>,
      %parallel_loop3A_312 = arith.index_cast %parallel_loop3A_258 : i32 to index
      %parallel_loop3A_313 = arith.constant 112 : index
      %parallel_loop3A_314 = tpu.vector_load %arg9[%parallel_loop3A_312, %parallel_loop3A_313] {strides = array<i32>} : memref<48x512xf32, #tpu.memory_space<vmem>>, vector<16xf32>,
      tpu.vector_store %arg9[%parallel_loop3A_312, %parallel_loop3A_313], %parallel_loop3A_311 {strides = array<i32>} : memref<48x512xf32, #tpu.memory_space<vmem>>, vector<16xf32>,
      %parallel_loop3A_315 = arith.index_cast %parallel_loop3A_258 : i32 to index
      %parallel_loop3A_316 = arith.constant 128 : index
      %parallel_loop3A_317 = tpu.vector_load %arg7[%parallel_loop3A_315, %parallel_loop3A_316] {strides = array<i32>} : memref<48x512xi32, #tpu.memory_space<vmem>>, vector<16xi32>,
      %parallel_loop3A_318 = tpu.vector_load_idx %arg5[%parallel_loop3A_317] : memref<256xf32, #tpu.memory_space<vmem>>[vector<16xi32>], vector<16xf32>,
      %parallel_loop3A_319 = arith.index_cast %parallel_loop3A_258 : i32 to index
      %parallel_loop3A_320 = arith.constant 128 : index
      %parallel_loop3A_321 = tpu.vector_load %arg9[%parallel_loop3A_319, %parallel_loop3A_320] {strides = array<i32>} : memref<48x512xf32, #tpu.memory_space<vmem>>, vector<16xf32>,
      tpu.vector_store %arg9[%parallel_loop3A_319, %parallel_loop3A_320], %parallel_loop3A_318 {strides = array<i32>} : memref<48x512xf32, #tpu.memory_space<vmem>>, vector<16xf32>,
      %parallel_loop3A_322 = arith.index_cast %parallel_loop3A_258 : i32 to index
      %parallel_loop3A_323 = arith.constant 144 : index
      %parallel_loop3A_324 = tpu.vector_load %arg7[%parallel_loop3A_322, %parallel_loop3A_323] {strides = array<i32>} : memref<48x512xi32, #tpu.memory_space<vmem>>, vector<16xi32>,
      %parallel_loop3A_325 = tpu.vector_load_idx %arg5[%parallel_loop3A_324] : memref<256xf32, #tpu.memory_space<vmem>>[vector<16xi32>], vector<16xf32>,
      %parallel_loop3A_326 = arith.index_cast %parallel_loop3A_258 : i32 to index
      %parallel_loop3A_327 = arith.constant 144 : index
      %parallel_loop3A_328 = tpu.vector_load %arg9[%parallel_loop3A_326, %parallel_loop3A_327] {strides = array<i32>} : memref<48x512xf32, #tpu.memory_space<vmem>>, vector<16xf32>,
      tpu.vector_store %arg9[%parallel_loop3A_326, %parallel_loop3A_327], %parallel_loop3A_325 {strides = array<i32>} : memref<48x512xf32, #tpu.memory_space<vmem>>, vector<16xf32>,
      %parallel_loop3A_329 = arith.index_cast %parallel_loop3A_258 : i32 to index
      %parallel_loop3A_330 = arith.constant 160 : index
      %parallel_loop3A_331 = tpu.vector_load %arg7[%parallel_loop3A_329, %parallel_loop3A_330] {strides = array<i32>} : memref<48x512xi32, #tpu.memory_space<vmem>>, vector<16xi32>,
      %parallel_loop3A_332 = tpu.vector_load_idx %arg5[%parallel_loop3A_331] : memref<256xf32, #tpu.memory_space<vmem>>[vector<16xi32>], vector<16xf32>,
      %parallel_loop3A_333 = arith.index_cast %parallel_loop3A_258 : i32 to index
      %parallel_loop3A_334 = arith.constant 160 : index
      %parallel_loop3A_335 = tpu.vector_load %arg9[%parallel_loop3A_333, %parallel_loop3A_334] {strides = array<i32>} : memref<48x512xf32, #tpu.memory_space<vmem>>, vector<16xf32>,
      tpu.vector_store %arg9[%parallel_loop3A_333, %parallel_loop3A_334], %parallel_loop3A_332 {strides = array<i32>} : memref<48x512xf32, #tpu.memory_space<vmem>>, vector<16xf32>,
      %parallel_loop3A_336 = arith.index_cast %parallel_loop3A_258 : i32 to index
      %parallel_loop3A_337 = arith.constant 176 : index
      %parallel_loop3A_338 = tpu.vector_load %arg7[%parallel_loop3A_336, %parallel_loop3A_337] {strides = array<i32>} : memref<48x512xi32, #tpu.memory_space<vmem>>, vector<16xi32>,
      %parallel_loop3A_339 = tpu.vector_load_idx %arg5[%parallel_loop3A_338] : memref<256xf32, #tpu.memory_space<vmem>>[vector<16xi32>], vector<16xf32>,
      %parallel_loop3A_340 = arith.index_cast %parallel_loop3A_258 : i32 to index
      %parallel_loop3A_341 = arith.constant 176 : index
      %parallel_loop3A_342 = tpu.vector_load %arg9[%parallel_loop3A_340, %parallel_loop3A_341] {strides = array<i32>} : memref<48x512xf32, #tpu.memory_space<vmem>>, vector<16xf32>,
      tpu.vector_store %arg9[%parallel_loop3A_340, %parallel_loop3A_341], %parallel_loop3A_339 {strides = array<i32>} : memref<48x512xf32, #tpu.memory_space<vmem>>, vector<16xf32>,
      %parallel_loop3A_343 = arith.index_cast %parallel_loop3A_258 : i32 to index
      %parallel_loop3A_344 = arith.constant 192 : index
      %parallel_loop3A_345 = tpu.vector_load %arg7[%parallel_loop3A_343, %parallel_loop3A_344] {strides = array<i32>} : memref<48x512xi32, #tpu.memory_space<vmem>>, vector<16xi32>,
      %parallel_loop3A_346 = tpu.vector_load_idx %arg5[%parallel_loop3A_345] : memref<256xf32, #tpu.memory_space<vmem>>[vector<16xi32>], vector<16xf32>,
      %parallel_loop3A_347 = arith.index_cast %parallel_loop3A_258 : i32 to index
      %parallel_loop3A_348 = arith.constant 192 : index
      %parallel_loop3A_349 = tpu.vector_load %arg9[%parallel_loop3A_347, %parallel_loop3A_348] {strides = array<i32>} : memref<48x512xf32, #tpu.memory_space<vmem>>, vector<16xf32>,
      tpu.vector_store %arg9[%parallel_loop3A_347, %parallel_loop3A_348], %parallel_loop3A_346 {strides = array<i32>} : memref<48x512xf32, #tpu.memory_space<vmem>>, vector<16xf32>,
      %parallel_loop3A_350 = arith.index_cast %parallel_loop3A_258 : i32 to index
      %parallel_loop3A_351 = arith.constant 208 : index
      %parallel_loop3A_352 = tpu.vector_load %arg7[%parallel_loop3A_350, %parallel_loop3A_351] {strides = array<i32>} : memref<48x512xi32, #tpu.memory_space<vmem>>, vector<16xi32>,
      %parallel_loop3A_353 = tpu.vector_load_idx %arg5[%parallel_loop3A_352] : memref<256xf32, #tpu.memory_space<vmem>>[vector<16xi32>], vector<16xf32>,
      %parallel_loop3A_354 = arith.index_cast %parallel_loop3A_258 : i32 to index
      %parallel_loop3A_355 = arith.constant 208 : index
      %parallel_loop3A_356 = tpu.vector_load %arg9[%parallel_loop3A_354, %parallel_loop3A_355] {strides = array<i32>} : memref<48x512xf32, #tpu.memory_space<vmem>>, vector<16xf32>,
      tpu.vector_store %arg9[%parallel_loop3A_354, %parallel_loop3A_355], %parallel_loop3A_353 {strides = array<i32>} : memref<48x512xf32, #tpu.memory_space<vmem>>, vector<16xf32>,
      %parallel_loop3A_357 = arith.index_cast %parallel_loop3A_258 : i32 to index
      %parallel_loop3A_358 = arith.constant 224 : index
      %parallel_loop3A_359 = tpu.vector_load %arg7[%parallel_loop3A_357, %parallel_loop3A_358] {strides = array<i32>} : memref<48x512xi32, #tpu.memory_space<vmem>>, vector<16xi32>,
      %parallel_loop3A_360 = tpu.vector_load_idx %arg5[%parallel_loop3A_359] : memref<256xf32, #tpu.memory_space<vmem>>[vector<16xi32>], vector<16xf32>,
      %parallel_loop3A_361 = arith.index_cast %parallel_loop3A_258 : i32 to index
      %parallel_loop3A_362 = arith.constant 224 : index
      %parallel_loop3A_363 = tpu.vector_load %arg9[%parallel_loop3A_361, %parallel_loop3A_362] {strides = array<i32>} : memref<48x512xf32, #tpu.memory_space<vmem>>, vector<16xf32>,
      tpu.vector_store %arg9[%parallel_loop3A_361, %parallel_loop3A_362], %parallel_loop3A_360 {strides = array<i32>} : memref<48x512xf32, #tpu.memory_space<vmem>>, vector<16xf32>,
      %parallel_loop3A_364 = arith.index_cast %parallel_loop3A_258 : i32 to index
      %parallel_loop3A_365 = arith.constant 240 : index
      %parallel_loop3A_366 = tpu.vector_load %arg7[%parallel_loop3A_364, %parallel_loop3A_365] {strides = array<i32>} : memref<48x512xi32, #tpu.memory_space<vmem>>, vector<16xi32>,
      %parallel_loop3A_367 = tpu.vector_load_idx %arg5[%parallel_loop3A_366] : memref<256xf32, #tpu.memory_space<vmem>>[vector<16xi32>], vector<16xf32>,
      %parallel_loop3A_368 = arith.index_cast %parallel_loop3A_258 : i32 to index
      %parallel_loop3A_369 = arith.constant 240 : index
      %parallel_loop3A_370 = tpu.vector_load %arg9[%parallel_loop3A_368, %parallel_loop3A_369] {strides = array<i32>} : memref<48x512xf32, #tpu.memory_space<vmem>>, vector<16xf32>,
      tpu.vector_store %arg9[%parallel_loop3A_368, %parallel_loop3A_369], %parallel_loop3A_367 {strides = array<i32>} : memref<48x512xf32, #tpu.memory_space<vmem>>, vector<16xf32>,
      %parallel_loop3A_371 = arith.index_cast %parallel_loop3A_258 : i32 to index
      %parallel_loop3A_372 = arith.constant 256 : index
      %parallel_loop3A_373 = tpu.vector_load %arg7[%parallel_loop3A_371, %parallel_loop3A_372] {strides = array<i32>} : memref<48x512xi32, #tpu.memory_space<vmem>>, vector<16xi32>,
      %parallel_loop3A_374 = tpu.vector_load_idx %arg5[%parallel_loop3A_373] : memref<256xf32, #tpu.memory_space<vmem>>[vector<16xi32>], vector<16xf32>,
      %parallel_loop3A_375 = arith.index_cast %parallel_loop3A_258 : i32 to index
      %parallel_loop3A_376 = arith.constant 256 : index
      %parallel_loop3A_377 = tpu.vector_load %arg9[%parallel_loop3A_375, %parallel_loop3A_376] {strides = array<i32>} : memref<48x512xf32, #tpu.memory_space<vmem>>, vector<16xf32>,
      tpu.vector_store %arg9[%parallel_loop3A_375, %parallel_loop3A_376], %parallel_loop3A_374 {strides = array<i32>} : memref<48x512xf32, #tpu.memory_space<vmem>>, vector<16xf32>,
      %parallel_loop3A_378 = arith.index_cast %parallel_loop3A_258 : i32 to index
      %parallel_loop3A_379 = arith.constant 272 : index
      %parallel_loop3A_380 = tpu.vector_load %arg7[%parallel_loop3A_378, %parallel_loop3A_379] {strides = array<i32>} : memref<48x512xi32, #tpu.memory_space<vmem>>, vector<16xi32>,
      %parallel_loop3A_381 = tpu.vector_load_idx %arg5[%parallel_loop3A_380] : memref<256xf32, #tpu.memory_space<vmem>>[vector<16xi32>], vector<16xf32>,
      %parallel_loop3A_382 = arith.index_cast %parallel_loop3A_258 : i32 to index
      %parallel_loop3A_383 = arith.constant 272 : index
      %parallel_loop3A_384 = tpu.vector_load %arg9[%parallel_loop3A_382, %parallel_loop3A_383] {strides = array<i32>} : memref<48x512xf32, #tpu.memory_space<vmem>>, vector<16xf32>,
      tpu.vector_store %arg9[%parallel_loop3A_382, %parallel_loop3A_383], %parallel_loop3A_381 {strides = array<i32>} : memref<48x512xf32, #tpu.memory_space<vmem>>, vector<16xf32>,
      %parallel_loop3A_385 = arith.index_cast %parallel_loop3A_258 : i32 to index
      %parallel_loop3A_386 = arith.constant 288 : index
      %parallel_loop3A_387 = tpu.vector_load %arg7[%parallel_loop3A_385, %parallel_loop3A_386] {strides = array<i32>} : memref<48x512xi32, #tpu.memory_space<vmem>>, vector<16xi32>,
      %parallel_loop3A_388 = tpu.vector_load_idx %arg5[%parallel_loop3A_387] : memref<256xf32, #tpu.memory_space<vmem>>[vector<16xi32>], vector<16xf32>,
      %parallel_loop3A_389 = arith.index_cast %parallel_loop3A_258 : i32 to index
      %parallel_loop3A_390 = arith.constant 288 : index
      %parallel_loop3A_391 = tpu.vector_load %arg9[%parallel_loop3A_389, %parallel_loop3A_390] {strides = array<i32>} : memref<48x512xf32, #tpu.memory_space<vmem>>, vector<16xf32>,
      tpu.vector_store %arg9[%parallel_loop3A_389, %parallel_loop3A_390], %parallel_loop3A_388 {strides = array<i32>} : memref<48x512xf32, #tpu.memory_space<vmem>>, vector<16xf32>,
      %parallel_loop3A_392 = arith.index_cast %parallel_loop3A_258 : i32 to index
      %parallel_loop3A_393 = arith.constant 304 : index
      %parallel_loop3A_394 = tpu.vector_load %arg7[%parallel_loop3A_392, %parallel_loop3A_393] {strides = array<i32>} : memref<48x512xi32, #tpu.memory_space<vmem>>, vector<16xi32>,
      %parallel_loop3A_395 = tpu.vector_load_idx %arg5[%parallel_loop3A_394] : memref<256xf32, #tpu.memory_space<vmem>>[vector<16xi32>], vector<16xf32>,
      %parallel_loop3A_396 = arith.index_cast %parallel_loop3A_258 : i32 to index
      %parallel_loop3A_397 = arith.constant 304 : index
      %parallel_loop3A_398 = tpu.vector_load %arg9[%parallel_loop3A_396, %parallel_loop3A_397] {strides = array<i32>} : memref<48x512xf32, #tpu.memory_space<vmem>>, vector<16xf32>,
      tpu.vector_store %arg9[%parallel_loop3A_396, %parallel_loop3A_397], %parallel_loop3A_395 {strides = array<i32>} : memref<48x512xf32, #tpu.memory_space<vmem>>, vector<16xf32>,
      %parallel_loop3A_399 = arith.index_cast %parallel_loop3A_258 : i32 to index
      %parallel_loop3A_400 = arith.constant 320 : index
      %parallel_loop3A_401 = tpu.vector_load %arg7[%parallel_loop3A_399, %parallel_loop3A_400] {strides = array<i32>} : memref<48x512xi32, #tpu.memory_space<vmem>>, vector<16xi32>,
      %parallel_loop3A_402 = tpu.vector_load_idx %arg5[%parallel_loop3A_401] : memref<256xf32, #tpu.memory_space<vmem>>[vector<16xi32>], vector<16xf32>,
      %parallel_loop3A_403 = arith.index_cast %parallel_loop3A_258 : i32 to index
      %parallel_loop3A_404 = arith.constant 320 : index
      %parallel_loop3A_405 = tpu.vector_load %arg9[%parallel_loop3A_403, %parallel_loop3A_404] {strides = array<i32>} : memref<48x512xf32, #tpu.memory_space<vmem>>, vector<16xf32>,
      tpu.vector_store %arg9[%parallel_loop3A_403, %parallel_loop3A_404], %parallel_loop3A_402 {strides = array<i32>} : memref<48x512xf32, #tpu.memory_space<vmem>>, vector<16xf32>,
      %parallel_loop3A_406 = arith.index_cast %parallel_loop3A_258 : i32 to index
      %parallel_loop3A_407 = arith.constant 336 : index
      %parallel_loop3A_408 = tpu.vector_load %arg7[%parallel_loop3A_406, %parallel_loop3A_407] {strides = array<i32>} : memref<48x512xi32, #tpu.memory_space<vmem>>, vector<16xi32>,
      %parallel_loop3A_409 = tpu.vector_load_idx %arg5[%parallel_loop3A_408] : memref<256xf32, #tpu.memory_space<vmem>>[vector<16xi32>], vector<16xf32>,
      %parallel_loop3A_410 = arith.index_cast %parallel_loop3A_258 : i32 to index
      %parallel_loop3A_411 = arith.constant 336 : index
      %parallel_loop3A_412 = tpu.vector_load %arg9[%parallel_loop3A_410, %parallel_loop3A_411] {strides = array<i32>} : memref<48x512xf32, #tpu.memory_space<vmem>>, vector<16xf32>,
      tpu.vector_store %arg9[%parallel_loop3A_410, %parallel_loop3A_411], %parallel_loop3A_409 {strides = array<i32>} : memref<48x512xf32, #tpu.memory_space<vmem>>, vector<16xf32>,
      %parallel_loop3A_413 = arith.index_cast %parallel_loop3A_258 : i32 to index
      %parallel_loop3A_414 = arith.constant 352 : index
      %parallel_loop3A_415 = tpu.vector_load %arg7[%parallel_loop3A_413, %parallel_loop3A_414] {strides = array<i32>} : memref<48x512xi32, #tpu.memory_space<vmem>>, vector<16xi32>,
      %parallel_loop3A_416 = tpu.vector_load_idx %arg5[%parallel_loop3A_415] : memref<256xf32, #tpu.memory_space<vmem>>[vector<16xi32>], vector<16xf32>,
      %parallel_loop3A_417 = arith.index_cast %parallel_loop3A_258 : i32 to index
      %parallel_loop3A_418 = arith.constant 352 : index
      %parallel_loop3A_419 = tpu.vector_load %arg9[%parallel_loop3A_417, %parallel_loop3A_418] {strides = array<i32>} : memref<48x512xf32, #tpu.memory_space<vmem>>, vector<16xf32>,
      tpu.vector_store %arg9[%parallel_loop3A_417, %parallel_loop3A_418], %parallel_loop3A_416 {strides = array<i32>} : memref<48x512xf32, #tpu.memory_space<vmem>>, vector<16xf32>,
      %parallel_loop3A_420 = arith.index_cast %parallel_loop3A_258 : i32 to index
      %parallel_loop3A_421 = arith.constant 368 : index
      %parallel_loop3A_422 = tpu.vector_load %arg7[%parallel_loop3A_420, %parallel_loop3A_421] {strides = array<i32>} : memref<48x512xi32, #tpu.memory_space<vmem>>, vector<16xi32>,
      %parallel_loop3A_423 = tpu.vector_load_idx %arg5[%parallel_loop3A_422] : memref<256xf32, #tpu.memory_space<vmem>>[vector<16xi32>], vector<16xf32>,
      %parallel_loop3A_424 = arith.index_cast %parallel_loop3A_258 : i32 to index
      %parallel_loop3A_425 = arith.constant 368 : index
      %parallel_loop3A_426 = tpu.vector_load %arg9[%parallel_loop3A_424, %parallel_loop3A_425] {strides = array<i32>} : memref<48x512xf32, #tpu.memory_space<vmem>>, vector<16xf32>,
      tpu.vector_store %arg9[%parallel_loop3A_424, %parallel_loop3A_425], %parallel_loop3A_423 {strides = array<i32>} : memref<48x512xf32, #tpu.memory_space<vmem>>, vector<16xf32>,
      %parallel_loop3A_427 = arith.index_cast %parallel_loop3A_258 : i32 to index
      %parallel_loop3A_428 = arith.constant 384 : index
      %parallel_loop3A_429 = tpu.vector_load %arg7[%parallel_loop3A_427, %parallel_loop3A_428] {strides = array<i32>} : memref<48x512xi32, #tpu.memory_space<vmem>>, vector<16xi32>,
      %parallel_loop3A_430 = tpu.vector_load_idx %arg5[%parallel_loop3A_429] : memref<256xf32, #tpu.memory_space<vmem>>[vector<16xi32>], vector<16xf32>,
      %parallel_loop3A_431 = arith.index_cast %parallel_loop3A_258 : i32 to index
      %parallel_loop3A_432 = arith.constant 384 : index
      %parallel_loop3A_433 = tpu.vector_load %arg9[%parallel_loop3A_431, %parallel_loop3A_432] {strides = array<i32>} : memref<48x512xf32, #tpu.memory_space<vmem>>, vector<16xf32>,
      tpu.vector_store %arg9[%parallel_loop3A_431, %parallel_loop3A_432], %parallel_loop3A_430 {strides = array<i32>} : memref<48x512xf32, #tpu.memory_space<vmem>>, vector<16xf32>,
      %parallel_loop3A_434 = arith.index_cast %parallel_loop3A_258 : i32 to index
      %parallel_loop3A_435 = arith.constant 400 : index
      %parallel_loop3A_436 = tpu.vector_load %arg7[%parallel_loop3A_434, %parallel_loop3A_435] {strides = array<i32>} : memref<48x512xi32, #tpu.memory_space<vmem>>, vector<16xi32>,
      %parallel_loop3A_437 = tpu.vector_load_idx %arg5[%parallel_loop3A_436] : memref<256xf32, #tpu.memory_space<vmem>>[vector<16xi32>], vector<16xf32>,
      %parallel_loop3A_438 = arith.index_cast %parallel_loop3A_258 : i32 to index
      %parallel_loop3A_439 = arith.constant 400 : index
      %parallel_loop3A_440 = tpu.vector_load %arg9[%parallel_loop3A_438, %parallel_loop3A_439] {strides = array<i32>} : memref<48x512xf32, #tpu.memory_space<vmem>>, vector<16xf32>,
      tpu.vector_store %arg9[%parallel_loop3A_438, %parallel_loop3A_439], %parallel_loop3A_437 {strides = array<i32>} : memref<48x512xf32, #tpu.memory_space<vmem>>, vector<16xf32>,
      %parallel_loop3A_441 = arith.index_cast %parallel_loop3A_258 : i32 to index
      %parallel_loop3A_442 = arith.constant 416 : index
      %parallel_loop3A_443 = tpu.vector_load %arg7[%parallel_loop3A_441, %parallel_loop3A_442] {strides = array<i32>} : memref<48x512xi32, #tpu.memory_space<vmem>>, vector<16xi32>,
      %parallel_loop3A_444 = tpu.vector_load_idx %arg5[%parallel_loop3A_443] : memref<256xf32, #tpu.memory_space<vmem>>[vector<16xi32>], vector<16xf32>,
      %parallel_loop3A_445 = arith.index_cast %parallel_loop3A_258 : i32 to index
      %parallel_loop3A_446 = arith.constant 416 : index
      %parallel_loop3A_447 = tpu.vector_load %arg9[%parallel_loop3A_445, %parallel_loop3A_446] {strides = array<i32>} : memref<48x512xf32, #tpu.memory_space<vmem>>, vector<16xf32>,
      tpu.vector_store %arg9[%parallel_loop3A_445, %parallel_loop3A_446], %parallel_loop3A_444 {strides = array<i32>} : memref<48x512xf32, #tpu.memory_space<vmem>>, vector<16xf32>,
      %parallel_loop3A_448 = arith.index_cast %parallel_loop3A_258 : i32 to index
      %parallel_loop3A_449 = arith.constant 432 : index
      %parallel_loop3A_450 = tpu.vector_load %arg7[%parallel_loop3A_448, %parallel_loop3A_449] {strides = array<i32>} : memref<48x512xi32, #tpu.memory_space<vmem>>, vector<16xi32>,
      %parallel_loop3A_451 = tpu.vector_load_idx %arg5[%parallel_loop3A_450] : memref<256xf32, #tpu.memory_space<vmem>>[vector<16xi32>], vector<16xf32>,
      %parallel_loop3A_452 = arith.index_cast %parallel_loop3A_258 : i32 to index
      %parallel_loop3A_453 = arith.constant 432 : index
      %parallel_loop3A_454 = tpu.vector_load %arg9[%parallel_loop3A_452, %parallel_loop3A_453] {strides = array<i32>} : memref<48x512xf32, #tpu.memory_space<vmem>>, vector<16xf32>,
      tpu.vector_store %arg9[%parallel_loop3A_452, %parallel_loop3A_453], %parallel_loop3A_451 {strides = array<i32>} : memref<48x512xf32, #tpu.memory_space<vmem>>, vector<16xf32>,
      %parallel_loop3A_455 = arith.index_cast %parallel_loop3A_258 : i32 to index
      %parallel_loop3A_456 = arith.constant 448 : index
      %parallel_loop3A_457 = tpu.vector_load %arg7[%parallel_loop3A_455, %parallel_loop3A_456] {strides = array<i32>} : memref<48x512xi32, #tpu.memory_space<vmem>>, vector<16xi32>,
      %parallel_loop3A_458 = tpu.vector_load_idx %arg5[%parallel_loop3A_457] : memref<256xf32, #tpu.memory_space<vmem>>[vector<16xi32>], vector<16xf32>,
      %parallel_loop3A_459 = arith.index_cast %parallel_loop3A_258 : i32 to index
      %parallel_loop3A_460 = arith.constant 448 : index
      %parallel_loop3A_461 = tpu.vector_load %arg9[%parallel_loop3A_459, %parallel_loop3A_460] {strides = array<i32>} : memref<48x512xf32, #tpu.memory_space<vmem>>, vector<16xf32>,
      tpu.vector_store %arg9[%parallel_loop3A_459, %parallel_loop3A_460], %parallel_loop3A_458 {strides = array<i32>} : memref<48x512xf32, #tpu.memory_space<vmem>>, vector<16xf32>,
      %parallel_loop3A_462 = arith.index_cast %parallel_loop3A_258 : i32 to index
      %parallel_loop3A_463 = arith.constant 464 : index
      %parallel_loop3A_464 = tpu.vector_load %arg7[%parallel_loop3A_462, %parallel_loop3A_463] {strides = array<i32>} : memref<48x512xi32, #tpu.memory_space<vmem>>, vector<16xi32>,
      %parallel_loop3A_465 = tpu.vector_load_idx %arg5[%parallel_loop3A_464] : memref<256xf32, #tpu.memory_space<vmem>>[vector<16xi32>], vector<16xf32>,
      %parallel_loop3A_466 = arith.index_cast %parallel_loop3A_258 : i32 to index
      %parallel_loop3A_467 = arith.constant 464 : index
      %parallel_loop3A_468 = tpu.vector_load %arg9[%parallel_loop3A_466, %parallel_loop3A_467] {strides = array<i32>} : memref<48x512xf32, #tpu.memory_space<vmem>>, vector<16xf32>,
      tpu.vector_store %arg9[%parallel_loop3A_466, %parallel_loop3A_467], %parallel_loop3A_465 {strides = array<i32>} : memref<48x512xf32, #tpu.memory_space<vmem>>, vector<16xf32>,
      %parallel_loop3A_469 = arith.index_cast %parallel_loop3A_258 : i32 to index
      %parallel_loop3A_470 = arith.constant 480 : index
      %parallel_loop3A_471 = tpu.vector_load %arg7[%parallel_loop3A_469, %parallel_loop3A_470] {strides = array<i32>} : memref<48x512xi32, #tpu.memory_space<vmem>>, vector<16xi32>,
      %parallel_loop3A_472 = tpu.vector_load_idx %arg5[%parallel_loop3A_471] : memref<256xf32, #tpu.memory_space<vmem>>[vector<16xi32>], vector<16xf32>,
      %parallel_loop3A_473 = arith.index_cast %parallel_loop3A_258 : i32 to index
      %parallel_loop3A_474 = arith.constant 480 : index
      %parallel_loop3A_475 = tpu.vector_load %arg9[%parallel_loop3A_473, %parallel_loop3A_474] {strides = array<i32>} : memref<48x512xf32, #tpu.memory_space<vmem>>, vector<16xf32>,
      tpu.vector_store %arg9[%parallel_loop3A_473, %parallel_loop3A_474], %parallel_loop3A_472 {strides = array<i32>} : memref<48x512xf32, #tpu.memory_space<vmem>>, vector<16xf32>,
      %parallel_loop3A_476 = arith.index_cast %parallel_loop3A_258 : i32 to index
      %parallel_loop3A_477 = arith.constant 496 : index
      %parallel_loop3A_478 = tpu.vector_load %arg7[%parallel_loop3A_476, %parallel_loop3A_477] {strides = array<i32>} : memref<48x512xi32, #tpu.memory_space<vmem>>, vector<16xi32>,
      %parallel_loop3A_479 = tpu.vector_load_idx %arg5[%parallel_loop3A_478] : memref<256xf32, #tpu.memory_space<vmem>>[vector<16xi32>], vector<16xf32>,
      %parallel_loop3A_480 = arith.index_cast %parallel_loop3A_258 : i32 to index
      %parallel_loop3A_481 = arith.constant 496 : index
      %parallel_loop3A_482 = tpu.vector_load %arg9[%parallel_loop3A_480, %parallel_loop3A_481] {strides = array<i32>} : memref<48x512xf32, #tpu.memory_space<vmem>>, vector<16xf32>,
      tpu.vector_store %arg9[%parallel_loop3A_480, %parallel_loop3A_481], %parallel_loop3A_479 {strides = array<i32>} : memref<48x512xf32, #tpu.memory_space<vmem>>, vector<16xf32>,
    } {sc.loop_unroll_factor = 1 : i64, sc.parallel_access}
    %dma_start3A_152 = arith.constant 0 : i32
    %dma_start3A_153 = arith.constant 0 : i32
    %dma_start3A_154 = tpu.memref_slice %arg9[%dma_start3A_152, %dma_start3A_153] : memref<48x512xf32, #tpu.memory_space<vmem>> -> memref<48x512xf32, #tpu.memory_space<vmem>>
    %dma_start3A_155 = arith.constant 96 : i32
    %dma_start3A_156 = tpu.memref_slice %arg4[%dma_start3A_155, %mul3A_2] : memref<200x16384xf32, #tpu.memory_space<hbm>> -> memref<48x512xf32, #tpu.memory_space<hbm>>
    %dma_start3A_157 = arith.constant 96 : i32
    %dma_start3A_158 = tpu.memref_slice %arg4[%dma_start3A_157, %mul3A_2] : memref<200x16384xf32, #tpu.memory_space<hbm>> -> memref<48x512xf32, #tpu.memory_space<hbm>>
    %dma_start3A_159 = arith.constant 0 : i32
    %dma_start3A_160 = arith.constant 0 : i32
    %dma_start3A_161 = tpu.memref_slice %arg9[%dma_start3A_159, %dma_start3A_160] : memref<48x512xf32, #tpu.memory_space<vmem>> -> memref<48x512xf32, #tpu.memory_space<vmem>>
    tpu.enqueue_dma source(%dma_start3A_161 : memref<48x512xf32, #tpu.memory_space<vmem>>) target(%dma_start3A_158 : memref<48x512xf32, #tpu.memory_space<hbm>>) target_semaphore(%arg14 : memref<!tpu.dma_semaphore, #tpu.memory_space<semaphore_mem>>)
    %dma_start3A_162 = arith.constant 0 : i32
    %dma_start3A_163 = arith.constant 0 : i32
    %dma_start3A_164 = tpu.memref_slice %arg7[%dma_start3A_162, %dma_start3A_163] : memref<48x512xi32, #tpu.memory_space<vmem>> -> memref<16x512xi32, #tpu.memory_space<vmem>>
    %dma_start3A_165 = arith.constant 184 : i32
    %dma_start3A_166 = tpu.memref_slice %arg2[%dma_start3A_165, %mul3A_2] : memref<200x16384xi32, #tpu.memory_space<hbm>> -> memref<16x512xi32, #tpu.memory_space<hbm>>
    %dma_start3A_167 = arith.constant 0 : i32
    %dma_start3A_168 = arith.constant 0 : i32
    %dma_start3A_169 = tpu.memref_slice %arg7[%dma_start3A_167, %dma_start3A_168] : memref<48x512xi32, #tpu.memory_space<vmem>> -> memref<16x512xi32, #tpu.memory_space<vmem>>
    %dma_start3A_170 = arith.constant 184 : i32
    %dma_start3A_171 = tpu.memref_slice %arg2[%dma_start3A_170, %mul3A_2] : memref<200x16384xi32, #tpu.memory_space<hbm>> -> memref<16x512xi32, #tpu.memory_space<hbm>>
    tpu.enqueue_dma source(%dma_start3A_171 : memref<16x512xi32, #tpu.memory_space<hbm>>) target(%dma_start3A_169 : memref<16x512xi32, #tpu.memory_space<vmem>>) target_semaphore(%arg12 : memref<!tpu.dma_semaphore, #tpu.memory_space<semaphore_mem>>)
    %dma_wait3A_172 = arith.constant 0 : i32
    %dma_wait3A_173 = arith.constant 0 : i32
    %dma_wait3A_174 = tpu.memref_slice %arg6[%dma_wait3A_172, %dma_wait3A_173] : memref<48x512xi32, #tpu.memory_space<vmem>> -> memref<40x512xi32, #tpu.memory_space<vmem>>
    %dma_wait3A_175 = arith.constant 144 : i32
    %dma_wait3A_176 = tpu.memref_slice %arg2[%dma_wait3A_175, %mul3A_2] : memref<200x16384xi32, #tpu.memory_space<hbm>> -> memref<40x512xi32, #tpu.memory_space<hbm>>
    %dma_wait3A_177 = arith.constant 0 : i32
    %dma_wait3A_178 = arith.constant 0 : i32
    %dma_wait3A_179 = tpu.memref_slice %arg6[%dma_wait3A_177, %dma_wait3A_178] : memref<48x512xi32, #tpu.memory_space<vmem>> -> memref<40x512xi32, #tpu.memory_space<vmem>>
    %dma_wait3A_180 = arith.constant 144 : i32
    %dma_wait3A_181 = tpu.memref_slice %arg2[%dma_wait3A_180, %mul3A_2] : memref<200x16384xi32, #tpu.memory_space<hbm>> -> memref<40x512xi32, #tpu.memory_space<hbm>>
    tpu.wait_dma2 semaphore(%arg11 : memref<!tpu.dma_semaphore, #tpu.memory_space<semaphore_mem>>) src(%dma_wait3A_181 : memref<40x512xi32, #tpu.memory_space<hbm>>) dst(%dma_wait3A_179 : memref<40x512xi32, #tpu.memory_space<vmem>>)
    %dma_wait3A_182 = arith.constant 0 : i32
    %dma_wait3A_183 = arith.constant 0 : i32
    %dma_wait3A_184 = tpu.memref_slice %arg8[%dma_wait3A_182, %dma_wait3A_183] : memref<48x512xf32, #tpu.memory_space<vmem>> -> memref<48x512xf32, #tpu.memory_space<vmem>>
    %dma_wait3A_185 = arith.constant 48 : i32
    %dma_wait3A_186 = tpu.memref_slice %arg4[%dma_wait3A_185, %mul3A_2] : memref<200x16384xf32, #tpu.memory_space<hbm>> -> memref<48x512xf32, #tpu.memory_space<hbm>>
    %dma_wait3A_187 = arith.constant 48 : i32
    %dma_wait3A_188 = tpu.memref_slice %arg4[%dma_wait3A_187, %mul3A_2] : memref<200x16384xf32, #tpu.memory_space<hbm>> -> memref<48x512xf32, #tpu.memory_space<hbm>>
    %dma_wait3A_189 = arith.constant 0 : i32
    %dma_wait3A_190 = arith.constant 0 : i32
    %dma_wait3A_191 = tpu.memref_slice %arg8[%dma_wait3A_189, %dma_wait3A_190] : memref<48x512xf32, #tpu.memory_space<vmem>> -> memref<48x512xf32, #tpu.memory_space<vmem>>
    tpu.wait_dma2 semaphore(%arg13 : memref<!tpu.dma_semaphore, #tpu.memory_space<semaphore_mem>>) src(%dma_wait3A_191 : memref<48x512xf32, #tpu.memory_space<vmem>>) dst(%dma_wait3A_188 : memref<48x512xf32, #tpu.memory_space<hbm>>)
    %parallel_loop3A_192 = arith.constant 0 : i32
    %parallel_loop3A_193 = arith.constant 40 : i32
    %parallel_loop3A_194 = arith.constant 1 : i32
    scf.for %parallel_loop3A_258 = %parallel_loop3A_192 to %parallel_loop3A_193 step %parallel_loop3A_194  : i32 {
      %parallel_loop3A_259 = arith.index_cast %parallel_loop3A_258 : i32 to index
      %parallel_loop3A_260 = arith.constant 0 : index
      %parallel_loop3A_261 = tpu.vector_load %arg6[%parallel_loop3A_259, %parallel_loop3A_260] {strides = array<i32>} : memref<48x512xi32, #tpu.memory_space<vmem>>, vector<16xi32>,
      %parallel_loop3A_262 = tpu.vector_load_idx %arg5[%parallel_loop3A_261] : memref<256xf32, #tpu.memory_space<vmem>>[vector<16xi32>], vector<16xf32>,
      %parallel_loop3A_263 = arith.index_cast %parallel_loop3A_258 : i32 to index
      %parallel_loop3A_264 = arith.constant 0 : index
      %parallel_loop3A_265 = tpu.vector_load %arg8[%parallel_loop3A_263, %parallel_loop3A_264] {strides = array<i32>} : memref<48x512xf32, #tpu.memory_space<vmem>>, vector<16xf32>,
      tpu.vector_store %arg8[%parallel_loop3A_263, %parallel_loop3A_264], %parallel_loop3A_262 {strides = array<i32>} : memref<48x512xf32, #tpu.memory_space<vmem>>, vector<16xf32>,
      %parallel_loop3A_266 = arith.index_cast %parallel_loop3A_258 : i32 to index
      %parallel_loop3A_267 = arith.constant 16 : index
      %parallel_loop3A_268 = tpu.vector_load %arg6[%parallel_loop3A_266, %parallel_loop3A_267] {strides = array<i32>} : memref<48x512xi32, #tpu.memory_space<vmem>>, vector<16xi32>,
      %parallel_loop3A_269 = tpu.vector_load_idx %arg5[%parallel_loop3A_268] : memref<256xf32, #tpu.memory_space<vmem>>[vector<16xi32>], vector<16xf32>,
      %parallel_loop3A_270 = arith.index_cast %parallel_loop3A_258 : i32 to index
      %parallel_loop3A_271 = arith.constant 16 : index
      %parallel_loop3A_272 = tpu.vector_load %arg8[%parallel_loop3A_270, %parallel_loop3A_271] {strides = array<i32>} : memref<48x512xf32, #tpu.memory_space<vmem>>, vector<16xf32>,
      tpu.vector_store %arg8[%parallel_loop3A_270, %parallel_loop3A_271], %parallel_loop3A_269 {strides = array<i32>} : memref<48x512xf32, #tpu.memory_space<vmem>>, vector<16xf32>,
      %parallel_loop3A_273 = arith.index_cast %parallel_loop3A_258 : i32 to index
      %parallel_loop3A_274 = arith.constant 32 : index
      %parallel_loop3A_275 = tpu.vector_load %arg6[%parallel_loop3A_273, %parallel_loop3A_274] {strides = array<i32>} : memref<48x512xi32, #tpu.memory_space<vmem>>, vector<16xi32>,
      %parallel_loop3A_276 = tpu.vector_load_idx %arg5[%parallel_loop3A_275] : memref<256xf32, #tpu.memory_space<vmem>>[vector<16xi32>], vector<16xf32>,
      %parallel_loop3A_277 = arith.index_cast %parallel_loop3A_258 : i32 to index
      %parallel_loop3A_278 = arith.constant 32 : index
      %parallel_loop3A_279 = tpu.vector_load %arg8[%parallel_loop3A_277, %parallel_loop3A_278] {strides = array<i32>} : memref<48x512xf32, #tpu.memory_space<vmem>>, vector<16xf32>,
      tpu.vector_store %arg8[%parallel_loop3A_277, %parallel_loop3A_278], %parallel_loop3A_276 {strides = array<i32>} : memref<48x512xf32, #tpu.memory_space<vmem>>, vector<16xf32>,
      %parallel_loop3A_280 = arith.index_cast %parallel_loop3A_258 : i32 to index
      %parallel_loop3A_281 = arith.constant 48 : index
      %parallel_loop3A_282 = tpu.vector_load %arg6[%parallel_loop3A_280, %parallel_loop3A_281] {strides = array<i32>} : memref<48x512xi32, #tpu.memory_space<vmem>>, vector<16xi32>,
      %parallel_loop3A_283 = tpu.vector_load_idx %arg5[%parallel_loop3A_282] : memref<256xf32, #tpu.memory_space<vmem>>[vector<16xi32>], vector<16xf32>,
      %parallel_loop3A_284 = arith.index_cast %parallel_loop3A_258 : i32 to index
      %parallel_loop3A_285 = arith.constant 48 : index
      %parallel_loop3A_286 = tpu.vector_load %arg8[%parallel_loop3A_284, %parallel_loop3A_285] {strides = array<i32>} : memref<48x512xf32, #tpu.memory_space<vmem>>, vector<16xf32>,
      tpu.vector_store %arg8[%parallel_loop3A_284, %parallel_loop3A_285], %parallel_loop3A_283 {strides = array<i32>} : memref<48x512xf32, #tpu.memory_space<vmem>>, vector<16xf32>,
      %parallel_loop3A_287 = arith.index_cast %parallel_loop3A_258 : i32 to index
      %parallel_loop3A_288 = arith.constant 64 : index
      %parallel_loop3A_289 = tpu.vector_load %arg6[%parallel_loop3A_287, %parallel_loop3A_288] {strides = array<i32>} : memref<48x512xi32, #tpu.memory_space<vmem>>, vector<16xi32>,
      %parallel_loop3A_290 = tpu.vector_load_idx %arg5[%parallel_loop3A_289] : memref<256xf32, #tpu.memory_space<vmem>>[vector<16xi32>], vector<16xf32>,
      %parallel_loop3A_291 = arith.index_cast %parallel_loop3A_258 : i32 to index
      %parallel_loop3A_292 = arith.constant 64 : index
      %parallel_loop3A_293 = tpu.vector_load %arg8[%parallel_loop3A_291, %parallel_loop3A_292] {strides = array<i32>} : memref<48x512xf32, #tpu.memory_space<vmem>>, vector<16xf32>,
      tpu.vector_store %arg8[%parallel_loop3A_291, %parallel_loop3A_292], %parallel_loop3A_290 {strides = array<i32>} : memref<48x512xf32, #tpu.memory_space<vmem>>, vector<16xf32>,
      %parallel_loop3A_294 = arith.index_cast %parallel_loop3A_258 : i32 to index
      %parallel_loop3A_295 = arith.constant 80 : index
      %parallel_loop3A_296 = tpu.vector_load %arg6[%parallel_loop3A_294, %parallel_loop3A_295] {strides = array<i32>} : memref<48x512xi32, #tpu.memory_space<vmem>>, vector<16xi32>,
      %parallel_loop3A_297 = tpu.vector_load_idx %arg5[%parallel_loop3A_296] : memref<256xf32, #tpu.memory_space<vmem>>[vector<16xi32>], vector<16xf32>,
      %parallel_loop3A_298 = arith.index_cast %parallel_loop3A_258 : i32 to index
      %parallel_loop3A_299 = arith.constant 80 : index
      %parallel_loop3A_300 = tpu.vector_load %arg8[%parallel_loop3A_298, %parallel_loop3A_299] {strides = array<i32>} : memref<48x512xf32, #tpu.memory_space<vmem>>, vector<16xf32>,
      tpu.vector_store %arg8[%parallel_loop3A_298, %parallel_loop3A_299], %parallel_loop3A_297 {strides = array<i32>} : memref<48x512xf32, #tpu.memory_space<vmem>>, vector<16xf32>,
      %parallel_loop3A_301 = arith.index_cast %parallel_loop3A_258 : i32 to index
      %parallel_loop3A_302 = arith.constant 96 : index
      %parallel_loop3A_303 = tpu.vector_load %arg6[%parallel_loop3A_301, %parallel_loop3A_302] {strides = array<i32>} : memref<48x512xi32, #tpu.memory_space<vmem>>, vector<16xi32>,
      %parallel_loop3A_304 = tpu.vector_load_idx %arg5[%parallel_loop3A_303] : memref<256xf32, #tpu.memory_space<vmem>>[vector<16xi32>], vector<16xf32>,
      %parallel_loop3A_305 = arith.index_cast %parallel_loop3A_258 : i32 to index
      %parallel_loop3A_306 = arith.constant 96 : index
      %parallel_loop3A_307 = tpu.vector_load %arg8[%parallel_loop3A_305, %parallel_loop3A_306] {strides = array<i32>} : memref<48x512xf32, #tpu.memory_space<vmem>>, vector<16xf32>,
      tpu.vector_store %arg8[%parallel_loop3A_305, %parallel_loop3A_306], %parallel_loop3A_304 {strides = array<i32>} : memref<48x512xf32, #tpu.memory_space<vmem>>, vector<16xf32>,
      %parallel_loop3A_308 = arith.index_cast %parallel_loop3A_258 : i32 to index
      %parallel_loop3A_309 = arith.constant 112 : index
      %parallel_loop3A_310 = tpu.vector_load %arg6[%parallel_loop3A_308, %parallel_loop3A_309] {strides = array<i32>} : memref<48x512xi32, #tpu.memory_space<vmem>>, vector<16xi32>,
      %parallel_loop3A_311 = tpu.vector_load_idx %arg5[%parallel_loop3A_310] : memref<256xf32, #tpu.memory_space<vmem>>[vector<16xi32>], vector<16xf32>,
      %parallel_loop3A_312 = arith.index_cast %parallel_loop3A_258 : i32 to index
      %parallel_loop3A_313 = arith.constant 112 : index
      %parallel_loop3A_314 = tpu.vector_load %arg8[%parallel_loop3A_312, %parallel_loop3A_313] {strides = array<i32>} : memref<48x512xf32, #tpu.memory_space<vmem>>, vector<16xf32>,
      tpu.vector_store %arg8[%parallel_loop3A_312, %parallel_loop3A_313], %parallel_loop3A_311 {strides = array<i32>} : memref<48x512xf32, #tpu.memory_space<vmem>>, vector<16xf32>,
      %parallel_loop3A_315 = arith.index_cast %parallel_loop3A_258 : i32 to index
      %parallel_loop3A_316 = arith.constant 128 : index
      %parallel_loop3A_317 = tpu.vector_load %arg6[%parallel_loop3A_315, %parallel_loop3A_316] {strides = array<i32>} : memref<48x512xi32, #tpu.memory_space<vmem>>, vector<16xi32>,
      %parallel_loop3A_318 = tpu.vector_load_idx %arg5[%parallel_loop3A_317] : memref<256xf32, #tpu.memory_space<vmem>>[vector<16xi32>], vector<16xf32>,
      %parallel_loop3A_319 = arith.index_cast %parallel_loop3A_258 : i32 to index
      %parallel_loop3A_320 = arith.constant 128 : index
      %parallel_loop3A_321 = tpu.vector_load %arg8[%parallel_loop3A_319, %parallel_loop3A_320] {strides = array<i32>} : memref<48x512xf32, #tpu.memory_space<vmem>>, vector<16xf32>,
      tpu.vector_store %arg8[%parallel_loop3A_319, %parallel_loop3A_320], %parallel_loop3A_318 {strides = array<i32>} : memref<48x512xf32, #tpu.memory_space<vmem>>, vector<16xf32>,
      %parallel_loop3A_322 = arith.index_cast %parallel_loop3A_258 : i32 to index
      %parallel_loop3A_323 = arith.constant 144 : index
      %parallel_loop3A_324 = tpu.vector_load %arg6[%parallel_loop3A_322, %parallel_loop3A_323] {strides = array<i32>} : memref<48x512xi32, #tpu.memory_space<vmem>>, vector<16xi32>,
      %parallel_loop3A_325 = tpu.vector_load_idx %arg5[%parallel_loop3A_324] : memref<256xf32, #tpu.memory_space<vmem>>[vector<16xi32>], vector<16xf32>,
      %parallel_loop3A_326 = arith.index_cast %parallel_loop3A_258 : i32 to index
      %parallel_loop3A_327 = arith.constant 144 : index
      %parallel_loop3A_328 = tpu.vector_load %arg8[%parallel_loop3A_326, %parallel_loop3A_327] {strides = array<i32>} : memref<48x512xf32, #tpu.memory_space<vmem>>, vector<16xf32>,
      tpu.vector_store %arg8[%parallel_loop3A_326, %parallel_loop3A_327], %parallel_loop3A_325 {strides = array<i32>} : memref<48x512xf32, #tpu.memory_space<vmem>>, vector<16xf32>,
      %parallel_loop3A_329 = arith.index_cast %parallel_loop3A_258 : i32 to index
      %parallel_loop3A_330 = arith.constant 160 : index
      %parallel_loop3A_331 = tpu.vector_load %arg6[%parallel_loop3A_329, %parallel_loop3A_330] {strides = array<i32>} : memref<48x512xi32, #tpu.memory_space<vmem>>, vector<16xi32>,
      %parallel_loop3A_332 = tpu.vector_load_idx %arg5[%parallel_loop3A_331] : memref<256xf32, #tpu.memory_space<vmem>>[vector<16xi32>], vector<16xf32>,
      %parallel_loop3A_333 = arith.index_cast %parallel_loop3A_258 : i32 to index
      %parallel_loop3A_334 = arith.constant 160 : index
      %parallel_loop3A_335 = tpu.vector_load %arg8[%parallel_loop3A_333, %parallel_loop3A_334] {strides = array<i32>} : memref<48x512xf32, #tpu.memory_space<vmem>>, vector<16xf32>,
      tpu.vector_store %arg8[%parallel_loop3A_333, %parallel_loop3A_334], %parallel_loop3A_332 {strides = array<i32>} : memref<48x512xf32, #tpu.memory_space<vmem>>, vector<16xf32>,
      %parallel_loop3A_336 = arith.index_cast %parallel_loop3A_258 : i32 to index
      %parallel_loop3A_337 = arith.constant 176 : index
      %parallel_loop3A_338 = tpu.vector_load %arg6[%parallel_loop3A_336, %parallel_loop3A_337] {strides = array<i32>} : memref<48x512xi32, #tpu.memory_space<vmem>>, vector<16xi32>,
      %parallel_loop3A_339 = tpu.vector_load_idx %arg5[%parallel_loop3A_338] : memref<256xf32, #tpu.memory_space<vmem>>[vector<16xi32>], vector<16xf32>,
      %parallel_loop3A_340 = arith.index_cast %parallel_loop3A_258 : i32 to index
      %parallel_loop3A_341 = arith.constant 176 : index
      %parallel_loop3A_342 = tpu.vector_load %arg8[%parallel_loop3A_340, %parallel_loop3A_341] {strides = array<i32>} : memref<48x512xf32, #tpu.memory_space<vmem>>, vector<16xf32>,
      tpu.vector_store %arg8[%parallel_loop3A_340, %parallel_loop3A_341], %parallel_loop3A_339 {strides = array<i32>} : memref<48x512xf32, #tpu.memory_space<vmem>>, vector<16xf32>,
      %parallel_loop3A_343 = arith.index_cast %parallel_loop3A_258 : i32 to index
      %parallel_loop3A_344 = arith.constant 192 : index
      %parallel_loop3A_345 = tpu.vector_load %arg6[%parallel_loop3A_343, %parallel_loop3A_344] {strides = array<i32>} : memref<48x512xi32, #tpu.memory_space<vmem>>, vector<16xi32>,
      %parallel_loop3A_346 = tpu.vector_load_idx %arg5[%parallel_loop3A_345] : memref<256xf32, #tpu.memory_space<vmem>>[vector<16xi32>], vector<16xf32>,
      %parallel_loop3A_347 = arith.index_cast %parallel_loop3A_258 : i32 to index
      %parallel_loop3A_348 = arith.constant 192 : index
      %parallel_loop3A_349 = tpu.vector_load %arg8[%parallel_loop3A_347, %parallel_loop3A_348] {strides = array<i32>} : memref<48x512xf32, #tpu.memory_space<vmem>>, vector<16xf32>,
      tpu.vector_store %arg8[%parallel_loop3A_347, %parallel_loop3A_348], %parallel_loop3A_346 {strides = array<i32>} : memref<48x512xf32, #tpu.memory_space<vmem>>, vector<16xf32>,
      %parallel_loop3A_350 = arith.index_cast %parallel_loop3A_258 : i32 to index
      %parallel_loop3A_351 = arith.constant 208 : index
      %parallel_loop3A_352 = tpu.vector_load %arg6[%parallel_loop3A_350, %parallel_loop3A_351] {strides = array<i32>} : memref<48x512xi32, #tpu.memory_space<vmem>>, vector<16xi32>,
      %parallel_loop3A_353 = tpu.vector_load_idx %arg5[%parallel_loop3A_352] : memref<256xf32, #tpu.memory_space<vmem>>[vector<16xi32>], vector<16xf32>,
      %parallel_loop3A_354 = arith.index_cast %parallel_loop3A_258 : i32 to index
      %parallel_loop3A_355 = arith.constant 208 : index
      %parallel_loop3A_356 = tpu.vector_load %arg8[%parallel_loop3A_354, %parallel_loop3A_355] {strides = array<i32>} : memref<48x512xf32, #tpu.memory_space<vmem>>, vector<16xf32>,
      tpu.vector_store %arg8[%parallel_loop3A_354, %parallel_loop3A_355], %parallel_loop3A_353 {strides = array<i32>} : memref<48x512xf32, #tpu.memory_space<vmem>>, vector<16xf32>,
      %parallel_loop3A_357 = arith.index_cast %parallel_loop3A_258 : i32 to index
      %parallel_loop3A_358 = arith.constant 224 : index
      %parallel_loop3A_359 = tpu.vector_load %arg6[%parallel_loop3A_357, %parallel_loop3A_358] {strides = array<i32>} : memref<48x512xi32, #tpu.memory_space<vmem>>, vector<16xi32>,
      %parallel_loop3A_360 = tpu.vector_load_idx %arg5[%parallel_loop3A_359] : memref<256xf32, #tpu.memory_space<vmem>>[vector<16xi32>], vector<16xf32>,
      %parallel_loop3A_361 = arith.index_cast %parallel_loop3A_258 : i32 to index
      %parallel_loop3A_362 = arith.constant 224 : index
      %parallel_loop3A_363 = tpu.vector_load %arg8[%parallel_loop3A_361, %parallel_loop3A_362] {strides = array<i32>} : memref<48x512xf32, #tpu.memory_space<vmem>>, vector<16xf32>,
      tpu.vector_store %arg8[%parallel_loop3A_361, %parallel_loop3A_362], %parallel_loop3A_360 {strides = array<i32>} : memref<48x512xf32, #tpu.memory_space<vmem>>, vector<16xf32>,
      %parallel_loop3A_364 = arith.index_cast %parallel_loop3A_258 : i32 to index
      %parallel_loop3A_365 = arith.constant 240 : index
      %parallel_loop3A_366 = tpu.vector_load %arg6[%parallel_loop3A_364, %parallel_loop3A_365] {strides = array<i32>} : memref<48x512xi32, #tpu.memory_space<vmem>>, vector<16xi32>,
      %parallel_loop3A_367 = tpu.vector_load_idx %arg5[%parallel_loop3A_366] : memref<256xf32, #tpu.memory_space<vmem>>[vector<16xi32>], vector<16xf32>,
      %parallel_loop3A_368 = arith.index_cast %parallel_loop3A_258 : i32 to index
      %parallel_loop3A_369 = arith.constant 240 : index
      %parallel_loop3A_370 = tpu.vector_load %arg8[%parallel_loop3A_368, %parallel_loop3A_369] {strides = array<i32>} : memref<48x512xf32, #tpu.memory_space<vmem>>, vector<16xf32>,
      tpu.vector_store %arg8[%parallel_loop3A_368, %parallel_loop3A_369], %parallel_loop3A_367 {strides = array<i32>} : memref<48x512xf32, #tpu.memory_space<vmem>>, vector<16xf32>,
      %parallel_loop3A_371 = arith.index_cast %parallel_loop3A_258 : i32 to index
      %parallel_loop3A_372 = arith.constant 256 : index
      %parallel_loop3A_373 = tpu.vector_load %arg6[%parallel_loop3A_371, %parallel_loop3A_372] {strides = array<i32>} : memref<48x512xi32, #tpu.memory_space<vmem>>, vector<16xi32>,
      %parallel_loop3A_374 = tpu.vector_load_idx %arg5[%parallel_loop3A_373] : memref<256xf32, #tpu.memory_space<vmem>>[vector<16xi32>], vector<16xf32>,
      %parallel_loop3A_375 = arith.index_cast %parallel_loop3A_258 : i32 to index
      %parallel_loop3A_376 = arith.constant 256 : index
      %parallel_loop3A_377 = tpu.vector_load %arg8[%parallel_loop3A_375, %parallel_loop3A_376] {strides = array<i32>} : memref<48x512xf32, #tpu.memory_space<vmem>>, vector<16xf32>,
      tpu.vector_store %arg8[%parallel_loop3A_375, %parallel_loop3A_376], %parallel_loop3A_374 {strides = array<i32>} : memref<48x512xf32, #tpu.memory_space<vmem>>, vector<16xf32>,
      %parallel_loop3A_378 = arith.index_cast %parallel_loop3A_258 : i32 to index
      %parallel_loop3A_379 = arith.constant 272 : index
      %parallel_loop3A_380 = tpu.vector_load %arg6[%parallel_loop3A_378, %parallel_loop3A_379] {strides = array<i32>} : memref<48x512xi32, #tpu.memory_space<vmem>>, vector<16xi32>,
      %parallel_loop3A_381 = tpu.vector_load_idx %arg5[%parallel_loop3A_380] : memref<256xf32, #tpu.memory_space<vmem>>[vector<16xi32>], vector<16xf32>,
      %parallel_loop3A_382 = arith.index_cast %parallel_loop3A_258 : i32 to index
      %parallel_loop3A_383 = arith.constant 272 : index
      %parallel_loop3A_384 = tpu.vector_load %arg8[%parallel_loop3A_382, %parallel_loop3A_383] {strides = array<i32>} : memref<48x512xf32, #tpu.memory_space<vmem>>, vector<16xf32>,
      tpu.vector_store %arg8[%parallel_loop3A_382, %parallel_loop3A_383], %parallel_loop3A_381 {strides = array<i32>} : memref<48x512xf32, #tpu.memory_space<vmem>>, vector<16xf32>,
      %parallel_loop3A_385 = arith.index_cast %parallel_loop3A_258 : i32 to index
      %parallel_loop3A_386 = arith.constant 288 : index
      %parallel_loop3A_387 = tpu.vector_load %arg6[%parallel_loop3A_385, %parallel_loop3A_386] {strides = array<i32>} : memref<48x512xi32, #tpu.memory_space<vmem>>, vector<16xi32>,
      %parallel_loop3A_388 = tpu.vector_load_idx %arg5[%parallel_loop3A_387] : memref<256xf32, #tpu.memory_space<vmem>>[vector<16xi32>], vector<16xf32>,
      %parallel_loop3A_389 = arith.index_cast %parallel_loop3A_258 : i32 to index
      %parallel_loop3A_390 = arith.constant 288 : index
      %parallel_loop3A_391 = tpu.vector_load %arg8[%parallel_loop3A_389, %parallel_loop3A_390] {strides = array<i32>} : memref<48x512xf32, #tpu.memory_space<vmem>>, vector<16xf32>,
      tpu.vector_store %arg8[%parallel_loop3A_389, %parallel_loop3A_390], %parallel_loop3A_388 {strides = array<i32>} : memref<48x512xf32, #tpu.memory_space<vmem>>, vector<16xf32>,
      %parallel_loop3A_392 = arith.index_cast %parallel_loop3A_258 : i32 to index
      %parallel_loop3A_393 = arith.constant 304 : index
      %parallel_loop3A_394 = tpu.vector_load %arg6[%parallel_loop3A_392, %parallel_loop3A_393] {strides = array<i32>} : memref<48x512xi32, #tpu.memory_space<vmem>>, vector<16xi32>,
      %parallel_loop3A_395 = tpu.vector_load_idx %arg5[%parallel_loop3A_394] : memref<256xf32, #tpu.memory_space<vmem>>[vector<16xi32>], vector<16xf32>,
      %parallel_loop3A_396 = arith.index_cast %parallel_loop3A_258 : i32 to index
      %parallel_loop3A_397 = arith.constant 304 : index
      %parallel_loop3A_398 = tpu.vector_load %arg8[%parallel_loop3A_396, %parallel_loop3A_397] {strides = array<i32>} : memref<48x512xf32, #tpu.memory_space<vmem>>, vector<16xf32>,
      tpu.vector_store %arg8[%parallel_loop3A_396, %parallel_loop3A_397], %parallel_loop3A_395 {strides = array<i32>} : memref<48x512xf32, #tpu.memory_space<vmem>>, vector<16xf32>,
      %parallel_loop3A_399 = arith.index_cast %parallel_loop3A_258 : i32 to index
      %parallel_loop3A_400 = arith.constant 320 : index
      %parallel_loop3A_401 = tpu.vector_load %arg6[%parallel_loop3A_399, %parallel_loop3A_400] {strides = array<i32>} : memref<48x512xi32, #tpu.memory_space<vmem>>, vector<16xi32>,
      %parallel_loop3A_402 = tpu.vector_load_idx %arg5[%parallel_loop3A_401] : memref<256xf32, #tpu.memory_space<vmem>>[vector<16xi32>], vector<16xf32>,
      %parallel_loop3A_403 = arith.index_cast %parallel_loop3A_258 : i32 to index
      %parallel_loop3A_404 = arith.constant 320 : index
      %parallel_loop3A_405 = tpu.vector_load %arg8[%parallel_loop3A_403, %parallel_loop3A_404] {strides = array<i32>} : memref<48x512xf32, #tpu.memory_space<vmem>>, vector<16xf32>,
      tpu.vector_store %arg8[%parallel_loop3A_403, %parallel_loop3A_404], %parallel_loop3A_402 {strides = array<i32>} : memref<48x512xf32, #tpu.memory_space<vmem>>, vector<16xf32>,
      %parallel_loop3A_406 = arith.index_cast %parallel_loop3A_258 : i32 to index
      %parallel_loop3A_407 = arith.constant 336 : index
      %parallel_loop3A_408 = tpu.vector_load %arg6[%parallel_loop3A_406, %parallel_loop3A_407] {strides = array<i32>} : memref<48x512xi32, #tpu.memory_space<vmem>>, vector<16xi32>,
      %parallel_loop3A_409 = tpu.vector_load_idx %arg5[%parallel_loop3A_408] : memref<256xf32, #tpu.memory_space<vmem>>[vector<16xi32>], vector<16xf32>,
      %parallel_loop3A_410 = arith.index_cast %parallel_loop3A_258 : i32 to index
      %parallel_loop3A_411 = arith.constant 336 : index
      %parallel_loop3A_412 = tpu.vector_load %arg8[%parallel_loop3A_410, %parallel_loop3A_411] {strides = array<i32>} : memref<48x512xf32, #tpu.memory_space<vmem>>, vector<16xf32>,
      tpu.vector_store %arg8[%parallel_loop3A_410, %parallel_loop3A_411], %parallel_loop3A_409 {strides = array<i32>} : memref<48x512xf32, #tpu.memory_space<vmem>>, vector<16xf32>,
      %parallel_loop3A_413 = arith.index_cast %parallel_loop3A_258 : i32 to index
      %parallel_loop3A_414 = arith.constant 352 : index
      %parallel_loop3A_415 = tpu.vector_load %arg6[%parallel_loop3A_413, %parallel_loop3A_414] {strides = array<i32>} : memref<48x512xi32, #tpu.memory_space<vmem>>, vector<16xi32>,
      %parallel_loop3A_416 = tpu.vector_load_idx %arg5[%parallel_loop3A_415] : memref<256xf32, #tpu.memory_space<vmem>>[vector<16xi32>], vector<16xf32>,
      %parallel_loop3A_417 = arith.index_cast %parallel_loop3A_258 : i32 to index
      %parallel_loop3A_418 = arith.constant 352 : index
      %parallel_loop3A_419 = tpu.vector_load %arg8[%parallel_loop3A_417, %parallel_loop3A_418] {strides = array<i32>} : memref<48x512xf32, #tpu.memory_space<vmem>>, vector<16xf32>,
      tpu.vector_store %arg8[%parallel_loop3A_417, %parallel_loop3A_418], %parallel_loop3A_416 {strides = array<i32>} : memref<48x512xf32, #tpu.memory_space<vmem>>, vector<16xf32>,
      %parallel_loop3A_420 = arith.index_cast %parallel_loop3A_258 : i32 to index
      %parallel_loop3A_421 = arith.constant 368 : index
      %parallel_loop3A_422 = tpu.vector_load %arg6[%parallel_loop3A_420, %parallel_loop3A_421] {strides = array<i32>} : memref<48x512xi32, #tpu.memory_space<vmem>>, vector<16xi32>,
      %parallel_loop3A_423 = tpu.vector_load_idx %arg5[%parallel_loop3A_422] : memref<256xf32, #tpu.memory_space<vmem>>[vector<16xi32>], vector<16xf32>,
      %parallel_loop3A_424 = arith.index_cast %parallel_loop3A_258 : i32 to index
      %parallel_loop3A_425 = arith.constant 368 : index
      %parallel_loop3A_426 = tpu.vector_load %arg8[%parallel_loop3A_424, %parallel_loop3A_425] {strides = array<i32>} : memref<48x512xf32, #tpu.memory_space<vmem>>, vector<16xf32>,
      tpu.vector_store %arg8[%parallel_loop3A_424, %parallel_loop3A_425], %parallel_loop3A_423 {strides = array<i32>} : memref<48x512xf32, #tpu.memory_space<vmem>>, vector<16xf32>,
      %parallel_loop3A_427 = arith.index_cast %parallel_loop3A_258 : i32 to index
      %parallel_loop3A_428 = arith.constant 384 : index
      %parallel_loop3A_429 = tpu.vector_load %arg6[%parallel_loop3A_427, %parallel_loop3A_428] {strides = array<i32>} : memref<48x512xi32, #tpu.memory_space<vmem>>, vector<16xi32>,
      %parallel_loop3A_430 = tpu.vector_load_idx %arg5[%parallel_loop3A_429] : memref<256xf32, #tpu.memory_space<vmem>>[vector<16xi32>], vector<16xf32>,
      %parallel_loop3A_431 = arith.index_cast %parallel_loop3A_258 : i32 to index
      %parallel_loop3A_432 = arith.constant 384 : index
      %parallel_loop3A_433 = tpu.vector_load %arg8[%parallel_loop3A_431, %parallel_loop3A_432] {strides = array<i32>} : memref<48x512xf32, #tpu.memory_space<vmem>>, vector<16xf32>,
      tpu.vector_store %arg8[%parallel_loop3A_431, %parallel_loop3A_432], %parallel_loop3A_430 {strides = array<i32>} : memref<48x512xf32, #tpu.memory_space<vmem>>, vector<16xf32>,
      %parallel_loop3A_434 = arith.index_cast %parallel_loop3A_258 : i32 to index
      %parallel_loop3A_435 = arith.constant 400 : index
      %parallel_loop3A_436 = tpu.vector_load %arg6[%parallel_loop3A_434, %parallel_loop3A_435] {strides = array<i32>} : memref<48x512xi32, #tpu.memory_space<vmem>>, vector<16xi32>,
      %parallel_loop3A_437 = tpu.vector_load_idx %arg5[%parallel_loop3A_436] : memref<256xf32, #tpu.memory_space<vmem>>[vector<16xi32>], vector<16xf32>,
      %parallel_loop3A_438 = arith.index_cast %parallel_loop3A_258 : i32 to index
      %parallel_loop3A_439 = arith.constant 400 : index
      %parallel_loop3A_440 = tpu.vector_load %arg8[%parallel_loop3A_438, %parallel_loop3A_439] {strides = array<i32>} : memref<48x512xf32, #tpu.memory_space<vmem>>, vector<16xf32>,
      tpu.vector_store %arg8[%parallel_loop3A_438, %parallel_loop3A_439], %parallel_loop3A_437 {strides = array<i32>} : memref<48x512xf32, #tpu.memory_space<vmem>>, vector<16xf32>,
      %parallel_loop3A_441 = arith.index_cast %parallel_loop3A_258 : i32 to index
      %parallel_loop3A_442 = arith.constant 416 : index
      %parallel_loop3A_443 = tpu.vector_load %arg6[%parallel_loop3A_441, %parallel_loop3A_442] {strides = array<i32>} : memref<48x512xi32, #tpu.memory_space<vmem>>, vector<16xi32>,
      %parallel_loop3A_444 = tpu.vector_load_idx %arg5[%parallel_loop3A_443] : memref<256xf32, #tpu.memory_space<vmem>>[vector<16xi32>], vector<16xf32>,
      %parallel_loop3A_445 = arith.index_cast %parallel_loop3A_258 : i32 to index
      %parallel_loop3A_446 = arith.constant 416 : index
      %parallel_loop3A_447 = tpu.vector_load %arg8[%parallel_loop3A_445, %parallel_loop3A_446] {strides = array<i32>} : memref<48x512xf32, #tpu.memory_space<vmem>>, vector<16xf32>,
      tpu.vector_store %arg8[%parallel_loop3A_445, %parallel_loop3A_446], %parallel_loop3A_444 {strides = array<i32>} : memref<48x512xf32, #tpu.memory_space<vmem>>, vector<16xf32>,
      %parallel_loop3A_448 = arith.index_cast %parallel_loop3A_258 : i32 to index
      %parallel_loop3A_449 = arith.constant 432 : index
      %parallel_loop3A_450 = tpu.vector_load %arg6[%parallel_loop3A_448, %parallel_loop3A_449] {strides = array<i32>} : memref<48x512xi32, #tpu.memory_space<vmem>>, vector<16xi32>,
      %parallel_loop3A_451 = tpu.vector_load_idx %arg5[%parallel_loop3A_450] : memref<256xf32, #tpu.memory_space<vmem>>[vector<16xi32>], vector<16xf32>,
      %parallel_loop3A_452 = arith.index_cast %parallel_loop3A_258 : i32 to index
      %parallel_loop3A_453 = arith.constant 432 : index
      %parallel_loop3A_454 = tpu.vector_load %arg8[%parallel_loop3A_452, %parallel_loop3A_453] {strides = array<i32>} : memref<48x512xf32, #tpu.memory_space<vmem>>, vector<16xf32>,
      tpu.vector_store %arg8[%parallel_loop3A_452, %parallel_loop3A_453], %parallel_loop3A_451 {strides = array<i32>} : memref<48x512xf32, #tpu.memory_space<vmem>>, vector<16xf32>,
      %parallel_loop3A_455 = arith.index_cast %parallel_loop3A_258 : i32 to index
      %parallel_loop3A_456 = arith.constant 448 : index
      %parallel_loop3A_457 = tpu.vector_load %arg6[%parallel_loop3A_455, %parallel_loop3A_456] {strides = array<i32>} : memref<48x512xi32, #tpu.memory_space<vmem>>, vector<16xi32>,
      %parallel_loop3A_458 = tpu.vector_load_idx %arg5[%parallel_loop3A_457] : memref<256xf32, #tpu.memory_space<vmem>>[vector<16xi32>], vector<16xf32>,
      %parallel_loop3A_459 = arith.index_cast %parallel_loop3A_258 : i32 to index
      %parallel_loop3A_460 = arith.constant 448 : index
      %parallel_loop3A_461 = tpu.vector_load %arg8[%parallel_loop3A_459, %parallel_loop3A_460] {strides = array<i32>} : memref<48x512xf32, #tpu.memory_space<vmem>>, vector<16xf32>,
      tpu.vector_store %arg8[%parallel_loop3A_459, %parallel_loop3A_460], %parallel_loop3A_458 {strides = array<i32>} : memref<48x512xf32, #tpu.memory_space<vmem>>, vector<16xf32>,
      %parallel_loop3A_462 = arith.index_cast %parallel_loop3A_258 : i32 to index
      %parallel_loop3A_463 = arith.constant 464 : index
      %parallel_loop3A_464 = tpu.vector_load %arg6[%parallel_loop3A_462, %parallel_loop3A_463] {strides = array<i32>} : memref<48x512xi32, #tpu.memory_space<vmem>>, vector<16xi32>,
      %parallel_loop3A_465 = tpu.vector_load_idx %arg5[%parallel_loop3A_464] : memref<256xf32, #tpu.memory_space<vmem>>[vector<16xi32>], vector<16xf32>,
      %parallel_loop3A_466 = arith.index_cast %parallel_loop3A_258 : i32 to index
      %parallel_loop3A_467 = arith.constant 464 : index
      %parallel_loop3A_468 = tpu.vector_load %arg8[%parallel_loop3A_466, %parallel_loop3A_467] {strides = array<i32>} : memref<48x512xf32, #tpu.memory_space<vmem>>, vector<16xf32>,
      tpu.vector_store %arg8[%parallel_loop3A_466, %parallel_loop3A_467], %parallel_loop3A_465 {strides = array<i32>} : memref<48x512xf32, #tpu.memory_space<vmem>>, vector<16xf32>,
      %parallel_loop3A_469 = arith.index_cast %parallel_loop3A_258 : i32 to index
      %parallel_loop3A_470 = arith.constant 480 : index
      %parallel_loop3A_471 = tpu.vector_load %arg6[%parallel_loop3A_469, %parallel_loop3A_470] {strides = array<i32>} : memref<48x512xi32, #tpu.memory_space<vmem>>, vector<16xi32>,
      %parallel_loop3A_472 = tpu.vector_load_idx %arg5[%parallel_loop3A_471] : memref<256xf32, #tpu.memory_space<vmem>>[vector<16xi32>], vector<16xf32>,
      %parallel_loop3A_473 = arith.index_cast %parallel_loop3A_258 : i32 to index
      %parallel_loop3A_474 = arith.constant 480 : index
      %parallel_loop3A_475 = tpu.vector_load %arg8[%parallel_loop3A_473, %parallel_loop3A_474] {strides = array<i32>} : memref<48x512xf32, #tpu.memory_space<vmem>>, vector<16xf32>,
      tpu.vector_store %arg8[%parallel_loop3A_473, %parallel_loop3A_474], %parallel_loop3A_472 {strides = array<i32>} : memref<48x512xf32, #tpu.memory_space<vmem>>, vector<16xf32>,
      %parallel_loop3A_476 = arith.index_cast %parallel_loop3A_258 : i32 to index
      %parallel_loop3A_477 = arith.constant 496 : index
      %parallel_loop3A_478 = tpu.vector_load %arg6[%parallel_loop3A_476, %parallel_loop3A_477] {strides = array<i32>} : memref<48x512xi32, #tpu.memory_space<vmem>>, vector<16xi32>,
      %parallel_loop3A_479 = tpu.vector_load_idx %arg5[%parallel_loop3A_478] : memref<256xf32, #tpu.memory_space<vmem>>[vector<16xi32>], vector<16xf32>,
      %parallel_loop3A_480 = arith.index_cast %parallel_loop3A_258 : i32 to index
      %parallel_loop3A_481 = arith.constant 496 : index
      %parallel_loop3A_482 = tpu.vector_load %arg8[%parallel_loop3A_480, %parallel_loop3A_481] {strides = array<i32>} : memref<48x512xf32, #tpu.memory_space<vmem>>, vector<16xf32>,
      tpu.vector_store %arg8[%parallel_loop3A_480, %parallel_loop3A_481], %parallel_loop3A_479 {strides = array<i32>} : memref<48x512xf32, #tpu.memory_space<vmem>>, vector<16xf32>,
    } {sc.loop_unroll_factor = 1 : i64, sc.parallel_access}
    %dma_start3A_195 = arith.constant 0 : i32
    %dma_start3A_196 = arith.constant 0 : i32
    %dma_start3A_197 = tpu.memref_slice %arg8[%dma_start3A_195, %dma_start3A_196] : memref<48x512xf32, #tpu.memory_space<vmem>> -> memref<40x512xf32, #tpu.memory_space<vmem>>
    %dma_start3A_198 = arith.constant 144 : i32
    %dma_start3A_199 = tpu.memref_slice %arg4[%dma_start3A_198, %mul3A_2] : memref<200x16384xf32, #tpu.memory_space<hbm>> -> memref<40x512xf32, #tpu.memory_space<hbm>>
    %dma_start3A_200 = arith.constant 144 : i32
    %dma_start3A_201 = tpu.memref_slice %arg4[%dma_start3A_200, %mul3A_2] : memref<200x16384xf32, #tpu.memory_space<hbm>> -> memref<40x512xf32, #tpu.memory_space<hbm>>
    %dma_start3A_202 = arith.constant 0 : i32
    %dma_start3A_203 = arith.constant 0 : i32
    %dma_start3A_204 = tpu.memref_slice %arg8[%dma_start3A_202, %dma_start3A_203] : memref<48x512xf32, #tpu.memory_space<vmem>> -> memref<40x512xf32, #tpu.memory_space<vmem>>
    tpu.enqueue_dma source(%dma_start3A_204 : memref<40x512xf32, #tpu.memory_space<vmem>>) target(%dma_start3A_201 : memref<40x512xf32, #tpu.memory_space<hbm>>) target_semaphore(%arg13 : memref<!tpu.dma_semaphore, #tpu.memory_space<semaphore_mem>>)
    %dma_wait3A_205 = arith.constant 0 : i32
    %dma_wait3A_206 = arith.constant 0 : i32
    %dma_wait3A_207 = tpu.memref_slice %arg7[%dma_wait3A_205, %dma_wait3A_206] : memref<48x512xi32, #tpu.memory_space<vmem>> -> memref<16x512xi32, #tpu.memory_space<vmem>>
    %dma_wait3A_208 = arith.constant 184 : i32
    %dma_wait3A_209 = tpu.memref_slice %arg2[%dma_wait3A_208, %mul3A_2] : memref<200x16384xi32, #tpu.memory_space<hbm>> -> memref<16x512xi32, #tpu.memory_space<hbm>>
    %dma_wait3A_210 = arith.constant 0 : i32
    %dma_wait3A_211 = arith.constant 0 : i32
    %dma_wait3A_212 = tpu.memref_slice %arg7[%dma_wait3A_210, %dma_wait3A_211] : memref<48x512xi32, #tpu.memory_space<vmem>> -> memref<16x512xi32, #tpu.memory_space<vmem>>
    %dma_wait3A_213 = arith.constant 184 : i32
    %dma_wait3A_214 = tpu.memref_slice %arg2[%dma_wait3A_213, %mul3A_2] : memref<200x16384xi32, #tpu.memory_space<hbm>> -> memref<16x512xi32, #tpu.memory_space<hbm>>
    tpu.wait_dma2 semaphore(%arg12 : memref<!tpu.dma_semaphore, #tpu.memory_space<semaphore_mem>>) src(%dma_wait3A_214 : memref<16x512xi32, #tpu.memory_space<hbm>>) dst(%dma_wait3A_212 : memref<16x512xi32, #tpu.memory_space<vmem>>)
    %dma_wait3A_215 = arith.constant 0 : i32
    %dma_wait3A_216 = arith.constant 0 : i32
    %dma_wait3A_217 = tpu.memref_slice %arg9[%dma_wait3A_215, %dma_wait3A_216] : memref<48x512xf32, #tpu.memory_space<vmem>> -> memref<48x512xf32, #tpu.memory_space<vmem>>
    %dma_wait3A_218 = arith.constant 96 : i32
    %dma_wait3A_219 = tpu.memref_slice %arg4[%dma_wait3A_218, %mul3A_2] : memref<200x16384xf32, #tpu.memory_space<hbm>> -> memref<48x512xf32, #tpu.memory_space<hbm>>
    %dma_wait3A_220 = arith.constant 96 : i32
    %dma_wait3A_221 = tpu.memref_slice %arg4[%dma_wait3A_220, %mul3A_2] : memref<200x16384xf32, #tpu.memory_space<hbm>> -> memref<48x512xf32, #tpu.memory_space<hbm>>
    %dma_wait3A_222 = arith.constant 0 : i32
    %dma_wait3A_223 = arith.constant 0 : i32
    %dma_wait3A_224 = tpu.memref_slice %arg9[%dma_wait3A_222, %dma_wait3A_223] : memref<48x512xf32, #tpu.memory_space<vmem>> -> memref<48x512xf32, #tpu.memory_space<vmem>>
    tpu.wait_dma2 semaphore(%arg14 : memref<!tpu.dma_semaphore, #tpu.memory_space<semaphore_mem>>) src(%dma_wait3A_224 : memref<48x512xf32, #tpu.memory_space<vmem>>) dst(%dma_wait3A_221 : memref<48x512xf32, #tpu.memory_space<hbm>>)
    %parallel_loop3A_225 = arith.constant 0 : i32
    %parallel_loop3A_226 = arith.constant 16 : i32
    %parallel_loop3A_227 = arith.constant 1 : i32
    scf.for %parallel_loop3A_258 = %parallel_loop3A_225 to %parallel_loop3A_226 step %parallel_loop3A_227  : i32 {
      %parallel_loop3A_259 = arith.index_cast %parallel_loop3A_258 : i32 to index
      %parallel_loop3A_260 = arith.constant 0 : index
      %parallel_loop3A_261 = tpu.vector_load %arg7[%parallel_loop3A_259, %parallel_loop3A_260] {strides = array<i32>} : memref<48x512xi32, #tpu.memory_space<vmem>>, vector<16xi32>,
      %parallel_loop3A_262 = tpu.vector_load_idx %arg5[%parallel_loop3A_261] : memref<256xf32, #tpu.memory_space<vmem>>[vector<16xi32>], vector<16xf32>,
      %parallel_loop3A_263 = arith.index_cast %parallel_loop3A_258 : i32 to index
      %parallel_loop3A_264 = arith.constant 0 : index
      %parallel_loop3A_265 = tpu.vector_load %arg9[%parallel_loop3A_263, %parallel_loop3A_264] {strides = array<i32>} : memref<48x512xf32, #tpu.memory_space<vmem>>, vector<16xf32>,
      tpu.vector_store %arg9[%parallel_loop3A_263, %parallel_loop3A_264], %parallel_loop3A_262 {strides = array<i32>} : memref<48x512xf32, #tpu.memory_space<vmem>>, vector<16xf32>,
      %parallel_loop3A_266 = arith.index_cast %parallel_loop3A_258 : i32 to index
      %parallel_loop3A_267 = arith.constant 16 : index
      %parallel_loop3A_268 = tpu.vector_load %arg7[%parallel_loop3A_266, %parallel_loop3A_267] {strides = array<i32>} : memref<48x512xi32, #tpu.memory_space<vmem>>, vector<16xi32>,
      %parallel_loop3A_269 = tpu.vector_load_idx %arg5[%parallel_loop3A_268] : memref<256xf32, #tpu.memory_space<vmem>>[vector<16xi32>], vector<16xf32>,
      %parallel_loop3A_270 = arith.index_cast %parallel_loop3A_258 : i32 to index
      %parallel_loop3A_271 = arith.constant 16 : index
      %parallel_loop3A_272 = tpu.vector_load %arg9[%parallel_loop3A_270, %parallel_loop3A_271] {strides = array<i32>} : memref<48x512xf32, #tpu.memory_space<vmem>>, vector<16xf32>,
      tpu.vector_store %arg9[%parallel_loop3A_270, %parallel_loop3A_271], %parallel_loop3A_269 {strides = array<i32>} : memref<48x512xf32, #tpu.memory_space<vmem>>, vector<16xf32>,
      %parallel_loop3A_273 = arith.index_cast %parallel_loop3A_258 : i32 to index
      %parallel_loop3A_274 = arith.constant 32 : index
      %parallel_loop3A_275 = tpu.vector_load %arg7[%parallel_loop3A_273, %parallel_loop3A_274] {strides = array<i32>} : memref<48x512xi32, #tpu.memory_space<vmem>>, vector<16xi32>,
      %parallel_loop3A_276 = tpu.vector_load_idx %arg5[%parallel_loop3A_275] : memref<256xf32, #tpu.memory_space<vmem>>[vector<16xi32>], vector<16xf32>,
      %parallel_loop3A_277 = arith.index_cast %parallel_loop3A_258 : i32 to index
      %parallel_loop3A_278 = arith.constant 32 : index
      %parallel_loop3A_279 = tpu.vector_load %arg9[%parallel_loop3A_277, %parallel_loop3A_278] {strides = array<i32>} : memref<48x512xf32, #tpu.memory_space<vmem>>, vector<16xf32>,
      tpu.vector_store %arg9[%parallel_loop3A_277, %parallel_loop3A_278], %parallel_loop3A_276 {strides = array<i32>} : memref<48x512xf32, #tpu.memory_space<vmem>>, vector<16xf32>,
      %parallel_loop3A_280 = arith.index_cast %parallel_loop3A_258 : i32 to index
      %parallel_loop3A_281 = arith.constant 48 : index
      %parallel_loop3A_282 = tpu.vector_load %arg7[%parallel_loop3A_280, %parallel_loop3A_281] {strides = array<i32>} : memref<48x512xi32, #tpu.memory_space<vmem>>, vector<16xi32>,
      %parallel_loop3A_283 = tpu.vector_load_idx %arg5[%parallel_loop3A_282] : memref<256xf32, #tpu.memory_space<vmem>>[vector<16xi32>], vector<16xf32>,
      %parallel_loop3A_284 = arith.index_cast %parallel_loop3A_258 : i32 to index
      %parallel_loop3A_285 = arith.constant 48 : index
      %parallel_loop3A_286 = tpu.vector_load %arg9[%parallel_loop3A_284, %parallel_loop3A_285] {strides = array<i32>} : memref<48x512xf32, #tpu.memory_space<vmem>>, vector<16xf32>,
      tpu.vector_store %arg9[%parallel_loop3A_284, %parallel_loop3A_285], %parallel_loop3A_283 {strides = array<i32>} : memref<48x512xf32, #tpu.memory_space<vmem>>, vector<16xf32>,
      %parallel_loop3A_287 = arith.index_cast %parallel_loop3A_258 : i32 to index
      %parallel_loop3A_288 = arith.constant 64 : index
      %parallel_loop3A_289 = tpu.vector_load %arg7[%parallel_loop3A_287, %parallel_loop3A_288] {strides = array<i32>} : memref<48x512xi32, #tpu.memory_space<vmem>>, vector<16xi32>,
      %parallel_loop3A_290 = tpu.vector_load_idx %arg5[%parallel_loop3A_289] : memref<256xf32, #tpu.memory_space<vmem>>[vector<16xi32>], vector<16xf32>,
      %parallel_loop3A_291 = arith.index_cast %parallel_loop3A_258 : i32 to index
      %parallel_loop3A_292 = arith.constant 64 : index
      %parallel_loop3A_293 = tpu.vector_load %arg9[%parallel_loop3A_291, %parallel_loop3A_292] {strides = array<i32>} : memref<48x512xf32, #tpu.memory_space<vmem>>, vector<16xf32>,
      tpu.vector_store %arg9[%parallel_loop3A_291, %parallel_loop3A_292], %parallel_loop3A_290 {strides = array<i32>} : memref<48x512xf32, #tpu.memory_space<vmem>>, vector<16xf32>,
      %parallel_loop3A_294 = arith.index_cast %parallel_loop3A_258 : i32 to index
      %parallel_loop3A_295 = arith.constant 80 : index
      %parallel_loop3A_296 = tpu.vector_load %arg7[%parallel_loop3A_294, %parallel_loop3A_295] {strides = array<i32>} : memref<48x512xi32, #tpu.memory_space<vmem>>, vector<16xi32>,
      %parallel_loop3A_297 = tpu.vector_load_idx %arg5[%parallel_loop3A_296] : memref<256xf32, #tpu.memory_space<vmem>>[vector<16xi32>], vector<16xf32>,
      %parallel_loop3A_298 = arith.index_cast %parallel_loop3A_258 : i32 to index
      %parallel_loop3A_299 = arith.constant 80 : index
      %parallel_loop3A_300 = tpu.vector_load %arg9[%parallel_loop3A_298, %parallel_loop3A_299] {strides = array<i32>} : memref<48x512xf32, #tpu.memory_space<vmem>>, vector<16xf32>,
      tpu.vector_store %arg9[%parallel_loop3A_298, %parallel_loop3A_299], %parallel_loop3A_297 {strides = array<i32>} : memref<48x512xf32, #tpu.memory_space<vmem>>, vector<16xf32>,
      %parallel_loop3A_301 = arith.index_cast %parallel_loop3A_258 : i32 to index
      %parallel_loop3A_302 = arith.constant 96 : index
      %parallel_loop3A_303 = tpu.vector_load %arg7[%parallel_loop3A_301, %parallel_loop3A_302] {strides = array<i32>} : memref<48x512xi32, #tpu.memory_space<vmem>>, vector<16xi32>,
      %parallel_loop3A_304 = tpu.vector_load_idx %arg5[%parallel_loop3A_303] : memref<256xf32, #tpu.memory_space<vmem>>[vector<16xi32>], vector<16xf32>,
      %parallel_loop3A_305 = arith.index_cast %parallel_loop3A_258 : i32 to index
      %parallel_loop3A_306 = arith.constant 96 : index
      %parallel_loop3A_307 = tpu.vector_load %arg9[%parallel_loop3A_305, %parallel_loop3A_306] {strides = array<i32>} : memref<48x512xf32, #tpu.memory_space<vmem>>, vector<16xf32>,
      tpu.vector_store %arg9[%parallel_loop3A_305, %parallel_loop3A_306], %parallel_loop3A_304 {strides = array<i32>} : memref<48x512xf32, #tpu.memory_space<vmem>>, vector<16xf32>,
      %parallel_loop3A_308 = arith.index_cast %parallel_loop3A_258 : i32 to index
      %parallel_loop3A_309 = arith.constant 112 : index
      %parallel_loop3A_310 = tpu.vector_load %arg7[%parallel_loop3A_308, %parallel_loop3A_309] {strides = array<i32>} : memref<48x512xi32, #tpu.memory_space<vmem>>, vector<16xi32>,
      %parallel_loop3A_311 = tpu.vector_load_idx %arg5[%parallel_loop3A_310] : memref<256xf32, #tpu.memory_space<vmem>>[vector<16xi32>], vector<16xf32>,
      %parallel_loop3A_312 = arith.index_cast %parallel_loop3A_258 : i32 to index
      %parallel_loop3A_313 = arith.constant 112 : index
      %parallel_loop3A_314 = tpu.vector_load %arg9[%parallel_loop3A_312, %parallel_loop3A_313] {strides = array<i32>} : memref<48x512xf32, #tpu.memory_space<vmem>>, vector<16xf32>,
      tpu.vector_store %arg9[%parallel_loop3A_312, %parallel_loop3A_313], %parallel_loop3A_311 {strides = array<i32>} : memref<48x512xf32, #tpu.memory_space<vmem>>, vector<16xf32>,
      %parallel_loop3A_315 = arith.index_cast %parallel_loop3A_258 : i32 to index
      %parallel_loop3A_316 = arith.constant 128 : index
      %parallel_loop3A_317 = tpu.vector_load %arg7[%parallel_loop3A_315, %parallel_loop3A_316] {strides = array<i32>} : memref<48x512xi32, #tpu.memory_space<vmem>>, vector<16xi32>,
      %parallel_loop3A_318 = tpu.vector_load_idx %arg5[%parallel_loop3A_317] : memref<256xf32, #tpu.memory_space<vmem>>[vector<16xi32>], vector<16xf32>,
      %parallel_loop3A_319 = arith.index_cast %parallel_loop3A_258 : i32 to index
      %parallel_loop3A_320 = arith.constant 128 : index
      %parallel_loop3A_321 = tpu.vector_load %arg9[%parallel_loop3A_319, %parallel_loop3A_320] {strides = array<i32>} : memref<48x512xf32, #tpu.memory_space<vmem>>, vector<16xf32>,
      tpu.vector_store %arg9[%parallel_loop3A_319, %parallel_loop3A_320], %parallel_loop3A_318 {strides = array<i32>} : memref<48x512xf32, #tpu.memory_space<vmem>>, vector<16xf32>,
      %parallel_loop3A_322 = arith.index_cast %parallel_loop3A_258 : i32 to index
      %parallel_loop3A_323 = arith.constant 144 : index
      %parallel_loop3A_324 = tpu.vector_load %arg7[%parallel_loop3A_322, %parallel_loop3A_323] {strides = array<i32>} : memref<48x512xi32, #tpu.memory_space<vmem>>, vector<16xi32>,
      %parallel_loop3A_325 = tpu.vector_load_idx %arg5[%parallel_loop3A_324] : memref<256xf32, #tpu.memory_space<vmem>>[vector<16xi32>], vector<16xf32>,
      %parallel_loop3A_326 = arith.index_cast %parallel_loop3A_258 : i32 to index
      %parallel_loop3A_327 = arith.constant 144 : index
      %parallel_loop3A_328 = tpu.vector_load %arg9[%parallel_loop3A_326, %parallel_loop3A_327] {strides = array<i32>} : memref<48x512xf32, #tpu.memory_space<vmem>>, vector<16xf32>,
      tpu.vector_store %arg9[%parallel_loop3A_326, %parallel_loop3A_327], %parallel_loop3A_325 {strides = array<i32>} : memref<48x512xf32, #tpu.memory_space<vmem>>, vector<16xf32>,
      %parallel_loop3A_329 = arith.index_cast %parallel_loop3A_258 : i32 to index
      %parallel_loop3A_330 = arith.constant 160 : index
      %parallel_loop3A_331 = tpu.vector_load %arg7[%parallel_loop3A_329, %parallel_loop3A_330] {strides = array<i32>} : memref<48x512xi32, #tpu.memory_space<vmem>>, vector<16xi32>,
      %parallel_loop3A_332 = tpu.vector_load_idx %arg5[%parallel_loop3A_331] : memref<256xf32, #tpu.memory_space<vmem>>[vector<16xi32>], vector<16xf32>,
      %parallel_loop3A_333 = arith.index_cast %parallel_loop3A_258 : i32 to index
      %parallel_loop3A_334 = arith.constant 160 : index
      %parallel_loop3A_335 = tpu.vector_load %arg9[%parallel_loop3A_333, %parallel_loop3A_334] {strides = array<i32>} : memref<48x512xf32, #tpu.memory_space<vmem>>, vector<16xf32>,
      tpu.vector_store %arg9[%parallel_loop3A_333, %parallel_loop3A_334], %parallel_loop3A_332 {strides = array<i32>} : memref<48x512xf32, #tpu.memory_space<vmem>>, vector<16xf32>,
      %parallel_loop3A_336 = arith.index_cast %parallel_loop3A_258 : i32 to index
      %parallel_loop3A_337 = arith.constant 176 : index
      %parallel_loop3A_338 = tpu.vector_load %arg7[%parallel_loop3A_336, %parallel_loop3A_337] {strides = array<i32>} : memref<48x512xi32, #tpu.memory_space<vmem>>, vector<16xi32>,
      %parallel_loop3A_339 = tpu.vector_load_idx %arg5[%parallel_loop3A_338] : memref<256xf32, #tpu.memory_space<vmem>>[vector<16xi32>], vector<16xf32>,
      %parallel_loop3A_340 = arith.index_cast %parallel_loop3A_258 : i32 to index
      %parallel_loop3A_341 = arith.constant 176 : index
      %parallel_loop3A_342 = tpu.vector_load %arg9[%parallel_loop3A_340, %parallel_loop3A_341] {strides = array<i32>} : memref<48x512xf32, #tpu.memory_space<vmem>>, vector<16xf32>,
      tpu.vector_store %arg9[%parallel_loop3A_340, %parallel_loop3A_341], %parallel_loop3A_339 {strides = array<i32>} : memref<48x512xf32, #tpu.memory_space<vmem>>, vector<16xf32>,
      %parallel_loop3A_343 = arith.index_cast %parallel_loop3A_258 : i32 to index
      %parallel_loop3A_344 = arith.constant 192 : index
      %parallel_loop3A_345 = tpu.vector_load %arg7[%parallel_loop3A_343, %parallel_loop3A_344] {strides = array<i32>} : memref<48x512xi32, #tpu.memory_space<vmem>>, vector<16xi32>,
      %parallel_loop3A_346 = tpu.vector_load_idx %arg5[%parallel_loop3A_345] : memref<256xf32, #tpu.memory_space<vmem>>[vector<16xi32>], vector<16xf32>,
      %parallel_loop3A_347 = arith.index_cast %parallel_loop3A_258 : i32 to index
      %parallel_loop3A_348 = arith.constant 192 : index
      %parallel_loop3A_349 = tpu.vector_load %arg9[%parallel_loop3A_347, %parallel_loop3A_348] {strides = array<i32>} : memref<48x512xf32, #tpu.memory_space<vmem>>, vector<16xf32>,
      tpu.vector_store %arg9[%parallel_loop3A_347, %parallel_loop3A_348], %parallel_loop3A_346 {strides = array<i32>} : memref<48x512xf32, #tpu.memory_space<vmem>>, vector<16xf32>,
      %parallel_loop3A_350 = arith.index_cast %parallel_loop3A_258 : i32 to index
      %parallel_loop3A_351 = arith.constant 208 : index
      %parallel_loop3A_352 = tpu.vector_load %arg7[%parallel_loop3A_350, %parallel_loop3A_351] {strides = array<i32>} : memref<48x512xi32, #tpu.memory_space<vmem>>, vector<16xi32>,
      %parallel_loop3A_353 = tpu.vector_load_idx %arg5[%parallel_loop3A_352] : memref<256xf32, #tpu.memory_space<vmem>>[vector<16xi32>], vector<16xf32>,
      %parallel_loop3A_354 = arith.index_cast %parallel_loop3A_258 : i32 to index
      %parallel_loop3A_355 = arith.constant 208 : index
      %parallel_loop3A_356 = tpu.vector_load %arg9[%parallel_loop3A_354, %parallel_loop3A_355] {strides = array<i32>} : memref<48x512xf32, #tpu.memory_space<vmem>>, vector<16xf32>,
      tpu.vector_store %arg9[%parallel_loop3A_354, %parallel_loop3A_355], %parallel_loop3A_353 {strides = array<i32>} : memref<48x512xf32, #tpu.memory_space<vmem>>, vector<16xf32>,
      %parallel_loop3A_357 = arith.index_cast %parallel_loop3A_258 : i32 to index
      %parallel_loop3A_358 = arith.constant 224 : index
      %parallel_loop3A_359 = tpu.vector_load %arg7[%parallel_loop3A_357, %parallel_loop3A_358] {strides = array<i32>} : memref<48x512xi32, #tpu.memory_space<vmem>>, vector<16xi32>,
      %parallel_loop3A_360 = tpu.vector_load_idx %arg5[%parallel_loop3A_359] : memref<256xf32, #tpu.memory_space<vmem>>[vector<16xi32>], vector<16xf32>,
      %parallel_loop3A_361 = arith.index_cast %parallel_loop3A_258 : i32 to index
      %parallel_loop3A_362 = arith.constant 224 : index
      %parallel_loop3A_363 = tpu.vector_load %arg9[%parallel_loop3A_361, %parallel_loop3A_362] {strides = array<i32>} : memref<48x512xf32, #tpu.memory_space<vmem>>, vector<16xf32>,
      tpu.vector_store %arg9[%parallel_loop3A_361, %parallel_loop3A_362], %parallel_loop3A_360 {strides = array<i32>} : memref<48x512xf32, #tpu.memory_space<vmem>>, vector<16xf32>,
      %parallel_loop3A_364 = arith.index_cast %parallel_loop3A_258 : i32 to index
      %parallel_loop3A_365 = arith.constant 240 : index
      %parallel_loop3A_366 = tpu.vector_load %arg7[%parallel_loop3A_364, %parallel_loop3A_365] {strides = array<i32>} : memref<48x512xi32, #tpu.memory_space<vmem>>, vector<16xi32>,
      %parallel_loop3A_367 = tpu.vector_load_idx %arg5[%parallel_loop3A_366] : memref<256xf32, #tpu.memory_space<vmem>>[vector<16xi32>], vector<16xf32>,
      %parallel_loop3A_368 = arith.index_cast %parallel_loop3A_258 : i32 to index
      %parallel_loop3A_369 = arith.constant 240 : index
      %parallel_loop3A_370 = tpu.vector_load %arg9[%parallel_loop3A_368, %parallel_loop3A_369] {strides = array<i32>} : memref<48x512xf32, #tpu.memory_space<vmem>>, vector<16xf32>,
      tpu.vector_store %arg9[%parallel_loop3A_368, %parallel_loop3A_369], %parallel_loop3A_367 {strides = array<i32>} : memref<48x512xf32, #tpu.memory_space<vmem>>, vector<16xf32>,
      %parallel_loop3A_371 = arith.index_cast %parallel_loop3A_258 : i32 to index
      %parallel_loop3A_372 = arith.constant 256 : index
      %parallel_loop3A_373 = tpu.vector_load %arg7[%parallel_loop3A_371, %parallel_loop3A_372] {strides = array<i32>} : memref<48x512xi32, #tpu.memory_space<vmem>>, vector<16xi32>,
      %parallel_loop3A_374 = tpu.vector_load_idx %arg5[%parallel_loop3A_373] : memref<256xf32, #tpu.memory_space<vmem>>[vector<16xi32>], vector<16xf32>,
      %parallel_loop3A_375 = arith.index_cast %parallel_loop3A_258 : i32 to index
      %parallel_loop3A_376 = arith.constant 256 : index
      %parallel_loop3A_377 = tpu.vector_load %arg9[%parallel_loop3A_375, %parallel_loop3A_376] {strides = array<i32>} : memref<48x512xf32, #tpu.memory_space<vmem>>, vector<16xf32>,
      tpu.vector_store %arg9[%parallel_loop3A_375, %parallel_loop3A_376], %parallel_loop3A_374 {strides = array<i32>} : memref<48x512xf32, #tpu.memory_space<vmem>>, vector<16xf32>,
      %parallel_loop3A_378 = arith.index_cast %parallel_loop3A_258 : i32 to index
      %parallel_loop3A_379 = arith.constant 272 : index
      %parallel_loop3A_380 = tpu.vector_load %arg7[%parallel_loop3A_378, %parallel_loop3A_379] {strides = array<i32>} : memref<48x512xi32, #tpu.memory_space<vmem>>, vector<16xi32>,
      %parallel_loop3A_381 = tpu.vector_load_idx %arg5[%parallel_loop3A_380] : memref<256xf32, #tpu.memory_space<vmem>>[vector<16xi32>], vector<16xf32>,
      %parallel_loop3A_382 = arith.index_cast %parallel_loop3A_258 : i32 to index
      %parallel_loop3A_383 = arith.constant 272 : index
      %parallel_loop3A_384 = tpu.vector_load %arg9[%parallel_loop3A_382, %parallel_loop3A_383] {strides = array<i32>} : memref<48x512xf32, #tpu.memory_space<vmem>>, vector<16xf32>,
      tpu.vector_store %arg9[%parallel_loop3A_382, %parallel_loop3A_383], %parallel_loop3A_381 {strides = array<i32>} : memref<48x512xf32, #tpu.memory_space<vmem>>, vector<16xf32>,
      %parallel_loop3A_385 = arith.index_cast %parallel_loop3A_258 : i32 to index
      %parallel_loop3A_386 = arith.constant 288 : index
      %parallel_loop3A_387 = tpu.vector_load %arg7[%parallel_loop3A_385, %parallel_loop3A_386] {strides = array<i32>} : memref<48x512xi32, #tpu.memory_space<vmem>>, vector<16xi32>,
      %parallel_loop3A_388 = tpu.vector_load_idx %arg5[%parallel_loop3A_387] : memref<256xf32, #tpu.memory_space<vmem>>[vector<16xi32>], vector<16xf32>,
      %parallel_loop3A_389 = arith.index_cast %parallel_loop3A_258 : i32 to index
      %parallel_loop3A_390 = arith.constant 288 : index
      %parallel_loop3A_391 = tpu.vector_load %arg9[%parallel_loop3A_389, %parallel_loop3A_390] {strides = array<i32>} : memref<48x512xf32, #tpu.memory_space<vmem>>, vector<16xf32>,
      tpu.vector_store %arg9[%parallel_loop3A_389, %parallel_loop3A_390], %parallel_loop3A_388 {strides = array<i32>} : memref<48x512xf32, #tpu.memory_space<vmem>>, vector<16xf32>,
      %parallel_loop3A_392 = arith.index_cast %parallel_loop3A_258 : i32 to index
      %parallel_loop3A_393 = arith.constant 304 : index
      %parallel_loop3A_394 = tpu.vector_load %arg7[%parallel_loop3A_392, %parallel_loop3A_393] {strides = array<i32>} : memref<48x512xi32, #tpu.memory_space<vmem>>, vector<16xi32>,
      %parallel_loop3A_395 = tpu.vector_load_idx %arg5[%parallel_loop3A_394] : memref<256xf32, #tpu.memory_space<vmem>>[vector<16xi32>], vector<16xf32>,
      %parallel_loop3A_396 = arith.index_cast %parallel_loop3A_258 : i32 to index
      %parallel_loop3A_397 = arith.constant 304 : index
      %parallel_loop3A_398 = tpu.vector_load %arg9[%parallel_loop3A_396, %parallel_loop3A_397] {strides = array<i32>} : memref<48x512xf32, #tpu.memory_space<vmem>>, vector<16xf32>,
      tpu.vector_store %arg9[%parallel_loop3A_396, %parallel_loop3A_397], %parallel_loop3A_395 {strides = array<i32>} : memref<48x512xf32, #tpu.memory_space<vmem>>, vector<16xf32>,
      %parallel_loop3A_399 = arith.index_cast %parallel_loop3A_258 : i32 to index
      %parallel_loop3A_400 = arith.constant 320 : index
      %parallel_loop3A_401 = tpu.vector_load %arg7[%parallel_loop3A_399, %parallel_loop3A_400] {strides = array<i32>} : memref<48x512xi32, #tpu.memory_space<vmem>>, vector<16xi32>,
      %parallel_loop3A_402 = tpu.vector_load_idx %arg5[%parallel_loop3A_401] : memref<256xf32, #tpu.memory_space<vmem>>[vector<16xi32>], vector<16xf32>,
      %parallel_loop3A_403 = arith.index_cast %parallel_loop3A_258 : i32 to index
      %parallel_loop3A_404 = arith.constant 320 : index
      %parallel_loop3A_405 = tpu.vector_load %arg9[%parallel_loop3A_403, %parallel_loop3A_404] {strides = array<i32>} : memref<48x512xf32, #tpu.memory_space<vmem>>, vector<16xf32>,
      tpu.vector_store %arg9[%parallel_loop3A_403, %parallel_loop3A_404], %parallel_loop3A_402 {strides = array<i32>} : memref<48x512xf32, #tpu.memory_space<vmem>>, vector<16xf32>,
      %parallel_loop3A_406 = arith.index_cast %parallel_loop3A_258 : i32 to index
      %parallel_loop3A_407 = arith.constant 336 : index
      %parallel_loop3A_408 = tpu.vector_load %arg7[%parallel_loop3A_406, %parallel_loop3A_407] {strides = array<i32>} : memref<48x512xi32, #tpu.memory_space<vmem>>, vector<16xi32>,
      %parallel_loop3A_409 = tpu.vector_load_idx %arg5[%parallel_loop3A_408] : memref<256xf32, #tpu.memory_space<vmem>>[vector<16xi32>], vector<16xf32>,
      %parallel_loop3A_410 = arith.index_cast %parallel_loop3A_258 : i32 to index
      %parallel_loop3A_411 = arith.constant 336 : index
      %parallel_loop3A_412 = tpu.vector_load %arg9[%parallel_loop3A_410, %parallel_loop3A_411] {strides = array<i32>} : memref<48x512xf32, #tpu.memory_space<vmem>>, vector<16xf32>,
      tpu.vector_store %arg9[%parallel_loop3A_410, %parallel_loop3A_411], %parallel_loop3A_409 {strides = array<i32>} : memref<48x512xf32, #tpu.memory_space<vmem>>, vector<16xf32>,
      %parallel_loop3A_413 = arith.index_cast %parallel_loop3A_258 : i32 to index
      %parallel_loop3A_414 = arith.constant 352 : index
      %parallel_loop3A_415 = tpu.vector_load %arg7[%parallel_loop3A_413, %parallel_loop3A_414] {strides = array<i32>} : memref<48x512xi32, #tpu.memory_space<vmem>>, vector<16xi32>,
      %parallel_loop3A_416 = tpu.vector_load_idx %arg5[%parallel_loop3A_415] : memref<256xf32, #tpu.memory_space<vmem>>[vector<16xi32>], vector<16xf32>,
      %parallel_loop3A_417 = arith.index_cast %parallel_loop3A_258 : i32 to index
      %parallel_loop3A_418 = arith.constant 352 : index
      %parallel_loop3A_419 = tpu.vector_load %arg9[%parallel_loop3A_417, %parallel_loop3A_418] {strides = array<i32>} : memref<48x512xf32, #tpu.memory_space<vmem>>, vector<16xf32>,
      tpu.vector_store %arg9[%parallel_loop3A_417, %parallel_loop3A_418], %parallel_loop3A_416 {strides = array<i32>} : memref<48x512xf32, #tpu.memory_space<vmem>>, vector<16xf32>,
      %parallel_loop3A_420 = arith.index_cast %parallel_loop3A_258 : i32 to index
      %parallel_loop3A_421 = arith.constant 368 : index
      %parallel_loop3A_422 = tpu.vector_load %arg7[%parallel_loop3A_420, %parallel_loop3A_421] {strides = array<i32>} : memref<48x512xi32, #tpu.memory_space<vmem>>, vector<16xi32>,
      %parallel_loop3A_423 = tpu.vector_load_idx %arg5[%parallel_loop3A_422] : memref<256xf32, #tpu.memory_space<vmem>>[vector<16xi32>], vector<16xf32>,
      %parallel_loop3A_424 = arith.index_cast %parallel_loop3A_258 : i32 to index
      %parallel_loop3A_425 = arith.constant 368 : index
      %parallel_loop3A_426 = tpu.vector_load %arg9[%parallel_loop3A_424, %parallel_loop3A_425] {strides = array<i32>} : memref<48x512xf32, #tpu.memory_space<vmem>>, vector<16xf32>,
      tpu.vector_store %arg9[%parallel_loop3A_424, %parallel_loop3A_425], %parallel_loop3A_423 {strides = array<i32>} : memref<48x512xf32, #tpu.memory_space<vmem>>, vector<16xf32>,
      %parallel_loop3A_427 = arith.index_cast %parallel_loop3A_258 : i32 to index
      %parallel_loop3A_428 = arith.constant 384 : index
      %parallel_loop3A_429 = tpu.vector_load %arg7[%parallel_loop3A_427, %parallel_loop3A_428] {strides = array<i32>} : memref<48x512xi32, #tpu.memory_space<vmem>>, vector<16xi32>,
      %parallel_loop3A_430 = tpu.vector_load_idx %arg5[%parallel_loop3A_429] : memref<256xf32, #tpu.memory_space<vmem>>[vector<16xi32>], vector<16xf32>,
      %parallel_loop3A_431 = arith.index_cast %parallel_loop3A_258 : i32 to index
      %parallel_loop3A_432 = arith.constant 384 : index
      %parallel_loop3A_433 = tpu.vector_load %arg9[%parallel_loop3A_431, %parallel_loop3A_432] {strides = array<i32>} : memref<48x512xf32, #tpu.memory_space<vmem>>, vector<16xf32>,
      tpu.vector_store %arg9[%parallel_loop3A_431, %parallel_loop3A_432], %parallel_loop3A_430 {strides = array<i32>} : memref<48x512xf32, #tpu.memory_space<vmem>>, vector<16xf32>,
      %parallel_loop3A_434 = arith.index_cast %parallel_loop3A_258 : i32 to index
      %parallel_loop3A_435 = arith.constant 400 : index
      %parallel_loop3A_436 = tpu.vector_load %arg7[%parallel_loop3A_434, %parallel_loop3A_435] {strides = array<i32>} : memref<48x512xi32, #tpu.memory_space<vmem>>, vector<16xi32>,
      %parallel_loop3A_437 = tpu.vector_load_idx %arg5[%parallel_loop3A_436] : memref<256xf32, #tpu.memory_space<vmem>>[vector<16xi32>], vector<16xf32>,
      %parallel_loop3A_438 = arith.index_cast %parallel_loop3A_258 : i32 to index
      %parallel_loop3A_439 = arith.constant 400 : index
      %parallel_loop3A_440 = tpu.vector_load %arg9[%parallel_loop3A_438, %parallel_loop3A_439] {strides = array<i32>} : memref<48x512xf32, #tpu.memory_space<vmem>>, vector<16xf32>,
      tpu.vector_store %arg9[%parallel_loop3A_438, %parallel_loop3A_439], %parallel_loop3A_437 {strides = array<i32>} : memref<48x512xf32, #tpu.memory_space<vmem>>, vector<16xf32>,
      %parallel_loop3A_441 = arith.index_cast %parallel_loop3A_258 : i32 to index
      %parallel_loop3A_442 = arith.constant 416 : index
      %parallel_loop3A_443 = tpu.vector_load %arg7[%parallel_loop3A_441, %parallel_loop3A_442] {strides = array<i32>} : memref<48x512xi32, #tpu.memory_space<vmem>>, vector<16xi32>,
      %parallel_loop3A_444 = tpu.vector_load_idx %arg5[%parallel_loop3A_443] : memref<256xf32, #tpu.memory_space<vmem>>[vector<16xi32>], vector<16xf32>,
      %parallel_loop3A_445 = arith.index_cast %parallel_loop3A_258 : i32 to index
      %parallel_loop3A_446 = arith.constant 416 : index
      %parallel_loop3A_447 = tpu.vector_load %arg9[%parallel_loop3A_445, %parallel_loop3A_446] {strides = array<i32>} : memref<48x512xf32, #tpu.memory_space<vmem>>, vector<16xf32>,
      tpu.vector_store %arg9[%parallel_loop3A_445, %parallel_loop3A_446], %parallel_loop3A_444 {strides = array<i32>} : memref<48x512xf32, #tpu.memory_space<vmem>>, vector<16xf32>,
      %parallel_loop3A_448 = arith.index_cast %parallel_loop3A_258 : i32 to index
      %parallel_loop3A_449 = arith.constant 432 : index
      %parallel_loop3A_450 = tpu.vector_load %arg7[%parallel_loop3A_448, %parallel_loop3A_449] {strides = array<i32>} : memref<48x512xi32, #tpu.memory_space<vmem>>, vector<16xi32>,
      %parallel_loop3A_451 = tpu.vector_load_idx %arg5[%parallel_loop3A_450] : memref<256xf32, #tpu.memory_space<vmem>>[vector<16xi32>], vector<16xf32>,
      %parallel_loop3A_452 = arith.index_cast %parallel_loop3A_258 : i32 to index
      %parallel_loop3A_453 = arith.constant 432 : index
      %parallel_loop3A_454 = tpu.vector_load %arg9[%parallel_loop3A_452, %parallel_loop3A_453] {strides = array<i32>} : memref<48x512xf32, #tpu.memory_space<vmem>>, vector<16xf32>,
      tpu.vector_store %arg9[%parallel_loop3A_452, %parallel_loop3A_453], %parallel_loop3A_451 {strides = array<i32>} : memref<48x512xf32, #tpu.memory_space<vmem>>, vector<16xf32>,
      %parallel_loop3A_455 = arith.index_cast %parallel_loop3A_258 : i32 to index
      %parallel_loop3A_456 = arith.constant 448 : index
      %parallel_loop3A_457 = tpu.vector_load %arg7[%parallel_loop3A_455, %parallel_loop3A_456] {strides = array<i32>} : memref<48x512xi32, #tpu.memory_space<vmem>>, vector<16xi32>,
      %parallel_loop3A_458 = tpu.vector_load_idx %arg5[%parallel_loop3A_457] : memref<256xf32, #tpu.memory_space<vmem>>[vector<16xi32>], vector<16xf32>,
      %parallel_loop3A_459 = arith.index_cast %parallel_loop3A_258 : i32 to index
      %parallel_loop3A_460 = arith.constant 448 : index
      %parallel_loop3A_461 = tpu.vector_load %arg9[%parallel_loop3A_459, %parallel_loop3A_460] {strides = array<i32>} : memref<48x512xf32, #tpu.memory_space<vmem>>, vector<16xf32>,
      tpu.vector_store %arg9[%parallel_loop3A_459, %parallel_loop3A_460], %parallel_loop3A_458 {strides = array<i32>} : memref<48x512xf32, #tpu.memory_space<vmem>>, vector<16xf32>,
      %parallel_loop3A_462 = arith.index_cast %parallel_loop3A_258 : i32 to index
      %parallel_loop3A_463 = arith.constant 464 : index
      %parallel_loop3A_464 = tpu.vector_load %arg7[%parallel_loop3A_462, %parallel_loop3A_463] {strides = array<i32>} : memref<48x512xi32, #tpu.memory_space<vmem>>, vector<16xi32>,
      %parallel_loop3A_465 = tpu.vector_load_idx %arg5[%parallel_loop3A_464] : memref<256xf32, #tpu.memory_space<vmem>>[vector<16xi32>], vector<16xf32>,
      %parallel_loop3A_466 = arith.index_cast %parallel_loop3A_258 : i32 to index
      %parallel_loop3A_467 = arith.constant 464 : index
      %parallel_loop3A_468 = tpu.vector_load %arg9[%parallel_loop3A_466, %parallel_loop3A_467] {strides = array<i32>} : memref<48x512xf32, #tpu.memory_space<vmem>>, vector<16xf32>,
      tpu.vector_store %arg9[%parallel_loop3A_466, %parallel_loop3A_467], %parallel_loop3A_465 {strides = array<i32>} : memref<48x512xf32, #tpu.memory_space<vmem>>, vector<16xf32>,
      %parallel_loop3A_469 = arith.index_cast %parallel_loop3A_258 : i32 to index
      %parallel_loop3A_470 = arith.constant 480 : index
      %parallel_loop3A_471 = tpu.vector_load %arg7[%parallel_loop3A_469, %parallel_loop3A_470] {strides = array<i32>} : memref<48x512xi32, #tpu.memory_space<vmem>>, vector<16xi32>,
      %parallel_loop3A_472 = tpu.vector_load_idx %arg5[%parallel_loop3A_471] : memref<256xf32, #tpu.memory_space<vmem>>[vector<16xi32>], vector<16xf32>,
      %parallel_loop3A_473 = arith.index_cast %parallel_loop3A_258 : i32 to index
      %parallel_loop3A_474 = arith.constant 480 : index
      %parallel_loop3A_475 = tpu.vector_load %arg9[%parallel_loop3A_473, %parallel_loop3A_474] {strides = array<i32>} : memref<48x512xf32, #tpu.memory_space<vmem>>, vector<16xf32>,
      tpu.vector_store %arg9[%parallel_loop3A_473, %parallel_loop3A_474], %parallel_loop3A_472 {strides = array<i32>} : memref<48x512xf32, #tpu.memory_space<vmem>>, vector<16xf32>,
      %parallel_loop3A_476 = arith.index_cast %parallel_loop3A_258 : i32 to index
      %parallel_loop3A_477 = arith.constant 496 : index
      %parallel_loop3A_478 = tpu.vector_load %arg7[%parallel_loop3A_476, %parallel_loop3A_477] {strides = array<i32>} : memref<48x512xi32, #tpu.memory_space<vmem>>, vector<16xi32>,
      %parallel_loop3A_479 = tpu.vector_load_idx %arg5[%parallel_loop3A_478] : memref<256xf32, #tpu.memory_space<vmem>>[vector<16xi32>], vector<16xf32>,
      %parallel_loop3A_480 = arith.index_cast %parallel_loop3A_258 : i32 to index
      %parallel_loop3A_481 = arith.constant 496 : index
      %parallel_loop3A_482 = tpu.vector_load %arg9[%parallel_loop3A_480, %parallel_loop3A_481] {strides = array<i32>} : memref<48x512xf32, #tpu.memory_space<vmem>>, vector<16xf32>,
      tpu.vector_store %arg9[%parallel_loop3A_480, %parallel_loop3A_481], %parallel_loop3A_479 {strides = array<i32>} : memref<48x512xf32, #tpu.memory_space<vmem>>, vector<16xf32>,
    } {sc.loop_unroll_factor = 1 : i64, sc.parallel_access}
    %dma_start3A_228 = arith.constant 0 : i32
    %dma_start3A_229 = arith.constant 0 : i32
    %dma_start3A_230 = tpu.memref_slice %arg9[%dma_start3A_228, %dma_start3A_229] : memref<48x512xf32, #tpu.memory_space<vmem>> -> memref<16x512xf32, #tpu.memory_space<vmem>>
    %dma_start3A_231 = arith.constant 184 : i32
    %dma_start3A_232 = tpu.memref_slice %arg4[%dma_start3A_231, %mul3A_2] : memref<200x16384xf32, #tpu.memory_space<hbm>> -> memref<16x512xf32, #tpu.memory_space<hbm>>
    %dma_start3A_233 = arith.constant 184 : i32
    %dma_start3A_234 = tpu.memref_slice %arg4[%dma_start3A_233, %mul3A_2] : memref<200x16384xf32, #tpu.memory_space<hbm>> -> memref<16x512xf32, #tpu.memory_space<hbm>>
    %dma_start3A_235 = arith.constant 0 : i32
    %dma_start3A_236 = arith.constant 0 : i32
    %dma_start3A_237 = tpu.memref_slice %arg9[%dma_start3A_235, %dma_start3A_236] : memref<48x512xf32, #tpu.memory_space<vmem>> -> memref<16x512xf32, #tpu.memory_space<vmem>>
    tpu.enqueue_dma source(%dma_start3A_237 : memref<16x512xf32, #tpu.memory_space<vmem>>) target(%dma_start3A_234 : memref<16x512xf32, #tpu.memory_space<hbm>>) target_semaphore(%arg14 : memref<!tpu.dma_semaphore, #tpu.memory_space<semaphore_mem>>)
    %dma_wait3A_238 = arith.constant 0 : i32
    %dma_wait3A_239 = arith.constant 0 : i32
    %dma_wait3A_240 = tpu.memref_slice %arg8[%dma_wait3A_238, %dma_wait3A_239] : memref<48x512xf32, #tpu.memory_space<vmem>> -> memref<40x512xf32, #tpu.memory_space<vmem>>
    %dma_wait3A_241 = arith.constant 144 : i32
    %dma_wait3A_242 = tpu.memref_slice %arg4[%dma_wait3A_241, %mul3A_2] : memref<200x16384xf32, #tpu.memory_space<hbm>> -> memref<40x512xf32, #tpu.memory_space<hbm>>
    %dma_wait3A_243 = arith.constant 144 : i32
    %dma_wait3A_244 = tpu.memref_slice %arg4[%dma_wait3A_243, %mul3A_2] : memref<200x16384xf32, #tpu.memory_space<hbm>> -> memref<40x512xf32, #tpu.memory_space<hbm>>
    %dma_wait3A_245 = arith.constant 0 : i32
    %dma_wait3A_246 = arith.constant 0 : i32
    %dma_wait3A_247 = tpu.memref_slice %arg8[%dma_wait3A_245, %dma_wait3A_246] : memref<48x512xf32, #tpu.memory_space<vmem>> -> memref<40x512xf32, #tpu.memory_space<vmem>>
    tpu.wait_dma2 semaphore(%arg13 : memref<!tpu.dma_semaphore, #tpu.memory_space<semaphore_mem>>) src(%dma_wait3A_247 : memref<40x512xf32, #tpu.memory_space<vmem>>) dst(%dma_wait3A_244 : memref<40x512xf32, #tpu.memory_space<hbm>>)
    %dma_wait3A_248 = arith.constant 0 : i32
    %dma_wait3A_249 = arith.constant 0 : i32
    %dma_wait3A_250 = tpu.memref_slice %arg9[%dma_wait3A_248, %dma_wait3A_249] : memref<48x512xf32, #tpu.memory_space<vmem>> -> memref<16x512xf32, #tpu.memory_space<vmem>>
    %dma_wait3A_251 = arith.constant 184 : i32
    %dma_wait3A_252 = tpu.memref_slice %arg4[%dma_wait3A_251, %mul3A_2] : memref<200x16384xf32, #tpu.memory_space<hbm>> -> memref<16x512xf32, #tpu.memory_space<hbm>>
    %dma_wait3A_253 = arith.constant 184 : i32
    %dma_wait3A_254 = tpu.memref_slice %arg4[%dma_wait3A_253, %mul3A_2] : memref<200x16384xf32, #tpu.memory_space<hbm>> -> memref<16x512xf32, #tpu.memory_space<hbm>>
    %dma_wait3A_255 = arith.constant 0 : i32
    %dma_wait3A_256 = arith.constant 0 : i32
    %dma_wait3A_257 = tpu.memref_slice %arg9[%dma_wait3A_255, %dma_wait3A_256] : memref<48x512xf32, #tpu.memory_space<vmem>> -> memref<16x512xf32, #tpu.memory_space<vmem>>
    tpu.wait_dma2 semaphore(%arg14 : memref<!tpu.dma_semaphore, #tpu.memory_space<semaphore_mem>>) src(%dma_wait3A_257 : memref<16x512xf32, #tpu.memory_space<vmem>>) dst(%dma_wait3A_254 : memref<16x512xf32, #tpu.memory_space<hbm>>)
    return
  }
}

</mosaic_0001>

<sc_bundles>
// kernel: kernel.3.cloned.1.call-start
scs
__scs_entry_jumppad:
0x0: {  	(pc) =	sbr.rel $0x88, $3  }
0x1: {  	(tag) =	ssettag $0x0;
	lr =	simm.s32 $0x1  }
0x2: {  	[smem:$0x3F9F] =	sst lr;
	_ =	strace $0xD0000000  }
0x3: {  	_ = 	snop  }
0x4: {  	_ = 	snop  }
0x5: {  	_ = 	snop  }
0x6: {  	_ = 	snop  }
0x7: {  	_ = 	snop  }
__scs_overlays_trampoline_lowered:
0x8: {  	[smem:$0x3FAE] =	sst s0  }
0x9: {  	[smem:$0x3FAF] =	sst s1  }
0xa: {  	[smem:$0x3FB0] =	sst s2  }
0xb: {  	[smem:$0x3FB1] =	sst s3  }
0xc: {  	[smem:$0x3FB2] =	sst s4  }
0xd: {  	[smem:$0x3FB3] =	sst s5  }
0xe: {  	[smem:$0x3FB4] =	sst s6  }
0xf: {  	[smem:$0x3FB5] =	sst s7  }
0x10: {  	[smem:$0x3FB6] =	sst s8  }
0x11: {  	[smem:$0x3FB7] =	sst s9;
	s0 =	simm.s32 @!p0 $0x0  }
0x12: {  	s1 =	sld [smem:$0x3F9D];
	s0 =	simm.s32 @p0 $0x1  }
0x13: {  	[smem:$0x3FB8] =	sst s0;
	s0 =	simm.s32 @!p1 $0x0  }
0x14: {  	s2 =	sld [smem:$0x3F9C];
	s0 =	simm.s32 @p1 $0x1  }
0x15: {  	[smem:$0x3FB9] =	sst s0;
	s0 =	simm.s32 @!p2 $0x0  }
0x16: {  	s3 =	sld [smem:$0x3FDB];
	s0 =	simm.s32 @p2 $0x1  }
0x17: {  	s4 =	simm.s32 $0x1BF5;
	[smem:$0x3FBB] =	sst s0  }
0x18: {  	s0 =	sld [smem:$0x3F9E];
	_ =	swait.ge [sflag:s4], $0x0  }
0x19: {  	s7 =	sld [smem:$0x3F9F]  }
0x1a: {  	s8 =	sadd.s32 $0xFFFFE003, lr  }
0x1b: {  	s9 =	sadd.s32 $0xFFFFFEF7, lr;
	s5 =	simm.s32 $0xFFFFFFFF;
	p2 =	slt.u32 s8, $0xFFFFF086  }
0x1c: {  	p1 =	slt.u32 s9, $0xF7A;
	s5 =	simm.s32 @!p2 $0x0  }
0x1d: {  	s5 =	simm.s32 @p1 $0x1;
	p0 =	seq.s32 s7, s2  }
0x1e: {  	s7 =	smul.u32 @!p0 $0xF7A, s2;
	p2 =	seq.s32 @!p0 s5, $0x0  }
0x1f: {  	s9 =	smul.u32 $0xF7A, s1;
	s8 =	simm.s32 @!p0 $0x1BF5;
	p2 =	por !p2, p0  }
0x20: {  	[sflag:s8] =	ssyncset.s32 @!p0 $0xFFFFF086;
	s6 =	sadd.s32 @!p0 s3, s7;
	s7 =	simm.s32 @!p0 $0x108  }
0x21: {  	s3 =	sadd.s32 s3, s9;
	s6 =	sadd.s32 @!p0 $0x88, s6;
	s7 =	simm.s32 @p2 $0x1082  }
0x22: {  	[simem:s7], [sflag:s8] =	dma.local @!p0 [hbm:s6], $0xF7A  }
0x23: {  	s9 =	sor.u32 $0xD0000000, s2;
	s6 =	simm.s32 $0x108;
	_ =	swait.ge @!p0 [sflag:s8], $0x0  }
0x24: {  	s3 =	sadd.s32 $0x88, s3;
	s6 =	simm.s32 @!p1 $0x1082;
	[sflag:s4] =	ssyncset.s32 $0xFFFFF086  }
0x25: {  	[simem:s6], [sflag:s4] =	dma.local [hbm:s3], $0xF7A  }
0x26: {  	[smem:$0x3F9F] =	sst s1;
	(tag) =	ssettag s2;
	_ =	strace s9  }
0x27: {  	s1 =	sld [smem:$0x3FAF]  }
0x28: {  	s2 =	sld [smem:$0x3FB0]  }
0x29: {  	s4 =	sld [smem:$0x3FB2]  }
0x2a: {  	p0 =	seq.s32 s5, $0x0;
	s5 =	sld [smem:$0x3FB3]  }
0x2b: {  	s6 =	sld [smem:$0x3FB4]  }
0x2c: {  	s7 =	sld [smem:$0x3FB5]  }
0x2d: {  	s3 =	simm.s32 $0x108;
	s8 =	sld [smem:$0x3FB6]  }
0x2e: {  	s3 =	simm.s32 @!p0 $0x1082;
	s9 =	sld [smem:$0x3FB7]  }
0x2f: {  	lr =	sadd.s32 s0, s3;
	s0 =	sld [smem:$0x3FAE]  }
0x30: {  	s3 =	sld [smem:$0x3FB1]  }
0x31: {  	[smem:$0x3FBA] =	sst s10  }
0x32: {  	s10 =	sld [smem:$0x3FB8];
	_ =	sdelay $0x3  }
0x33: {  	p0 =	seq.s32 s10, $0x1;
	s10 =	sld [smem:$0x3FBA];
	_ =	sdelay $0x3  }
0x34: {  	[smem:$0x3FBA] =	sst s10  }
0x35: {  	s10 =	sld [smem:$0x3FB9];
	_ =	sdelay $0x3  }
0x36: {  	p1 =	seq.s32 s10, $0x1;
	s10 =	sld [smem:$0x3FBA];
	_ =	sdelay $0x3  }
0x37: {  	[smem:$0x3FBA] =	sst s10  }
0x38: {  	s10 =	sld [smem:$0x3FBB]  }
0x39: {  	_ = 	snop;
	(pc) =	sbr.ind lr, $3  }
0x3a: {  	_ = 	snop  }
0x3b: {  	_ = 	snop  }
0x3c: {  	p2 =	seq.s32 s10, $0x1;
	s10 =	sld [smem:$0x3FBA]  }
0x3d: {  	_ =	shalt  }
0x3e: {  	_ =	shalt  }
0x3f: {  	_ =	shalt  }
0x40: {  	_ =	shalt  }
0x41: {  	_ =	shalt  }
0x42: {  	_ =	shalt  }
0x43: {  	_ =	shalt  }
0x44: {  	_ =	shalt  }
0x45: {  	_ =	shalt  }
0x46: {  	_ =	shalt  }
0x47: {  	_ =	shalt  }
0x48: {  	_ =	shalt  }
0x49: {  	_ =	shalt  }
0x4a: {  	_ =	shalt  }
0x4b: {  	_ =	shalt  }
0x4c: {  	_ =	shalt  }
0x4d: {  	_ =	shalt  }
0x4e: {  	_ =	shalt  }
0x4f: {  	_ =	shalt  }
0x50: {  	_ =	shalt  }
0x51: {  	_ =	shalt  }
0x52: {  	_ =	shalt  }
0x53: {  	_ =	shalt  }
0x54: {  	_ =	shalt  }
0x55: {  	_ =	shalt  }
0x56: {  	_ =	shalt  }
0x57: {  	_ =	shalt  }
0x58: {  	_ =	shalt  }
0x59: {  	_ =	shalt  }
0x5a: {  	_ =	shalt  }
0x5b: {  	_ =	shalt  }
0x5c: {  	_ =	shalt  }
0x5d: {  	_ =	shalt  }
0x5e: {  	_ =	shalt  }
0x5f: {  	_ =	shalt  }
0x60: {  	_ =	shalt  }
0x61: {  	_ =	shalt  }
0x62: {  	_ =	shalt  }
0x63: {  	_ =	shalt  }
0x64: {  	_ =	shalt  }
0x65: {  	_ =	shalt  }
0x66: {  	_ =	shalt  }
0x67: {  	_ =	shalt  }
0x68: {  	_ =	shalt  }
0x69: {  	_ =	shalt  }
0x6a: {  	_ =	shalt  }
0x6b: {  	_ =	shalt  }
0x6c: {  	_ =	shalt  }
0x6d: {  	_ =	shalt  }
0x6e: {  	_ =	shalt  }
0x6f: {  	_ =	shalt  }
0x70: {  	_ =	shalt  }
0x71: {  	_ =	shalt  }
0x72: {  	_ =	shalt  }
0x73: {  	_ =	shalt  }
0x74: {  	_ =	shalt  }
0x75: {  	_ =	shalt  }
0x76: {  	_ =	shalt  }
0x77: {  	_ =	shalt  }
0x78: {  	_ =	shalt  }
0x79: {  	_ =	shalt  }
0x7a: {  	_ =	shalt  }
0x7b: {  	_ =	shalt  }
0x7c: {  	_ =	shalt  }
0x7d: {  	_ =	shalt  }
0x7e: {  	_ =	shalt  }
0x7f: {  	_ =	shalt  }
0x80: {  	_ =	shalt  }
0x81: {  	_ =	shalt  }
0x82: {  	_ =	shalt  }
0x83: {  	_ =	shalt  }
0x84: {  	_ =	shalt  }
0x85: {  	_ =	shalt  }
0x86: {  	_ =	shalt  }
0x87: {  	_ =	shalt  }
.Lfunc_end0:
.L_simem_size_0:
called_computation_lowered:
.L_overlay_start_0:
0x88: {  	s2 =	sld [smem:$0x3FD9]  }
0x89: {  	s3 =	sld [smem:$0x3FFE];
	_ =	sdelay $0x1  }
0x8a: {  	s1 =	srdreg.scid  }
0x8b: {  	s0 =	sand.u32 $0x1, s1  }
0x8c: {  	s18 =	sshll.u32 s0, $0xA;
	s2 =	sadd.s32 s3, s2  }
0x8d: {  	s2 =	sadd.s32 s2, s18  }
0x8e: {  	[smem:$0x3FC6] =	sst s2  }
0x8f: {  	_ = 	snop  }
0x90: {  	s2 =	sld [smem:$0x3FC9]  }
0x91: {  	s19 =	sld [smem:$0x3FC8]  }
0x92: {  	s4 =	sld [smem:$0x3FD0];
	(tm) =	ssettm $0x1  }
0x93: {  	s5 =	sld [smem:$0x3FFB];
	_ =	sdelay $0x3  }
0x94: {  	_ =	strace s5  }
0x95: {  	s5 =	sld [smem:$0x3FFC];
	_ =	sdelay $0x3  }
0x96: {  	_ =	strace s5  }
0x97: {  	s5 =	sld [smem:$0x3FFD];
	_ =	sdelay $0x3  }
0x98: {  	_ =	strace s5  }
0x99: {  	_ =	strace $0x8FFFFFFF  }
0x9a: {  	s20 =	sld [smem:$0x3FDB];
	_ =	sdelay $0x1  }
0x9b: {  	s6 =	simm.s32 $_scs_section_size  }
0x9c: {  	s7 =	simm.s32 $_size__tile_overlayer_lowered;
	s8 =	simm.s32 $_tile_overlayer_lowered  }
0x9d: {  	s23 =	simm.s32 $0x1BFF;
	s22 =	sshll.u32 s8, $0x1;
	s5 =	sadd.s32 s6, s20  }
0x9e: {  	s9 =	simm.s32 $0x0;
	s21 =	sshll.u32 s7, $0x1;
	s7 =	sadd.s32 s22, s5  }
0x9f: {  	[timem:s9], [sflag:s23] =	dma.local [hbm:s7], s21  }
0xa0: {  	_ =	swait.ge [sflag:s23], s21  }
0xa1: {  	s6 =	ssub.s32 $0x0, s21;
	[sflag:s23] =	ssyncset.done $0x0  }
0xa2: {  	[sflag:s23] =	ssyncadd.s32 s6;
	_ =	sdelay $0x1  }
0xa3: {  	s24 =	simm.s32 $0x1B8B  }
0xa4: {  	_ =	swait.ge [sflag:s24], $0x1  }
0xa5: {  	[sflag:s24] =	ssyncset.done $0x0  }
0xa6: {  	s25 =	simm.s32 $0x1B8E;
	[sflag:s24] =	ssyncadd.s32 $0xFFFFFFFF  }
0xa7: {  	s26 =	simm.s32 $execute0_lowered;
	[smem:$0x3FD2] =	sst s25  }
0xa8: {  	s6 =	sshll.u32 s26, $0x1;
	_ =	strace $0x80000046;
	[dreg:$0x1] =	wrdreg $0xFFFFFFFF  }
0xa9: {  	s28 =	simm.s32 $_size_execute0_lowered;
	s5 =	sadd.s32 s5, s6;
	[dreg:$0x0] =	wrdreg $0x0  }
0xaa: {  	s6 =	sshll.u32 s28, $0x1;
	[dreg:$0x2] =	wrdreg s5  }
0xab: {  	[dreg:$0x3] =	wrdreg s6  }
0xac: {  	[dreg:$0x4] =	wrdreg $0xC0  }
0xad: {  	_ =	task [dreg:s9], $0x5FFFF  }
0xae: {  	[dreg:$0x1] =	wrdreg $0xFFFFFFFF  }
0xaf: {  	[dreg:$0x0] =	wrdreg $0x60  }
0xb0: {  	[dreg:$0x2] =	wrdreg s2  }
0xb1: {  	[dreg:$0x3] =	wrdreg s19  }
0xb2: {  	[dreg:$0x4] =	wrdreg s4  }
0xb3: {  	[dreg:$0x5] =	wrdreg $0x9  }
0xb4: {  	_ =	task.clear_ibuf [dreg:s9], $0x6FFFF;
	_ =	strace $0x90000046  }
0xb5: {  	s29 =	simm.s32 $0x9;
	_ =	strace $0x80000048  }
0xb6: {  	_ =	swait.ge [sflag:s29], $0x1  }
0xb7: {  	[sflag:s29] =	ssyncadd.s32 $0xFFFFFFFF  }
0xb8: {  	_ =	strace $0x90000048  }
0xb9: {  	_ =	sfence  }
0xba: {  	s30 =	sld [smem:$0x0];
	_ =	sdelay $0x2  }
0xbb: {  	s31 =	sshll.u32 s1, $0xD;
	s1 =	sshrl.u32 s1, $0x2  }
0xbc: {  	s3 =	sand.u32 $0x4000, s31;
	s1 =	sadd.s32 s1, s30  }
0xbd: {  	s0 =	sor.u32 s3, s0;
	s1 =	sshll.u32 s1, $0x11  }
0xbe: {  	s0 =	sor.u32 s1, s0  }
0xbf: {  	s0 =	sadd.s32 $0x8F2B, s0  }
0xc0: {  	[sflag:s0] =	ssyncadd.remote.s32 $0x1  }
0xc1: {  	_ =	sfence.sel $0xFFFF  }
0xc2: {  	[dreg:$0x0] =	wrdreg $0xFFFFFFFF;
	(pc) =	sbr.abs _section_cstart, $3  }
0xc3: {  	[dreg:$0x1] =	wrdreg $0xFFFFFFFF  }
0xc4: {  	_ =	task.clear_ibuf [dreg:s9], $0x2FFFF;
	_ =	strace $0x9FFFFFFF  }
0xc5: {  	(tm) =	ssettm $0x7FFFFFFF  }
tec
execute0_lowered:
.L_overlay_start_1:
0x0: {  	(tag) =	ssettag $0x1  }
0x1: {  	s0 =	rddreg [dreg:$0x0]  }
0x2: {  	s1 =	rddreg [dreg:$0x2]  }
0x3: {  	s2 =	srdreg.scid;
	s4 =	stileid.u32  }
0x4: {  	s3 =	simm.s32 $0x0;
	s17 =	simm.s32 $0x100;
	s18 =	simm.s32 $0x1000  }
0x5: {  	s19 =	simm.s32 $0x20000;
	s20 =	simm.s32 $0x6100;
	s21 =	simm.s32 $0x1  }
0x6: {  	s22 =	simm.s32 $0x2;
	s23 =	simm.s32 $0xC100;
	s24 =	simm.s32 $0x3  }
0x7: {  	s25 =	simm.s32 $0x12100;
	s28 =	simm.s32 $0x5;
	s2 =	sand.u32 $0x1, s2  }
0x8: {  	s29 =	simm.s32 $0x0;
	s4 =	sshll.u32 s4, $0xA;
	s5 =	sshll.u32 s2, $0x9  }
0x9: {  	[smem:$0x7FF] =	sst s3;
	s2 =	ssub.s32 $0x2, s2;
	s4 =	sor.u32 s5, s4  }
0xa: {  	_ =	strace $0x80000047;
	s26 =	sshrl.u32 s2, $0x1;
	s8 =	sor.u32 $0x4000, s4  }
0xb: {  	s2 =	ssub.s32 s2, s26;
	s30 =	sadd.s32 s0, s4;
	s6 =	sadd.s32 s1, s4  }
0xc: {  	s10 =	sor.u32 $0x18000, s4;
	s12 =	sor.u32 $0x30000, s4;
	s14 =	sor.u32 $0x48000, s4  }
0xd: {  	s4 =	sor.u32 $0x5C000, s4;
	s26 =	simm.s32 $0x4;
	[dreg:$0x4] =	wrdreg s30  }
0xe: {  	s31 =	sadd.s32 s0, s8;
	s7 =	sadd.s32 s0, s10;
	s8 =	sadd.s32 s1, s8  }
0xf: {  	s9 =	sadd.s32 s0, s12;
	s10 =	sadd.s32 s1, s10;
	s11 =	sadd.s32 s0, s14  }
0x10: {  	s12 =	sadd.s32 s1, s12;
	s13 =	sadd.s32 s0, s4;
	s14 =	sadd.s32 s1, s14  }
0x11: {  	s15 =	sadd.s32 s1, s4;
	s16 =	smax.u32 s2, $0x1;
	[dreg:$0x5] =	wrdreg s31  }
.LBB2_1:
0x12: {  	s0 =	rddreg [dreg:$0x4]  }
0x13: {  	[tilespmem:s17], [sflag:$0x2] =	stream.linear.gather [hbm4b:s0+s3], $0x1000, $0x38;
	[tilespmem:$0x18100] =	vst v63  }
0x14: {  	s4 =	rddreg [dreg:$0x1]  }
0x15: {  	[tilespmem:s3], [sflag:$0x1] =	stream.linear.gather [hbm4b:s4+s3], $0x100, $0x38;
	[tilespmem:$0x18100] =	vst v63  }
0x16: {  	s5 =	rddreg [dreg:$0x5]  }
0x17: {  	[tilespmem:s20], [sflag:$0x3] =	stream.strided.gather [hbm4b:s5+s18], $0x5000, s19, s18, $0x38;
	[tilespmem:$0x18100] =	vst v63  }
0x18: {  	_ =	swait.ge [sflag:s21], $0x100  }
0x19: {  	[sflag:s21] =	ssyncset.done $0x0  }
0x1a: {  	[sflag:s21] =	ssyncadd.s32 $0xFFFFFF00  }
0x1b: {  	_ =	swait.ge [sflag:s22], $0x1000  }
0x1c: {  	[sflag:s22] =	ssyncset.done $0x0  }
0x1d: {  	s30 =	simm.s32 $0xFFFFFC00;
	[sflag:s22] =	ssyncadd.s32 $0xFFFFF000  }
0x1e: {  	v0 =	vld [tilespmem:s30+$0x500];
	_ =	sdelay $0x5  }
0x1f: {  	v1 =	vld [tilespmem:s30+$0x510];
	_ =	sdelay $0x1  }
0x20: {  	v0 =	vld.idx.msk [tilespmem:v0+s3+$0x0], $0xffff;
	_ =	sdelay $0x3  }
0x21: {  	v2 =	vld [tilespmem:s30+$0x520]  }
0x22: {  	[tilespmem:s30+$0xC500] =	vst v0  }
0x23: {  	v0 =	vld.idx.msk [tilespmem:v1+s3+$0x0], $0xffff;
	_ =	sdelay $0x3  }
0x24: {  	v1 =	vld [tilespmem:s30+$0x530]  }
0x25: {  	[tilespmem:s30+$0xC510] =	vst v0  }
0x26: {  	v0 =	vld.idx.msk [tilespmem:v2+s3+$0x0], $0xffff;
	_ =	sdelay $0x3  }
0x27: {  	v2 =	vld [tilespmem:s30+$0x540]  }
0x28: {  	[tilespmem:s30+$0xC520] =	vst v0  }
0x29: {  	v0 =	vld.idx.msk [tilespmem:v1+s3+$0x0], $0xffff;
	_ =	sdelay $0x3  }
0x2a: {  	v1 =	vld [tilespmem:s30+$0x550]  }
0x2b: {  	[tilespmem:s30+$0xC530] =	vst v0  }
0x2c: {  	v0 =	vld.idx.msk [tilespmem:v2+s3+$0x0], $0xffff;
	_ =	sdelay $0x3  }
0x2d: {  	v2 =	vld [tilespmem:s30+$0x560]  }
0x2e: {  	[tilespmem:s30+$0xC540] =	vst v0  }
0x2f: {  	v0 =	vld.idx.msk [tilespmem:v1+s3+$0x0], $0xffff;
	_ =	sdelay $0x3  }
0x30: {  	v1 =	vld [tilespmem:s30+$0x570]  }
0x31: {  	[tilespmem:s30+$0xC550] =	vst v0  }
0x32: {  	v0 =	vld.idx.msk [tilespmem:v2+s3+$0x0], $0xffff;
	_ =	sdelay $0x3  }
0x33: {  	v2 =	vld [tilespmem:s30+$0x900]  }
0x34: {  	[tilespmem:s30+$0xC560] =	vst v0  }
0x35: {  	v0 =	vld.idx.msk [tilespmem:v1+s3+$0x0], $0xffff;
	_ =	sdelay $0x3  }
0x36: {  	s31 =	simm.s32 $0xFFFFFC80;
	v1 =	vld [tilespmem:s30+$0x910]  }
0x37: {  	v3 =	vld [tilespmem:s31+$0x500];
	[tilespmem:s30+$0xC570] =	vst v0  }
0x38: {  	v0 =	vld.idx.msk [tilespmem:v2+s3+$0x0], $0xffff;
	_ =	sdelay $0x3  }
0x39: {  	v2 =	vld [tilespmem:s30+$0x920]  }
0x3a: {  	v4 =	vld [tilespmem:s31+$0x510];
	[tilespmem:s30+$0xC900] =	vst v0  }
0x3b: {  	v0 =	vld.idx.msk [tilespmem:v1+s3+$0x0], $0xffff  }
0x3c: {  	v1 =	vld.idx.msk [tilespmem:v3+s3+$0x0], $0xffff;
	_ =	sdelay $0x2  }
0x3d: {  	v3 =	vld [tilespmem:s30+$0x930]  }
0x3e: {  	v5 =	vld [tilespmem:s31+$0x520];
	[tilespmem:s30+$0xC910] =	vst v0  }
0x3f: {  	[tilespmem:s31+$0xC500] =	vst v1;
	v0 =	vld.idx.msk [tilespmem:v2+s3+$0x0], $0xffff  }
0x40: {  	v1 =	vld.idx.msk [tilespmem:v4+s3+$0x0], $0xffff;
	_ =	sdelay $0x2  }
0x41: {  	v2 =	vld [tilespmem:s30+$0x940]  }
0x42: {  	v4 =	vld [tilespmem:s31+$0x530];
	[tilespmem:s30+$0xC920] =	vst v0  }
0x43: {  	[tilespmem:s31+$0xC510] =	vst v1;
	v0 =	vld.idx.msk [tilespmem:v3+s3+$0x0], $0xffff  }
0x44: {  	v1 =	vld.idx.msk [tilespmem:v5+s3+$0x0], $0xffff;
	_ =	sdelay $0x2  }
0x45: {  	v3 =	vld [tilespmem:s30+$0x950]  }
0x46: {  	v5 =	vld [tilespmem:s31+$0x540];
	[tilespmem:s30+$0xC930] =	vst v0  }
0x47: {  	[tilespmem:s31+$0xC520] =	vst v1;
	v0 =	vld.idx.msk [tilespmem:v2+s3+$0x0], $0xffff  }
0x48: {  	v1 =	vld.idx.msk [tilespmem:v4+s3+$0x0], $0xffff;
	_ =	sdelay $0x2  }
0x49: {  	v2 =	vld [tilespmem:s30+$0x960]  }
0x4a: {  	v4 =	vld [tilespmem:s31+$0x550];
	[tilespmem:s30+$0xC940] =	vst v0  }
0x4b: {  	[tilespmem:s31+$0xC530] =	vst v1;
	v0 =	vld.idx.msk [tilespmem:v3+s3+$0x0], $0xffff  }
0x4c: {  	v1 =	vld.idx.msk [tilespmem:v5+s3+$0x0], $0xffff;
	_ =	sdelay $0x2  }
0x4d: {  	v3 =	vld [tilespmem:s30+$0x970]  }
0x4e: {  	v5 =	vld [tilespmem:s31+$0x560];
	[tilespmem:s30+$0xC950] =	vst v0  }
0x4f: {  	[tilespmem:s31+$0xC540] =	vst v1;
	v0 =	vld.idx.msk [tilespmem:v2+s3+$0x0], $0xffff  }
0x50: {  	v1 =	vld.idx.msk [tilespmem:v4+s3+$0x0], $0xffff;
	_ =	sdelay $0x2  }
0x51: {  	v2 =	vld [tilespmem:s30+$0xD00]  }
0x52: {  	v4 =	vld [tilespmem:s31+$0x570];
	[tilespmem:s30+$0xC960] =	vst v0  }
0x53: {  	[tilespmem:s31+$0xC550] =	vst v1;
	v0 =	vld.idx.msk [tilespmem:v3+s3+$0x0], $0xffff  }
0x54: {  	s0 =	simm.s32 $0xFFFFFD00;
	v1 =	vld.idx.msk [tilespmem:v5+s3+$0x0], $0xffff  }
0x55: {  	v6 =	vld [tilespmem:s0+$0x500]  }
0x56: {  	v7 =	vld [tilespmem:s0+$0x510]  }
0x57: {  	v3 =	vld [tilespmem:s30+$0xD10]  }
0x58: {  	v5 =	vld [tilespmem:s31+$0x900];
	[tilespmem:s30+$0xC970] =	vst v0  }
0x59: {  	[tilespmem:s31+$0xC560] =	vst v1;
	v0 =	vld.idx.msk [tilespmem:v2+s3+$0x0], $0xffff  }
0x5a: {  	v1 =	vld.idx.msk [tilespmem:v4+s3+$0x0], $0xffff  }
0x5b: {  	v8 =	vld [tilespmem:s0+$0x520]  }
0x5c: {  	v9 =	vld [tilespmem:s0+$0x560]  }
0x5d: {  	v2 =	vld [tilespmem:s30+$0xD20]  }
0x5e: {  	v4 =	vld [tilespmem:s31+$0x910];
	[tilespmem:s30+$0xCD00] =	vst v0  }
0x5f: {  	[tilespmem:s31+$0xC570] =	vst v1;
	v0 =	vld.idx.msk [tilespmem:v3+s3+$0x0], $0xffff  }
0x60: {  	v1 =	vld.idx.msk [tilespmem:v5+s3+$0x0], $0xffff  }
0x61: {  	v10 =	vld [tilespmem:s0+$0x570]  }
0x62: {  	v11 =	vld [tilespmem:s30+$0x1120]  }
0x63: {  	v3 =	vld [tilespmem:s30+$0xD30]  }
0x64: {  	v5 =	vld [tilespmem:s31+$0x920];
	[tilespmem:s30+$0xCD10] =	vst v0  }
0x65: {  	[tilespmem:s31+$0xC900] =	vst v1;
	v0 =	vld.idx.msk [tilespmem:v2+s3+$0x0], $0xffff  }
0x66: {  	v1 =	vld.idx.msk [tilespmem:v4+s3+$0x0], $0xffff  }
0x67: {  	v2 =	vld.idx.msk [tilespmem:v6+s3+$0x0], $0xffff  }
0x68: {  	v12 =	vld [tilespmem:s31+$0xD10]  }
0x69: {  	v4 =	vld [tilespmem:s30+$0xD40]  }
0x6a: {  	v6 =	vld [tilespmem:s31+$0x930];
	[tilespmem:s30+$0xCD20] =	vst v0  }
0x6b: {  	[tilespmem:s31+$0xC910] =	vst v1;
	v0 =	vld.idx.msk [tilespmem:v3+s3+$0x0], $0xffff  }
0x6c: {  	[tilespmem:s0+$0xC500] =	vst v2;
	v1 =	vld.idx.msk [tilespmem:v5+s3+$0x0], $0xffff  }
0x6d: {  	v2 =	vld.idx.msk [tilespmem:v7+s3+$0x0], $0xffff  }
0x6e: {  	v3 =	vld [tilespmem:s30+$0xD50]  }
0x6f: {  	v5 =	vld [tilespmem:s31+$0x940]  }
0x70: {  	v7 =	vld [tilespmem:s0+$0x530];
	[tilespmem:s30+$0xCD30] =	vst v0  }
0x71: {  	[tilespmem:s31+$0xC920] =	vst v1;
	v0 =	vld.idx.msk [tilespmem:v4+s3+$0x0], $0xffff  }
0x72: {  	[tilespmem:s0+$0xC510] =	vst v2;
	v1 =	vld.idx.msk [tilespmem:v6+s3+$0x0], $0xffff  }
0x73: {  	v2 =	vld.idx.msk [tilespmem:v8+s3+$0x0], $0xffff  }
0x74: {  	v4 =	vld [tilespmem:s30+$0xD60]  }
0x75: {  	v6 =	vld [tilespmem:s31+$0x950]  }
0x76: {  	v8 =	vld [tilespmem:s0+$0x540];
	[tilespmem:s30+$0xCD40] =	vst v0  }
0x77: {  	[tilespmem:s31+$0xC930] =	vst v1;
	v0 =	vld.idx.msk [tilespmem:v3+s3+$0x0], $0xffff  }
0x78: {  	[tilespmem:s0+$0xC520] =	vst v2;
	v1 =	vld.idx.msk [tilespmem:v5+s3+$0x0], $0xffff  }
0x79: {  	v2 =	vld.idx.msk [tilespmem:v7+s3+$0x0], $0xffff  }
0x7a: {  	v3 =	vld [tilespmem:s30+$0xD70]  }
0x7b: {  	v5 =	vld [tilespmem:s31+$0x960]  }
0x7c: {  	v7 =	vld [tilespmem:s0+$0x550];
	[tilespmem:s30+$0xCD50] =	vst v0  }
0x7d: {  	[tilespmem:s31+$0xC940] =	vst v1;
	v1 =	vld.idx.msk [tilespmem:v4+s3+$0x0], $0xffff  }
0x7e: {  	[tilespmem:s0+$0xC530] =	vst v2;
	v2 =	vld.idx.msk [tilespmem:v6+s3+$0x0], $0xffff  }
0x7f: {  	v4 =	vld.idx.msk [tilespmem:v8+s3+$0x0], $0xffff  }
0x80: {  	v0 =	vld [tilespmem:s30+$0x1170]  }
0x81: {  	v6 =	vld [tilespmem:s30+$0x1100]  }
0x82: {  	v8 =	vld [tilespmem:s31+$0x970];
	[tilespmem:s30+$0xCD60] =	vst v1  }
0x83: {  	[tilespmem:s31+$0xC950] =	vst v2;
	v2 =	vld.idx.msk [tilespmem:v3+s3+$0x0], $0xffff  }
0x84: {  	[tilespmem:s0+$0xC540] =	vst v4;
	v3 =	vld.idx.msk [tilespmem:v5+s3+$0x0], $0xffff  }
0x85: {  	v4 =	vld.idx.msk [tilespmem:v7+s3+$0x0], $0xffff  }
0x86: {  	v1 =	vld [tilespmem:s30+$0x1160]  }
0x87: {  	v5 =	vld [tilespmem:s30+$0x1110]  }
0x88: {  	v7 =	vld [tilespmem:s31+$0xD00];
	[tilespmem:s30+$0xCD70] =	vst v2  }
0x89: {  	[tilespmem:s31+$0xC960] =	vst v3;
	v3 =	vld.idx.msk [tilespmem:v6+s3+$0x0], $0xffff  }
0x8a: {  	[tilespmem:s0+$0xC550] =	vst v4;
	v4 =	vld.idx.msk [tilespmem:v8+s3+$0x0], $0xffff  }
0x8b: {  	v8 =	vld.idx.msk [tilespmem:v9+s3+$0x0], $0xffff  }
0x8c: {  	v2 =	vld [tilespmem:s30+$0x1150]  }
0x8d: {  	s1 =	simm.s32 $0xFFFFFD80;
	v6 =	vld [tilespmem:s0+$0x900]  }
0x8e: {  	v9 =	vld [tilespmem:s1+$0x500];
	[tilespmem:s30+$0xD100] =	vst v3  }
0x8f: {  	[tilespmem:s31+$0xC970] =	vst v4;
	v4 =	vld.idx.msk [tilespmem:v5+s3+$0x0], $0xffff  }
0x90: {  	[tilespmem:s0+$0xC560] =	vst v8;
	v8 =	vld.idx.msk [tilespmem:v7+s3+$0x0], $0xffff  }
0x91: {  	v10 =	vld.idx.msk [tilespmem:v10+s3+$0x0], $0xffff  }
0x92: {  	v3 =	vld [tilespmem:s30+$0x1130]  }
0x93: {  	v5 =	vld [tilespmem:s31+$0xD20]  }
0x94: {  	v7 =	vld [tilespmem:s0+$0x910];
	[tilespmem:s30+$0xD110] =	vst v4  }
0x95: {  	[tilespmem:s31+$0xCD00] =	vst v8;
	v4 =	vld.idx.msk [tilespmem:v11+s3+$0x0], $0xffff  }
0x96: {  	s2 =	simm.s32 $0xFFFFF800;
	[tilespmem:s0+$0xC570] =	vst v10;
	v8 =	vld.idx.msk [tilespmem:v12+s3+$0x0], $0xffff  }
.LBB2_2:
0x97: {  	p0 =	sne.s32 s2, $0xFFFFFE00;
	v6 =	vld.idx.msk [tilespmem:v6+s3+$0x0], $0xffff  }
0x98: {  	v10 =	vld [tilespmem:s30+$0x1140]  }
0x99: {  	v11 =	vld [tilespmem:s31+$0xD30]  }
0x9a: {  	v12 =	vld [tilespmem:s0+$0x920]  }
0x9b: {  	v13 =	vld [tilespmem:s1+$0x510];
	[tilespmem:s30+$0xD120] =	vst v4  }
0x9c: {  	[tilespmem:s31+$0xCD10] =	vst v8;
	v3 =	vld.idx.msk [tilespmem:v3+s3+$0x0], $0xffff  }
0x9d: {  	[tilespmem:s0+$0xC900] =	vst v6;
	v4 =	vld.idx.msk [tilespmem:v5+s3+$0x0], $0xffff  }
0x9e: {  	v5 =	vld.idx.msk [tilespmem:v7+s3+$0x0], $0xffff  }
0x9f: {  	v6 =	vld.idx.msk [tilespmem:v9+s3+$0x0], $0xffff  }
0xa0: {  	v7 =	vld [tilespmem:s31+$0xD40]  }
0xa1: {  	v8 =	vld [tilespmem:s0+$0x930]  }
0xa2: {  	v9 =	vld [tilespmem:s1+$0x520];
	[tilespmem:s30+$0xD130] =	vst v3  }
0xa3: {  	[tilespmem:s31+$0xCD20] =	vst v4;
	v3 =	vld.idx.msk [tilespmem:v10+s3+$0x0], $0xffff  }
0xa4: {  	[tilespmem:s0+$0xC910] =	vst v5;
	v4 =	vld.idx.msk [tilespmem:v11+s3+$0x0], $0xffff  }
0xa5: {  	[tilespmem:s1+$0xC500] =	vst v6;
	v5 =	vld.idx.msk [tilespmem:v12+s3+$0x0], $0xffff  }
0xa6: {  	v6 =	vld.idx.msk [tilespmem:v13+s3+$0x0], $0xffff  }
0xa7: {  	v10 =	vld [tilespmem:s31+$0xD50]  }
0xa8: {  	v11 =	vld [tilespmem:s0+$0x940]  }
0xa9: {  	v12 =	vld [tilespmem:s1+$0x530];
	[tilespmem:s30+$0xD140] =	vst v3  }
0xaa: {  	[tilespmem:s31+$0xCD30] =	vst v4;
	v2 =	vld.idx.msk [tilespmem:v2+s3+$0x0], $0xffff  }
0xab: {  	[tilespmem:s0+$0xC920] =	vst v5;
	v3 =	vld.idx.msk [tilespmem:v7+s3+$0x0], $0xffff  }
0xac: {  	[tilespmem:s1+$0xC510] =	vst v6;
	v4 =	vld.idx.msk [tilespmem:v8+s3+$0x0], $0xffff  }
0xad: {  	v5 =	vld.idx.msk [tilespmem:v9+s3+$0x0], $0xffff  }
0xae: {  	v6 =	vld [tilespmem:s31+$0xD60]  }
0xaf: {  	v7 =	vld [tilespmem:s0+$0x950]  }
0xb0: {  	v8 =	vld [tilespmem:s1+$0x540];
	[tilespmem:s30+$0xD150] =	vst v2  }
0xb1: {  	[tilespmem:s31+$0xCD40] =	vst v3;
	v1 =	vld.idx.msk [tilespmem:v1+s3+$0x0], $0xffff  }
0xb2: {  	[tilespmem:s0+$0xC930] =	vst v4;
	v2 =	vld.idx.msk [tilespmem:v10+s3+$0x0], $0xffff  }
0xb3: {  	[tilespmem:s1+$0xC520] =	vst v5;
	v3 =	vld.idx.msk [tilespmem:v11+s3+$0x0], $0xffff  }
0xb4: {  	v4 =	vld.idx.msk [tilespmem:v12+s3+$0x0], $0xffff  }
0xb5: {  	v5 =	vld [tilespmem:s31+$0xD70]  }
0xb6: {  	v9 =	vld [tilespmem:s0+$0x960]  }
0xb7: {  	v10 =	vld [tilespmem:s1+$0x550];
	[tilespmem:s30+$0xD160] =	vst v1  }
0xb8: {  	[tilespmem:s31+$0xCD50] =	vst v2;
	v1 =	vld.idx.msk [tilespmem:v0+s3+$0x0], $0xffff  }
0xb9: {  	[tilespmem:s0+$0xC940] =	vst v3;
	v2 =	vld.idx.msk [tilespmem:v6+s3+$0x0], $0xffff  }
0xba: {  	[tilespmem:s1+$0xC530] =	vst v4;
	v3 =	vld.idx.msk [tilespmem:v7+s3+$0x0], $0xffff  }
0xbb: {  	v4 =	vld.idx.msk [tilespmem:v8+s3+$0x0], $0xffff  }
0xbc: {  	v0 =	vld [tilespmem:s31+$0x1170]  }
0xbd: {  	v6 =	vld [tilespmem:s31+$0x1100]  }
0xbe: {  	v7 =	vld [tilespmem:s0+$0x970];
	[tilespmem:s30+$0xD170] =	vst v1;
	s30 =	smov.u32 s31;
	s31 =	smov.u32 s0;
	s0 =	smov.u32 s1  }
0xbf: {  	v8 =	vld [tilespmem:s0+$0x560];
	[tilespmem:s30+$0xCD60] =	vst v2  }
0xc0: {  	[tilespmem:s31+$0xC950] =	vst v3;
	v2 =	vld.idx.msk [tilespmem:v5+s3+$0x0], $0xffff  }
0xc1: {  	[tilespmem:s0+$0xC540] =	vst v4;
	v3 =	vld.idx.msk [tilespmem:v9+s3+$0x0], $0xffff  }
0xc2: {  	v4 =	vld.idx.msk [tilespmem:v10+s3+$0x0], $0xffff  }
0xc3: {  	v1 =	vld [tilespmem:s30+$0x1160]  }
0xc4: {  	v5 =	vld [tilespmem:s30+$0x1110]  }
0xc5: {  	v9 =	vld [tilespmem:s31+$0xD00]  }
0xc6: {  	v10 =	vld [tilespmem:s0+$0x570];
	[tilespmem:s30+$0xCD70] =	vst v2  }
0xc7: {  	[tilespmem:s31+$0xC960] =	vst v3;
	v3 =	vld.idx.msk [tilespmem:v6+s3+$0x0], $0xffff  }
0xc8: {  	[tilespmem:s0+$0xC550] =	vst v4;
	v4 =	vld.idx.msk [tilespmem:v7+s3+$0x0], $0xffff  }
0xc9: {  	v7 =	vld.idx.msk [tilespmem:v8+s3+$0x0], $0xffff  }
0xca: {  	v2 =	vld [tilespmem:s30+$0x1150]  }
0xcb: {  	v8 =	vld [tilespmem:s30+$0x1120]  }
0xcc: {  	v11 =	vld [tilespmem:s31+$0xD10]  }
0xcd: {  	v6 =	vld [tilespmem:s0+$0x900];
	[tilespmem:s30+$0xD100] =	vst v3  }
0xce: {  	[tilespmem:s31+$0xC970] =	vst v4;
	v4 =	vld.idx.msk [tilespmem:v5+s3+$0x0], $0xffff  }
0xcf: {  	[tilespmem:s0+$0xC560] =	vst v7;
	v12 =	vld.idx.msk [tilespmem:v9+s3+$0x0], $0xffff  }
0xd0: {  	v10 =	vld.idx.msk [tilespmem:v10+s3+$0x0], $0xffff  }
0xd1: {  	v3 =	vld [tilespmem:s30+$0x1130]  }
.Ltmp0:
0xd2: {  	v5 =	vld [tilespmem:s31+$0xD20];
	(pc) =	sbr.rel @p0 .LBB2_2-.Ltmp0, $4  }
0xd3: {  	s1 =	sshra.s32 s2, $0x2;
	v7 =	vld [tilespmem:s0+$0x910]  }
0xd4: {  	v9 =	vld [tilespmem:s1+$0x500];
	[tilespmem:s30+$0xD110] =	vst v4  }
0xd5: {  	[tilespmem:s31+$0xCD00] =	vst v12;
	v4 =	vld.idx.msk [tilespmem:v8+s3+$0x0], $0xffff  }
0xd6: {  	s2 =	sadd.s32 $0x200, s2;
	[tilespmem:s0+$0xC570] =	vst v10;
	v8 =	vld.idx.msk [tilespmem:v11+s3+$0x0], $0xffff  }
0xd7: {  	_ =	sdelay $0x3  }
0xd8: {  	v10 =	vld [tilespmem:s1+$0x510];
	_ =	sdelay $0x1  }
0xd9: {  	v9 =	vld.idx.msk [tilespmem:v9+s3+$0x0], $0xffff;
	_ =	sdelay $0x3  }
0xda: {  	v11 =	vld [tilespmem:s1+$0x520]  }
0xdb: {  	[tilespmem:s1+$0xC500] =	vst v9  }
0xdc: {  	v9 =	vld.idx.msk [tilespmem:v10+s3+$0x0], $0xffff;
	_ =	sdelay $0x3  }
0xdd: {  	v10 =	vld [tilespmem:s1+$0x530]  }
0xde: {  	[tilespmem:s1+$0xC510] =	vst v9  }
0xdf: {  	v9 =	vld.idx.msk [tilespmem:v11+s3+$0x0], $0xffff;
	_ =	sdelay $0x3  }
0xe0: {  	v11 =	vld [tilespmem:s1+$0x540]  }
0xe1: {  	[tilespmem:s1+$0xC520] =	vst v9  }
0xe2: {  	v9 =	vld.idx.msk [tilespmem:v10+s3+$0x0], $0xffff;
	_ =	sdelay $0x3  }
0xe3: {  	v10 =	vld [tilespmem:s1+$0x550]  }
0xe4: {  	[tilespmem:s1+$0xC530] =	vst v9  }
0xe5: {  	v9 =	vld.idx.msk [tilespmem:v11+s3+$0x0], $0xffff;
	_ =	sdelay $0x3  }
0xe6: {  	v11 =	vld [tilespmem:s1+$0x560]  }
0xe7: {  	[tilespmem:s1+$0xC540] =	vst v9  }
0xe8: {  	v9 =	vld.idx.msk [tilespmem:v10+s3+$0x0], $0xffff;
	_ =	sdelay $0x3  }
0xe9: {  	v10 =	vld [tilespmem:s1+$0x570]  }
0xea: {  	[tilespmem:s1+$0xC550] =	vst v9  }
0xeb: {  	v9 =	vld.idx.msk [tilespmem:v11+s3+$0x0], $0xffff;
	_ =	sdelay $0x3  }
0xec: {  	v11 =	vld [tilespmem:s1+$0x900]  }
0xed: {  	[tilespmem:s1+$0xC560] =	vst v9  }
0xee: {  	v9 =	vld.idx.msk [tilespmem:v10+s3+$0x0], $0xffff;
	_ =	sdelay $0x3  }
0xef: {  	v10 =	vld [tilespmem:s1+$0x910]  }
0xf0: {  	v6 =	vld.idx.msk [tilespmem:v6+s3+$0x0], $0xffff;
	[tilespmem:s1+$0xC570] =	vst v9  }
0xf1: {  	v9 =	vld.idx.msk [tilespmem:v11+s3+$0x0], $0xffff;
	_ =	sdelay $0x2  }
0xf2: {  	v11 =	vld [tilespmem:s0+$0x920]  }
0xf3: {  	[tilespmem:s0+$0xC900] =	vst v6;
	v6 =	vld [tilespmem:s1+$0x920]  }
0xf4: {  	v7 =	vld.idx.msk [tilespmem:v7+s3+$0x0], $0xffff;
	[tilespmem:s1+$0xC900] =	vst v9  }
0xf5: {  	v9 =	vld.idx.msk [tilespmem:v10+s3+$0x0], $0xffff;
	_ =	sdelay $0x2  }
0xf6: {  	v10 =	vld [tilespmem:s0+$0x930]  }
0xf7: {  	[tilespmem:s0+$0xC910] =	vst v7;
	v7 =	vld [tilespmem:s1+$0x930]  }
0xf8: {  	v11 =	vld.idx.msk [tilespmem:v11+s3+$0x0], $0xffff;
	[tilespmem:s1+$0xC910] =	vst v9  }
0xf9: {  	v6 =	vld.idx.msk [tilespmem:v6+s3+$0x0], $0xffff;
	_ =	sdelay $0x1  }
0xfa: {  	v12 =	vld [tilespmem:s0+$0x940]  }
0xfb: {  	v9 =	vld [tilespmem:s31+$0xD30]  }
0xfc: {  	[tilespmem:s0+$0xC920] =	vst v11;
	v11 =	vld [tilespmem:s1+$0x940]  }
0xfd: {  	v10 =	vld.idx.msk [tilespmem:v10+s3+$0x0], $0xffff;
	[tilespmem:s1+$0xC920] =	vst v6  }
0xfe: {  	[tilespmem:s31+$0xCD10] =	vst v8;
	v6 =	vld.idx.msk [tilespmem:v7+s3+$0x0], $0xffff  }
0xff: {  	v5 =	vld.idx.msk [tilespmem:v5+s3+$0x0], $0xffff  }
0x100: {  	v8 =	vld [tilespmem:s0+$0x950]  }
0x101: {  	v7 =	vld [tilespmem:s31+$0xD40]  }
0x102: {  	[tilespmem:s0+$0xC930] =	vst v10;
	v10 =	vld [tilespmem:s1+$0x950]  }
0x103: {  	v12 =	vld.idx.msk [tilespmem:v12+s3+$0x0], $0xffff;
	[tilespmem:s1+$0xC930] =	vst v6  }
0x104: {  	[tilespmem:s31+$0xCD20] =	vst v5;
	v5 =	vld.idx.msk [tilespmem:v11+s3+$0x0], $0xffff  }
0x105: {  	v6 =	vld.idx.msk [tilespmem:v9+s3+$0x0], $0xffff  }
0x106: {  	v44 =	vld [tilespmem:s1+$0x960]  }
0x107: {  	v11 =	vld [tilespmem:s0+$0x960]  }
0x108: {  	v9 =	vld [tilespmem:s31+$0xD50];
	[tilespmem:s0+$0xC940] =	vst v12  }
0x109: {  	v8 =	vld.idx.msk [tilespmem:v8+s3+$0x0], $0xffff;
	[tilespmem:s1+$0xC940] =	vst v5  }
0x10a: {  	[tilespmem:s31+$0xCD30] =	vst v6;
	v5 =	vld.idx.msk [tilespmem:v10+s3+$0x0], $0xffff  }
0x10b: {  	v6 =	vld.idx.msk [tilespmem:v7+s3+$0x0], $0xffff  }
0x10c: {  	v7 =	vld [tilespmem:s31+$0xD60]  }
0x10d: {  	v10 =	vld [tilespmem:s0+$0x970]  }
0x10e: {  	[tilespmem:s0+$0xC950] =	vst v8;
	v8 =	vld [tilespmem:s1+$0x970]  }
0x10f: {  	v11 =	vld.idx.msk [tilespmem:v11+s3+$0x0], $0xffff;
	[tilespmem:s1+$0xC950] =	vst v5  }
0x110: {  	v5 =	vld.idx.msk [tilespmem:v44+s3+$0x0], $0xffff  }
0x111: {  	[tilespmem:s31+$0xCD40] =	vst v6  }
0x112: {  	v6 =	vld.idx.msk [tilespmem:v9+s3+$0x0], $0xffff  }
0x113: {  	v45 =	vld [tilespmem:s0+$0xD00]  }
0x114: {  	[tilespmem:s0+$0xC960] =	vst v11;
	v11 =	vld [tilespmem:s1+$0xD00]  }
0x115: {  	v10 =	vld.idx.msk [tilespmem:v10+s3+$0x0], $0xffff;
	[tilespmem:s1+$0xC960] =	vst v5  }
0x116: {  	v5 =	vld.idx.msk [tilespmem:v8+s3+$0x0], $0xffff  }
0x117: {  	v9 =	vld [tilespmem:s31+$0xD70];
	[tilespmem:s31+$0xCD50] =	vst v6  }
0x118: {  	v6 =	vld.idx.msk [tilespmem:v7+s3+$0x0], $0xffff  }
0x119: {  	v7 =	vld [tilespmem:s0+$0xD10]  }
0x11a: {  	v8 =	vld [tilespmem:s1+$0xD10];
	[tilespmem:s0+$0xC970] =	vst v10  }
0x11b: {  	v10 =	vld.idx.msk [tilespmem:v45+s3+$0x0], $0xffff;
	[tilespmem:s1+$0xC970] =	vst v5  }
0x11c: {  	v5 =	vld.idx.msk [tilespmem:v11+s3+$0x0], $0xffff;
	_ =	sdelay $0x2  }
0x11d: {  	v13 =	vld [tilespmem:s0+$0xD20]  }
0x11e: {  	[tilespmem:s0+$0xCD00] =	vst v10;
	v10 =	vld [tilespmem:s1+$0xD20]  }
0x11f: {  	v7 =	vld.idx.msk [tilespmem:v7+s3+$0x0], $0xffff;
	[tilespmem:s1+$0xCD00] =	vst v5  }
0x120: {  	v5 =	vld.idx.msk [tilespmem:v8+s3+$0x0], $0xffff  }
0x121: {  	[tilespmem:s31+$0xCD60] =	vst v6  }
0x122: {  	v6 =	vld.idx.msk [tilespmem:v9+s3+$0x0], $0xffff  }
0x123: {  	v8 =	vld [tilespmem:s0+$0xD30]  }
0x124: {  	[tilespmem:s0+$0xCD10] =	vst v7;
	v7 =	vld [tilespmem:s1+$0xD30]  }
0x125: {  	v9 =	vld.idx.msk [tilespmem:v13+s3+$0x0], $0xffff;
	[tilespmem:s1+$0xCD10] =	vst v5  }
0x126: {  	v5 =	vld.idx.msk [tilespmem:v10+s3+$0x0], $0xffff;
	_ =	sdelay $0x2  }
0x127: {  	v14 =	vld [tilespmem:s0+$0xD40]  }
0x128: {  	[tilespmem:s0+$0xCD20] =	vst v9;
	v9 =	vld [tilespmem:s1+$0xD40]  }
0x129: {  	v8 =	vld.idx.msk [tilespmem:v8+s3+$0x0], $0xffff;
	[tilespmem:s1+$0xCD20] =	vst v5  }
0x12a: {  	v5 =	vld.idx.msk [tilespmem:v7+s3+$0x0], $0xffff;
	_ =	sdelay $0x2  }
0x12b: {  	v48 =	vld [tilespmem:s0+$0xD50]  }
0x12c: {  	[tilespmem:s0+$0xCD30] =	vst v8;
	v8 =	vld [tilespmem:s1+$0xD50]  }
0x12d: {  	v14 =	vld.idx.msk [tilespmem:v14+s3+$0x0], $0xffff;
	[tilespmem:s1+$0xCD30] =	vst v5  }
0x12e: {  	v5 =	vld.idx.msk [tilespmem:v9+s3+$0x0], $0xffff  }
0x12f: {  	v46 =	vld [tilespmem:s31+$0x1100]  }
0x130: {  	v47 =	vld [tilespmem:s31+$0x1110]  }
0x131: {  	v16 =	vld [tilespmem:s0+$0xD60]  }
0x132: {  	v49 =	vld [tilespmem:s1+$0xD60];
	[tilespmem:s0+$0xCD40] =	vst v14  }
0x133: {  	v12 =	vld.idx.msk [tilespmem:v48+s3+$0x0], $0xffff;
	[tilespmem:s1+$0xCD40] =	vst v5  }
0x134: {  	v5 =	vld.idx.msk [tilespmem:v8+s3+$0x0], $0xffff  }
0x135: {  	v15 =	vld [tilespmem:s31+$0x1120]  }
0x136: {  	v50 =	vld [tilespmem:s0+$0xD70]  }
0x137: {  	v51 =	vld [tilespmem:s1+$0xD70]  }
0x138: {  	v52 =	vld [tilespmem:s0+$0x1170];
	[tilespmem:s0+$0xCD50] =	vst v12  }
0x139: {  	v16 =	vld.idx.msk [tilespmem:v16+s3+$0x0], $0xffff;
	[tilespmem:s1+$0xCD50] =	vst v5  }
0x13a: {  	v5 =	vld.idx.msk [tilespmem:v49+s3+$0x0], $0xffff  }
0x13b: {  	v17 =	vld [tilespmem:s0+$0x1100]  }
0x13c: {  	v53 =	vld [tilespmem:s1+$0x1100]  }
0x13d: {  	v54 =	vld [tilespmem:s0+$0x1160]  }
0x13e: {  	v19 =	vld [tilespmem:s0+$0x1110];
	[tilespmem:s0+$0xCD60] =	vst v16  }
0x13f: {  	v13 =	vld.idx.msk [tilespmem:v50+s3+$0x0], $0xffff;
	[tilespmem:s1+$0xCD60] =	vst v5  }
0x140: {  	v5 =	vld.idx.msk [tilespmem:v51+s3+$0x0], $0xffff  }
0x141: {  	v55 =	vld [tilespmem:s1+$0x1110];
	[tilespmem:s31+$0xCD70] =	vst v6  }
0x142: {  	v6 =	vld.idx.msk [tilespmem:v46+s3+$0x0], $0xffff  }
0x143: {  	v56 =	vld [tilespmem:s0+$0x1150]  }
0x144: {  	v21 =	vld [tilespmem:s0+$0x1120];
	[tilespmem:s0+$0xCD70] =	vst v13  }
0x145: {  	v17 =	vld.idx.msk [tilespmem:v17+s3+$0x0], $0xffff;
	[tilespmem:s1+$0xCD70] =	vst v5  }
0x146: {  	v5 =	vld.idx.msk [tilespmem:v53+s3+$0x0], $0xffff  }
0x147: {  	v57 =	vld [tilespmem:s1+$0x1120];
	[tilespmem:s31+$0xD100] =	vst v6  }
0x148: {  	v6 =	vld.idx.msk [tilespmem:v47+s3+$0x0], $0xffff  }
0x149: {  	v58 =	vld [tilespmem:s31+$0x1140]  }
0x14a: {  	v8 =	vld [tilespmem:s31+$0x1130];
	[tilespmem:s0+$0xD100] =	vst v17  }
0x14b: {  	v19 =	vld.idx.msk [tilespmem:v19+s3+$0x0], $0xffff;
	[tilespmem:s1+$0xD100] =	vst v5  }
0x14c: {  	v5 =	vld.idx.msk [tilespmem:v55+s3+$0x0], $0xffff  }
0x14d: {  	v59 =	vld [tilespmem:s0+$0x1130];
	[tilespmem:s31+$0xD110] =	vst v6  }
0x14e: {  	v6 =	vld.idx.msk [tilespmem:v15+s3+$0x0], $0xffff  }
0x14f: {  	v60 =	vld [tilespmem:s1+$0x1130];
	[tilespmem:s30+$0xD120] =	vst v4  }
0x150: {  	v3 =	vld.idx.msk [tilespmem:v3+s3+$0x0], $0xffff;
	[tilespmem:s0+$0xD110] =	vst v19  }
0x151: {  	[tilespmem:s1+$0xD110] =	vst v5;
	v5 =	vld.idx.msk [tilespmem:v21+s3+$0x0], $0xffff  }
0x152: {  	v4 =	vld.idx.msk [tilespmem:v57+s3+$0x0], $0xffff  }
0x153: {  	v7 =	vld [tilespmem:s30+$0x1140];
	[tilespmem:s31+$0xD120] =	vst v6  }
0x154: {  	v6 =	vld.idx.msk [tilespmem:v8+s3+$0x0], $0xffff  }
0x155: {  	v8 =	vld [tilespmem:s0+$0x1140]  }
0x156: {  	[tilespmem:s0+$0xD120] =	vst v5;
	v5 =	vld [tilespmem:s1+$0x1140]  }
0x157: {  	[tilespmem:s1+$0xD120] =	vst v4;
	v4 =	vld.idx.msk [tilespmem:v59+s3+$0x0], $0xffff  }
0x158: {  	v61 =	vld.idx.msk [tilespmem:v60+s3+$0x0], $0xffff  }
0x159: {  	v22 =	vld [tilespmem:s1+$0x1150]  }
0x15a: {  	[tilespmem:s30+$0xD130] =	vst v3;
	v9 =	vld [tilespmem:s31+$0x1150]  }
0x15b: {  	v3 =	vld.idx.msk [tilespmem:v7+s3+$0x0], $0xffff;
	[tilespmem:s31+$0xD130] =	vst v6  }
0x15c: {  	[tilespmem:s0+$0xD130] =	vst v4;
	v4 =	vld.idx.msk [tilespmem:v58+s3+$0x0], $0xffff  }
0x15d: {  	[tilespmem:s1+$0xD130] =	vst v61;
	v6 =	vld.idx.msk [tilespmem:v8+s3+$0x0], $0xffff  }
0x15e: {  	v5 =	vld.idx.msk [tilespmem:v5+s3+$0x0], $0xffff  }
0x15f: {  	v20 =	vld [tilespmem:s1+$0x1160]  }
0x160: {  	v10 =	vld [tilespmem:s31+$0x1160];
	[tilespmem:s30+$0xD140] =	vst v3  }
0x161: {  	v2 =	vld.idx.msk [tilespmem:v2+s3+$0x0], $0xffff;
	[tilespmem:s31+$0xD140] =	vst v4  }
0x162: {  	v3 =	vld.idx.msk [tilespmem:v9+s3+$0x0], $0xffff;
	[tilespmem:s0+$0xD140] =	vst v6  }
0x163: {  	v4 =	vld.idx.msk [tilespmem:v56+s3+$0x0], $0xffff;
	[tilespmem:s1+$0xD140] =	vst v5  }
0x164: {  	v5 =	vld.idx.msk [tilespmem:v22+s3+$0x0], $0xffff  }
0x165: {  	v18 =	vld [tilespmem:s1+$0x1170]  }
0x166: {  	v11 =	vld [tilespmem:s31+$0x1170];
	[tilespmem:s30+$0xD150] =	vst v2  }
0x167: {  	v1 =	vld.idx.msk [tilespmem:v1+s3+$0x0], $0xffff;
	[tilespmem:s31+$0xD150] =	vst v3  }
0x168: {  	v2 =	vld.idx.msk [tilespmem:v10+s3+$0x0], $0xffff;
	[tilespmem:s0+$0xD150] =	vst v4  }
0x169: {  	v3 =	vld.idx.msk [tilespmem:v54+s3+$0x0], $0xffff;
	[tilespmem:s1+$0xD150] =	vst v5  }
0x16a: {  	v4 =	vld.idx.msk [tilespmem:v20+s3+$0x0], $0xffff;
	_ =	sdelay $0x1  }
0x16b: {  	[tilespmem:s30+$0xD160] =	vst v1  }
0x16c: {  	v0 =	vld.idx.msk [tilespmem:v0+s3+$0x0], $0xffff;
	[tilespmem:s31+$0xD160] =	vst v2  }
0x16d: {  	v1 =	vld.idx.msk [tilespmem:v11+s3+$0x0], $0xffff;
	[tilespmem:s0+$0xD160] =	vst v3  }
0x16e: {  	v2 =	vld.idx.msk [tilespmem:v52+s3+$0x0], $0xffff;
	[tilespmem:s1+$0xD160] =	vst v4  }
0x16f: {  	v3 =	vld.idx.msk [tilespmem:v18+s3+$0x0], $0xffff;
	_ =	sdelay $0x1  }
0x170: {  	[tilespmem:s30+$0xD170] =	vst v0  }
0x171: {  	[tilespmem:s31+$0xD170] =	vst v1  }
0x172: {  	[tilespmem:s0+$0xD170] =	vst v2  }
0x173: {  	[tilespmem:s1+$0xD170] =	vst v3;
	s1 =	simm.s32 $0x0  }
0x174: {  	[hbm4b:s6+s1] =	stream.linear.scatter [tilespmem:s23], [sflag:$0x4], $0x1000, $0x38;
	[tilespmem:$0x18100] =	vst v63  }
0x175: {  	_ = 	snop  }
0x176: {  	[tilespmem:s17], [sflag:$0x2] =	stream.strided.gather [hbm4b:s7+s18], $0x6000, s19, s18, $0x38;
	[tilespmem:$0x18100] =	vst v63  }
0x177: {  	_ =	swait.ge [sflag:s24], $0x5000  }
0x178: {  	s2 =	sand.u32 $0x7000, s1;
	s0 =	sand.u32 $0x380, s1;
	[sflag:s24] =	ssyncset.done $0x0  }
0x179: {  	s30 =	sor.u32 s0, s2;
	[sflag:s24] =	ssyncadd.s32 $0xFFFFB000  }
0x17a: {  	v0 =	vld [tilespmem:s30+$0x6100];
	_ =	sdelay $0x5  }
0x17b: {  	v1 =	vld [tilespmem:s30+$0x6110];
	_ =	sdelay $0x1  }
0x17c: {  	v0 =	vld.idx.msk [tilespmem:v0+s3+$0x0], $0xffff;
	_ =	sdelay $0x3  }
0x17d: {  	v2 =	vld [tilespmem:s30+$0x6120]  }
0x17e: {  	[tilespmem:s30+$0x12100] =	vst v0  }
0x17f: {  	v0 =	vld.idx.msk [tilespmem:v1+s3+$0x0], $0xffff;
	_ =	sdelay $0x3  }
0x180: {  	v1 =	vld [tilespmem:s30+$0x6130]  }
0x181: {  	[tilespmem:s30+$0x12110] =	vst v0  }
0x182: {  	v0 =	vld.idx.msk [tilespmem:v2+s3+$0x0], $0xffff;
	_ =	sdelay $0x3  }
0x183: {  	v2 =	vld [tilespmem:s30+$0x6140]  }
0x184: {  	[tilespmem:s30+$0x12120] =	vst v0  }
0x185: {  	v0 =	vld.idx.msk [tilespmem:v1+s3+$0x0], $0xffff;
	_ =	sdelay $0x3  }
0x186: {  	v1 =	vld [tilespmem:s30+$0x6150]  }
0x187: {  	[tilespmem:s30+$0x12130] =	vst v0  }
0x188: {  	v0 =	vld.idx.msk [tilespmem:v2+s3+$0x0], $0xffff;
	_ =	sdelay $0x3  }
0x189: {  	v2 =	vld [tilespmem:s30+$0x6160]  }
0x18a: {  	[tilespmem:s30+$0x12140] =	vst v0  }
0x18b: {  	v0 =	vld.idx.msk [tilespmem:v1+s3+$0x0], $0xffff;
	_ =	sdelay $0x3  }
0x18c: {  	v1 =	vld [tilespmem:s30+$0x6170]  }
0x18d: {  	[tilespmem:s30+$0x12150] =	vst v0  }
0x18e: {  	v0 =	vld.idx.msk [tilespmem:v2+s3+$0x0], $0xffff;
	_ =	sdelay $0x3  }
0x18f: {  	v2 =	vld [tilespmem:s30+$0x6500]  }
0x190: {  	[tilespmem:s30+$0x12160] =	vst v0  }
0x191: {  	v0 =	vld.idx.msk [tilespmem:v1+s3+$0x0], $0xffff;
	_ =	sdelay $0x1  }
0x192: {  	s4 =	simm.s32 $0x200;
	s5 =	simm.s32 $0x80  }
0x193: {  	s1 =	sand.u32 $0x380, s5;
	s0 =	sand.u32 $0x7000, s4  }
0x194: {  	s31 =	sor.u32 s1, s0;
	v1 =	vld [tilespmem:s30+$0x6510]  }
0x195: {  	v3 =	vld [tilespmem:s31+$0x6100];
	[tilespmem:s30+$0x12170] =	vst v0  }
0x196: {  	v0 =	vld.idx.msk [tilespmem:v2+s3+$0x0], $0xffff;
	_ =	sdelay $0x3  }
0x197: {  	v2 =	vld [tilespmem:s30+$0x6520]  }
0x198: {  	v4 =	vld [tilespmem:s31+$0x6110];
	[tilespmem:s30+$0x12500] =	vst v0  }
0x199: {  	v0 =	vld.idx.msk [tilespmem:v1+s3+$0x0], $0xffff  }
0x19a: {  	v1 =	vld.idx.msk [tilespmem:v3+s3+$0x0], $0xffff;
	_ =	sdelay $0x2  }
0x19b: {  	v3 =	vld [tilespmem:s30+$0x6530]  }
0x19c: {  	v5 =	vld [tilespmem:s31+$0x6120];
	[tilespmem:s30+$0x12510] =	vst v0  }
0x19d: {  	[tilespmem:s31+$0x12100] =	vst v1;
	v0 =	vld.idx.msk [tilespmem:v2+s3+$0x0], $0xffff  }
0x19e: {  	v1 =	vld.idx.msk [tilespmem:v4+s3+$0x0], $0xffff;
	_ =	sdelay $0x2  }
0x19f: {  	v2 =	vld [tilespmem:s30+$0x6540]  }
0x1a0: {  	v4 =	vld [tilespmem:s31+$0x6130];
	[tilespmem:s30+$0x12520] =	vst v0  }
0x1a1: {  	[tilespmem:s31+$0x12110] =	vst v1;
	v0 =	vld.idx.msk [tilespmem:v3+s3+$0x0], $0xffff  }
0x1a2: {  	v1 =	vld.idx.msk [tilespmem:v5+s3+$0x0], $0xffff;
	_ =	sdelay $0x2  }
0x1a3: {  	v3 =	vld [tilespmem:s30+$0x6550]  }
0x1a4: {  	v5 =	vld [tilespmem:s31+$0x6140];
	[tilespmem:s30+$0x12530] =	vst v0  }
0x1a5: {  	[tilespmem:s31+$0x12120] =	vst v1;
	v0 =	vld.idx.msk [tilespmem:v2+s3+$0x0], $0xffff  }
0x1a6: {  	v1 =	vld.idx.msk [tilespmem:v4+s3+$0x0], $0xffff;
	_ =	sdelay $0x2  }
0x1a7: {  	v2 =	vld [tilespmem:s30+$0x6560]  }
0x1a8: {  	v4 =	vld [tilespmem:s31+$0x6150];
	[tilespmem:s30+$0x12540] =	vst v0  }
0x1a9: {  	[tilespmem:s31+$0x12130] =	vst v1;
	v0 =	vld.idx.msk [tilespmem:v3+s3+$0x0], $0xffff  }
0x1aa: {  	v1 =	vld.idx.msk [tilespmem:v5+s3+$0x0], $0xffff;
	_ =	sdelay $0x2  }
0x1ab: {  	v3 =	vld [tilespmem:s30+$0x6570]  }
0x1ac: {  	v5 =	vld [tilespmem:s31+$0x6160];
	[tilespmem:s30+$0x12550] =	vst v0  }
0x1ad: {  	[tilespmem:s31+$0x12140] =	vst v1;
	v0 =	vld.idx.msk [tilespmem:v2+s3+$0x0], $0xffff  }
0x1ae: {  	v1 =	vld.idx.msk [tilespmem:v4+s3+$0x0], $0xffff;
	_ =	sdelay $0x2  }
0x1af: {  	v2 =	vld [tilespmem:s30+$0x6900]  }
0x1b0: {  	s2 =	simm.s32 $0x400;
	s4 =	simm.s32 $0x100;
	v4 =	vld [tilespmem:s31+$0x6170];
	[tilespmem:s30+$0x12560] =	vst v0  }
0x1b1: {  	s0 =	sand.u32 $0x7000, s2;
	s1 =	sand.u32 $0x380, s4;
	[tilespmem:s31+$0x12150] =	vst v1;
	v0 =	vld.idx.msk [tilespmem:v3+s3+$0x0], $0xffff  }
0x1b2: {  	s0 =	sor.u32 s1, s0;
	v1 =	vld.idx.msk [tilespmem:v5+s3+$0x0], $0xffff  }
0x1b3: {  	v6 =	vld [tilespmem:s0+$0x6100]  }
0x1b4: {  	v7 =	vld [tilespmem:s0+$0x6110]  }
0x1b5: {  	v3 =	vld [tilespmem:s30+$0x6910]  }
0x1b6: {  	v5 =	vld [tilespmem:s31+$0x6500];
	[tilespmem:s30+$0x12570] =	vst v0  }
0x1b7: {  	[tilespmem:s31+$0x12160] =	vst v1;
	v0 =	vld.idx.msk [tilespmem:v2+s3+$0x0], $0xffff  }
0x1b8: {  	v1 =	vld.idx.msk [tilespmem:v4+s3+$0x0], $0xffff  }
0x1b9: {  	v8 =	vld [tilespmem:s0+$0x6120]  }
0x1ba: {  	v9 =	vld [tilespmem:s0+$0x6160]  }
0x1bb: {  	v2 =	vld [tilespmem:s30+$0x6920]  }
0x1bc: {  	v4 =	vld [tilespmem:s31+$0x6510];
	[tilespmem:s30+$0x12900] =	vst v0  }
0x1bd: {  	[tilespmem:s31+$0x12170] =	vst v1;
	v0 =	vld.idx.msk [tilespmem:v3+s3+$0x0], $0xffff  }
0x1be: {  	v1 =	vld.idx.msk [tilespmem:v5+s3+$0x0], $0xffff  }
0x1bf: {  	v10 =	vld [tilespmem:s30+$0x6D10]  }
0x1c0: {  	v11 =	vld [tilespmem:s31+$0x6900]  }
0x1c1: {  	v3 =	vld [tilespmem:s30+$0x6930]  }
0x1c2: {  	v5 =	vld [tilespmem:s31+$0x6520];
	[tilespmem:s30+$0x12910] =	vst v0  }
0x1c3: {  	[tilespmem:s31+$0x12500] =	vst v1;
	v0 =	vld.idx.msk [tilespmem:v2+s3+$0x0], $0xffff  }
0x1c4: {  	v1 =	vld.idx.msk [tilespmem:v4+s3+$0x0], $0xffff  }
0x1c5: {  	v2 =	vld.idx.msk [tilespmem:v6+s3+$0x0], $0xffff  }
0x1c6: {  	v62 =	vld [tilespmem:s0+$0x6170]  }
0x1c7: {  	v4 =	vld [tilespmem:s30+$0x6940]  }
0x1c8: {  	v6 =	vld [tilespmem:s31+$0x6530];
	[tilespmem:s30+$0x12920] =	vst v0  }
0x1c9: {  	[tilespmem:s31+$0x12510] =	vst v1;
	v0 =	vld.idx.msk [tilespmem:v3+s3+$0x0], $0xffff  }
0x1ca: {  	[tilespmem:s0+$0x12100] =	vst v2;
	v1 =	vld.idx.msk [tilespmem:v5+s3+$0x0], $0xffff  }
0x1cb: {  	v2 =	vld.idx.msk [tilespmem:v7+s3+$0x0], $0xffff  }
0x1cc: {  	v3 =	vld [tilespmem:s30+$0x6950]  }
0x1cd: {  	v5 =	vld [tilespmem:s31+$0x6540]  }
0x1ce: {  	v7 =	vld [tilespmem:s0+$0x6130];
	[tilespmem:s30+$0x12930] =	vst v0  }
0x1cf: {  	[tilespmem:s31+$0x12520] =	vst v1;
	v0 =	vld.idx.msk [tilespmem:v4+s3+$0x0], $0xffff  }
0x1d0: {  	[tilespmem:s0+$0x12110] =	vst v2;
	v1 =	vld.idx.msk [tilespmem:v6+s3+$0x0], $0xffff  }
0x1d1: {  	v2 =	vld.idx.msk [tilespmem:v8+s3+$0x0], $0xffff  }
0x1d2: {  	v4 =	vld [tilespmem:s30+$0x6960]  }
0x1d3: {  	v6 =	vld [tilespmem:s31+$0x6550]  }
0x1d4: {  	v8 =	vld [tilespmem:s0+$0x6140];
	[tilespmem:s30+$0x12940] =	vst v0  }
0x1d5: {  	[tilespmem:s31+$0x12530] =	vst v1;
	v0 =	vld.idx.msk [tilespmem:v3+s3+$0x0], $0xffff  }
0x1d6: {  	[tilespmem:s0+$0x12120] =	vst v2;
	v1 =	vld.idx.msk [tilespmem:v5+s3+$0x0], $0xffff  }
0x1d7: {  	v2 =	vld.idx.msk [tilespmem:v7+s3+$0x0], $0xffff  }
0x1d8: {  	v3 =	vld [tilespmem:s30+$0x6970]  }
0x1d9: {  	v5 =	vld [tilespmem:s31+$0x6560]  }
0x1da: {  	v7 =	vld [tilespmem:s0+$0x6150];
	[tilespmem:s30+$0x12950] =	vst v0  }
0x1db: {  	[tilespmem:s31+$0x12540] =	vst v1;
	v1 =	vld.idx.msk [tilespmem:v4+s3+$0x0], $0xffff  }
0x1dc: {  	[tilespmem:s0+$0x12130] =	vst v2;
	v2 =	vld.idx.msk [tilespmem:v6+s3+$0x0], $0xffff  }
0x1dd: {  	v4 =	vld.idx.msk [tilespmem:v8+s3+$0x0], $0xffff  }
0x1de: {  	v63 =	vld [tilespmem:s30+$0x6D20]  }
0x1df: {  	v6 =	vld [tilespmem:s30+$0x6D00]  }
0x1e0: {  	v8 =	vld [tilespmem:s31+$0x6570];
	[tilespmem:s30+$0x12960] =	vst v1  }
0x1e1: {  	[tilespmem:s31+$0x12550] =	vst v2;
	v2 =	vld.idx.msk [tilespmem:v3+s3+$0x0], $0xffff  }
0x1e2: {  	[tilespmem:s0+$0x12140] =	vst v4;
	v3 =	vld.idx.msk [tilespmem:v5+s3+$0x0], $0xffff  }
0x1e3: {  	v4 =	vld.idx.msk [tilespmem:v7+s3+$0x0], $0xffff  }
0x1e4: {  	v0 =	vld [tilespmem:s30+$0x6D70]  }
0x1e5: {  	v1 =	vld [tilespmem:s30+$0x6D60]  }
0x1e6: {  	v5 =	vld [tilespmem:s31+$0x6910];
	[tilespmem:s30+$0x12970] =	vst v2  }
0x1e7: {  	[tilespmem:s31+$0x12560] =	vst v3;
	v3 =	vld.idx.msk [tilespmem:v6+s3+$0x0], $0xffff  }
0x1e8: {  	[tilespmem:s0+$0x12150] =	vst v4;
	v4 =	vld.idx.msk [tilespmem:v8+s3+$0x0], $0xffff  }
0x1e9: {  	v6 =	vld.idx.msk [tilespmem:v9+s3+$0x0], $0xffff  }
0x1ea: {  	v7 =	vld [tilespmem:s0+$0x6500]  }
0x1eb: {  	v2 =	vld [tilespmem:s30+$0x6D50]  }
0x1ec: {  	v8 =	vld [tilespmem:s0+$0x6510];
	[tilespmem:s30+$0x12D00] =	vst v3  }
0x1ed: {  	[tilespmem:s31+$0x12570] =	vst v4;
	v4 =	vld.idx.msk [tilespmem:v10+s3+$0x0], $0xffff  }
0x1ee: {  	[tilespmem:s0+$0x12160] =	vst v6;
	v11 =	vld.idx.msk [tilespmem:v11+s3+$0x0], $0xffff  }
0x1ef: {  	s5 =	simm.s32 $0x600;
	s2 =	simm.s32 $0x180;
	v9 =	vld.idx.msk [tilespmem:v62+s3+$0x0], $0xffff  }
0x1f0: {  	s1 =	sand.u32 $0x7000, s5;
	s4 =	sand.u32 $0x380, s2;
	v3 =	vld [tilespmem:s30+$0x6D30]  }
0x1f1: {  	s1 =	sor.u32 s4, s1;
	v6 =	vld [tilespmem:s31+$0x6920]  }
0x1f2: {  	v10 =	vld [tilespmem:s1+$0x6100];
	[tilespmem:s30+$0x12D10] =	vst v4  }
0x1f3: {  	s4 =	simm.s32 $0x800;
	[tilespmem:s31+$0x12900] =	vst v11;
	v4 =	vld.idx.msk [tilespmem:v63+s3+$0x0], $0xffff  }
.LBB2_4:
0x1f4: {  	p0 =	sne.s32 s4, $0x4E00;
	[tilespmem:s0+$0x12170] =	vst v9;
	v5 =	vld.idx.msk [tilespmem:v5+s3+$0x0], $0xffff  }
0x1f5: {  	v7 =	vld.idx.msk [tilespmem:v7+s3+$0x0], $0xffff  }
0x1f6: {  	v9 =	vld [tilespmem:s30+$0x6D40]  }
0x1f7: {  	v11 =	vld [tilespmem:s31+$0x6930]  }
0x1f8: {  	v12 =	vld [tilespmem:s0+$0x6520]  }
0x1f9: {  	v13 =	vld [tilespmem:s1+$0x6110];
	[tilespmem:s30+$0x12D20] =	vst v4  }
0x1fa: {  	[tilespmem:s31+$0x12910] =	vst v5;
	v3 =	vld.idx.msk [tilespmem:v3+s3+$0x0], $0xffff  }
0x1fb: {  	[tilespmem:s0+$0x12500] =	vst v7;
	v4 =	vld.idx.msk [tilespmem:v6+s3+$0x0], $0xffff  }
0x1fc: {  	v5 =	vld.idx.msk [tilespmem:v8+s3+$0x0], $0xffff  }
0x1fd: {  	v6 =	vld.idx.msk [tilespmem:v10+s3+$0x0], $0xffff  }
0x1fe: {  	v7 =	vld [tilespmem:s31+$0x6940]  }
0x1ff: {  	v8 =	vld [tilespmem:s0+$0x6530]  }
0x200: {  	v10 =	vld [tilespmem:s1+$0x6120];
	[tilespmem:s30+$0x12D30] =	vst v3  }
0x201: {  	[tilespmem:s31+$0x12920] =	vst v4;
	v3 =	vld.idx.msk [tilespmem:v9+s3+$0x0], $0xffff  }
0x202: {  	[tilespmem:s0+$0x12510] =	vst v5;
	v4 =	vld.idx.msk [tilespmem:v11+s3+$0x0], $0xffff  }
0x203: {  	[tilespmem:s1+$0x12100] =	vst v6;
	v5 =	vld.idx.msk [tilespmem:v12+s3+$0x0], $0xffff  }
0x204: {  	v6 =	vld.idx.msk [tilespmem:v13+s3+$0x0], $0xffff  }
0x205: {  	v9 =	vld [tilespmem:s31+$0x6950]  }
0x206: {  	v11 =	vld [tilespmem:s0+$0x6540]  }
0x207: {  	v12 =	vld [tilespmem:s1+$0x6130];
	[tilespmem:s30+$0x12D40] =	vst v3  }
0x208: {  	[tilespmem:s31+$0x12930] =	vst v4;
	v2 =	vld.idx.msk [tilespmem:v2+s3+$0x0], $0xffff  }
0x209: {  	[tilespmem:s0+$0x12520] =	vst v5;
	v3 =	vld.idx.msk [tilespmem:v7+s3+$0x0], $0xffff  }
0x20a: {  	[tilespmem:s1+$0x12110] =	vst v6;
	v4 =	vld.idx.msk [tilespmem:v8+s3+$0x0], $0xffff  }
0x20b: {  	v5 =	vld.idx.msk [tilespmem:v10+s3+$0x0], $0xffff  }
0x20c: {  	v6 =	vld [tilespmem:s31+$0x6960]  }
0x20d: {  	v7 =	vld [tilespmem:s0+$0x6550]  }
0x20e: {  	v8 =	vld [tilespmem:s1+$0x6140];
	[tilespmem:s30+$0x12D50] =	vst v2  }
0x20f: {  	[tilespmem:s31+$0x12940] =	vst v3;
	v1 =	vld.idx.msk [tilespmem:v1+s3+$0x0], $0xffff  }
0x210: {  	[tilespmem:s0+$0x12530] =	vst v4;
	v2 =	vld.idx.msk [tilespmem:v9+s3+$0x0], $0xffff  }
0x211: {  	[tilespmem:s1+$0x12120] =	vst v5;
	v3 =	vld.idx.msk [tilespmem:v11+s3+$0x0], $0xffff  }
0x212: {  	v4 =	vld.idx.msk [tilespmem:v12+s3+$0x0], $0xffff  }
0x213: {  	v5 =	vld [tilespmem:s31+$0x6970]  }
0x214: {  	v9 =	vld [tilespmem:s0+$0x6560]  }
0x215: {  	v10 =	vld [tilespmem:s1+$0x6150];
	[tilespmem:s30+$0x12D60] =	vst v1  }
0x216: {  	[tilespmem:s31+$0x12950] =	vst v2;
	v1 =	vld.idx.msk [tilespmem:v0+s3+$0x0], $0xffff  }
0x217: {  	[tilespmem:s0+$0x12540] =	vst v3;
	v2 =	vld.idx.msk [tilespmem:v6+s3+$0x0], $0xffff  }
0x218: {  	[tilespmem:s1+$0x12130] =	vst v4;
	v3 =	vld.idx.msk [tilespmem:v7+s3+$0x0], $0xffff  }
0x219: {  	v4 =	vld.idx.msk [tilespmem:v8+s3+$0x0], $0xffff  }
0x21a: {  	v0 =	vld [tilespmem:s31+$0x6D70]  }
0x21b: {  	v6 =	vld [tilespmem:s31+$0x6D00]  }
0x21c: {  	v7 =	vld [tilespmem:s0+$0x6570];
	[tilespmem:s30+$0x12D70] =	vst v1;
	s30 =	smov.u32 s31;
	s31 =	smov.u32 s0;
	s0 =	smov.u32 s1  }
0x21d: {  	v8 =	vld [tilespmem:s0+$0x6160];
	[tilespmem:s30+$0x12960] =	vst v2  }
0x21e: {  	[tilespmem:s31+$0x12550] =	vst v3;
	v2 =	vld.idx.msk [tilespmem:v5+s3+$0x0], $0xffff  }
0x21f: {  	[tilespmem:s0+$0x12140] =	vst v4;
	v3 =	vld.idx.msk [tilespmem:v9+s3+$0x0], $0xffff  }
0x220: {  	v4 =	vld.idx.msk [tilespmem:v10+s3+$0x0], $0xffff  }
0x221: {  	v1 =	vld [tilespmem:s30+$0x6D60]  }
0x222: {  	v9 =	vld [tilespmem:s30+$0x6D10]  }
0x223: {  	v10 =	vld [tilespmem:s31+$0x6900]  }
0x224: {  	v11 =	vld [tilespmem:s0+$0x6170];
	[tilespmem:s30+$0x12970] =	vst v2  }
0x225: {  	[tilespmem:s31+$0x12560] =	vst v3;
	v3 =	vld.idx.msk [tilespmem:v6+s3+$0x0], $0xffff  }
0x226: {  	[tilespmem:s0+$0x12150] =	vst v4;
	v4 =	vld.idx.msk [tilespmem:v7+s3+$0x0], $0xffff  }
0x227: {  	v6 =	vld.idx.msk [tilespmem:v8+s3+$0x0], $0xffff  }
0x228: {  	v2 =	vld [tilespmem:s30+$0x6D50]  }
0x229: {  	v12 =	vld [tilespmem:s30+$0x6D20]  }
0x22a: {  	v5 =	vld [tilespmem:s31+$0x6910]  }
0x22b: {  	v7 =	vld [tilespmem:s0+$0x6500];
	[tilespmem:s30+$0x12D00] =	vst v3  }
0x22c: {  	[tilespmem:s31+$0x12570] =	vst v4;
	v4 =	vld.idx.msk [tilespmem:v9+s3+$0x0], $0xffff  }
0x22d: {  	[tilespmem:s0+$0x12160] =	vst v6;
	v13 =	vld.idx.msk [tilespmem:v10+s3+$0x0], $0xffff  }
0x22e: {  	v9 =	vld.idx.msk [tilespmem:v11+s3+$0x0], $0xffff  }
.Ltmp1:
0x22f: {  	s2 =	sadd.s32 $0x80, s2;
	v3 =	vld [tilespmem:s30+$0x6D30];
	(pc) =	sbr.rel @p0 .LBB2_4-.Ltmp1, $4  }
0x230: {  	s5 =	sand.u32 $0x380, s2;
	s1 =	sand.u32 $0x7000, s4;
	v6 =	vld [tilespmem:s31+$0x6920]  }
0x231: {  	s1 =	sor.u32 s5, s1;
	v8 =	vld [tilespmem:s0+$0x6510]  }
0x232: {  	v10 =	vld [tilespmem:s1+$0x6100];
	[tilespmem:s30+$0x12D10] =	vst v4  }
0x233: {  	s4 =	sadd.s32 $0x200, s4;
	[tilespmem:s31+$0x12900] =	vst v13;
	v4 =	vld.idx.msk [tilespmem:v12+s3+$0x0], $0xffff  }
0x234: {  	_ =	sdelay $0x4  }
0x235: {  	v11 =	vld [tilespmem:s1+$0x6110];
	_ =	sdelay $0x1  }
0x236: {  	v10 =	vld.idx.msk [tilespmem:v10+s3+$0x0], $0xffff;
	_ =	sdelay $0x3  }
0x237: {  	v12 =	vld [tilespmem:s1+$0x6120]  }
0x238: {  	[tilespmem:s1+$0x12100] =	vst v10  }
0x239: {  	v10 =	vld.idx.msk [tilespmem:v11+s3+$0x0], $0xffff;
	_ =	sdelay $0x3  }
0x23a: {  	v11 =	vld [tilespmem:s1+$0x6130]  }
0x23b: {  	[tilespmem:s1+$0x12110] =	vst v10  }
0x23c: {  	v10 =	vld.idx.msk [tilespmem:v12+s3+$0x0], $0xffff;
	_ =	sdelay $0x3  }
0x23d: {  	v40 =	vld [tilespmem:s1+$0x6140]  }
0x23e: {  	[tilespmem:s1+$0x12120] =	vst v10  }
0x23f: {  	v10 =	vld.idx.msk [tilespmem:v11+s3+$0x0], $0xffff;
	_ =	sdelay $0x3  }
0x240: {  	v11 =	vld [tilespmem:s1+$0x6150]  }
0x241: {  	[tilespmem:s1+$0x12130] =	vst v10  }
0x242: {  	v10 =	vld.idx.msk [tilespmem:v40+s3+$0x0], $0xffff;
	_ =	sdelay $0x3  }
0x243: {  	v41 =	vld [tilespmem:s1+$0x6160]  }
0x244: {  	[tilespmem:s1+$0x12140] =	vst v10  }
0x245: {  	v10 =	vld.idx.msk [tilespmem:v11+s3+$0x0], $0xffff;
	_ =	sdelay $0x3  }
0x246: {  	v11 =	vld [tilespmem:s1+$0x6170]  }
0x247: {  	[tilespmem:s1+$0x12150] =	vst v10  }
0x248: {  	v10 =	vld.idx.msk [tilespmem:v41+s3+$0x0], $0xffff;
	_ =	sdelay $0x3  }
0x249: {  	v42 =	vld [tilespmem:s1+$0x6500]  }
0x24a: {  	[tilespmem:s1+$0x12160] =	vst v10  }
0x24b: {  	v10 =	vld.idx.msk [tilespmem:v11+s3+$0x0], $0xffff;
	_ =	sdelay $0x1  }
0x24c: {  	[tilespmem:s0+$0x12170] =	vst v9  }
0x24d: {  	v7 =	vld.idx.msk [tilespmem:v7+s3+$0x0], $0xffff  }
0x24e: {  	v9 =	vld [tilespmem:s1+$0x6510]  }
0x24f: {  	[tilespmem:s1+$0x12170] =	vst v10  }
0x250: {  	v10 =	vld.idx.msk [tilespmem:v42+s3+$0x0], $0xffff;
	_ =	sdelay $0x1  }
0x251: {  	[tilespmem:s0+$0x12500] =	vst v7;
	v11 =	vld [tilespmem:s0+$0x6520]  }
0x252: {  	v8 =	vld.idx.msk [tilespmem:v8+s3+$0x0], $0xffff  }
0x253: {  	v7 =	vld [tilespmem:s1+$0x6520]  }
0x254: {  	[tilespmem:s1+$0x12500] =	vst v10  }
0x255: {  	v9 =	vld.idx.msk [tilespmem:v9+s3+$0x0], $0xffff;
	_ =	sdelay $0x1  }
0x256: {  	[tilespmem:s0+$0x12510] =	vst v8;
	v8 =	vld [tilespmem:s1+$0x6530]  }
0x257: {  	v10 =	vld [tilespmem:s0+$0x6530]  }
0x258: {  	v11 =	vld.idx.msk [tilespmem:v11+s3+$0x0], $0xffff  }
0x259: {  	[tilespmem:s1+$0x12510] =	vst v9  }
0x25a: {  	v7 =	vld.idx.msk [tilespmem:v7+s3+$0x0], $0xffff  }
0x25b: {  	v5 =	vld.idx.msk [tilespmem:v5+s3+$0x0], $0xffff  }
0x25c: {  	v43 =	vld [tilespmem:s0+$0x6540]  }
0x25d: {  	[tilespmem:s0+$0x12520] =	vst v11;
	v11 =	vld [tilespmem:s1+$0x6540]  }
0x25e: {  	v9 =	vld [tilespmem:s31+$0x6930]  }
0x25f: {  	v10 =	vld.idx.msk [tilespmem:v10+s3+$0x0], $0xffff;
	[tilespmem:s1+$0x12520] =	vst v7  }
0x260: {  	[tilespmem:s31+$0x12910] =	vst v5;
	v5 =	vld.idx.msk [tilespmem:v8+s3+$0x0], $0xffff  }
0x261: {  	v6 =	vld.idx.msk [tilespmem:v6+s3+$0x0], $0xffff  }
0x262: {  	v7 =	vld [tilespmem:s31+$0x6940]  }
0x263: {  	v8 =	vld [tilespmem:s0+$0x6550]  }
0x264: {  	[tilespmem:s0+$0x12530] =	vst v10;
	v10 =	vld [tilespmem:s1+$0x6550]  }
0x265: {  	v12 =	vld.idx.msk [tilespmem:v43+s3+$0x0], $0xffff;
	[tilespmem:s1+$0x12530] =	vst v5  }
0x266: {  	[tilespmem:s31+$0x12920] =	vst v6;
	v5 =	vld.idx.msk [tilespmem:v11+s3+$0x0], $0xffff  }
0x267: {  	v6 =	vld.idx.msk [tilespmem:v9+s3+$0x0], $0xffff  }
0x268: {  	v44 =	vld [tilespmem:s1+$0x6560]  }
0x269: {  	v11 =	vld [tilespmem:s0+$0x6560]  }
0x26a: {  	v9 =	vld [tilespmem:s31+$0x6950];
	[tilespmem:s0+$0x12540] =	vst v12  }
0x26b: {  	v8 =	vld.idx.msk [tilespmem:v8+s3+$0x0], $0xffff;
	[tilespmem:s1+$0x12540] =	vst v5  }
0x26c: {  	[tilespmem:s31+$0x12930] =	vst v6;
	v5 =	vld.idx.msk [tilespmem:v10+s3+$0x0], $0xffff  }
0x26d: {  	v6 =	vld.idx.msk [tilespmem:v7+s3+$0x0], $0xffff  }
0x26e: {  	v7 =	vld [tilespmem:s31+$0x6960]  }
0x26f: {  	v10 =	vld [tilespmem:s0+$0x6570]  }
0x270: {  	[tilespmem:s0+$0x12550] =	vst v8;
	v8 =	vld [tilespmem:s1+$0x6570]  }
0x271: {  	v11 =	vld.idx.msk [tilespmem:v11+s3+$0x0], $0xffff;
	[tilespmem:s1+$0x12550] =	vst v5  }
0x272: {  	v5 =	vld.idx.msk [tilespmem:v44+s3+$0x0], $0xffff  }
0x273: {  	[tilespmem:s31+$0x12940] =	vst v6  }
0x274: {  	v6 =	vld.idx.msk [tilespmem:v9+s3+$0x0], $0xffff  }
0x275: {  	v45 =	vld [tilespmem:s0+$0x6900]  }
0x276: {  	[tilespmem:s0+$0x12560] =	vst v11;
	v11 =	vld [tilespmem:s1+$0x6900]  }
0x277: {  	v10 =	vld.idx.msk [tilespmem:v10+s3+$0x0], $0xffff;
	[tilespmem:s1+$0x12560] =	vst v5  }
0x278: {  	v5 =	vld.idx.msk [tilespmem:v8+s3+$0x0], $0xffff  }
0x279: {  	v9 =	vld [tilespmem:s31+$0x6970];
	[tilespmem:s31+$0x12950] =	vst v6  }
0x27a: {  	v6 =	vld.idx.msk [tilespmem:v7+s3+$0x0], $0xffff  }
0x27b: {  	v7 =	vld [tilespmem:s0+$0x6910]  }
0x27c: {  	v8 =	vld [tilespmem:s1+$0x6910];
	[tilespmem:s0+$0x12570] =	vst v10  }
0x27d: {  	v10 =	vld.idx.msk [tilespmem:v45+s3+$0x0], $0xffff;
	[tilespmem:s1+$0x12570] =	vst v5  }
0x27e: {  	v5 =	vld.idx.msk [tilespmem:v11+s3+$0x0], $0xffff;
	_ =	sdelay $0x2  }
0x27f: {  	v13 =	vld [tilespmem:s0+$0x6920]  }
0x280: {  	[tilespmem:s0+$0x12900] =	vst v10;
	v10 =	vld [tilespmem:s1+$0x6920]  }
0x281: {  	v7 =	vld.idx.msk [tilespmem:v7+s3+$0x0], $0xffff;
	[tilespmem:s1+$0x12900] =	vst v5  }
0x282: {  	v5 =	vld.idx.msk [tilespmem:v8+s3+$0x0], $0xffff  }
0x283: {  	[tilespmem:s31+$0x12960] =	vst v6  }
0x284: {  	v6 =	vld.idx.msk [tilespmem:v9+s3+$0x0], $0xffff  }
0x285: {  	v8 =	vld [tilespmem:s0+$0x6930]  }
0x286: {  	[tilespmem:s0+$0x12910] =	vst v7;
	v7 =	vld [tilespmem:s1+$0x6930]  }
0x287: {  	v9 =	vld.idx.msk [tilespmem:v13+s3+$0x0], $0xffff;
	[tilespmem:s1+$0x12910] =	vst v5  }
0x288: {  	v5 =	vld.idx.msk [tilespmem:v10+s3+$0x0], $0xffff;
	_ =	sdelay $0x2  }
0x289: {  	v14 =	vld [tilespmem:s0+$0x6940]  }
0x28a: {  	[tilespmem:s0+$0x12920] =	vst v9;
	v9 =	vld [tilespmem:s1+$0x6940]  }
0x28b: {  	v8 =	vld.idx.msk [tilespmem:v8+s3+$0x0], $0xffff;
	[tilespmem:s1+$0x12920] =	vst v5  }
0x28c: {  	v5 =	vld.idx.msk [tilespmem:v7+s3+$0x0], $0xffff;
	_ =	sdelay $0x2  }
0x28d: {  	v48 =	vld [tilespmem:s0+$0x6950]  }
0x28e: {  	[tilespmem:s0+$0x12930] =	vst v8;
	v8 =	vld [tilespmem:s1+$0x6950]  }
0x28f: {  	v14 =	vld.idx.msk [tilespmem:v14+s3+$0x0], $0xffff;
	[tilespmem:s1+$0x12930] =	vst v5  }
0x290: {  	v5 =	vld.idx.msk [tilespmem:v9+s3+$0x0], $0xffff  }
0x291: {  	v46 =	vld [tilespmem:s31+$0x6D00]  }
0x292: {  	v47 =	vld [tilespmem:s31+$0x6D10]  }
0x293: {  	v16 =	vld [tilespmem:s0+$0x6960]  }
0x294: {  	v49 =	vld [tilespmem:s1+$0x6960];
	[tilespmem:s0+$0x12940] =	vst v14  }
0x295: {  	v12 =	vld.idx.msk [tilespmem:v48+s3+$0x0], $0xffff;
	[tilespmem:s1+$0x12940] =	vst v5  }
0x296: {  	v5 =	vld.idx.msk [tilespmem:v8+s3+$0x0], $0xffff  }
0x297: {  	v15 =	vld [tilespmem:s31+$0x6D20]  }
0x298: {  	v50 =	vld [tilespmem:s0+$0x6970]  }
0x299: {  	v51 =	vld [tilespmem:s1+$0x6970]  }
0x29a: {  	v52 =	vld [tilespmem:s0+$0x6D70];
	[tilespmem:s0+$0x12950] =	vst v12  }
0x29b: {  	v16 =	vld.idx.msk [tilespmem:v16+s3+$0x0], $0xffff;
	[tilespmem:s1+$0x12950] =	vst v5  }
0x29c: {  	v5 =	vld.idx.msk [tilespmem:v49+s3+$0x0], $0xffff  }
0x29d: {  	v17 =	vld [tilespmem:s0+$0x6D00]  }
0x29e: {  	v53 =	vld [tilespmem:s1+$0x6D00]  }
0x29f: {  	v54 =	vld [tilespmem:s0+$0x6D60]  }
0x2a0: {  	v19 =	vld [tilespmem:s0+$0x6D10];
	[tilespmem:s0+$0x12960] =	vst v16  }
0x2a1: {  	v13 =	vld.idx.msk [tilespmem:v50+s3+$0x0], $0xffff;
	[tilespmem:s1+$0x12960] =	vst v5  }
0x2a2: {  	v5 =	vld.idx.msk [tilespmem:v51+s3+$0x0], $0xffff  }
0x2a3: {  	v55 =	vld [tilespmem:s1+$0x6D10];
	[tilespmem:s31+$0x12970] =	vst v6  }
0x2a4: {  	v6 =	vld.idx.msk [tilespmem:v46+s3+$0x0], $0xffff  }
0x2a5: {  	v56 =	vld [tilespmem:s0+$0x6D50]  }
0x2a6: {  	v21 =	vld [tilespmem:s0+$0x6D20];
	[tilespmem:s0+$0x12970] =	vst v13  }
0x2a7: {  	v17 =	vld.idx.msk [tilespmem:v17+s3+$0x0], $0xffff;
	[tilespmem:s1+$0x12970] =	vst v5  }
0x2a8: {  	v5 =	vld.idx.msk [tilespmem:v53+s3+$0x0], $0xffff  }
0x2a9: {  	v57 =	vld [tilespmem:s1+$0x6D20];
	[tilespmem:s31+$0x12D00] =	vst v6  }
0x2aa: {  	v6 =	vld.idx.msk [tilespmem:v47+s3+$0x0], $0xffff  }
0x2ab: {  	v58 =	vld [tilespmem:s31+$0x6D40]  }
0x2ac: {  	v8 =	vld [tilespmem:s31+$0x6D30];
	[tilespmem:s0+$0x12D00] =	vst v17  }
0x2ad: {  	v19 =	vld.idx.msk [tilespmem:v19+s3+$0x0], $0xffff;
	[tilespmem:s1+$0x12D00] =	vst v5  }
0x2ae: {  	v5 =	vld.idx.msk [tilespmem:v55+s3+$0x0], $0xffff  }
0x2af: {  	v59 =	vld [tilespmem:s0+$0x6D30];
	[tilespmem:s31+$0x12D10] =	vst v6  }
0x2b0: {  	v6 =	vld.idx.msk [tilespmem:v15+s3+$0x0], $0xffff  }
0x2b1: {  	v60 =	vld [tilespmem:s1+$0x6D30];
	[tilespmem:s30+$0x12D20] =	vst v4  }
0x2b2: {  	v3 =	vld.idx.msk [tilespmem:v3+s3+$0x0], $0xffff;
	[tilespmem:s0+$0x12D10] =	vst v19  }
0x2b3: {  	[tilespmem:s1+$0x12D10] =	vst v5;
	v5 =	vld.idx.msk [tilespmem:v21+s3+$0x0], $0xffff  }
0x2b4: {  	v4 =	vld.idx.msk [tilespmem:v57+s3+$0x0], $0xffff  }
0x2b5: {  	v7 =	vld [tilespmem:s30+$0x6D40];
	[tilespmem:s31+$0x12D20] =	vst v6  }
0x2b6: {  	v6 =	vld.idx.msk [tilespmem:v8+s3+$0x0], $0xffff  }
0x2b7: {  	v8 =	vld [tilespmem:s0+$0x6D40]  }
0x2b8: {  	[tilespmem:s0+$0x12D20] =	vst v5;
	v5 =	vld [tilespmem:s1+$0x6D40]  }
0x2b9: {  	[tilespmem:s1+$0x12D20] =	vst v4;
	v4 =	vld.idx.msk [tilespmem:v59+s3+$0x0], $0xffff  }
0x2ba: {  	v61 =	vld.idx.msk [tilespmem:v60+s3+$0x0], $0xffff  }
0x2bb: {  	v22 =	vld [tilespmem:s1+$0x6D50]  }
0x2bc: {  	[tilespmem:s30+$0x12D30] =	vst v3;
	v9 =	vld [tilespmem:s31+$0x6D50]  }
0x2bd: {  	v3 =	vld.idx.msk [tilespmem:v7+s3+$0x0], $0xffff;
	[tilespmem:s31+$0x12D30] =	vst v6  }
0x2be: {  	[tilespmem:s0+$0x12D30] =	vst v4;
	v4 =	vld.idx.msk [tilespmem:v58+s3+$0x0], $0xffff  }
0x2bf: {  	[tilespmem:s1+$0x12D30] =	vst v61;
	v6 =	vld.idx.msk [tilespmem:v8+s3+$0x0], $0xffff  }
0x2c0: {  	v5 =	vld.idx.msk [tilespmem:v5+s3+$0x0], $0xffff  }
0x2c1: {  	v20 =	vld [tilespmem:s1+$0x6D60]  }
0x2c2: {  	v10 =	vld [tilespmem:s31+$0x6D60];
	[tilespmem:s30+$0x12D40] =	vst v3  }
0x2c3: {  	v2 =	vld.idx.msk [tilespmem:v2+s3+$0x0], $0xffff;
	[tilespmem:s31+$0x12D40] =	vst v4  }
0x2c4: {  	v3 =	vld.idx.msk [tilespmem:v9+s3+$0x0], $0xffff;
	[tilespmem:s0+$0x12D40] =	vst v6  }
0x2c5: {  	v4 =	vld.idx.msk [tilespmem:v56+s3+$0x0], $0xffff;
	[tilespmem:s1+$0x12D40] =	vst v5  }
0x2c6: {  	v5 =	vld.idx.msk [tilespmem:v22+s3+$0x0], $0xffff  }
0x2c7: {  	v18 =	vld [tilespmem:s1+$0x6D70]  }
0x2c8: {  	v11 =	vld [tilespmem:s31+$0x6D70];
	[tilespmem:s30+$0x12D50] =	vst v2  }
0x2c9: {  	v1 =	vld.idx.msk [tilespmem:v1+s3+$0x0], $0xffff;
	[tilespmem:s31+$0x12D50] =	vst v3  }
0x2ca: {  	v2 =	vld.idx.msk [tilespmem:v10+s3+$0x0], $0xffff;
	[tilespmem:s0+$0x12D50] =	vst v4  }
0x2cb: {  	v3 =	vld.idx.msk [tilespmem:v54+s3+$0x0], $0xffff;
	[tilespmem:s1+$0x12D50] =	vst v5  }
0x2cc: {  	v4 =	vld.idx.msk [tilespmem:v20+s3+$0x0], $0xffff;
	_ =	sdelay $0x1  }
0x2cd: {  	[tilespmem:s30+$0x12D60] =	vst v1  }
0x2ce: {  	v0 =	vld.idx.msk [tilespmem:v0+s3+$0x0], $0xffff;
	[tilespmem:s31+$0x12D60] =	vst v2  }
0x2cf: {  	v1 =	vld.idx.msk [tilespmem:v11+s3+$0x0], $0xffff;
	[tilespmem:s0+$0x12D60] =	vst v3  }
0x2d0: {  	v2 =	vld.idx.msk [tilespmem:v52+s3+$0x0], $0xffff;
	[tilespmem:s1+$0x12D60] =	vst v4  }
0x2d1: {  	v3 =	vld.idx.msk [tilespmem:v18+s3+$0x0], $0xffff;
	_ =	sdelay $0x1  }
0x2d2: {  	[tilespmem:s30+$0x12D70] =	vst v0  }
0x2d3: {  	[tilespmem:s31+$0x12D70] =	vst v1  }
0x2d4: {  	[tilespmem:s0+$0x12D70] =	vst v2  }
0x2d5: {  	[tilespmem:s1+$0x12D70] =	vst v3  }
0x2d6: {  	[hbm4b:s8+s18] =	stream.strided.scatter [tilespmem:s25], [sflag:$0x5], $0x5000, s19, s18, $0x38;
	[tilespmem:$0x18100] =	vst v63  }
0x2d7: {  	_ = 	snop  }
0x2d8: {  	[tilespmem:s20], [sflag:$0x3] =	stream.strided.gather [hbm4b:s9+s18], $0x6000, s19, s18, $0x38;
	[tilespmem:$0x18100] =	vst v63  }
0x2d9: {  	_ =	swait.ge [sflag:s22], $0x6000  }
0x2da: {  	[sflag:s22] =	ssyncset.done $0x0  }
0x2db: {  	[sflag:s22] =	ssyncadd.s32 $0xFFFFA000  }
0x2dc: {  	s1 =	simm.s32 $0x0;
	_ =	swait.ge [sflag:s26], $0x1000  }
0x2dd: {  	s2 =	sand.u32 $0x7000, s1;
	s0 =	sand.u32 $0x380, s1;
	[sflag:s26] =	ssyncset.done $0x0  }
0x2de: {  	s30 =	sor.u32 s0, s2;
	[sflag:s26] =	ssyncadd.s32 $0xFFFFF000  }
0x2df: {  	v0 =	vld [tilespmem:s30+$0x100];
	_ =	sdelay $0x5  }
0x2e0: {  	v1 =	vld [tilespmem:s30+$0x110];
	_ =	sdelay $0x1  }
0x2e1: {  	v0 =	vld.idx.msk [tilespmem:v0+s3+$0x0], $0xffff;
	_ =	sdelay $0x3  }
0x2e2: {  	v2 =	vld [tilespmem:s30+$0x120]  }
0x2e3: {  	[tilespmem:s30+$0xC100] =	vst v0  }
0x2e4: {  	v0 =	vld.idx.msk [tilespmem:v1+s3+$0x0], $0xffff;
	_ =	sdelay $0x3  }
0x2e5: {  	v1 =	vld [tilespmem:s30+$0x130]  }
0x2e6: {  	[tilespmem:s30+$0xC110] =	vst v0  }
0x2e7: {  	v0 =	vld.idx.msk [tilespmem:v2+s3+$0x0], $0xffff;
	_ =	sdelay $0x3  }
0x2e8: {  	v2 =	vld [tilespmem:s30+$0x140]  }
0x2e9: {  	[tilespmem:s30+$0xC120] =	vst v0  }
0x2ea: {  	v0 =	vld.idx.msk [tilespmem:v1+s3+$0x0], $0xffff;
	_ =	sdelay $0x3  }
0x2eb: {  	v1 =	vld [tilespmem:s30+$0x150]  }
0x2ec: {  	[tilespmem:s30+$0xC130] =	vst v0  }
0x2ed: {  	v0 =	vld.idx.msk [tilespmem:v2+s3+$0x0], $0xffff;
	_ =	sdelay $0x3  }
0x2ee: {  	v2 =	vld [tilespmem:s30+$0x160]  }
0x2ef: {  	[tilespmem:s30+$0xC140] =	vst v0  }
0x2f0: {  	v0 =	vld.idx.msk [tilespmem:v1+s3+$0x0], $0xffff;
	_ =	sdelay $0x3  }
0x2f1: {  	v1 =	vld [tilespmem:s30+$0x170]  }
0x2f2: {  	[tilespmem:s30+$0xC150] =	vst v0  }
0x2f3: {  	v0 =	vld.idx.msk [tilespmem:v2+s3+$0x0], $0xffff;
	_ =	sdelay $0x3  }
0x2f4: {  	v2 =	vld [tilespmem:s30+$0x500]  }
0x2f5: {  	[tilespmem:s30+$0xC160] =	vst v0  }
0x2f6: {  	v0 =	vld.idx.msk [tilespmem:v1+s3+$0x0], $0xffff;
	_ =	sdelay $0x1  }
0x2f7: {  	s4 =	simm.s32 $0x200;
	s5 =	simm.s32 $0x80  }
0x2f8: {  	s1 =	sand.u32 $0x380, s5;
	s0 =	sand.u32 $0x7000, s4  }
0x2f9: {  	s31 =	sor.u32 s1, s0;
	v1 =	vld [tilespmem:s30+$0x510]  }
0x2fa: {  	v3 =	vld [tilespmem:s31+$0x100];
	[tilespmem:s30+$0xC170] =	vst v0  }
0x2fb: {  	v0 =	vld.idx.msk [tilespmem:v2+s3+$0x0], $0xffff;
	_ =	sdelay $0x3  }
0x2fc: {  	v2 =	vld [tilespmem:s30+$0x520]  }
0x2fd: {  	v4 =	vld [tilespmem:s31+$0x110];
	[tilespmem:s30+$0xC500] =	vst v0  }
0x2fe: {  	v0 =	vld.idx.msk [tilespmem:v1+s3+$0x0], $0xffff  }
0x2ff: {  	v1 =	vld.idx.msk [tilespmem:v3+s3+$0x0], $0xffff;
	_ =	sdelay $0x2  }
0x300: {  	v3 =	vld [tilespmem:s30+$0x530]  }
0x301: {  	v5 =	vld [tilespmem:s31+$0x120];
	[tilespmem:s30+$0xC510] =	vst v0  }
0x302: {  	[tilespmem:s31+$0xC100] =	vst v1;
	v0 =	vld.idx.msk [tilespmem:v2+s3+$0x0], $0xffff  }
0x303: {  	v1 =	vld.idx.msk [tilespmem:v4+s3+$0x0], $0xffff;
	_ =	sdelay $0x2  }
0x304: {  	v2 =	vld [tilespmem:s30+$0x540]  }
0x305: {  	v4 =	vld [tilespmem:s31+$0x130];
	[tilespmem:s30+$0xC520] =	vst v0  }
0x306: {  	[tilespmem:s31+$0xC110] =	vst v1;
	v0 =	vld.idx.msk [tilespmem:v3+s3+$0x0], $0xffff  }
0x307: {  	v1 =	vld.idx.msk [tilespmem:v5+s3+$0x0], $0xffff;
	_ =	sdelay $0x2  }
0x308: {  	v3 =	vld [tilespmem:s30+$0x550]  }
0x309: {  	v5 =	vld [tilespmem:s31+$0x140];
	[tilespmem:s30+$0xC530] =	vst v0  }
0x30a: {  	[tilespmem:s31+$0xC120] =	vst v1;
	v0 =	vld.idx.msk [tilespmem:v2+s3+$0x0], $0xffff  }
0x30b: {  	v1 =	vld.idx.msk [tilespmem:v4+s3+$0x0], $0xffff;
	_ =	sdelay $0x2  }
0x30c: {  	v2 =	vld [tilespmem:s30+$0x560]  }
0x30d: {  	v4 =	vld [tilespmem:s31+$0x150];
	[tilespmem:s30+$0xC540] =	vst v0  }
0x30e: {  	[tilespmem:s31+$0xC130] =	vst v1;
	v0 =	vld.idx.msk [tilespmem:v3+s3+$0x0], $0xffff  }
0x30f: {  	v1 =	vld.idx.msk [tilespmem:v5+s3+$0x0], $0xffff;
	_ =	sdelay $0x2  }
0x310: {  	v3 =	vld [tilespmem:s30+$0x570]  }
0x311: {  	v5 =	vld [tilespmem:s31+$0x160];
	[tilespmem:s30+$0xC550] =	vst v0  }
0x312: {  	[tilespmem:s31+$0xC140] =	vst v1;
	v0 =	vld.idx.msk [tilespmem:v2+s3+$0x0], $0xffff  }
0x313: {  	v1 =	vld.idx.msk [tilespmem:v4+s3+$0x0], $0xffff;
	_ =	sdelay $0x2  }
0x314: {  	v2 =	vld [tilespmem:s30+$0x900]  }
0x315: {  	s2 =	simm.s32 $0x400;
	s4 =	simm.s32 $0x100;
	v4 =	vld [tilespmem:s31+$0x170];
	[tilespmem:s30+$0xC560] =	vst v0  }
0x316: {  	s0 =	sand.u32 $0x7000, s2;
	s1 =	sand.u32 $0x380, s4;
	[tilespmem:s31+$0xC150] =	vst v1;
	v0 =	vld.idx.msk [tilespmem:v3+s3+$0x0], $0xffff  }
0x317: {  	s0 =	sor.u32 s1, s0;
	v1 =	vld.idx.msk [tilespmem:v5+s3+$0x0], $0xffff  }
0x318: {  	v6 =	vld [tilespmem:s0+$0x100]  }
0x319: {  	v7 =	vld [tilespmem:s0+$0x110]  }
0x31a: {  	v3 =	vld [tilespmem:s30+$0x910]  }
0x31b: {  	v5 =	vld [tilespmem:s31+$0x500];
	[tilespmem:s30+$0xC570] =	vst v0  }
0x31c: {  	[tilespmem:s31+$0xC160] =	vst v1;
	v0 =	vld.idx.msk [tilespmem:v2+s3+$0x0], $0xffff  }
0x31d: {  	v1 =	vld.idx.msk [tilespmem:v4+s3+$0x0], $0xffff  }
0x31e: {  	v8 =	vld [tilespmem:s0+$0x120]  }
0x31f: {  	v9 =	vld [tilespmem:s0+$0x160]  }
0x320: {  	v2 =	vld [tilespmem:s30+$0x920]  }
0x321: {  	v4 =	vld [tilespmem:s31+$0x510];
	[tilespmem:s30+$0xC900] =	vst v0  }
0x322: {  	[tilespmem:s31+$0xC170] =	vst v1;
	v0 =	vld.idx.msk [tilespmem:v3+s3+$0x0], $0xffff  }
0x323: {  	v1 =	vld.idx.msk [tilespmem:v5+s3+$0x0], $0xffff  }
0x324: {  	v10 =	vld [tilespmem:s30+$0xD10]  }
0x325: {  	v11 =	vld [tilespmem:s31+$0x900]  }
0x326: {  	v3 =	vld [tilespmem:s30+$0x930]  }
0x327: {  	v5 =	vld [tilespmem:s31+$0x520];
	[tilespmem:s30+$0xC910] =	vst v0  }
0x328: {  	[tilespmem:s31+$0xC500] =	vst v1;
	v0 =	vld.idx.msk [tilespmem:v2+s3+$0x0], $0xffff  }
0x329: {  	v1 =	vld.idx.msk [tilespmem:v4+s3+$0x0], $0xffff  }
0x32a: {  	v2 =	vld.idx.msk [tilespmem:v6+s3+$0x0], $0xffff  }
0x32b: {  	v62 =	vld [tilespmem:s0+$0x170]  }
0x32c: {  	v4 =	vld [tilespmem:s30+$0x940]  }
0x32d: {  	v6 =	vld [tilespmem:s31+$0x530];
	[tilespmem:s30+$0xC920] =	vst v0  }
0x32e: {  	[tilespmem:s31+$0xC510] =	vst v1;
	v0 =	vld.idx.msk [tilespmem:v3+s3+$0x0], $0xffff  }
0x32f: {  	[tilespmem:s0+$0xC100] =	vst v2;
	v1 =	vld.idx.msk [tilespmem:v5+s3+$0x0], $0xffff  }
0x330: {  	v2 =	vld.idx.msk [tilespmem:v7+s3+$0x0], $0xffff  }
0x331: {  	v3 =	vld [tilespmem:s30+$0x950]  }
0x332: {  	v5 =	vld [tilespmem:s31+$0x540]  }
0x333: {  	v7 =	vld [tilespmem:s0+$0x130];
	[tilespmem:s30+$0xC930] =	vst v0  }
0x334: {  	[tilespmem:s31+$0xC520] =	vst v1;
	v0 =	vld.idx.msk [tilespmem:v4+s3+$0x0], $0xffff  }
0x335: {  	[tilespmem:s0+$0xC110] =	vst v2;
	v1 =	vld.idx.msk [tilespmem:v6+s3+$0x0], $0xffff  }
0x336: {  	v2 =	vld.idx.msk [tilespmem:v8+s3+$0x0], $0xffff  }
0x337: {  	v4 =	vld [tilespmem:s30+$0x960]  }
0x338: {  	v6 =	vld [tilespmem:s31+$0x550]  }
0x339: {  	v8 =	vld [tilespmem:s0+$0x140];
	[tilespmem:s30+$0xC940] =	vst v0  }
0x33a: {  	[tilespmem:s31+$0xC530] =	vst v1;
	v0 =	vld.idx.msk [tilespmem:v3+s3+$0x0], $0xffff  }
0x33b: {  	[tilespmem:s0+$0xC120] =	vst v2;
	v1 =	vld.idx.msk [tilespmem:v5+s3+$0x0], $0xffff  }
0x33c: {  	v2 =	vld.idx.msk [tilespmem:v7+s3+$0x0], $0xffff  }
0x33d: {  	v3 =	vld [tilespmem:s30+$0x970]  }
0x33e: {  	v5 =	vld [tilespmem:s31+$0x560]  }
0x33f: {  	v7 =	vld [tilespmem:s0+$0x150];
	[tilespmem:s30+$0xC950] =	vst v0  }
0x340: {  	[tilespmem:s31+$0xC540] =	vst v1;
	v1 =	vld.idx.msk [tilespmem:v4+s3+$0x0], $0xffff  }
0x341: {  	[tilespmem:s0+$0xC130] =	vst v2;
	v2 =	vld.idx.msk [tilespmem:v6+s3+$0x0], $0xffff  }
0x342: {  	v4 =	vld.idx.msk [tilespmem:v8+s3+$0x0], $0xffff  }
0x343: {  	v63 =	vld [tilespmem:s30+$0xD20]  }
0x344: {  	v6 =	vld [tilespmem:s30+$0xD00]  }
0x345: {  	v8 =	vld [tilespmem:s31+$0x570];
	[tilespmem:s30+$0xC960] =	vst v1  }
0x346: {  	[tilespmem:s31+$0xC550] =	vst v2;
	v2 =	vld.idx.msk [tilespmem:v3+s3+$0x0], $0xffff  }
0x347: {  	[tilespmem:s0+$0xC140] =	vst v4;
	v3 =	vld.idx.msk [tilespmem:v5+s3+$0x0], $0xffff  }
0x348: {  	v4 =	vld.idx.msk [tilespmem:v7+s3+$0x0], $0xffff  }
0x349: {  	v0 =	vld [tilespmem:s30+$0xD70]  }
0x34a: {  	v1 =	vld [tilespmem:s30+$0xD60]  }
0x34b: {  	v5 =	vld [tilespmem:s31+$0x910];
	[tilespmem:s30+$0xC970] =	vst v2  }
0x34c: {  	[tilespmem:s31+$0xC560] =	vst v3;
	v3 =	vld.idx.msk [tilespmem:v6+s3+$0x0], $0xffff  }
0x34d: {  	[tilespmem:s0+$0xC150] =	vst v4;
	v4 =	vld.idx.msk [tilespmem:v8+s3+$0x0], $0xffff  }
0x34e: {  	v6 =	vld.idx.msk [tilespmem:v9+s3+$0x0], $0xffff  }
0x34f: {  	v7 =	vld [tilespmem:s0+$0x500]  }
0x350: {  	v2 =	vld [tilespmem:s30+$0xD50]  }
0x351: {  	v8 =	vld [tilespmem:s0+$0x510];
	[tilespmem:s30+$0xCD00] =	vst v3  }
0x352: {  	[tilespmem:s31+$0xC570] =	vst v4;
	v4 =	vld.idx.msk [tilespmem:v10+s3+$0x0], $0xffff  }
0x353: {  	[tilespmem:s0+$0xC160] =	vst v6;
	v11 =	vld.idx.msk [tilespmem:v11+s3+$0x0], $0xffff  }
0x354: {  	s5 =	simm.s32 $0x600;
	s2 =	simm.s32 $0x180;
	v9 =	vld.idx.msk [tilespmem:v62+s3+$0x0], $0xffff  }
0x355: {  	s1 =	sand.u32 $0x7000, s5;
	s4 =	sand.u32 $0x380, s2;
	v3 =	vld [tilespmem:s30+$0xD30]  }
0x356: {  	s1 =	sor.u32 s4, s1;
	v6 =	vld [tilespmem:s31+$0x920]  }
0x357: {  	v10 =	vld [tilespmem:s1+$0x100];
	[tilespmem:s30+$0xCD10] =	vst v4  }
0x358: {  	s4 =	simm.s32 $0x800;
	[tilespmem:s31+$0xC900] =	vst v11;
	v4 =	vld.idx.msk [tilespmem:v63+s3+$0x0], $0xffff  }
.LBB2_6:
0x359: {  	p0 =	sne.s32 s4, $0x5E00;
	[tilespmem:s0+$0xC170] =	vst v9;
	v5 =	vld.idx.msk [tilespmem:v5+s3+$0x0], $0xffff  }
0x35a: {  	v7 =	vld.idx.msk [tilespmem:v7+s3+$0x0], $0xffff  }
0x35b: {  	v9 =	vld [tilespmem:s30+$0xD40]  }
0x35c: {  	v11 =	vld [tilespmem:s31+$0x930]  }
0x35d: {  	v12 =	vld [tilespmem:s0+$0x520]  }
0x35e: {  	v13 =	vld [tilespmem:s1+$0x110];
	[tilespmem:s30+$0xCD20] =	vst v4  }
0x35f: {  	[tilespmem:s31+$0xC910] =	vst v5;
	v3 =	vld.idx.msk [tilespmem:v3+s3+$0x0], $0xffff  }
0x360: {  	[tilespmem:s0+$0xC500] =	vst v7;
	v4 =	vld.idx.msk [tilespmem:v6+s3+$0x0], $0xffff  }
0x361: {  	v5 =	vld.idx.msk [tilespmem:v8+s3+$0x0], $0xffff  }
0x362: {  	v6 =	vld.idx.msk [tilespmem:v10+s3+$0x0], $0xffff  }
0x363: {  	v7 =	vld [tilespmem:s31+$0x940]  }
0x364: {  	v8 =	vld [tilespmem:s0+$0x530]  }
0x365: {  	v10 =	vld [tilespmem:s1+$0x120];
	[tilespmem:s30+$0xCD30] =	vst v3  }
0x366: {  	[tilespmem:s31+$0xC920] =	vst v4;
	v3 =	vld.idx.msk [tilespmem:v9+s3+$0x0], $0xffff  }
0x367: {  	[tilespmem:s0+$0xC510] =	vst v5;
	v4 =	vld.idx.msk [tilespmem:v11+s3+$0x0], $0xffff  }
0x368: {  	[tilespmem:s1+$0xC100] =	vst v6;
	v5 =	vld.idx.msk [tilespmem:v12+s3+$0x0], $0xffff  }
0x369: {  	v6 =	vld.idx.msk [tilespmem:v13+s3+$0x0], $0xffff  }
0x36a: {  	v9 =	vld [tilespmem:s31+$0x950]  }
0x36b: {  	v11 =	vld [tilespmem:s0+$0x540]  }
0x36c: {  	v12 =	vld [tilespmem:s1+$0x130];
	[tilespmem:s30+$0xCD40] =	vst v3  }
0x36d: {  	[tilespmem:s31+$0xC930] =	vst v4;
	v2 =	vld.idx.msk [tilespmem:v2+s3+$0x0], $0xffff  }
0x36e: {  	[tilespmem:s0+$0xC520] =	vst v5;
	v3 =	vld.idx.msk [tilespmem:v7+s3+$0x0], $0xffff  }
0x36f: {  	[tilespmem:s1+$0xC110] =	vst v6;
	v4 =	vld.idx.msk [tilespmem:v8+s3+$0x0], $0xffff  }
0x370: {  	v5 =	vld.idx.msk [tilespmem:v10+s3+$0x0], $0xffff  }
0x371: {  	v6 =	vld [tilespmem:s31+$0x960]  }
0x372: {  	v7 =	vld [tilespmem:s0+$0x550]  }
0x373: {  	v8 =	vld [tilespmem:s1+$0x140];
	[tilespmem:s30+$0xCD50] =	vst v2  }
0x374: {  	[tilespmem:s31+$0xC940] =	vst v3;
	v1 =	vld.idx.msk [tilespmem:v1+s3+$0x0], $0xffff  }
0x375: {  	[tilespmem:s0+$0xC530] =	vst v4;
	v2 =	vld.idx.msk [tilespmem:v9+s3+$0x0], $0xffff  }
0x376: {  	[tilespmem:s1+$0xC120] =	vst v5;
	v3 =	vld.idx.msk [tilespmem:v11+s3+$0x0], $0xffff  }
0x377: {  	v4 =	vld.idx.msk [tilespmem:v12+s3+$0x0], $0xffff  }
0x378: {  	v5 =	vld [tilespmem:s31+$0x970]  }
0x379: {  	v9 =	vld [tilespmem:s0+$0x560]  }
0x37a: {  	v10 =	vld [tilespmem:s1+$0x150];
	[tilespmem:s30+$0xCD60] =	vst v1  }
0x37b: {  	[tilespmem:s31+$0xC950] =	vst v2;
	v1 =	vld.idx.msk [tilespmem:v0+s3+$0x0], $0xffff  }
0x37c: {  	[tilespmem:s0+$0xC540] =	vst v3;
	v2 =	vld.idx.msk [tilespmem:v6+s3+$0x0], $0xffff  }
0x37d: {  	[tilespmem:s1+$0xC130] =	vst v4;
	v3 =	vld.idx.msk [tilespmem:v7+s3+$0x0], $0xffff  }
0x37e: {  	v4 =	vld.idx.msk [tilespmem:v8+s3+$0x0], $0xffff  }
0x37f: {  	v0 =	vld [tilespmem:s31+$0xD70]  }
0x380: {  	v6 =	vld [tilespmem:s31+$0xD00]  }
0x381: {  	v7 =	vld [tilespmem:s0+$0x570];
	[tilespmem:s30+$0xCD70] =	vst v1;
	s30 =	smov.u32 s31;
	s31 =	smov.u32 s0;
	s0 =	smov.u32 s1  }
0x382: {  	v8 =	vld [tilespmem:s0+$0x160];
	[tilespmem:s30+$0xC960] =	vst v2  }
0x383: {  	[tilespmem:s31+$0xC550] =	vst v3;
	v2 =	vld.idx.msk [tilespmem:v5+s3+$0x0], $0xffff  }
0x384: {  	[tilespmem:s0+$0xC140] =	vst v4;
	v3 =	vld.idx.msk [tilespmem:v9+s3+$0x0], $0xffff  }
0x385: {  	v4 =	vld.idx.msk [tilespmem:v10+s3+$0x0], $0xffff  }
0x386: {  	v1 =	vld [tilespmem:s30+$0xD60]  }
0x387: {  	v9 =	vld [tilespmem:s30+$0xD10]  }
0x388: {  	v10 =	vld [tilespmem:s31+$0x900]  }
0x389: {  	v11 =	vld [tilespmem:s0+$0x170];
	[tilespmem:s30+$0xC970] =	vst v2  }
0x38a: {  	[tilespmem:s31+$0xC560] =	vst v3;
	v3 =	vld.idx.msk [tilespmem:v6+s3+$0x0], $0xffff  }
0x38b: {  	[tilespmem:s0+$0xC150] =	vst v4;
	v4 =	vld.idx.msk [tilespmem:v7+s3+$0x0], $0xffff  }
0x38c: {  	v6 =	vld.idx.msk [tilespmem:v8+s3+$0x0], $0xffff  }
0x38d: {  	v2 =	vld [tilespmem:s30+$0xD50]  }
0x38e: {  	v12 =	vld [tilespmem:s30+$0xD20]  }
0x38f: {  	v5 =	vld [tilespmem:s31+$0x910]  }
0x390: {  	v7 =	vld [tilespmem:s0+$0x500];
	[tilespmem:s30+$0xCD00] =	vst v3  }
0x391: {  	[tilespmem:s31+$0xC570] =	vst v4;
	v4 =	vld.idx.msk [tilespmem:v9+s3+$0x0], $0xffff  }
0x392: {  	[tilespmem:s0+$0xC160] =	vst v6;
	v13 =	vld.idx.msk [tilespmem:v10+s3+$0x0], $0xffff  }
0x393: {  	v9 =	vld.idx.msk [tilespmem:v11+s3+$0x0], $0xffff  }
.Ltmp2:
0x394: {  	s2 =	sadd.s32 $0x80, s2;
	v3 =	vld [tilespmem:s30+$0xD30];
	(pc) =	sbr.rel @p0 .LBB2_6-.Ltmp2, $4  }
0x395: {  	s5 =	sand.u32 $0x380, s2;
	s1 =	sand.u32 $0x7000, s4;
	v6 =	vld [tilespmem:s31+$0x920]  }
0x396: {  	s1 =	sor.u32 s5, s1;
	v8 =	vld [tilespmem:s0+$0x510]  }
0x397: {  	v10 =	vld [tilespmem:s1+$0x100];
	[tilespmem:s30+$0xCD10] =	vst v4  }
0x398: {  	s4 =	sadd.s32 $0x200, s4;
	[tilespmem:s31+$0xC900] =	vst v13;
	v4 =	vld.idx.msk [tilespmem:v12+s3+$0x0], $0xffff  }
0x399: {  	_ =	sdelay $0x4  }
0x39a: {  	v11 =	vld [tilespmem:s1+$0x110];
	_ =	sdelay $0x1  }
0x39b: {  	v10 =	vld.idx.msk [tilespmem:v10+s3+$0x0], $0xffff;
	_ =	sdelay $0x3  }
0x39c: {  	v12 =	vld [tilespmem:s1+$0x120]  }
0x39d: {  	[tilespmem:s1+$0xC100] =	vst v10  }
0x39e: {  	v10 =	vld.idx.msk [tilespmem:v11+s3+$0x0], $0xffff;
	_ =	sdelay $0x3  }
0x39f: {  	v11 =	vld [tilespmem:s1+$0x130]  }
0x3a0: {  	[tilespmem:s1+$0xC110] =	vst v10  }
0x3a1: {  	v10 =	vld.idx.msk [tilespmem:v12+s3+$0x0], $0xffff;
	_ =	sdelay $0x3  }
0x3a2: {  	v40 =	vld [tilespmem:s1+$0x140]  }
0x3a3: {  	[tilespmem:s1+$0xC120] =	vst v10  }
0x3a4: {  	v10 =	vld.idx.msk [tilespmem:v11+s3+$0x0], $0xffff;
	_ =	sdelay $0x3  }
0x3a5: {  	v11 =	vld [tilespmem:s1+$0x150]  }
0x3a6: {  	[tilespmem:s1+$0xC130] =	vst v10  }
0x3a7: {  	v10 =	vld.idx.msk [tilespmem:v40+s3+$0x0], $0xffff;
	_ =	sdelay $0x3  }
0x3a8: {  	v41 =	vld [tilespmem:s1+$0x160]  }
0x3a9: {  	[tilespmem:s1+$0xC140] =	vst v10  }
0x3aa: {  	v10 =	vld.idx.msk [tilespmem:v11+s3+$0x0], $0xffff;
	_ =	sdelay $0x3  }
0x3ab: {  	v11 =	vld [tilespmem:s1+$0x170]  }
0x3ac: {  	[tilespmem:s1+$0xC150] =	vst v10  }
0x3ad: {  	v10 =	vld.idx.msk [tilespmem:v41+s3+$0x0], $0xffff;
	_ =	sdelay $0x3  }
0x3ae: {  	v42 =	vld [tilespmem:s1+$0x500]  }
0x3af: {  	[tilespmem:s1+$0xC160] =	vst v10  }
0x3b0: {  	v10 =	vld.idx.msk [tilespmem:v11+s3+$0x0], $0xffff;
	_ =	sdelay $0x1  }
0x3b1: {  	[tilespmem:s0+$0xC170] =	vst v9  }
0x3b2: {  	v7 =	vld.idx.msk [tilespmem:v7+s3+$0x0], $0xffff  }
0x3b3: {  	v9 =	vld [tilespmem:s1+$0x510]  }
0x3b4: {  	[tilespmem:s1+$0xC170] =	vst v10  }
0x3b5: {  	v10 =	vld.idx.msk [tilespmem:v42+s3+$0x0], $0xffff;
	_ =	sdelay $0x1  }
0x3b6: {  	[tilespmem:s0+$0xC500] =	vst v7;
	v11 =	vld [tilespmem:s0+$0x520]  }
0x3b7: {  	v8 =	vld.idx.msk [tilespmem:v8+s3+$0x0], $0xffff  }
0x3b8: {  	v7 =	vld [tilespmem:s1+$0x520]  }
0x3b9: {  	[tilespmem:s1+$0xC500] =	vst v10  }
0x3ba: {  	v9 =	vld.idx.msk [tilespmem:v9+s3+$0x0], $0xffff;
	_ =	sdelay $0x1  }
0x3bb: {  	[tilespmem:s0+$0xC510] =	vst v8;
	v8 =	vld [tilespmem:s1+$0x530]  }
0x3bc: {  	v10 =	vld [tilespmem:s0+$0x530]  }
0x3bd: {  	v11 =	vld.idx.msk [tilespmem:v11+s3+$0x0], $0xffff  }
0x3be: {  	[tilespmem:s1+$0xC510] =	vst v9  }
0x3bf: {  	v7 =	vld.idx.msk [tilespmem:v7+s3+$0x0], $0xffff  }
0x3c0: {  	v5 =	vld.idx.msk [tilespmem:v5+s3+$0x0], $0xffff  }
0x3c1: {  	v43 =	vld [tilespmem:s0+$0x540]  }
0x3c2: {  	[tilespmem:s0+$0xC520] =	vst v11;
	v11 =	vld [tilespmem:s1+$0x540]  }
0x3c3: {  	v9 =	vld [tilespmem:s31+$0x930]  }
0x3c4: {  	v10 =	vld.idx.msk [tilespmem:v10+s3+$0x0], $0xffff;
	[tilespmem:s1+$0xC520] =	vst v7  }
0x3c5: {  	[tilespmem:s31+$0xC910] =	vst v5;
	v5 =	vld.idx.msk [tilespmem:v8+s3+$0x0], $0xffff  }
0x3c6: {  	v6 =	vld.idx.msk [tilespmem:v6+s3+$0x0], $0xffff  }
0x3c7: {  	v7 =	vld [tilespmem:s31+$0x940]  }
0x3c8: {  	v8 =	vld [tilespmem:s0+$0x550]  }
0x3c9: {  	[tilespmem:s0+$0xC530] =	vst v10;
	v10 =	vld [tilespmem:s1+$0x550]  }
0x3ca: {  	v12 =	vld.idx.msk [tilespmem:v43+s3+$0x0], $0xffff;
	[tilespmem:s1+$0xC530] =	vst v5  }
0x3cb: {  	[tilespmem:s31+$0xC920] =	vst v6;
	v5 =	vld.idx.msk [tilespmem:v11+s3+$0x0], $0xffff  }
0x3cc: {  	v6 =	vld.idx.msk [tilespmem:v9+s3+$0x0], $0xffff  }
0x3cd: {  	v44 =	vld [tilespmem:s1+$0x560]  }
0x3ce: {  	v11 =	vld [tilespmem:s0+$0x560]  }
0x3cf: {  	v9 =	vld [tilespmem:s31+$0x950];
	[tilespmem:s0+$0xC540] =	vst v12  }
0x3d0: {  	v8 =	vld.idx.msk [tilespmem:v8+s3+$0x0], $0xffff;
	[tilespmem:s1+$0xC540] =	vst v5  }
0x3d1: {  	[tilespmem:s31+$0xC930] =	vst v6;
	v5 =	vld.idx.msk [tilespmem:v10+s3+$0x0], $0xffff  }
0x3d2: {  	v6 =	vld.idx.msk [tilespmem:v7+s3+$0x0], $0xffff  }
0x3d3: {  	v7 =	vld [tilespmem:s31+$0x960]  }
0x3d4: {  	v10 =	vld [tilespmem:s0+$0x570]  }
0x3d5: {  	[tilespmem:s0+$0xC550] =	vst v8;
	v8 =	vld [tilespmem:s1+$0x570]  }
0x3d6: {  	v11 =	vld.idx.msk [tilespmem:v11+s3+$0x0], $0xffff;
	[tilespmem:s1+$0xC550] =	vst v5  }
0x3d7: {  	v5 =	vld.idx.msk [tilespmem:v44+s3+$0x0], $0xffff  }
0x3d8: {  	[tilespmem:s31+$0xC940] =	vst v6  }
0x3d9: {  	v6 =	vld.idx.msk [tilespmem:v9+s3+$0x0], $0xffff  }
0x3da: {  	v45 =	vld [tilespmem:s0+$0x900]  }
0x3db: {  	[tilespmem:s0+$0xC560] =	vst v11;
	v11 =	vld [tilespmem:s1+$0x900]  }
0x3dc: {  	v10 =	vld.idx.msk [tilespmem:v10+s3+$0x0], $0xffff;
	[tilespmem:s1+$0xC560] =	vst v5  }
0x3dd: {  	v5 =	vld.idx.msk [tilespmem:v8+s3+$0x0], $0xffff  }
0x3de: {  	v9 =	vld [tilespmem:s31+$0x970];
	[tilespmem:s31+$0xC950] =	vst v6  }
0x3df: {  	v6 =	vld.idx.msk [tilespmem:v7+s3+$0x0], $0xffff  }
0x3e0: {  	v7 =	vld [tilespmem:s0+$0x910]  }
0x3e1: {  	v8 =	vld [tilespmem:s1+$0x910];
	[tilespmem:s0+$0xC570] =	vst v10  }
0x3e2: {  	v10 =	vld.idx.msk [tilespmem:v45+s3+$0x0], $0xffff;
	[tilespmem:s1+$0xC570] =	vst v5  }
0x3e3: {  	v5 =	vld.idx.msk [tilespmem:v11+s3+$0x0], $0xffff;
	_ =	sdelay $0x2  }
0x3e4: {  	v13 =	vld [tilespmem:s0+$0x920]  }
0x3e5: {  	[tilespmem:s0+$0xC900] =	vst v10;
	v10 =	vld [tilespmem:s1+$0x920]  }
0x3e6: {  	v7 =	vld.idx.msk [tilespmem:v7+s3+$0x0], $0xffff;
	[tilespmem:s1+$0xC900] =	vst v5  }
0x3e7: {  	v5 =	vld.idx.msk [tilespmem:v8+s3+$0x0], $0xffff  }
0x3e8: {  	[tilespmem:s31+$0xC960] =	vst v6  }
0x3e9: {  	v6 =	vld.idx.msk [tilespmem:v9+s3+$0x0], $0xffff  }
0x3ea: {  	v8 =	vld [tilespmem:s0+$0x930]  }
0x3eb: {  	[tilespmem:s0+$0xC910] =	vst v7;
	v7 =	vld [tilespmem:s1+$0x930]  }
0x3ec: {  	v9 =	vld.idx.msk [tilespmem:v13+s3+$0x0], $0xffff;
	[tilespmem:s1+$0xC910] =	vst v5  }
0x3ed: {  	v5 =	vld.idx.msk [tilespmem:v10+s3+$0x0], $0xffff;
	_ =	sdelay $0x2  }
0x3ee: {  	v14 =	vld [tilespmem:s0+$0x940]  }
0x3ef: {  	[tilespmem:s0+$0xC920] =	vst v9;
	v9 =	vld [tilespmem:s1+$0x940]  }
0x3f0: {  	v8 =	vld.idx.msk [tilespmem:v8+s3+$0x0], $0xffff;
	[tilespmem:s1+$0xC920] =	vst v5  }
0x3f1: {  	v5 =	vld.idx.msk [tilespmem:v7+s3+$0x0], $0xffff;
	_ =	sdelay $0x2  }
0x3f2: {  	v48 =	vld [tilespmem:s0+$0x950]  }
0x3f3: {  	[tilespmem:s0+$0xC930] =	vst v8;
	v8 =	vld [tilespmem:s1+$0x950]  }
0x3f4: {  	v14 =	vld.idx.msk [tilespmem:v14+s3+$0x0], $0xffff;
	[tilespmem:s1+$0xC930] =	vst v5  }
0x3f5: {  	v5 =	vld.idx.msk [tilespmem:v9+s3+$0x0], $0xffff  }
0x3f6: {  	v46 =	vld [tilespmem:s31+$0xD00]  }
0x3f7: {  	v47 =	vld [tilespmem:s31+$0xD10]  }
0x3f8: {  	v16 =	vld [tilespmem:s0+$0x960]  }
0x3f9: {  	v49 =	vld [tilespmem:s1+$0x960];
	[tilespmem:s0+$0xC940] =	vst v14  }
0x3fa: {  	v12 =	vld.idx.msk [tilespmem:v48+s3+$0x0], $0xffff;
	[tilespmem:s1+$0xC940] =	vst v5  }
0x3fb: {  	v5 =	vld.idx.msk [tilespmem:v8+s3+$0x0], $0xffff  }
0x3fc: {  	v15 =	vld [tilespmem:s31+$0xD20]  }
0x3fd: {  	v50 =	vld [tilespmem:s0+$0x970]  }
0x3fe: {  	v51 =	vld [tilespmem:s1+$0x970]  }
0x3ff: {  	v52 =	vld [tilespmem:s0+$0xD70];
	[tilespmem:s0+$0xC950] =	vst v12  }
0x400: {  	v16 =	vld.idx.msk [tilespmem:v16+s3+$0x0], $0xffff;
	[tilespmem:s1+$0xC950] =	vst v5  }
0x401: {  	v5 =	vld.idx.msk [tilespmem:v49+s3+$0x0], $0xffff  }
0x402: {  	v17 =	vld [tilespmem:s0+$0xD00]  }
0x403: {  	v53 =	vld [tilespmem:s1+$0xD00]  }
0x404: {  	v54 =	vld [tilespmem:s0+$0xD60]  }
0x405: {  	v19 =	vld [tilespmem:s0+$0xD10];
	[tilespmem:s0+$0xC960] =	vst v16  }
0x406: {  	v13 =	vld.idx.msk [tilespmem:v50+s3+$0x0], $0xffff;
	[tilespmem:s1+$0xC960] =	vst v5  }
0x407: {  	v5 =	vld.idx.msk [tilespmem:v51+s3+$0x0], $0xffff  }
0x408: {  	v55 =	vld [tilespmem:s1+$0xD10];
	[tilespmem:s31+$0xC970] =	vst v6  }
0x409: {  	v6 =	vld.idx.msk [tilespmem:v46+s3+$0x0], $0xffff  }
0x40a: {  	v56 =	vld [tilespmem:s0+$0xD50]  }
0x40b: {  	v21 =	vld [tilespmem:s0+$0xD20];
	[tilespmem:s0+$0xC970] =	vst v13  }
0x40c: {  	v17 =	vld.idx.msk [tilespmem:v17+s3+$0x0], $0xffff;
	[tilespmem:s1+$0xC970] =	vst v5  }
0x40d: {  	v5 =	vld.idx.msk [tilespmem:v53+s3+$0x0], $0xffff  }
0x40e: {  	v57 =	vld [tilespmem:s1+$0xD20];
	[tilespmem:s31+$0xCD00] =	vst v6  }
0x40f: {  	v6 =	vld.idx.msk [tilespmem:v47+s3+$0x0], $0xffff  }
0x410: {  	v58 =	vld [tilespmem:s31+$0xD40]  }
0x411: {  	v8 =	vld [tilespmem:s31+$0xD30];
	[tilespmem:s0+$0xCD00] =	vst v17  }
0x412: {  	v19 =	vld.idx.msk [tilespmem:v19+s3+$0x0], $0xffff;
	[tilespmem:s1+$0xCD00] =	vst v5  }
0x413: {  	v5 =	vld.idx.msk [tilespmem:v55+s3+$0x0], $0xffff  }
0x414: {  	v59 =	vld [tilespmem:s0+$0xD30];
	[tilespmem:s31+$0xCD10] =	vst v6  }
0x415: {  	v6 =	vld.idx.msk [tilespmem:v15+s3+$0x0], $0xffff  }
0x416: {  	v60 =	vld [tilespmem:s1+$0xD30];
	[tilespmem:s30+$0xCD20] =	vst v4  }
0x417: {  	v3 =	vld.idx.msk [tilespmem:v3+s3+$0x0], $0xffff;
	[tilespmem:s0+$0xCD10] =	vst v19  }
0x418: {  	[tilespmem:s1+$0xCD10] =	vst v5;
	v5 =	vld.idx.msk [tilespmem:v21+s3+$0x0], $0xffff  }
0x419: {  	v4 =	vld.idx.msk [tilespmem:v57+s3+$0x0], $0xffff  }
0x41a: {  	v7 =	vld [tilespmem:s30+$0xD40];
	[tilespmem:s31+$0xCD20] =	vst v6  }
0x41b: {  	v6 =	vld.idx.msk [tilespmem:v8+s3+$0x0], $0xffff  }
0x41c: {  	v8 =	vld [tilespmem:s0+$0xD40]  }
0x41d: {  	[tilespmem:s0+$0xCD20] =	vst v5;
	v5 =	vld [tilespmem:s1+$0xD40]  }
0x41e: {  	[tilespmem:s1+$0xCD20] =	vst v4;
	v4 =	vld.idx.msk [tilespmem:v59+s3+$0x0], $0xffff  }
0x41f: {  	v61 =	vld.idx.msk [tilespmem:v60+s3+$0x0], $0xffff  }
0x420: {  	v22 =	vld [tilespmem:s1+$0xD50]  }
0x421: {  	[tilespmem:s30+$0xCD30] =	vst v3;
	v9 =	vld [tilespmem:s31+$0xD50]  }
0x422: {  	v3 =	vld.idx.msk [tilespmem:v7+s3+$0x0], $0xffff;
	[tilespmem:s31+$0xCD30] =	vst v6  }
0x423: {  	[tilespmem:s0+$0xCD30] =	vst v4;
	v4 =	vld.idx.msk [tilespmem:v58+s3+$0x0], $0xffff  }
0x424: {  	[tilespmem:s1+$0xCD30] =	vst v61;
	v6 =	vld.idx.msk [tilespmem:v8+s3+$0x0], $0xffff  }
0x425: {  	v5 =	vld.idx.msk [tilespmem:v5+s3+$0x0], $0xffff  }
0x426: {  	v20 =	vld [tilespmem:s1+$0xD60]  }
0x427: {  	v10 =	vld [tilespmem:s31+$0xD60];
	[tilespmem:s30+$0xCD40] =	vst v3  }
0x428: {  	v2 =	vld.idx.msk [tilespmem:v2+s3+$0x0], $0xffff;
	[tilespmem:s31+$0xCD40] =	vst v4  }
0x429: {  	v3 =	vld.idx.msk [tilespmem:v9+s3+$0x0], $0xffff;
	[tilespmem:s0+$0xCD40] =	vst v6  }
0x42a: {  	v4 =	vld.idx.msk [tilespmem:v56+s3+$0x0], $0xffff;
	[tilespmem:s1+$0xCD40] =	vst v5  }
0x42b: {  	v5 =	vld.idx.msk [tilespmem:v22+s3+$0x0], $0xffff  }
0x42c: {  	v18 =	vld [tilespmem:s1+$0xD70]  }
0x42d: {  	v11 =	vld [tilespmem:s31+$0xD70];
	[tilespmem:s30+$0xCD50] =	vst v2  }
0x42e: {  	v1 =	vld.idx.msk [tilespmem:v1+s3+$0x0], $0xffff;
	[tilespmem:s31+$0xCD50] =	vst v3  }
0x42f: {  	v2 =	vld.idx.msk [tilespmem:v10+s3+$0x0], $0xffff;
	[tilespmem:s0+$0xCD50] =	vst v4  }
0x430: {  	v3 =	vld.idx.msk [tilespmem:v54+s3+$0x0], $0xffff;
	[tilespmem:s1+$0xCD50] =	vst v5  }
0x431: {  	v4 =	vld.idx.msk [tilespmem:v20+s3+$0x0], $0xffff;
	_ =	sdelay $0x1  }
0x432: {  	[tilespmem:s30+$0xCD60] =	vst v1  }
0x433: {  	v0 =	vld.idx.msk [tilespmem:v0+s3+$0x0], $0xffff;
	[tilespmem:s31+$0xCD60] =	vst v2  }
0x434: {  	v1 =	vld.idx.msk [tilespmem:v11+s3+$0x0], $0xffff;
	[tilespmem:s0+$0xCD60] =	vst v3  }
0x435: {  	v2 =	vld.idx.msk [tilespmem:v52+s3+$0x0], $0xffff;
	[tilespmem:s1+$0xCD60] =	vst v4  }
0x436: {  	v3 =	vld.idx.msk [tilespmem:v18+s3+$0x0], $0xffff;
	_ =	sdelay $0x1  }
0x437: {  	[tilespmem:s30+$0xCD70] =	vst v0  }
0x438: {  	[tilespmem:s31+$0xCD70] =	vst v1  }
0x439: {  	[tilespmem:s0+$0xCD70] =	vst v2  }
0x43a: {  	[tilespmem:s1+$0xCD70] =	vst v3  }
0x43b: {  	[hbm4b:s10+s18] =	stream.strided.scatter [tilespmem:s23], [sflag:$0x4], $0x6000, s19, s18, $0x38;
	[tilespmem:$0x18100] =	vst v63  }
0x43c: {  	_ = 	snop  }
0x43d: {  	[tilespmem:s17], [sflag:$0x2] =	stream.strided.gather [hbm4b:s11+s18], $0x5000, s19, s18, $0x38;
	[tilespmem:$0x18100] =	vst v63  }
0x43e: {  	_ =	swait.ge [sflag:s24], $0x6000  }
0x43f: {  	[sflag:s24] =	ssyncset.done $0x0  }
0x440: {  	[sflag:s24] =	ssyncadd.s32 $0xFFFFA000  }
0x441: {  	s1 =	simm.s32 $0x0;
	_ =	swait.ge [sflag:s28], $0x5000  }
0x442: {  	s2 =	sand.u32 $0x7000, s1;
	s0 =	sand.u32 $0x380, s1;
	[sflag:s28] =	ssyncset.done $0x0  }
0x443: {  	s30 =	sor.u32 s0, s2;
	[sflag:s28] =	ssyncadd.s32 $0xFFFFB000  }
0x444: {  	v0 =	vld [tilespmem:s30+$0x6100];
	_ =	sdelay $0x5  }
0x445: {  	v1 =	vld [tilespmem:s30+$0x6110];
	_ =	sdelay $0x1  }
0x446: {  	v0 =	vld.idx.msk [tilespmem:v0+s3+$0x0], $0xffff;
	_ =	sdelay $0x3  }
0x447: {  	v2 =	vld [tilespmem:s30+$0x6120]  }
0x448: {  	[tilespmem:s30+$0x12100] =	vst v0  }
0x449: {  	v0 =	vld.idx.msk [tilespmem:v1+s3+$0x0], $0xffff;
	_ =	sdelay $0x3  }
0x44a: {  	v1 =	vld [tilespmem:s30+$0x6130]  }
0x44b: {  	[tilespmem:s30+$0x12110] =	vst v0  }
0x44c: {  	v0 =	vld.idx.msk [tilespmem:v2+s3+$0x0], $0xffff;
	_ =	sdelay $0x3  }
0x44d: {  	v2 =	vld [tilespmem:s30+$0x6140]  }
0x44e: {  	[tilespmem:s30+$0x12120] =	vst v0  }
0x44f: {  	v0 =	vld.idx.msk [tilespmem:v1+s3+$0x0], $0xffff;
	_ =	sdelay $0x3  }
0x450: {  	v1 =	vld [tilespmem:s30+$0x6150]  }
0x451: {  	[tilespmem:s30+$0x12130] =	vst v0  }
0x452: {  	v0 =	vld.idx.msk [tilespmem:v2+s3+$0x0], $0xffff;
	_ =	sdelay $0x3  }
0x453: {  	v2 =	vld [tilespmem:s30+$0x6160]  }
0x454: {  	[tilespmem:s30+$0x12140] =	vst v0  }
0x455: {  	v0 =	vld.idx.msk [tilespmem:v1+s3+$0x0], $0xffff;
	_ =	sdelay $0x3  }
0x456: {  	v1 =	vld [tilespmem:s30+$0x6170]  }
0x457: {  	[tilespmem:s30+$0x12150] =	vst v0  }
0x458: {  	v0 =	vld.idx.msk [tilespmem:v2+s3+$0x0], $0xffff;
	_ =	sdelay $0x3  }
0x459: {  	v2 =	vld [tilespmem:s30+$0x6500]  }
0x45a: {  	[tilespmem:s30+$0x12160] =	vst v0  }
0x45b: {  	v0 =	vld.idx.msk [tilespmem:v1+s3+$0x0], $0xffff;
	_ =	sdelay $0x1  }
0x45c: {  	s4 =	simm.s32 $0x200;
	s5 =	simm.s32 $0x80  }
0x45d: {  	s1 =	sand.u32 $0x380, s5;
	s0 =	sand.u32 $0x7000, s4  }
0x45e: {  	s31 =	sor.u32 s1, s0;
	v1 =	vld [tilespmem:s30+$0x6510]  }
0x45f: {  	v3 =	vld [tilespmem:s31+$0x6100];
	[tilespmem:s30+$0x12170] =	vst v0  }
0x460: {  	v0 =	vld.idx.msk [tilespmem:v2+s3+$0x0], $0xffff;
	_ =	sdelay $0x3  }
0x461: {  	v2 =	vld [tilespmem:s30+$0x6520]  }
0x462: {  	v4 =	vld [tilespmem:s31+$0x6110];
	[tilespmem:s30+$0x12500] =	vst v0  }
0x463: {  	v0 =	vld.idx.msk [tilespmem:v1+s3+$0x0], $0xffff  }
0x464: {  	v1 =	vld.idx.msk [tilespmem:v3+s3+$0x0], $0xffff;
	_ =	sdelay $0x2  }
0x465: {  	v3 =	vld [tilespmem:s30+$0x6530]  }
0x466: {  	v5 =	vld [tilespmem:s31+$0x6120];
	[tilespmem:s30+$0x12510] =	vst v0  }
0x467: {  	[tilespmem:s31+$0x12100] =	vst v1;
	v0 =	vld.idx.msk [tilespmem:v2+s3+$0x0], $0xffff  }
0x468: {  	v1 =	vld.idx.msk [tilespmem:v4+s3+$0x0], $0xffff;
	_ =	sdelay $0x2  }
0x469: {  	v2 =	vld [tilespmem:s30+$0x6540]  }
0x46a: {  	v4 =	vld [tilespmem:s31+$0x6130];
	[tilespmem:s30+$0x12520] =	vst v0  }
0x46b: {  	[tilespmem:s31+$0x12110] =	vst v1;
	v0 =	vld.idx.msk [tilespmem:v3+s3+$0x0], $0xffff  }
0x46c: {  	v1 =	vld.idx.msk [tilespmem:v5+s3+$0x0], $0xffff;
	_ =	sdelay $0x2  }
0x46d: {  	v3 =	vld [tilespmem:s30+$0x6550]  }
0x46e: {  	v5 =	vld [tilespmem:s31+$0x6140];
	[tilespmem:s30+$0x12530] =	vst v0  }
0x46f: {  	[tilespmem:s31+$0x12120] =	vst v1;
	v0 =	vld.idx.msk [tilespmem:v2+s3+$0x0], $0xffff  }
0x470: {  	v1 =	vld.idx.msk [tilespmem:v4+s3+$0x0], $0xffff;
	_ =	sdelay $0x2  }
0x471: {  	v2 =	vld [tilespmem:s30+$0x6560]  }
0x472: {  	v4 =	vld [tilespmem:s31+$0x6150];
	[tilespmem:s30+$0x12540] =	vst v0  }
0x473: {  	[tilespmem:s31+$0x12130] =	vst v1;
	v0 =	vld.idx.msk [tilespmem:v3+s3+$0x0], $0xffff  }
0x474: {  	v1 =	vld.idx.msk [tilespmem:v5+s3+$0x0], $0xffff;
	_ =	sdelay $0x2  }
0x475: {  	v3 =	vld [tilespmem:s30+$0x6570]  }
0x476: {  	v5 =	vld [tilespmem:s31+$0x6160];
	[tilespmem:s30+$0x12550] =	vst v0  }
0x477: {  	[tilespmem:s31+$0x12140] =	vst v1;
	v0 =	vld.idx.msk [tilespmem:v2+s3+$0x0], $0xffff  }
0x478: {  	v1 =	vld.idx.msk [tilespmem:v4+s3+$0x0], $0xffff;
	_ =	sdelay $0x2  }
0x479: {  	v2 =	vld [tilespmem:s30+$0x6900]  }
0x47a: {  	s2 =	simm.s32 $0x400;
	s4 =	simm.s32 $0x100;
	v4 =	vld [tilespmem:s31+$0x6170];
	[tilespmem:s30+$0x12560] =	vst v0  }
0x47b: {  	s0 =	sand.u32 $0x7000, s2;
	s1 =	sand.u32 $0x380, s4;
	[tilespmem:s31+$0x12150] =	vst v1;
	v0 =	vld.idx.msk [tilespmem:v3+s3+$0x0], $0xffff  }
0x47c: {  	s0 =	sor.u32 s1, s0;
	v1 =	vld.idx.msk [tilespmem:v5+s3+$0x0], $0xffff  }
0x47d: {  	v6 =	vld [tilespmem:s0+$0x6100]  }
0x47e: {  	v7 =	vld [tilespmem:s0+$0x6110]  }
0x47f: {  	v3 =	vld [tilespmem:s30+$0x6910]  }
0x480: {  	v5 =	vld [tilespmem:s31+$0x6500];
	[tilespmem:s30+$0x12570] =	vst v0  }
0x481: {  	[tilespmem:s31+$0x12160] =	vst v1;
	v0 =	vld.idx.msk [tilespmem:v2+s3+$0x0], $0xffff  }
0x482: {  	v1 =	vld.idx.msk [tilespmem:v4+s3+$0x0], $0xffff  }
0x483: {  	v8 =	vld [tilespmem:s0+$0x6120]  }
0x484: {  	v9 =	vld [tilespmem:s0+$0x6160]  }
0x485: {  	v2 =	vld [tilespmem:s30+$0x6920]  }
0x486: {  	v4 =	vld [tilespmem:s31+$0x6510];
	[tilespmem:s30+$0x12900] =	vst v0  }
0x487: {  	[tilespmem:s31+$0x12170] =	vst v1;
	v0 =	vld.idx.msk [tilespmem:v3+s3+$0x0], $0xffff  }
0x488: {  	v1 =	vld.idx.msk [tilespmem:v5+s3+$0x0], $0xffff  }
0x489: {  	v10 =	vld [tilespmem:s30+$0x6D10]  }
0x48a: {  	v11 =	vld [tilespmem:s31+$0x6900]  }
0x48b: {  	v3 =	vld [tilespmem:s30+$0x6930]  }
0x48c: {  	v5 =	vld [tilespmem:s31+$0x6520];
	[tilespmem:s30+$0x12910] =	vst v0  }
0x48d: {  	[tilespmem:s31+$0x12500] =	vst v1;
	v0 =	vld.idx.msk [tilespmem:v2+s3+$0x0], $0xffff  }
0x48e: {  	v1 =	vld.idx.msk [tilespmem:v4+s3+$0x0], $0xffff  }
0x48f: {  	v2 =	vld.idx.msk [tilespmem:v6+s3+$0x0], $0xffff  }
0x490: {  	v62 =	vld [tilespmem:s0+$0x6170]  }
0x491: {  	v4 =	vld [tilespmem:s30+$0x6940]  }
0x492: {  	v6 =	vld [tilespmem:s31+$0x6530];
	[tilespmem:s30+$0x12920] =	vst v0  }
0x493: {  	[tilespmem:s31+$0x12510] =	vst v1;
	v0 =	vld.idx.msk [tilespmem:v3+s3+$0x0], $0xffff  }
0x494: {  	[tilespmem:s0+$0x12100] =	vst v2;
	v1 =	vld.idx.msk [tilespmem:v5+s3+$0x0], $0xffff  }
0x495: {  	v2 =	vld.idx.msk [tilespmem:v7+s3+$0x0], $0xffff  }
0x496: {  	v3 =	vld [tilespmem:s30+$0x6950]  }
0x497: {  	v5 =	vld [tilespmem:s31+$0x6540]  }
0x498: {  	v7 =	vld [tilespmem:s0+$0x6130];
	[tilespmem:s30+$0x12930] =	vst v0  }
0x499: {  	[tilespmem:s31+$0x12520] =	vst v1;
	v0 =	vld.idx.msk [tilespmem:v4+s3+$0x0], $0xffff  }
0x49a: {  	[tilespmem:s0+$0x12110] =	vst v2;
	v1 =	vld.idx.msk [tilespmem:v6+s3+$0x0], $0xffff  }
0x49b: {  	v2 =	vld.idx.msk [tilespmem:v8+s3+$0x0], $0xffff  }
0x49c: {  	v4 =	vld [tilespmem:s30+$0x6960]  }
0x49d: {  	v6 =	vld [tilespmem:s31+$0x6550]  }
0x49e: {  	v8 =	vld [tilespmem:s0+$0x6140];
	[tilespmem:s30+$0x12940] =	vst v0  }
0x49f: {  	[tilespmem:s31+$0x12530] =	vst v1;
	v0 =	vld.idx.msk [tilespmem:v3+s3+$0x0], $0xffff  }
0x4a0: {  	[tilespmem:s0+$0x12120] =	vst v2;
	v1 =	vld.idx.msk [tilespmem:v5+s3+$0x0], $0xffff  }
0x4a1: {  	v2 =	vld.idx.msk [tilespmem:v7+s3+$0x0], $0xffff  }
0x4a2: {  	v3 =	vld [tilespmem:s30+$0x6970]  }
0x4a3: {  	v5 =	vld [tilespmem:s31+$0x6560]  }
0x4a4: {  	v7 =	vld [tilespmem:s0+$0x6150];
	[tilespmem:s30+$0x12950] =	vst v0  }
0x4a5: {  	[tilespmem:s31+$0x12540] =	vst v1;
	v1 =	vld.idx.msk [tilespmem:v4+s3+$0x0], $0xffff  }
0x4a6: {  	[tilespmem:s0+$0x12130] =	vst v2;
	v2 =	vld.idx.msk [tilespmem:v6+s3+$0x0], $0xffff  }
0x4a7: {  	v4 =	vld.idx.msk [tilespmem:v8+s3+$0x0], $0xffff  }
0x4a8: {  	v63 =	vld [tilespmem:s30+$0x6D20]  }
0x4a9: {  	v6 =	vld [tilespmem:s30+$0x6D00]  }
0x4aa: {  	v8 =	vld [tilespmem:s31+$0x6570];
	[tilespmem:s30+$0x12960] =	vst v1  }
0x4ab: {  	[tilespmem:s31+$0x12550] =	vst v2;
	v2 =	vld.idx.msk [tilespmem:v3+s3+$0x0], $0xffff  }
0x4ac: {  	[tilespmem:s0+$0x12140] =	vst v4;
	v3 =	vld.idx.msk [tilespmem:v5+s3+$0x0], $0xffff  }
0x4ad: {  	v4 =	vld.idx.msk [tilespmem:v7+s3+$0x0], $0xffff  }
0x4ae: {  	v0 =	vld [tilespmem:s30+$0x6D70]  }
0x4af: {  	v1 =	vld [tilespmem:s30+$0x6D60]  }
0x4b0: {  	v5 =	vld [tilespmem:s31+$0x6910];
	[tilespmem:s30+$0x12970] =	vst v2  }
0x4b1: {  	[tilespmem:s31+$0x12560] =	vst v3;
	v3 =	vld.idx.msk [tilespmem:v6+s3+$0x0], $0xffff  }
0x4b2: {  	[tilespmem:s0+$0x12150] =	vst v4;
	v4 =	vld.idx.msk [tilespmem:v8+s3+$0x0], $0xffff  }
0x4b3: {  	v6 =	vld.idx.msk [tilespmem:v9+s3+$0x0], $0xffff  }
0x4b4: {  	v7 =	vld [tilespmem:s0+$0x6500]  }
0x4b5: {  	v2 =	vld [tilespmem:s30+$0x6D50]  }
0x4b6: {  	v8 =	vld [tilespmem:s0+$0x6510];
	[tilespmem:s30+$0x12D00] =	vst v3  }
0x4b7: {  	[tilespmem:s31+$0x12570] =	vst v4;
	v4 =	vld.idx.msk [tilespmem:v10+s3+$0x0], $0xffff  }
0x4b8: {  	[tilespmem:s0+$0x12160] =	vst v6;
	v11 =	vld.idx.msk [tilespmem:v11+s3+$0x0], $0xffff  }
0x4b9: {  	s5 =	simm.s32 $0x600;
	s2 =	simm.s32 $0x180;
	v9 =	vld.idx.msk [tilespmem:v62+s3+$0x0], $0xffff  }
0x4ba: {  	s1 =	sand.u32 $0x7000, s5;
	s4 =	sand.u32 $0x380, s2;
	v3 =	vld [tilespmem:s30+$0x6D30]  }
0x4bb: {  	s1 =	sor.u32 s4, s1;
	v6 =	vld [tilespmem:s31+$0x6920]  }
0x4bc: {  	v10 =	vld [tilespmem:s1+$0x6100];
	[tilespmem:s30+$0x12D10] =	vst v4  }
0x4bd: {  	s4 =	simm.s32 $0x800;
	[tilespmem:s31+$0x12900] =	vst v11;
	v4 =	vld.idx.msk [tilespmem:v63+s3+$0x0], $0xffff  }
.LBB2_8:
0x4be: {  	p0 =	sne.s32 s4, $0x5E00;
	[tilespmem:s0+$0x12170] =	vst v9;
	v5 =	vld.idx.msk [tilespmem:v5+s3+$0x0], $0xffff  }
0x4bf: {  	v7 =	vld.idx.msk [tilespmem:v7+s3+$0x0], $0xffff  }
0x4c0: {  	v9 =	vld [tilespmem:s30+$0x6D40]  }
0x4c1: {  	v11 =	vld [tilespmem:s31+$0x6930]  }
0x4c2: {  	v12 =	vld [tilespmem:s0+$0x6520]  }
0x4c3: {  	v13 =	vld [tilespmem:s1+$0x6110];
	[tilespmem:s30+$0x12D20] =	vst v4  }
0x4c4: {  	[tilespmem:s31+$0x12910] =	vst v5;
	v3 =	vld.idx.msk [tilespmem:v3+s3+$0x0], $0xffff  }
0x4c5: {  	[tilespmem:s0+$0x12500] =	vst v7;
	v4 =	vld.idx.msk [tilespmem:v6+s3+$0x0], $0xffff  }
0x4c6: {  	v5 =	vld.idx.msk [tilespmem:v8+s3+$0x0], $0xffff  }
0x4c7: {  	v6 =	vld.idx.msk [tilespmem:v10+s3+$0x0], $0xffff  }
0x4c8: {  	v7 =	vld [tilespmem:s31+$0x6940]  }
0x4c9: {  	v8 =	vld [tilespmem:s0+$0x6530]  }
0x4ca: {  	v10 =	vld [tilespmem:s1+$0x6120];
	[tilespmem:s30+$0x12D30] =	vst v3  }
0x4cb: {  	[tilespmem:s31+$0x12920] =	vst v4;
	v3 =	vld.idx.msk [tilespmem:v9+s3+$0x0], $0xffff  }
0x4cc: {  	[tilespmem:s0+$0x12510] =	vst v5;
	v4 =	vld.idx.msk [tilespmem:v11+s3+$0x0], $0xffff  }
0x4cd: {  	[tilespmem:s1+$0x12100] =	vst v6;
	v5 =	vld.idx.msk [tilespmem:v12+s3+$0x0], $0xffff  }
0x4ce: {  	v6 =	vld.idx.msk [tilespmem:v13+s3+$0x0], $0xffff  }
0x4cf: {  	v9 =	vld [tilespmem:s31+$0x6950]  }
0x4d0: {  	v11 =	vld [tilespmem:s0+$0x6540]  }
0x4d1: {  	v12 =	vld [tilespmem:s1+$0x6130];
	[tilespmem:s30+$0x12D40] =	vst v3  }
0x4d2: {  	[tilespmem:s31+$0x12930] =	vst v4;
	v2 =	vld.idx.msk [tilespmem:v2+s3+$0x0], $0xffff  }
0x4d3: {  	[tilespmem:s0+$0x12520] =	vst v5;
	v3 =	vld.idx.msk [tilespmem:v7+s3+$0x0], $0xffff  }
0x4d4: {  	[tilespmem:s1+$0x12110] =	vst v6;
	v4 =	vld.idx.msk [tilespmem:v8+s3+$0x0], $0xffff  }
0x4d5: {  	v5 =	vld.idx.msk [tilespmem:v10+s3+$0x0], $0xffff  }
0x4d6: {  	v6 =	vld [tilespmem:s31+$0x6960]  }
0x4d7: {  	v7 =	vld [tilespmem:s0+$0x6550]  }
0x4d8: {  	v8 =	vld [tilespmem:s1+$0x6140];
	[tilespmem:s30+$0x12D50] =	vst v2  }
0x4d9: {  	[tilespmem:s31+$0x12940] =	vst v3;
	v1 =	vld.idx.msk [tilespmem:v1+s3+$0x0], $0xffff  }
0x4da: {  	[tilespmem:s0+$0x12530] =	vst v4;
	v2 =	vld.idx.msk [tilespmem:v9+s3+$0x0], $0xffff  }
0x4db: {  	[tilespmem:s1+$0x12120] =	vst v5;
	v3 =	vld.idx.msk [tilespmem:v11+s3+$0x0], $0xffff  }
0x4dc: {  	v4 =	vld.idx.msk [tilespmem:v12+s3+$0x0], $0xffff  }
0x4dd: {  	v5 =	vld [tilespmem:s31+$0x6970]  }
0x4de: {  	v9 =	vld [tilespmem:s0+$0x6560]  }
0x4df: {  	v10 =	vld [tilespmem:s1+$0x6150];
	[tilespmem:s30+$0x12D60] =	vst v1  }
0x4e0: {  	[tilespmem:s31+$0x12950] =	vst v2;
	v1 =	vld.idx.msk [tilespmem:v0+s3+$0x0], $0xffff  }
0x4e1: {  	[tilespmem:s0+$0x12540] =	vst v3;
	v2 =	vld.idx.msk [tilespmem:v6+s3+$0x0], $0xffff  }
0x4e2: {  	[tilespmem:s1+$0x12130] =	vst v4;
	v3 =	vld.idx.msk [tilespmem:v7+s3+$0x0], $0xffff  }
0x4e3: {  	v4 =	vld.idx.msk [tilespmem:v8+s3+$0x0], $0xffff  }
0x4e4: {  	v0 =	vld [tilespmem:s31+$0x6D70]  }
0x4e5: {  	v6 =	vld [tilespmem:s31+$0x6D00]  }
0x4e6: {  	v7 =	vld [tilespmem:s0+$0x6570];
	[tilespmem:s30+$0x12D70] =	vst v1;
	s30 =	smov.u32 s31;
	s31 =	smov.u32 s0;
	s0 =	smov.u32 s1  }
0x4e7: {  	v8 =	vld [tilespmem:s0+$0x6160];
	[tilespmem:s30+$0x12960] =	vst v2  }
0x4e8: {  	[tilespmem:s31+$0x12550] =	vst v3;
	v2 =	vld.idx.msk [tilespmem:v5+s3+$0x0], $0xffff  }
0x4e9: {  	[tilespmem:s0+$0x12140] =	vst v4;
	v3 =	vld.idx.msk [tilespmem:v9+s3+$0x0], $0xffff  }
0x4ea: {  	v4 =	vld.idx.msk [tilespmem:v10+s3+$0x0], $0xffff  }
0x4eb: {  	v1 =	vld [tilespmem:s30+$0x6D60]  }
0x4ec: {  	v9 =	vld [tilespmem:s30+$0x6D10]  }
0x4ed: {  	v10 =	vld [tilespmem:s31+$0x6900]  }
0x4ee: {  	v11 =	vld [tilespmem:s0+$0x6170];
	[tilespmem:s30+$0x12970] =	vst v2  }
0x4ef: {  	[tilespmem:s31+$0x12560] =	vst v3;
	v3 =	vld.idx.msk [tilespmem:v6+s3+$0x0], $0xffff  }
0x4f0: {  	[tilespmem:s0+$0x12150] =	vst v4;
	v4 =	vld.idx.msk [tilespmem:v7+s3+$0x0], $0xffff  }
0x4f1: {  	v6 =	vld.idx.msk [tilespmem:v8+s3+$0x0], $0xffff  }
0x4f2: {  	v2 =	vld [tilespmem:s30+$0x6D50]  }
0x4f3: {  	v12 =	vld [tilespmem:s30+$0x6D20]  }
0x4f4: {  	v5 =	vld [tilespmem:s31+$0x6910]  }
0x4f5: {  	v7 =	vld [tilespmem:s0+$0x6500];
	[tilespmem:s30+$0x12D00] =	vst v3  }
0x4f6: {  	[tilespmem:s31+$0x12570] =	vst v4;
	v4 =	vld.idx.msk [tilespmem:v9+s3+$0x0], $0xffff  }
0x4f7: {  	[tilespmem:s0+$0x12160] =	vst v6;
	v13 =	vld.idx.msk [tilespmem:v10+s3+$0x0], $0xffff  }
0x4f8: {  	v9 =	vld.idx.msk [tilespmem:v11+s3+$0x0], $0xffff  }
.Ltmp3:
0x4f9: {  	s2 =	sadd.s32 $0x80, s2;
	v3 =	vld [tilespmem:s30+$0x6D30];
	(pc) =	sbr.rel @p0 .LBB2_8-.Ltmp3, $4  }
0x4fa: {  	s5 =	sand.u32 $0x380, s2;
	s1 =	sand.u32 $0x7000, s4;
	v6 =	vld [tilespmem:s31+$0x6920]  }
0x4fb: {  	s1 =	sor.u32 s5, s1;
	v8 =	vld [tilespmem:s0+$0x6510]  }
0x4fc: {  	v10 =	vld [tilespmem:s1+$0x6100];
	[tilespmem:s30+$0x12D10] =	vst v4  }
0x4fd: {  	s4 =	sadd.s32 $0x200, s4;
	[tilespmem:s31+$0x12900] =	vst v13;
	v4 =	vld.idx.msk [tilespmem:v12+s3+$0x0], $0xffff  }
0x4fe: {  	_ =	sdelay $0x4  }
0x4ff: {  	v11 =	vld [tilespmem:s1+$0x6110];
	_ =	sdelay $0x1  }
0x500: {  	v10 =	vld.idx.msk [tilespmem:v10+s3+$0x0], $0xffff;
	_ =	sdelay $0x3  }
0x501: {  	v12 =	vld [tilespmem:s1+$0x6120]  }
0x502: {  	[tilespmem:s1+$0x12100] =	vst v10  }
0x503: {  	v10 =	vld.idx.msk [tilespmem:v11+s3+$0x0], $0xffff;
	_ =	sdelay $0x3  }
0x504: {  	v11 =	vld [tilespmem:s1+$0x6130]  }
0x505: {  	[tilespmem:s1+$0x12110] =	vst v10  }
0x506: {  	v10 =	vld.idx.msk [tilespmem:v12+s3+$0x0], $0xffff;
	_ =	sdelay $0x3  }
0x507: {  	v40 =	vld [tilespmem:s1+$0x6140]  }
0x508: {  	[tilespmem:s1+$0x12120] =	vst v10  }
0x509: {  	v10 =	vld.idx.msk [tilespmem:v11+s3+$0x0], $0xffff;
	_ =	sdelay $0x3  }
0x50a: {  	v11 =	vld [tilespmem:s1+$0x6150]  }
0x50b: {  	[tilespmem:s1+$0x12130] =	vst v10  }
0x50c: {  	v10 =	vld.idx.msk [tilespmem:v40+s3+$0x0], $0xffff;
	_ =	sdelay $0x3  }
0x50d: {  	v41 =	vld [tilespmem:s1+$0x6160]  }
0x50e: {  	[tilespmem:s1+$0x12140] =	vst v10  }
0x50f: {  	v10 =	vld.idx.msk [tilespmem:v11+s3+$0x0], $0xffff;
	_ =	sdelay $0x3  }
0x510: {  	v11 =	vld [tilespmem:s1+$0x6170]  }
0x511: {  	[tilespmem:s1+$0x12150] =	vst v10  }
0x512: {  	v10 =	vld.idx.msk [tilespmem:v41+s3+$0x0], $0xffff;
	_ =	sdelay $0x3  }
0x513: {  	v42 =	vld [tilespmem:s1+$0x6500]  }
0x514: {  	[tilespmem:s1+$0x12160] =	vst v10  }
0x515: {  	v10 =	vld.idx.msk [tilespmem:v11+s3+$0x0], $0xffff;
	_ =	sdelay $0x1  }
0x516: {  	[tilespmem:s0+$0x12170] =	vst v9  }
0x517: {  	v7 =	vld.idx.msk [tilespmem:v7+s3+$0x0], $0xffff  }
0x518: {  	v9 =	vld [tilespmem:s1+$0x6510]  }
0x519: {  	[tilespmem:s1+$0x12170] =	vst v10  }
0x51a: {  	v10 =	vld.idx.msk [tilespmem:v42+s3+$0x0], $0xffff;
	_ =	sdelay $0x1  }
0x51b: {  	[tilespmem:s0+$0x12500] =	vst v7;
	v11 =	vld [tilespmem:s0+$0x6520]  }
0x51c: {  	v8 =	vld.idx.msk [tilespmem:v8+s3+$0x0], $0xffff  }
0x51d: {  	v7 =	vld [tilespmem:s1+$0x6520]  }
0x51e: {  	[tilespmem:s1+$0x12500] =	vst v10  }
0x51f: {  	v9 =	vld.idx.msk [tilespmem:v9+s3+$0x0], $0xffff;
	_ =	sdelay $0x1  }
0x520: {  	[tilespmem:s0+$0x12510] =	vst v8;
	v8 =	vld [tilespmem:s1+$0x6530]  }
0x521: {  	v10 =	vld [tilespmem:s0+$0x6530]  }
0x522: {  	v11 =	vld.idx.msk [tilespmem:v11+s3+$0x0], $0xffff  }
0x523: {  	[tilespmem:s1+$0x12510] =	vst v9  }
0x524: {  	v7 =	vld.idx.msk [tilespmem:v7+s3+$0x0], $0xffff  }
0x525: {  	v5 =	vld.idx.msk [tilespmem:v5+s3+$0x0], $0xffff  }
0x526: {  	v43 =	vld [tilespmem:s0+$0x6540]  }
0x527: {  	[tilespmem:s0+$0x12520] =	vst v11;
	v11 =	vld [tilespmem:s1+$0x6540]  }
0x528: {  	v9 =	vld [tilespmem:s31+$0x6930]  }
0x529: {  	v10 =	vld.idx.msk [tilespmem:v10+s3+$0x0], $0xffff;
	[tilespmem:s1+$0x12520] =	vst v7  }
0x52a: {  	[tilespmem:s31+$0x12910] =	vst v5;
	v5 =	vld.idx.msk [tilespmem:v8+s3+$0x0], $0xffff  }
0x52b: {  	v6 =	vld.idx.msk [tilespmem:v6+s3+$0x0], $0xffff  }
0x52c: {  	v7 =	vld [tilespmem:s31+$0x6940]  }
0x52d: {  	v8 =	vld [tilespmem:s0+$0x6550]  }
0x52e: {  	[tilespmem:s0+$0x12530] =	vst v10;
	v10 =	vld [tilespmem:s1+$0x6550]  }
0x52f: {  	v12 =	vld.idx.msk [tilespmem:v43+s3+$0x0], $0xffff;
	[tilespmem:s1+$0x12530] =	vst v5  }
0x530: {  	[tilespmem:s31+$0x12920] =	vst v6;
	v5 =	vld.idx.msk [tilespmem:v11+s3+$0x0], $0xffff  }
0x531: {  	v6 =	vld.idx.msk [tilespmem:v9+s3+$0x0], $0xffff  }
0x532: {  	v44 =	vld [tilespmem:s1+$0x6560]  }
0x533: {  	v11 =	vld [tilespmem:s0+$0x6560]  }
0x534: {  	v9 =	vld [tilespmem:s31+$0x6950];
	[tilespmem:s0+$0x12540] =	vst v12  }
0x535: {  	v8 =	vld.idx.msk [tilespmem:v8+s3+$0x0], $0xffff;
	[tilespmem:s1+$0x12540] =	vst v5  }
0x536: {  	[tilespmem:s31+$0x12930] =	vst v6;
	v5 =	vld.idx.msk [tilespmem:v10+s3+$0x0], $0xffff  }
0x537: {  	v6 =	vld.idx.msk [tilespmem:v7+s3+$0x0], $0xffff  }
0x538: {  	v7 =	vld [tilespmem:s31+$0x6960]  }
0x539: {  	v10 =	vld [tilespmem:s0+$0x6570]  }
0x53a: {  	[tilespmem:s0+$0x12550] =	vst v8;
	v8 =	vld [tilespmem:s1+$0x6570]  }
0x53b: {  	v11 =	vld.idx.msk [tilespmem:v11+s3+$0x0], $0xffff;
	[tilespmem:s1+$0x12550] =	vst v5  }
0x53c: {  	v5 =	vld.idx.msk [tilespmem:v44+s3+$0x0], $0xffff  }
0x53d: {  	[tilespmem:s31+$0x12940] =	vst v6  }
0x53e: {  	v6 =	vld.idx.msk [tilespmem:v9+s3+$0x0], $0xffff  }
0x53f: {  	v45 =	vld [tilespmem:s0+$0x6900]  }
0x540: {  	[tilespmem:s0+$0x12560] =	vst v11;
	v11 =	vld [tilespmem:s1+$0x6900]  }
0x541: {  	v10 =	vld.idx.msk [tilespmem:v10+s3+$0x0], $0xffff;
	[tilespmem:s1+$0x12560] =	vst v5  }
0x542: {  	v5 =	vld.idx.msk [tilespmem:v8+s3+$0x0], $0xffff  }
0x543: {  	v9 =	vld [tilespmem:s31+$0x6970];
	[tilespmem:s31+$0x12950] =	vst v6  }
0x544: {  	v6 =	vld.idx.msk [tilespmem:v7+s3+$0x0], $0xffff  }
0x545: {  	v7 =	vld [tilespmem:s0+$0x6910]  }
0x546: {  	v8 =	vld [tilespmem:s1+$0x6910];
	[tilespmem:s0+$0x12570] =	vst v10  }
0x547: {  	v10 =	vld.idx.msk [tilespmem:v45+s3+$0x0], $0xffff;
	[tilespmem:s1+$0x12570] =	vst v5  }
0x548: {  	v5 =	vld.idx.msk [tilespmem:v11+s3+$0x0], $0xffff;
	_ =	sdelay $0x2  }
0x549: {  	v13 =	vld [tilespmem:s0+$0x6920]  }
0x54a: {  	[tilespmem:s0+$0x12900] =	vst v10;
	v10 =	vld [tilespmem:s1+$0x6920]  }
0x54b: {  	v7 =	vld.idx.msk [tilespmem:v7+s3+$0x0], $0xffff;
	[tilespmem:s1+$0x12900] =	vst v5  }
0x54c: {  	v5 =	vld.idx.msk [tilespmem:v8+s3+$0x0], $0xffff  }
0x54d: {  	[tilespmem:s31+$0x12960] =	vst v6  }
0x54e: {  	v6 =	vld.idx.msk [tilespmem:v9+s3+$0x0], $0xffff  }
0x54f: {  	v8 =	vld [tilespmem:s0+$0x6930]  }
0x550: {  	[tilespmem:s0+$0x12910] =	vst v7;
	v7 =	vld [tilespmem:s1+$0x6930]  }
0x551: {  	v9 =	vld.idx.msk [tilespmem:v13+s3+$0x0], $0xffff;
	[tilespmem:s1+$0x12910] =	vst v5  }
0x552: {  	v5 =	vld.idx.msk [tilespmem:v10+s3+$0x0], $0xffff;
	_ =	sdelay $0x2  }
0x553: {  	v14 =	vld [tilespmem:s0+$0x6940]  }
0x554: {  	[tilespmem:s0+$0x12920] =	vst v9;
	v9 =	vld [tilespmem:s1+$0x6940]  }
0x555: {  	v8 =	vld.idx.msk [tilespmem:v8+s3+$0x0], $0xffff;
	[tilespmem:s1+$0x12920] =	vst v5  }
0x556: {  	v5 =	vld.idx.msk [tilespmem:v7+s3+$0x0], $0xffff;
	_ =	sdelay $0x2  }
0x557: {  	v48 =	vld [tilespmem:s0+$0x6950]  }
0x558: {  	[tilespmem:s0+$0x12930] =	vst v8;
	v8 =	vld [tilespmem:s1+$0x6950]  }
0x559: {  	v14 =	vld.idx.msk [tilespmem:v14+s3+$0x0], $0xffff;
	[tilespmem:s1+$0x12930] =	vst v5  }
0x55a: {  	v5 =	vld.idx.msk [tilespmem:v9+s3+$0x0], $0xffff  }
0x55b: {  	v46 =	vld [tilespmem:s31+$0x6D00]  }
0x55c: {  	v47 =	vld [tilespmem:s31+$0x6D10]  }
0x55d: {  	v16 =	vld [tilespmem:s0+$0x6960]  }
0x55e: {  	v49 =	vld [tilespmem:s1+$0x6960];
	[tilespmem:s0+$0x12940] =	vst v14  }
0x55f: {  	v12 =	vld.idx.msk [tilespmem:v48+s3+$0x0], $0xffff;
	[tilespmem:s1+$0x12940] =	vst v5  }
0x560: {  	v5 =	vld.idx.msk [tilespmem:v8+s3+$0x0], $0xffff  }
0x561: {  	v15 =	vld [tilespmem:s31+$0x6D20]  }
0x562: {  	v50 =	vld [tilespmem:s0+$0x6970]  }
0x563: {  	v51 =	vld [tilespmem:s1+$0x6970]  }
0x564: {  	v52 =	vld [tilespmem:s0+$0x6D70];
	[tilespmem:s0+$0x12950] =	vst v12  }
0x565: {  	v16 =	vld.idx.msk [tilespmem:v16+s3+$0x0], $0xffff;
	[tilespmem:s1+$0x12950] =	vst v5  }
0x566: {  	v5 =	vld.idx.msk [tilespmem:v49+s3+$0x0], $0xffff  }
0x567: {  	v17 =	vld [tilespmem:s0+$0x6D00]  }
0x568: {  	v53 =	vld [tilespmem:s1+$0x6D00]  }
0x569: {  	v54 =	vld [tilespmem:s0+$0x6D60]  }
0x56a: {  	v19 =	vld [tilespmem:s0+$0x6D10];
	[tilespmem:s0+$0x12960] =	vst v16  }
0x56b: {  	v13 =	vld.idx.msk [tilespmem:v50+s3+$0x0], $0xffff;
	[tilespmem:s1+$0x12960] =	vst v5  }
0x56c: {  	v5 =	vld.idx.msk [tilespmem:v51+s3+$0x0], $0xffff  }
0x56d: {  	v55 =	vld [tilespmem:s1+$0x6D10];
	[tilespmem:s31+$0x12970] =	vst v6  }
0x56e: {  	v6 =	vld.idx.msk [tilespmem:v46+s3+$0x0], $0xffff  }
0x56f: {  	v56 =	vld [tilespmem:s0+$0x6D50]  }
0x570: {  	v21 =	vld [tilespmem:s0+$0x6D20];
	[tilespmem:s0+$0x12970] =	vst v13  }
0x571: {  	v17 =	vld.idx.msk [tilespmem:v17+s3+$0x0], $0xffff;
	[tilespmem:s1+$0x12970] =	vst v5  }
0x572: {  	v5 =	vld.idx.msk [tilespmem:v53+s3+$0x0], $0xffff  }
0x573: {  	v57 =	vld [tilespmem:s1+$0x6D20];
	[tilespmem:s31+$0x12D00] =	vst v6  }
0x574: {  	v6 =	vld.idx.msk [tilespmem:v47+s3+$0x0], $0xffff  }
0x575: {  	v58 =	vld [tilespmem:s31+$0x6D40]  }
0x576: {  	v8 =	vld [tilespmem:s31+$0x6D30];
	[tilespmem:s0+$0x12D00] =	vst v17  }
0x577: {  	v19 =	vld.idx.msk [tilespmem:v19+s3+$0x0], $0xffff;
	[tilespmem:s1+$0x12D00] =	vst v5  }
0x578: {  	v5 =	vld.idx.msk [tilespmem:v55+s3+$0x0], $0xffff  }
0x579: {  	v59 =	vld [tilespmem:s0+$0x6D30];
	[tilespmem:s31+$0x12D10] =	vst v6  }
0x57a: {  	v6 =	vld.idx.msk [tilespmem:v15+s3+$0x0], $0xffff  }
0x57b: {  	v60 =	vld [tilespmem:s1+$0x6D30];
	[tilespmem:s30+$0x12D20] =	vst v4  }
0x57c: {  	v3 =	vld.idx.msk [tilespmem:v3+s3+$0x0], $0xffff;
	[tilespmem:s0+$0x12D10] =	vst v19  }
0x57d: {  	[tilespmem:s1+$0x12D10] =	vst v5;
	v5 =	vld.idx.msk [tilespmem:v21+s3+$0x0], $0xffff  }
0x57e: {  	v4 =	vld.idx.msk [tilespmem:v57+s3+$0x0], $0xffff  }
0x57f: {  	v7 =	vld [tilespmem:s30+$0x6D40];
	[tilespmem:s31+$0x12D20] =	vst v6  }
0x580: {  	v6 =	vld.idx.msk [tilespmem:v8+s3+$0x0], $0xffff  }
0x581: {  	v8 =	vld [tilespmem:s0+$0x6D40]  }
0x582: {  	[tilespmem:s0+$0x12D20] =	vst v5;
	v5 =	vld [tilespmem:s1+$0x6D40]  }
0x583: {  	[tilespmem:s1+$0x12D20] =	vst v4;
	v4 =	vld.idx.msk [tilespmem:v59+s3+$0x0], $0xffff  }
0x584: {  	v61 =	vld.idx.msk [tilespmem:v60+s3+$0x0], $0xffff  }
0x585: {  	v22 =	vld [tilespmem:s1+$0x6D50]  }
0x586: {  	[tilespmem:s30+$0x12D30] =	vst v3;
	v9 =	vld [tilespmem:s31+$0x6D50]  }
0x587: {  	v3 =	vld.idx.msk [tilespmem:v7+s3+$0x0], $0xffff;
	[tilespmem:s31+$0x12D30] =	vst v6  }
0x588: {  	[tilespmem:s0+$0x12D30] =	vst v4;
	v4 =	vld.idx.msk [tilespmem:v58+s3+$0x0], $0xffff  }
0x589: {  	[tilespmem:s1+$0x12D30] =	vst v61;
	v6 =	vld.idx.msk [tilespmem:v8+s3+$0x0], $0xffff  }
0x58a: {  	v5 =	vld.idx.msk [tilespmem:v5+s3+$0x0], $0xffff  }
0x58b: {  	v20 =	vld [tilespmem:s1+$0x6D60]  }
0x58c: {  	v10 =	vld [tilespmem:s31+$0x6D60];
	[tilespmem:s30+$0x12D40] =	vst v3  }
0x58d: {  	v2 =	vld.idx.msk [tilespmem:v2+s3+$0x0], $0xffff;
	[tilespmem:s31+$0x12D40] =	vst v4  }
0x58e: {  	v3 =	vld.idx.msk [tilespmem:v9+s3+$0x0], $0xffff;
	[tilespmem:s0+$0x12D40] =	vst v6  }
0x58f: {  	v4 =	vld.idx.msk [tilespmem:v56+s3+$0x0], $0xffff;
	[tilespmem:s1+$0x12D40] =	vst v5  }
0x590: {  	v5 =	vld.idx.msk [tilespmem:v22+s3+$0x0], $0xffff  }
0x591: {  	v18 =	vld [tilespmem:s1+$0x6D70]  }
0x592: {  	v11 =	vld [tilespmem:s31+$0x6D70];
	[tilespmem:s30+$0x12D50] =	vst v2  }
0x593: {  	v1 =	vld.idx.msk [tilespmem:v1+s3+$0x0], $0xffff;
	[tilespmem:s31+$0x12D50] =	vst v3  }
0x594: {  	v2 =	vld.idx.msk [tilespmem:v10+s3+$0x0], $0xffff;
	[tilespmem:s0+$0x12D50] =	vst v4  }
0x595: {  	v3 =	vld.idx.msk [tilespmem:v54+s3+$0x0], $0xffff;
	[tilespmem:s1+$0x12D50] =	vst v5  }
0x596: {  	v4 =	vld.idx.msk [tilespmem:v20+s3+$0x0], $0xffff;
	_ =	sdelay $0x1  }
0x597: {  	[tilespmem:s30+$0x12D60] =	vst v1  }
0x598: {  	v0 =	vld.idx.msk [tilespmem:v0+s3+$0x0], $0xffff;
	[tilespmem:s31+$0x12D60] =	vst v2  }
0x599: {  	v1 =	vld.idx.msk [tilespmem:v11+s3+$0x0], $0xffff;
	[tilespmem:s0+$0x12D60] =	vst v3  }
0x59a: {  	v2 =	vld.idx.msk [tilespmem:v52+s3+$0x0], $0xffff;
	[tilespmem:s1+$0x12D60] =	vst v4  }
0x59b: {  	v3 =	vld.idx.msk [tilespmem:v18+s3+$0x0], $0xffff;
	_ =	sdelay $0x1  }
0x59c: {  	[tilespmem:s30+$0x12D70] =	vst v0  }
0x59d: {  	[tilespmem:s31+$0x12D70] =	vst v1  }
0x59e: {  	[tilespmem:s0+$0x12D70] =	vst v2  }
0x59f: {  	[tilespmem:s1+$0x12D70] =	vst v3  }
0x5a0: {  	[hbm4b:s12+s18] =	stream.strided.scatter [tilespmem:s25], [sflag:$0x5], $0x6000, s19, s18, $0x38;
	[tilespmem:$0x18100] =	vst v63  }
0x5a1: {  	_ = 	snop  }
0x5a2: {  	[tilespmem:s20], [sflag:$0x3] =	stream.strided.gather [hbm4b:s13+s18], $0x2000, s19, s18, $0x38;
	[tilespmem:$0x18100] =	vst v63  }
0x5a3: {  	_ =	swait.ge [sflag:s22], $0x5000  }
0x5a4: {  	[sflag:s22] =	ssyncset.done $0x0  }
0x5a5: {  	[sflag:s22] =	ssyncadd.s32 $0xFFFFB000  }
0x5a6: {  	s1 =	simm.s32 $0x0;
	_ =	swait.ge [sflag:s26], $0x6000  }
0x5a7: {  	s2 =	sand.u32 $0x7000, s1;
	s0 =	sand.u32 $0x380, s1;
	[sflag:s26] =	ssyncset.done $0x0  }
0x5a8: {  	s30 =	sor.u32 s0, s2;
	[sflag:s26] =	ssyncadd.s32 $0xFFFFA000  }
0x5a9: {  	v0 =	vld [tilespmem:s30+$0x100];
	_ =	sdelay $0x5  }
0x5aa: {  	v1 =	vld [tilespmem:s30+$0x110];
	_ =	sdelay $0x1  }
0x5ab: {  	v0 =	vld.idx.msk [tilespmem:v0+s3+$0x0], $0xffff;
	_ =	sdelay $0x3  }
0x5ac: {  	v2 =	vld [tilespmem:s30+$0x120]  }
0x5ad: {  	[tilespmem:s30+$0xC100] =	vst v0  }
0x5ae: {  	v0 =	vld.idx.msk [tilespmem:v1+s3+$0x0], $0xffff;
	_ =	sdelay $0x3  }
0x5af: {  	v1 =	vld [tilespmem:s30+$0x130]  }
0x5b0: {  	[tilespmem:s30+$0xC110] =	vst v0  }
0x5b1: {  	v0 =	vld.idx.msk [tilespmem:v2+s3+$0x0], $0xffff;
	_ =	sdelay $0x3  }
0x5b2: {  	v2 =	vld [tilespmem:s30+$0x140]  }
0x5b3: {  	[tilespmem:s30+$0xC120] =	vst v0  }
0x5b4: {  	v0 =	vld.idx.msk [tilespmem:v1+s3+$0x0], $0xffff;
	_ =	sdelay $0x3  }
0x5b5: {  	v1 =	vld [tilespmem:s30+$0x150]  }
0x5b6: {  	[tilespmem:s30+$0xC130] =	vst v0  }
0x5b7: {  	v0 =	vld.idx.msk [tilespmem:v2+s3+$0x0], $0xffff;
	_ =	sdelay $0x3  }
0x5b8: {  	v2 =	vld [tilespmem:s30+$0x160]  }
0x5b9: {  	[tilespmem:s30+$0xC140] =	vst v0  }
0x5ba: {  	v0 =	vld.idx.msk [tilespmem:v1+s3+$0x0], $0xffff;
	_ =	sdelay $0x3  }
0x5bb: {  	v1 =	vld [tilespmem:s30+$0x170]  }
0x5bc: {  	[tilespmem:s30+$0xC150] =	vst v0  }
0x5bd: {  	v0 =	vld.idx.msk [tilespmem:v2+s3+$0x0], $0xffff;
	_ =	sdelay $0x3  }
0x5be: {  	v2 =	vld [tilespmem:s30+$0x500]  }
0x5bf: {  	[tilespmem:s30+$0xC160] =	vst v0  }
0x5c0: {  	v0 =	vld.idx.msk [tilespmem:v1+s3+$0x0], $0xffff;
	_ =	sdelay $0x1  }
0x5c1: {  	s4 =	simm.s32 $0x200;
	s5 =	simm.s32 $0x80  }
0x5c2: {  	s1 =	sand.u32 $0x380, s5;
	s0 =	sand.u32 $0x7000, s4  }
0x5c3: {  	s31 =	sor.u32 s1, s0;
	v1 =	vld [tilespmem:s30+$0x510]  }
0x5c4: {  	v3 =	vld [tilespmem:s31+$0x100];
	[tilespmem:s30+$0xC170] =	vst v0  }
0x5c5: {  	v0 =	vld.idx.msk [tilespmem:v2+s3+$0x0], $0xffff;
	_ =	sdelay $0x3  }
0x5c6: {  	v2 =	vld [tilespmem:s30+$0x520]  }
0x5c7: {  	v4 =	vld [tilespmem:s31+$0x110];
	[tilespmem:s30+$0xC500] =	vst v0  }
0x5c8: {  	v0 =	vld.idx.msk [tilespmem:v1+s3+$0x0], $0xffff  }
0x5c9: {  	v1 =	vld.idx.msk [tilespmem:v3+s3+$0x0], $0xffff;
	_ =	sdelay $0x2  }
0x5ca: {  	v3 =	vld [tilespmem:s30+$0x530]  }
0x5cb: {  	v5 =	vld [tilespmem:s31+$0x120];
	[tilespmem:s30+$0xC510] =	vst v0  }
0x5cc: {  	[tilespmem:s31+$0xC100] =	vst v1;
	v0 =	vld.idx.msk [tilespmem:v2+s3+$0x0], $0xffff  }
0x5cd: {  	v1 =	vld.idx.msk [tilespmem:v4+s3+$0x0], $0xffff;
	_ =	sdelay $0x2  }
0x5ce: {  	v2 =	vld [tilespmem:s30+$0x540]  }
0x5cf: {  	v4 =	vld [tilespmem:s31+$0x130];
	[tilespmem:s30+$0xC520] =	vst v0  }
0x5d0: {  	[tilespmem:s31+$0xC110] =	vst v1;
	v0 =	vld.idx.msk [tilespmem:v3+s3+$0x0], $0xffff  }
0x5d1: {  	v1 =	vld.idx.msk [tilespmem:v5+s3+$0x0], $0xffff;
	_ =	sdelay $0x2  }
0x5d2: {  	v3 =	vld [tilespmem:s30+$0x550]  }
0x5d3: {  	v5 =	vld [tilespmem:s31+$0x140];
	[tilespmem:s30+$0xC530] =	vst v0  }
0x5d4: {  	[tilespmem:s31+$0xC120] =	vst v1;
	v0 =	vld.idx.msk [tilespmem:v2+s3+$0x0], $0xffff  }
0x5d5: {  	v1 =	vld.idx.msk [tilespmem:v4+s3+$0x0], $0xffff;
	_ =	sdelay $0x2  }
0x5d6: {  	v2 =	vld [tilespmem:s30+$0x560]  }
0x5d7: {  	v4 =	vld [tilespmem:s31+$0x150];
	[tilespmem:s30+$0xC540] =	vst v0  }
0x5d8: {  	[tilespmem:s31+$0xC130] =	vst v1;
	v0 =	vld.idx.msk [tilespmem:v3+s3+$0x0], $0xffff  }
0x5d9: {  	v1 =	vld.idx.msk [tilespmem:v5+s3+$0x0], $0xffff;
	_ =	sdelay $0x2  }
0x5da: {  	v3 =	vld [tilespmem:s30+$0x570]  }
0x5db: {  	v5 =	vld [tilespmem:s31+$0x160];
	[tilespmem:s30+$0xC550] =	vst v0  }
0x5dc: {  	[tilespmem:s31+$0xC140] =	vst v1;
	v0 =	vld.idx.msk [tilespmem:v2+s3+$0x0], $0xffff  }
0x5dd: {  	v1 =	vld.idx.msk [tilespmem:v4+s3+$0x0], $0xffff;
	_ =	sdelay $0x2  }
0x5de: {  	v2 =	vld [tilespmem:s30+$0x900]  }
0x5df: {  	s2 =	simm.s32 $0x400;
	s4 =	simm.s32 $0x100;
	v4 =	vld [tilespmem:s31+$0x170];
	[tilespmem:s30+$0xC560] =	vst v0  }
0x5e0: {  	s0 =	sand.u32 $0x7000, s2;
	s1 =	sand.u32 $0x380, s4;
	[tilespmem:s31+$0xC150] =	vst v1;
	v0 =	vld.idx.msk [tilespmem:v3+s3+$0x0], $0xffff  }
0x5e1: {  	s0 =	sor.u32 s1, s0;
	v1 =	vld.idx.msk [tilespmem:v5+s3+$0x0], $0xffff  }
0x5e2: {  	v6 =	vld [tilespmem:s0+$0x100]  }
0x5e3: {  	v7 =	vld [tilespmem:s0+$0x110]  }
0x5e4: {  	v3 =	vld [tilespmem:s30+$0x910]  }
0x5e5: {  	v5 =	vld [tilespmem:s31+$0x500];
	[tilespmem:s30+$0xC570] =	vst v0  }
0x5e6: {  	[tilespmem:s31+$0xC160] =	vst v1;
	v0 =	vld.idx.msk [tilespmem:v2+s3+$0x0], $0xffff  }
0x5e7: {  	v1 =	vld.idx.msk [tilespmem:v4+s3+$0x0], $0xffff  }
0x5e8: {  	v8 =	vld [tilespmem:s0+$0x120]  }
0x5e9: {  	v9 =	vld [tilespmem:s0+$0x160]  }
0x5ea: {  	v2 =	vld [tilespmem:s30+$0x920]  }
0x5eb: {  	v4 =	vld [tilespmem:s31+$0x510];
	[tilespmem:s30+$0xC900] =	vst v0  }
0x5ec: {  	[tilespmem:s31+$0xC170] =	vst v1;
	v0 =	vld.idx.msk [tilespmem:v3+s3+$0x0], $0xffff  }
0x5ed: {  	v1 =	vld.idx.msk [tilespmem:v5+s3+$0x0], $0xffff  }
0x5ee: {  	v10 =	vld [tilespmem:s30+$0xD10]  }
0x5ef: {  	v11 =	vld [tilespmem:s31+$0x900]  }
0x5f0: {  	v3 =	vld [tilespmem:s30+$0x930]  }
0x5f1: {  	v5 =	vld [tilespmem:s31+$0x520];
	[tilespmem:s30+$0xC910] =	vst v0  }
0x5f2: {  	[tilespmem:s31+$0xC500] =	vst v1;
	v0 =	vld.idx.msk [tilespmem:v2+s3+$0x0], $0xffff  }
0x5f3: {  	v1 =	vld.idx.msk [tilespmem:v4+s3+$0x0], $0xffff  }
0x5f4: {  	v2 =	vld.idx.msk [tilespmem:v6+s3+$0x0], $0xffff  }
0x5f5: {  	v62 =	vld [tilespmem:s0+$0x170]  }
0x5f6: {  	v4 =	vld [tilespmem:s30+$0x940]  }
0x5f7: {  	v6 =	vld [tilespmem:s31+$0x530];
	[tilespmem:s30+$0xC920] =	vst v0  }
0x5f8: {  	[tilespmem:s31+$0xC510] =	vst v1;
	v0 =	vld.idx.msk [tilespmem:v3+s3+$0x0], $0xffff  }
0x5f9: {  	[tilespmem:s0+$0xC100] =	vst v2;
	v1 =	vld.idx.msk [tilespmem:v5+s3+$0x0], $0xffff  }
0x5fa: {  	v2 =	vld.idx.msk [tilespmem:v7+s3+$0x0], $0xffff  }
0x5fb: {  	v3 =	vld [tilespmem:s30+$0x950]  }
0x5fc: {  	v5 =	vld [tilespmem:s31+$0x540]  }
0x5fd: {  	v7 =	vld [tilespmem:s0+$0x130];
	[tilespmem:s30+$0xC930] =	vst v0  }
0x5fe: {  	[tilespmem:s31+$0xC520] =	vst v1;
	v0 =	vld.idx.msk [tilespmem:v4+s3+$0x0], $0xffff  }
0x5ff: {  	[tilespmem:s0+$0xC110] =	vst v2;
	v1 =	vld.idx.msk [tilespmem:v6+s3+$0x0], $0xffff  }
0x600: {  	v2 =	vld.idx.msk [tilespmem:v8+s3+$0x0], $0xffff  }
0x601: {  	v4 =	vld [tilespmem:s30+$0x960]  }
0x602: {  	v6 =	vld [tilespmem:s31+$0x550]  }
0x603: {  	v8 =	vld [tilespmem:s0+$0x140];
	[tilespmem:s30+$0xC940] =	vst v0  }
0x604: {  	[tilespmem:s31+$0xC530] =	vst v1;
	v0 =	vld.idx.msk [tilespmem:v3+s3+$0x0], $0xffff  }
0x605: {  	[tilespmem:s0+$0xC120] =	vst v2;
	v1 =	vld.idx.msk [tilespmem:v5+s3+$0x0], $0xffff  }
0x606: {  	v2 =	vld.idx.msk [tilespmem:v7+s3+$0x0], $0xffff  }
0x607: {  	v3 =	vld [tilespmem:s30+$0x970]  }
0x608: {  	v5 =	vld [tilespmem:s31+$0x560]  }
0x609: {  	v7 =	vld [tilespmem:s0+$0x150];
	[tilespmem:s30+$0xC950] =	vst v0  }
0x60a: {  	[tilespmem:s31+$0xC540] =	vst v1;
	v1 =	vld.idx.msk [tilespmem:v4+s3+$0x0], $0xffff  }
0x60b: {  	[tilespmem:s0+$0xC130] =	vst v2;
	v2 =	vld.idx.msk [tilespmem:v6+s3+$0x0], $0xffff  }
0x60c: {  	v4 =	vld.idx.msk [tilespmem:v8+s3+$0x0], $0xffff  }
0x60d: {  	v63 =	vld [tilespmem:s30+$0xD20]  }
0x60e: {  	v6 =	vld [tilespmem:s30+$0xD00]  }
0x60f: {  	v8 =	vld [tilespmem:s31+$0x570];
	[tilespmem:s30+$0xC960] =	vst v1  }
0x610: {  	[tilespmem:s31+$0xC550] =	vst v2;
	v2 =	vld.idx.msk [tilespmem:v3+s3+$0x0], $0xffff  }
0x611: {  	[tilespmem:s0+$0xC140] =	vst v4;
	v3 =	vld.idx.msk [tilespmem:v5+s3+$0x0], $0xffff  }
0x612: {  	v4 =	vld.idx.msk [tilespmem:v7+s3+$0x0], $0xffff  }
0x613: {  	v0 =	vld [tilespmem:s30+$0xD70]  }
0x614: {  	v1 =	vld [tilespmem:s30+$0xD60]  }
0x615: {  	v5 =	vld [tilespmem:s31+$0x910];
	[tilespmem:s30+$0xC970] =	vst v2  }
0x616: {  	[tilespmem:s31+$0xC560] =	vst v3;
	v3 =	vld.idx.msk [tilespmem:v6+s3+$0x0], $0xffff  }
0x617: {  	[tilespmem:s0+$0xC150] =	vst v4;
	v4 =	vld.idx.msk [tilespmem:v8+s3+$0x0], $0xffff  }
0x618: {  	v6 =	vld.idx.msk [tilespmem:v9+s3+$0x0], $0xffff  }
0x619: {  	v7 =	vld [tilespmem:s0+$0x500]  }
0x61a: {  	v2 =	vld [tilespmem:s30+$0xD50]  }
0x61b: {  	v8 =	vld [tilespmem:s0+$0x510];
	[tilespmem:s30+$0xCD00] =	vst v3  }
0x61c: {  	[tilespmem:s31+$0xC570] =	vst v4;
	v4 =	vld.idx.msk [tilespmem:v10+s3+$0x0], $0xffff  }
0x61d: {  	[tilespmem:s0+$0xC160] =	vst v6;
	v11 =	vld.idx.msk [tilespmem:v11+s3+$0x0], $0xffff  }
0x61e: {  	s5 =	simm.s32 $0x600;
	s2 =	simm.s32 $0x180;
	v9 =	vld.idx.msk [tilespmem:v62+s3+$0x0], $0xffff  }
0x61f: {  	s1 =	sand.u32 $0x7000, s5;
	s4 =	sand.u32 $0x380, s2;
	v3 =	vld [tilespmem:s30+$0xD30]  }
0x620: {  	s1 =	sor.u32 s4, s1;
	v6 =	vld [tilespmem:s31+$0x920]  }
0x621: {  	v10 =	vld [tilespmem:s1+$0x100];
	[tilespmem:s30+$0xCD10] =	vst v4  }
0x622: {  	s4 =	simm.s32 $0x800;
	[tilespmem:s31+$0xC900] =	vst v11;
	v4 =	vld.idx.msk [tilespmem:v63+s3+$0x0], $0xffff  }
.LBB2_10:
0x623: {  	p0 =	sne.s32 s4, $0x4E00;
	[tilespmem:s0+$0xC170] =	vst v9;
	v5 =	vld.idx.msk [tilespmem:v5+s3+$0x0], $0xffff  }
0x624: {  	v7 =	vld.idx.msk [tilespmem:v7+s3+$0x0], $0xffff  }
0x625: {  	v9 =	vld [tilespmem:s30+$0xD40]  }
0x626: {  	v11 =	vld [tilespmem:s31+$0x930]  }
0x627: {  	v12 =	vld [tilespmem:s0+$0x520]  }
0x628: {  	v13 =	vld [tilespmem:s1+$0x110];
	[tilespmem:s30+$0xCD20] =	vst v4  }
0x629: {  	[tilespmem:s31+$0xC910] =	vst v5;
	v3 =	vld.idx.msk [tilespmem:v3+s3+$0x0], $0xffff  }
0x62a: {  	[tilespmem:s0+$0xC500] =	vst v7;
	v4 =	vld.idx.msk [tilespmem:v6+s3+$0x0], $0xffff  }
0x62b: {  	v5 =	vld.idx.msk [tilespmem:v8+s3+$0x0], $0xffff  }
0x62c: {  	v6 =	vld.idx.msk [tilespmem:v10+s3+$0x0], $0xffff  }
0x62d: {  	v7 =	vld [tilespmem:s31+$0x940]  }
0x62e: {  	v8 =	vld [tilespmem:s0+$0x530]  }
0x62f: {  	v10 =	vld [tilespmem:s1+$0x120];
	[tilespmem:s30+$0xCD30] =	vst v3  }
0x630: {  	[tilespmem:s31+$0xC920] =	vst v4;
	v3 =	vld.idx.msk [tilespmem:v9+s3+$0x0], $0xffff  }
0x631: {  	[tilespmem:s0+$0xC510] =	vst v5;
	v4 =	vld.idx.msk [tilespmem:v11+s3+$0x0], $0xffff  }
0x632: {  	[tilespmem:s1+$0xC100] =	vst v6;
	v5 =	vld.idx.msk [tilespmem:v12+s3+$0x0], $0xffff  }
0x633: {  	v6 =	vld.idx.msk [tilespmem:v13+s3+$0x0], $0xffff  }
0x634: {  	v9 =	vld [tilespmem:s31+$0x950]  }
0x635: {  	v11 =	vld [tilespmem:s0+$0x540]  }
0x636: {  	v12 =	vld [tilespmem:s1+$0x130];
	[tilespmem:s30+$0xCD40] =	vst v3  }
0x637: {  	[tilespmem:s31+$0xC930] =	vst v4;
	v2 =	vld.idx.msk [tilespmem:v2+s3+$0x0], $0xffff  }
0x638: {  	[tilespmem:s0+$0xC520] =	vst v5;
	v3 =	vld.idx.msk [tilespmem:v7+s3+$0x0], $0xffff  }
0x639: {  	[tilespmem:s1+$0xC110] =	vst v6;
	v4 =	vld.idx.msk [tilespmem:v8+s3+$0x0], $0xffff  }
0x63a: {  	v5 =	vld.idx.msk [tilespmem:v10+s3+$0x0], $0xffff  }
0x63b: {  	v6 =	vld [tilespmem:s31+$0x960]  }
0x63c: {  	v7 =	vld [tilespmem:s0+$0x550]  }
0x63d: {  	v8 =	vld [tilespmem:s1+$0x140];
	[tilespmem:s30+$0xCD50] =	vst v2  }
0x63e: {  	[tilespmem:s31+$0xC940] =	vst v3;
	v1 =	vld.idx.msk [tilespmem:v1+s3+$0x0], $0xffff  }
0x63f: {  	[tilespmem:s0+$0xC530] =	vst v4;
	v2 =	vld.idx.msk [tilespmem:v9+s3+$0x0], $0xffff  }
0x640: {  	[tilespmem:s1+$0xC120] =	vst v5;
	v3 =	vld.idx.msk [tilespmem:v11+s3+$0x0], $0xffff  }
0x641: {  	v4 =	vld.idx.msk [tilespmem:v12+s3+$0x0], $0xffff  }
0x642: {  	v5 =	vld [tilespmem:s31+$0x970]  }
0x643: {  	v9 =	vld [tilespmem:s0+$0x560]  }
0x644: {  	v10 =	vld [tilespmem:s1+$0x150];
	[tilespmem:s30+$0xCD60] =	vst v1  }
0x645: {  	[tilespmem:s31+$0xC950] =	vst v2;
	v1 =	vld.idx.msk [tilespmem:v0+s3+$0x0], $0xffff  }
0x646: {  	[tilespmem:s0+$0xC540] =	vst v3;
	v2 =	vld.idx.msk [tilespmem:v6+s3+$0x0], $0xffff  }
0x647: {  	[tilespmem:s1+$0xC130] =	vst v4;
	v3 =	vld.idx.msk [tilespmem:v7+s3+$0x0], $0xffff  }
0x648: {  	v4 =	vld.idx.msk [tilespmem:v8+s3+$0x0], $0xffff  }
0x649: {  	v0 =	vld [tilespmem:s31+$0xD70]  }
0x64a: {  	v6 =	vld [tilespmem:s31+$0xD00]  }
0x64b: {  	v7 =	vld [tilespmem:s0+$0x570];
	[tilespmem:s30+$0xCD70] =	vst v1;
	s30 =	smov.u32 s31;
	s31 =	smov.u32 s0;
	s0 =	smov.u32 s1  }
0x64c: {  	v8 =	vld [tilespmem:s0+$0x160];
	[tilespmem:s30+$0xC960] =	vst v2  }
0x64d: {  	[tilespmem:s31+$0xC550] =	vst v3;
	v2 =	vld.idx.msk [tilespmem:v5+s3+$0x0], $0xffff  }
0x64e: {  	[tilespmem:s0+$0xC140] =	vst v4;
	v3 =	vld.idx.msk [tilespmem:v9+s3+$0x0], $0xffff  }
0x64f: {  	v4 =	vld.idx.msk [tilespmem:v10+s3+$0x0], $0xffff  }
0x650: {  	v1 =	vld [tilespmem:s30+$0xD60]  }
0x651: {  	v9 =	vld [tilespmem:s30+$0xD10]  }
0x652: {  	v10 =	vld [tilespmem:s31+$0x900]  }
0x653: {  	v11 =	vld [tilespmem:s0+$0x170];
	[tilespmem:s30+$0xC970] =	vst v2  }
0x654: {  	[tilespmem:s31+$0xC560] =	vst v3;
	v3 =	vld.idx.msk [tilespmem:v6+s3+$0x0], $0xffff  }
0x655: {  	[tilespmem:s0+$0xC150] =	vst v4;
	v4 =	vld.idx.msk [tilespmem:v7+s3+$0x0], $0xffff  }
0x656: {  	v6 =	vld.idx.msk [tilespmem:v8+s3+$0x0], $0xffff  }
0x657: {  	v2 =	vld [tilespmem:s30+$0xD50]  }
0x658: {  	v12 =	vld [tilespmem:s30+$0xD20]  }
0x659: {  	v5 =	vld [tilespmem:s31+$0x910]  }
0x65a: {  	v7 =	vld [tilespmem:s0+$0x500];
	[tilespmem:s30+$0xCD00] =	vst v3  }
0x65b: {  	[tilespmem:s31+$0xC570] =	vst v4;
	v4 =	vld.idx.msk [tilespmem:v9+s3+$0x0], $0xffff  }
0x65c: {  	[tilespmem:s0+$0xC160] =	vst v6;
	v13 =	vld.idx.msk [tilespmem:v10+s3+$0x0], $0xffff  }
0x65d: {  	v9 =	vld.idx.msk [tilespmem:v11+s3+$0x0], $0xffff  }
.Ltmp4:
0x65e: {  	s2 =	sadd.s32 $0x80, s2;
	v3 =	vld [tilespmem:s30+$0xD30];
	(pc) =	sbr.rel @p0 .LBB2_10-.Ltmp4, $4  }
0x65f: {  	s5 =	sand.u32 $0x380, s2;
	s1 =	sand.u32 $0x7000, s4;
	v6 =	vld [tilespmem:s31+$0x920]  }
0x660: {  	s1 =	sor.u32 s5, s1;
	v8 =	vld [tilespmem:s0+$0x510]  }
0x661: {  	v10 =	vld [tilespmem:s1+$0x100];
	[tilespmem:s30+$0xCD10] =	vst v4  }
0x662: {  	s4 =	sadd.s32 $0x200, s4;
	[tilespmem:s31+$0xC900] =	vst v13;
	v4 =	vld.idx.msk [tilespmem:v12+s3+$0x0], $0xffff  }
0x663: {  	_ =	sdelay $0x4  }
0x664: {  	v11 =	vld [tilespmem:s1+$0x110];
	_ =	sdelay $0x1  }
0x665: {  	v10 =	vld.idx.msk [tilespmem:v10+s3+$0x0], $0xffff;
	_ =	sdelay $0x3  }
0x666: {  	v12 =	vld [tilespmem:s1+$0x120]  }
0x667: {  	[tilespmem:s1+$0xC100] =	vst v10  }
0x668: {  	v10 =	vld.idx.msk [tilespmem:v11+s3+$0x0], $0xffff;
	_ =	sdelay $0x3  }
0x669: {  	v11 =	vld [tilespmem:s1+$0x130]  }
0x66a: {  	[tilespmem:s1+$0xC110] =	vst v10  }
0x66b: {  	v10 =	vld.idx.msk [tilespmem:v12+s3+$0x0], $0xffff;
	_ =	sdelay $0x3  }
0x66c: {  	v40 =	vld [tilespmem:s1+$0x140]  }
0x66d: {  	[tilespmem:s1+$0xC120] =	vst v10  }
0x66e: {  	v10 =	vld.idx.msk [tilespmem:v11+s3+$0x0], $0xffff;
	_ =	sdelay $0x3  }
0x66f: {  	v11 =	vld [tilespmem:s1+$0x150]  }
0x670: {  	[tilespmem:s1+$0xC130] =	vst v10  }
0x671: {  	v10 =	vld.idx.msk [tilespmem:v40+s3+$0x0], $0xffff;
	_ =	sdelay $0x3  }
0x672: {  	v41 =	vld [tilespmem:s1+$0x160]  }
0x673: {  	[tilespmem:s1+$0xC140] =	vst v10  }
0x674: {  	v10 =	vld.idx.msk [tilespmem:v11+s3+$0x0], $0xffff;
	_ =	sdelay $0x3  }
0x675: {  	v11 =	vld [tilespmem:s1+$0x170]  }
0x676: {  	[tilespmem:s1+$0xC150] =	vst v10  }
0x677: {  	v10 =	vld.idx.msk [tilespmem:v41+s3+$0x0], $0xffff;
	_ =	sdelay $0x3  }
0x678: {  	v42 =	vld [tilespmem:s1+$0x500]  }
0x679: {  	[tilespmem:s1+$0xC160] =	vst v10  }
0x67a: {  	v10 =	vld.idx.msk [tilespmem:v11+s3+$0x0], $0xffff;
	_ =	sdelay $0x1  }
0x67b: {  	[tilespmem:s0+$0xC170] =	vst v9  }
0x67c: {  	v7 =	vld.idx.msk [tilespmem:v7+s3+$0x0], $0xffff  }
0x67d: {  	v9 =	vld [tilespmem:s1+$0x510]  }
0x67e: {  	[tilespmem:s1+$0xC170] =	vst v10  }
0x67f: {  	v10 =	vld.idx.msk [tilespmem:v42+s3+$0x0], $0xffff;
	_ =	sdelay $0x1  }
0x680: {  	[tilespmem:s0+$0xC500] =	vst v7;
	v11 =	vld [tilespmem:s0+$0x520]  }
0x681: {  	v8 =	vld.idx.msk [tilespmem:v8+s3+$0x0], $0xffff  }
0x682: {  	v7 =	vld [tilespmem:s1+$0x520]  }
0x683: {  	[tilespmem:s1+$0xC500] =	vst v10  }
0x684: {  	v9 =	vld.idx.msk [tilespmem:v9+s3+$0x0], $0xffff;
	_ =	sdelay $0x1  }
0x685: {  	[tilespmem:s0+$0xC510] =	vst v8;
	v8 =	vld [tilespmem:s1+$0x530]  }
0x686: {  	v10 =	vld [tilespmem:s0+$0x530]  }
0x687: {  	v11 =	vld.idx.msk [tilespmem:v11+s3+$0x0], $0xffff  }
0x688: {  	[tilespmem:s1+$0xC510] =	vst v9  }
0x689: {  	v7 =	vld.idx.msk [tilespmem:v7+s3+$0x0], $0xffff  }
0x68a: {  	v5 =	vld.idx.msk [tilespmem:v5+s3+$0x0], $0xffff  }
0x68b: {  	v43 =	vld [tilespmem:s0+$0x540]  }
0x68c: {  	[tilespmem:s0+$0xC520] =	vst v11;
	v11 =	vld [tilespmem:s1+$0x540]  }
0x68d: {  	v9 =	vld [tilespmem:s31+$0x930]  }
0x68e: {  	v10 =	vld.idx.msk [tilespmem:v10+s3+$0x0], $0xffff;
	[tilespmem:s1+$0xC520] =	vst v7  }
0x68f: {  	[tilespmem:s31+$0xC910] =	vst v5;
	v5 =	vld.idx.msk [tilespmem:v8+s3+$0x0], $0xffff  }
0x690: {  	v6 =	vld.idx.msk [tilespmem:v6+s3+$0x0], $0xffff  }
0x691: {  	v7 =	vld [tilespmem:s31+$0x940]  }
0x692: {  	v8 =	vld [tilespmem:s0+$0x550]  }
0x693: {  	[tilespmem:s0+$0xC530] =	vst v10;
	v10 =	vld [tilespmem:s1+$0x550]  }
0x694: {  	v12 =	vld.idx.msk [tilespmem:v43+s3+$0x0], $0xffff;
	[tilespmem:s1+$0xC530] =	vst v5  }
0x695: {  	[tilespmem:s31+$0xC920] =	vst v6;
	v5 =	vld.idx.msk [tilespmem:v11+s3+$0x0], $0xffff  }
0x696: {  	v6 =	vld.idx.msk [tilespmem:v9+s3+$0x0], $0xffff  }
0x697: {  	v44 =	vld [tilespmem:s1+$0x560]  }
0x698: {  	v11 =	vld [tilespmem:s0+$0x560]  }
0x699: {  	v9 =	vld [tilespmem:s31+$0x950];
	[tilespmem:s0+$0xC540] =	vst v12  }
0x69a: {  	v8 =	vld.idx.msk [tilespmem:v8+s3+$0x0], $0xffff;
	[tilespmem:s1+$0xC540] =	vst v5  }
0x69b: {  	[tilespmem:s31+$0xC930] =	vst v6;
	v5 =	vld.idx.msk [tilespmem:v10+s3+$0x0], $0xffff  }
0x69c: {  	v6 =	vld.idx.msk [tilespmem:v7+s3+$0x0], $0xffff  }
0x69d: {  	v7 =	vld [tilespmem:s31+$0x960]  }
0x69e: {  	v10 =	vld [tilespmem:s0+$0x570]  }
0x69f: {  	[tilespmem:s0+$0xC550] =	vst v8;
	v8 =	vld [tilespmem:s1+$0x570]  }
0x6a0: {  	v11 =	vld.idx.msk [tilespmem:v11+s3+$0x0], $0xffff;
	[tilespmem:s1+$0xC550] =	vst v5  }
0x6a1: {  	v5 =	vld.idx.msk [tilespmem:v44+s3+$0x0], $0xffff  }
0x6a2: {  	[tilespmem:s31+$0xC940] =	vst v6  }
0x6a3: {  	v6 =	vld.idx.msk [tilespmem:v9+s3+$0x0], $0xffff  }
0x6a4: {  	v45 =	vld [tilespmem:s0+$0x900]  }
0x6a5: {  	[tilespmem:s0+$0xC560] =	vst v11;
	v11 =	vld [tilespmem:s1+$0x900]  }
0x6a6: {  	v10 =	vld.idx.msk [tilespmem:v10+s3+$0x0], $0xffff;
	[tilespmem:s1+$0xC560] =	vst v5  }
0x6a7: {  	v5 =	vld.idx.msk [tilespmem:v8+s3+$0x0], $0xffff  }
0x6a8: {  	v9 =	vld [tilespmem:s31+$0x970];
	[tilespmem:s31+$0xC950] =	vst v6  }
0x6a9: {  	v6 =	vld.idx.msk [tilespmem:v7+s3+$0x0], $0xffff  }
0x6aa: {  	v7 =	vld [tilespmem:s0+$0x910]  }
0x6ab: {  	v8 =	vld [tilespmem:s1+$0x910];
	[tilespmem:s0+$0xC570] =	vst v10  }
0x6ac: {  	v10 =	vld.idx.msk [tilespmem:v45+s3+$0x0], $0xffff;
	[tilespmem:s1+$0xC570] =	vst v5  }
0x6ad: {  	v5 =	vld.idx.msk [tilespmem:v11+s3+$0x0], $0xffff;
	_ =	sdelay $0x2  }
0x6ae: {  	v13 =	vld [tilespmem:s0+$0x920]  }
0x6af: {  	[tilespmem:s0+$0xC900] =	vst v10;
	v10 =	vld [tilespmem:s1+$0x920]  }
0x6b0: {  	v7 =	vld.idx.msk [tilespmem:v7+s3+$0x0], $0xffff;
	[tilespmem:s1+$0xC900] =	vst v5  }
0x6b1: {  	v5 =	vld.idx.msk [tilespmem:v8+s3+$0x0], $0xffff  }
0x6b2: {  	[tilespmem:s31+$0xC960] =	vst v6  }
0x6b3: {  	v6 =	vld.idx.msk [tilespmem:v9+s3+$0x0], $0xffff  }
0x6b4: {  	v8 =	vld [tilespmem:s0+$0x930]  }
0x6b5: {  	[tilespmem:s0+$0xC910] =	vst v7;
	v7 =	vld [tilespmem:s1+$0x930]  }
0x6b6: {  	v9 =	vld.idx.msk [tilespmem:v13+s3+$0x0], $0xffff;
	[tilespmem:s1+$0xC910] =	vst v5  }
0x6b7: {  	v5 =	vld.idx.msk [tilespmem:v10+s3+$0x0], $0xffff;
	_ =	sdelay $0x2  }
0x6b8: {  	v14 =	vld [tilespmem:s0+$0x940]  }
0x6b9: {  	[tilespmem:s0+$0xC920] =	vst v9;
	v9 =	vld [tilespmem:s1+$0x940]  }
0x6ba: {  	v8 =	vld.idx.msk [tilespmem:v8+s3+$0x0], $0xffff;
	[tilespmem:s1+$0xC920] =	vst v5  }
0x6bb: {  	v5 =	vld.idx.msk [tilespmem:v7+s3+$0x0], $0xffff;
	_ =	sdelay $0x2  }
0x6bc: {  	v48 =	vld [tilespmem:s0+$0x950]  }
0x6bd: {  	[tilespmem:s0+$0xC930] =	vst v8;
	v8 =	vld [tilespmem:s1+$0x950]  }
0x6be: {  	v14 =	vld.idx.msk [tilespmem:v14+s3+$0x0], $0xffff;
	[tilespmem:s1+$0xC930] =	vst v5  }
0x6bf: {  	v5 =	vld.idx.msk [tilespmem:v9+s3+$0x0], $0xffff  }
0x6c0: {  	v46 =	vld [tilespmem:s31+$0xD00]  }
0x6c1: {  	v47 =	vld [tilespmem:s31+$0xD10]  }
0x6c2: {  	v16 =	vld [tilespmem:s0+$0x960]  }
0x6c3: {  	v49 =	vld [tilespmem:s1+$0x960];
	[tilespmem:s0+$0xC940] =	vst v14  }
0x6c4: {  	v12 =	vld.idx.msk [tilespmem:v48+s3+$0x0], $0xffff;
	[tilespmem:s1+$0xC940] =	vst v5  }
0x6c5: {  	v5 =	vld.idx.msk [tilespmem:v8+s3+$0x0], $0xffff  }
0x6c6: {  	v15 =	vld [tilespmem:s31+$0xD20]  }
0x6c7: {  	v50 =	vld [tilespmem:s0+$0x970]  }
0x6c8: {  	v51 =	vld [tilespmem:s1+$0x970]  }
0x6c9: {  	v52 =	vld [tilespmem:s0+$0xD70];
	[tilespmem:s0+$0xC950] =	vst v12  }
0x6ca: {  	v16 =	vld.idx.msk [tilespmem:v16+s3+$0x0], $0xffff;
	[tilespmem:s1+$0xC950] =	vst v5  }
0x6cb: {  	v5 =	vld.idx.msk [tilespmem:v49+s3+$0x0], $0xffff  }
0x6cc: {  	v17 =	vld [tilespmem:s0+$0xD00]  }
0x6cd: {  	v53 =	vld [tilespmem:s1+$0xD00]  }
0x6ce: {  	v54 =	vld [tilespmem:s0+$0xD60]  }
0x6cf: {  	v19 =	vld [tilespmem:s0+$0xD10];
	[tilespmem:s0+$0xC960] =	vst v16  }
0x6d0: {  	v13 =	vld.idx.msk [tilespmem:v50+s3+$0x0], $0xffff;
	[tilespmem:s1+$0xC960] =	vst v5  }
0x6d1: {  	v5 =	vld.idx.msk [tilespmem:v51+s3+$0x0], $0xffff  }
0x6d2: {  	v55 =	vld [tilespmem:s1+$0xD10];
	[tilespmem:s31+$0xC970] =	vst v6  }
0x6d3: {  	v6 =	vld.idx.msk [tilespmem:v46+s3+$0x0], $0xffff  }
0x6d4: {  	v56 =	vld [tilespmem:s0+$0xD50]  }
0x6d5: {  	v21 =	vld [tilespmem:s0+$0xD20];
	[tilespmem:s0+$0xC970] =	vst v13  }
0x6d6: {  	v17 =	vld.idx.msk [tilespmem:v17+s3+$0x0], $0xffff;
	[tilespmem:s1+$0xC970] =	vst v5  }
0x6d7: {  	v5 =	vld.idx.msk [tilespmem:v53+s3+$0x0], $0xffff  }
0x6d8: {  	v57 =	vld [tilespmem:s1+$0xD20];
	[tilespmem:s31+$0xCD00] =	vst v6  }
0x6d9: {  	v6 =	vld.idx.msk [tilespmem:v47+s3+$0x0], $0xffff  }
0x6da: {  	v58 =	vld [tilespmem:s31+$0xD40]  }
0x6db: {  	v8 =	vld [tilespmem:s31+$0xD30];
	[tilespmem:s0+$0xCD00] =	vst v17  }
0x6dc: {  	v19 =	vld.idx.msk [tilespmem:v19+s3+$0x0], $0xffff;
	[tilespmem:s1+$0xCD00] =	vst v5  }
0x6dd: {  	v5 =	vld.idx.msk [tilespmem:v55+s3+$0x0], $0xffff  }
0x6de: {  	v59 =	vld [tilespmem:s0+$0xD30];
	[tilespmem:s31+$0xCD10] =	vst v6  }
0x6df: {  	v6 =	vld.idx.msk [tilespmem:v15+s3+$0x0], $0xffff  }
0x6e0: {  	v60 =	vld [tilespmem:s1+$0xD30];
	[tilespmem:s30+$0xCD20] =	vst v4  }
0x6e1: {  	v3 =	vld.idx.msk [tilespmem:v3+s3+$0x0], $0xffff;
	[tilespmem:s0+$0xCD10] =	vst v19  }
0x6e2: {  	[tilespmem:s1+$0xCD10] =	vst v5;
	v5 =	vld.idx.msk [tilespmem:v21+s3+$0x0], $0xffff  }
0x6e3: {  	v4 =	vld.idx.msk [tilespmem:v57+s3+$0x0], $0xffff  }
0x6e4: {  	v7 =	vld [tilespmem:s30+$0xD40];
	[tilespmem:s31+$0xCD20] =	vst v6  }
0x6e5: {  	v6 =	vld.idx.msk [tilespmem:v8+s3+$0x0], $0xffff  }
0x6e6: {  	v8 =	vld [tilespmem:s0+$0xD40]  }
0x6e7: {  	[tilespmem:s0+$0xCD20] =	vst v5;
	v5 =	vld [tilespmem:s1+$0xD40]  }
0x6e8: {  	[tilespmem:s1+$0xCD20] =	vst v4;
	v4 =	vld.idx.msk [tilespmem:v59+s3+$0x0], $0xffff  }
0x6e9: {  	v61 =	vld.idx.msk [tilespmem:v60+s3+$0x0], $0xffff  }
0x6ea: {  	v22 =	vld [tilespmem:s1+$0xD50]  }
0x6eb: {  	[tilespmem:s30+$0xCD30] =	vst v3;
	v9 =	vld [tilespmem:s31+$0xD50]  }
0x6ec: {  	v3 =	vld.idx.msk [tilespmem:v7+s3+$0x0], $0xffff;
	[tilespmem:s31+$0xCD30] =	vst v6  }
0x6ed: {  	[tilespmem:s0+$0xCD30] =	vst v4;
	v4 =	vld.idx.msk [tilespmem:v58+s3+$0x0], $0xffff  }
0x6ee: {  	[tilespmem:s1+$0xCD30] =	vst v61;
	v6 =	vld.idx.msk [tilespmem:v8+s3+$0x0], $0xffff  }
0x6ef: {  	v5 =	vld.idx.msk [tilespmem:v5+s3+$0x0], $0xffff  }
0x6f0: {  	v20 =	vld [tilespmem:s1+$0xD60]  }
0x6f1: {  	v10 =	vld [tilespmem:s31+$0xD60];
	[tilespmem:s30+$0xCD40] =	vst v3  }
0x6f2: {  	v2 =	vld.idx.msk [tilespmem:v2+s3+$0x0], $0xffff;
	[tilespmem:s31+$0xCD40] =	vst v4  }
0x6f3: {  	v3 =	vld.idx.msk [tilespmem:v9+s3+$0x0], $0xffff;
	[tilespmem:s0+$0xCD40] =	vst v6  }
0x6f4: {  	v4 =	vld.idx.msk [tilespmem:v56+s3+$0x0], $0xffff;
	[tilespmem:s1+$0xCD40] =	vst v5  }
0x6f5: {  	v5 =	vld.idx.msk [tilespmem:v22+s3+$0x0], $0xffff  }
0x6f6: {  	v18 =	vld [tilespmem:s1+$0xD70]  }
0x6f7: {  	v11 =	vld [tilespmem:s31+$0xD70];
	[tilespmem:s30+$0xCD50] =	vst v2  }
0x6f8: {  	v1 =	vld.idx.msk [tilespmem:v1+s3+$0x0], $0xffff;
	[tilespmem:s31+$0xCD50] =	vst v3  }
0x6f9: {  	v2 =	vld.idx.msk [tilespmem:v10+s3+$0x0], $0xffff;
	[tilespmem:s0+$0xCD50] =	vst v4  }
0x6fa: {  	v3 =	vld.idx.msk [tilespmem:v54+s3+$0x0], $0xffff;
	[tilespmem:s1+$0xCD50] =	vst v5  }
0x6fb: {  	v4 =	vld.idx.msk [tilespmem:v20+s3+$0x0], $0xffff;
	_ =	sdelay $0x1  }
0x6fc: {  	[tilespmem:s30+$0xCD60] =	vst v1  }
0x6fd: {  	v0 =	vld.idx.msk [tilespmem:v0+s3+$0x0], $0xffff;
	[tilespmem:s31+$0xCD60] =	vst v2  }
0x6fe: {  	v1 =	vld.idx.msk [tilespmem:v11+s3+$0x0], $0xffff;
	[tilespmem:s0+$0xCD60] =	vst v3  }
0x6ff: {  	v2 =	vld.idx.msk [tilespmem:v52+s3+$0x0], $0xffff;
	[tilespmem:s1+$0xCD60] =	vst v4  }
0x700: {  	v3 =	vld.idx.msk [tilespmem:v18+s3+$0x0], $0xffff;
	_ =	sdelay $0x1  }
0x701: {  	[tilespmem:s30+$0xCD70] =	vst v0  }
0x702: {  	[tilespmem:s31+$0xCD70] =	vst v1  }
0x703: {  	[tilespmem:s0+$0xCD70] =	vst v2  }
0x704: {  	[tilespmem:s1+$0xCD70] =	vst v3  }
0x705: {  	[hbm4b:s14+s18] =	stream.strided.scatter [tilespmem:s23], [sflag:$0x4], $0x5000, s19, s18, $0x38;
	[tilespmem:$0x18100] =	vst v63  }
0x706: {  	_ =	swait.ge [sflag:s24], $0x2000  }
0x707: {  	[sflag:s24] =	ssyncset.done $0x0  }
0x708: {  	[sflag:s24] =	ssyncadd.s32 $0xFFFFE000  }
0x709: {  	s1 =	simm.s32 $0x0;
	_ =	swait.ge [sflag:s28], $0x6000  }
0x70a: {  	s2 =	sand.u32 $0x1000, s1;
	s0 =	sand.u32 $0x380, s1;
	[sflag:s28] =	ssyncset.done $0x0  }
0x70b: {  	s30 =	sor.u32 s0, s2;
	[sflag:s28] =	ssyncadd.s32 $0xFFFFA000  }
0x70c: {  	v0 =	vld [tilespmem:s30+$0x6100];
	_ =	sdelay $0x5  }
0x70d: {  	v1 =	vld [tilespmem:s30+$0x6110];
	_ =	sdelay $0x1  }
0x70e: {  	v0 =	vld.idx.msk [tilespmem:v0+s3+$0x0], $0xffff;
	_ =	sdelay $0x3  }
0x70f: {  	v2 =	vld [tilespmem:s30+$0x6120]  }
0x710: {  	[tilespmem:s30+$0x12100] =	vst v0  }
0x711: {  	v0 =	vld.idx.msk [tilespmem:v1+s3+$0x0], $0xffff;
	_ =	sdelay $0x3  }
0x712: {  	v1 =	vld [tilespmem:s30+$0x6130]  }
0x713: {  	[tilespmem:s30+$0x12110] =	vst v0  }
0x714: {  	v0 =	vld.idx.msk [tilespmem:v2+s3+$0x0], $0xffff;
	_ =	sdelay $0x3  }
0x715: {  	v2 =	vld [tilespmem:s30+$0x6140]  }
0x716: {  	[tilespmem:s30+$0x12120] =	vst v0  }
0x717: {  	v0 =	vld.idx.msk [tilespmem:v1+s3+$0x0], $0xffff;
	_ =	sdelay $0x3  }
0x718: {  	v1 =	vld [tilespmem:s30+$0x6150]  }
0x719: {  	[tilespmem:s30+$0x12130] =	vst v0  }
0x71a: {  	v0 =	vld.idx.msk [tilespmem:v2+s3+$0x0], $0xffff;
	_ =	sdelay $0x3  }
0x71b: {  	v2 =	vld [tilespmem:s30+$0x6160]  }
0x71c: {  	[tilespmem:s30+$0x12140] =	vst v0  }
0x71d: {  	v0 =	vld.idx.msk [tilespmem:v1+s3+$0x0], $0xffff;
	_ =	sdelay $0x3  }
0x71e: {  	v1 =	vld [tilespmem:s30+$0x6170]  }
0x71f: {  	[tilespmem:s30+$0x12150] =	vst v0  }
0x720: {  	v0 =	vld.idx.msk [tilespmem:v2+s3+$0x0], $0xffff;
	_ =	sdelay $0x3  }
0x721: {  	v2 =	vld [tilespmem:s30+$0x6500]  }
0x722: {  	[tilespmem:s30+$0x12160] =	vst v0  }
0x723: {  	v0 =	vld.idx.msk [tilespmem:v1+s3+$0x0], $0xffff;
	_ =	sdelay $0x1  }
0x724: {  	s4 =	simm.s32 $0x200;
	s5 =	simm.s32 $0x80  }
0x725: {  	s1 =	sand.u32 $0x380, s5;
	s0 =	sand.u32 $0x1000, s4  }
0x726: {  	s31 =	sor.u32 s1, s0;
	v1 =	vld [tilespmem:s30+$0x6510]  }
0x727: {  	v3 =	vld [tilespmem:s31+$0x6100];
	[tilespmem:s30+$0x12170] =	vst v0  }
0x728: {  	v0 =	vld.idx.msk [tilespmem:v2+s3+$0x0], $0xffff;
	_ =	sdelay $0x3  }
0x729: {  	v2 =	vld [tilespmem:s30+$0x6520]  }
0x72a: {  	v4 =	vld [tilespmem:s31+$0x6110];
	[tilespmem:s30+$0x12500] =	vst v0  }
0x72b: {  	v0 =	vld.idx.msk [tilespmem:v1+s3+$0x0], $0xffff  }
0x72c: {  	v1 =	vld.idx.msk [tilespmem:v3+s3+$0x0], $0xffff;
	_ =	sdelay $0x2  }
0x72d: {  	v3 =	vld [tilespmem:s30+$0x6530]  }
0x72e: {  	v5 =	vld [tilespmem:s31+$0x6120];
	[tilespmem:s30+$0x12510] =	vst v0  }
0x72f: {  	[tilespmem:s31+$0x12100] =	vst v1;
	v0 =	vld.idx.msk [tilespmem:v2+s3+$0x0], $0xffff  }
0x730: {  	v1 =	vld.idx.msk [tilespmem:v4+s3+$0x0], $0xffff;
	_ =	sdelay $0x2  }
0x731: {  	v2 =	vld [tilespmem:s30+$0x6540]  }
0x732: {  	v4 =	vld [tilespmem:s31+$0x6130];
	[tilespmem:s30+$0x12520] =	vst v0  }
0x733: {  	[tilespmem:s31+$0x12110] =	vst v1;
	v0 =	vld.idx.msk [tilespmem:v3+s3+$0x0], $0xffff  }
0x734: {  	v1 =	vld.idx.msk [tilespmem:v5+s3+$0x0], $0xffff;
	_ =	sdelay $0x2  }
0x735: {  	v3 =	vld [tilespmem:s30+$0x6550]  }
0x736: {  	v5 =	vld [tilespmem:s31+$0x6140];
	[tilespmem:s30+$0x12530] =	vst v0  }
0x737: {  	[tilespmem:s31+$0x12120] =	vst v1;
	v0 =	vld.idx.msk [tilespmem:v2+s3+$0x0], $0xffff  }
0x738: {  	v1 =	vld.idx.msk [tilespmem:v4+s3+$0x0], $0xffff;
	_ =	sdelay $0x2  }
0x739: {  	v2 =	vld [tilespmem:s30+$0x6560]  }
0x73a: {  	v4 =	vld [tilespmem:s31+$0x6150];
	[tilespmem:s30+$0x12540] =	vst v0  }
0x73b: {  	[tilespmem:s31+$0x12130] =	vst v1;
	v0 =	vld.idx.msk [tilespmem:v3+s3+$0x0], $0xffff  }
0x73c: {  	v1 =	vld.idx.msk [tilespmem:v5+s3+$0x0], $0xffff;
	_ =	sdelay $0x2  }
0x73d: {  	v3 =	vld [tilespmem:s30+$0x6570]  }
0x73e: {  	v5 =	vld [tilespmem:s31+$0x6160];
	[tilespmem:s30+$0x12550] =	vst v0  }
0x73f: {  	[tilespmem:s31+$0x12140] =	vst v1;
	v0 =	vld.idx.msk [tilespmem:v2+s3+$0x0], $0xffff  }
0x740: {  	v1 =	vld.idx.msk [tilespmem:v4+s3+$0x0], $0xffff;
	_ =	sdelay $0x2  }
0x741: {  	v2 =	vld [tilespmem:s30+$0x6900]  }
0x742: {  	s2 =	simm.s32 $0x400;
	s4 =	simm.s32 $0x100;
	v4 =	vld [tilespmem:s31+$0x6170];
	[tilespmem:s30+$0x12560] =	vst v0  }
0x743: {  	s0 =	sand.u32 $0x1000, s2;
	s1 =	sand.u32 $0x380, s4;
	[tilespmem:s31+$0x12150] =	vst v1;
	v0 =	vld.idx.msk [tilespmem:v3+s3+$0x0], $0xffff  }
0x744: {  	s0 =	sor.u32 s1, s0;
	v1 =	vld.idx.msk [tilespmem:v5+s3+$0x0], $0xffff  }
0x745: {  	v6 =	vld [tilespmem:s0+$0x6100]  }
0x746: {  	v7 =	vld [tilespmem:s0+$0x6110]  }
0x747: {  	v3 =	vld [tilespmem:s30+$0x6910]  }
0x748: {  	v5 =	vld [tilespmem:s31+$0x6500];
	[tilespmem:s30+$0x12570] =	vst v0  }
0x749: {  	[tilespmem:s31+$0x12160] =	vst v1;
	v0 =	vld.idx.msk [tilespmem:v2+s3+$0x0], $0xffff  }
0x74a: {  	v1 =	vld.idx.msk [tilespmem:v4+s3+$0x0], $0xffff  }
0x74b: {  	v8 =	vld [tilespmem:s0+$0x6120]  }
0x74c: {  	v9 =	vld [tilespmem:s0+$0x6160]  }
0x74d: {  	v2 =	vld [tilespmem:s30+$0x6920]  }
0x74e: {  	v4 =	vld [tilespmem:s31+$0x6510];
	[tilespmem:s30+$0x12900] =	vst v0  }
0x74f: {  	[tilespmem:s31+$0x12170] =	vst v1;
	v0 =	vld.idx.msk [tilespmem:v3+s3+$0x0], $0xffff  }
0x750: {  	v1 =	vld.idx.msk [tilespmem:v5+s3+$0x0], $0xffff  }
0x751: {  	v10 =	vld [tilespmem:s30+$0x6D10]  }
0x752: {  	v11 =	vld [tilespmem:s31+$0x6900]  }
0x753: {  	v3 =	vld [tilespmem:s30+$0x6930]  }
0x754: {  	v5 =	vld [tilespmem:s31+$0x6520];
	[tilespmem:s30+$0x12910] =	vst v0  }
0x755: {  	[tilespmem:s31+$0x12500] =	vst v1;
	v0 =	vld.idx.msk [tilespmem:v2+s3+$0x0], $0xffff  }
0x756: {  	v1 =	vld.idx.msk [tilespmem:v4+s3+$0x0], $0xffff  }
0x757: {  	v2 =	vld.idx.msk [tilespmem:v6+s3+$0x0], $0xffff  }
0x758: {  	v62 =	vld [tilespmem:s0+$0x6170]  }
0x759: {  	v4 =	vld [tilespmem:s30+$0x6940]  }
0x75a: {  	v6 =	vld [tilespmem:s31+$0x6530];
	[tilespmem:s30+$0x12920] =	vst v0  }
0x75b: {  	[tilespmem:s31+$0x12510] =	vst v1;
	v0 =	vld.idx.msk [tilespmem:v3+s3+$0x0], $0xffff  }
0x75c: {  	[tilespmem:s0+$0x12100] =	vst v2;
	v1 =	vld.idx.msk [tilespmem:v5+s3+$0x0], $0xffff  }
0x75d: {  	v2 =	vld.idx.msk [tilespmem:v7+s3+$0x0], $0xffff  }
0x75e: {  	v3 =	vld [tilespmem:s30+$0x6950]  }
0x75f: {  	v5 =	vld [tilespmem:s31+$0x6540]  }
0x760: {  	v7 =	vld [tilespmem:s0+$0x6130];
	[tilespmem:s30+$0x12930] =	vst v0  }
0x761: {  	[tilespmem:s31+$0x12520] =	vst v1;
	v0 =	vld.idx.msk [tilespmem:v4+s3+$0x0], $0xffff  }
0x762: {  	[tilespmem:s0+$0x12110] =	vst v2;
	v1 =	vld.idx.msk [tilespmem:v6+s3+$0x0], $0xffff  }
0x763: {  	v2 =	vld.idx.msk [tilespmem:v8+s3+$0x0], $0xffff  }
0x764: {  	v4 =	vld [tilespmem:s30+$0x6960]  }
0x765: {  	v6 =	vld [tilespmem:s31+$0x6550]  }
0x766: {  	v8 =	vld [tilespmem:s0+$0x6140];
	[tilespmem:s30+$0x12940] =	vst v0  }
0x767: {  	[tilespmem:s31+$0x12530] =	vst v1;
	v0 =	vld.idx.msk [tilespmem:v3+s3+$0x0], $0xffff  }
0x768: {  	[tilespmem:s0+$0x12120] =	vst v2;
	v1 =	vld.idx.msk [tilespmem:v5+s3+$0x0], $0xffff  }
0x769: {  	v2 =	vld.idx.msk [tilespmem:v7+s3+$0x0], $0xffff  }
0x76a: {  	v3 =	vld [tilespmem:s30+$0x6970]  }
0x76b: {  	v5 =	vld [tilespmem:s31+$0x6560]  }
0x76c: {  	v7 =	vld [tilespmem:s0+$0x6150];
	[tilespmem:s30+$0x12950] =	vst v0  }
0x76d: {  	[tilespmem:s31+$0x12540] =	vst v1;
	v1 =	vld.idx.msk [tilespmem:v4+s3+$0x0], $0xffff  }
0x76e: {  	[tilespmem:s0+$0x12130] =	vst v2;
	v2 =	vld.idx.msk [tilespmem:v6+s3+$0x0], $0xffff  }
0x76f: {  	v4 =	vld.idx.msk [tilespmem:v8+s3+$0x0], $0xffff  }
0x770: {  	v63 =	vld [tilespmem:s30+$0x6D20]  }
0x771: {  	v6 =	vld [tilespmem:s30+$0x6D00]  }
0x772: {  	v8 =	vld [tilespmem:s31+$0x6570];
	[tilespmem:s30+$0x12960] =	vst v1  }
0x773: {  	[tilespmem:s31+$0x12550] =	vst v2;
	v2 =	vld.idx.msk [tilespmem:v3+s3+$0x0], $0xffff  }
0x774: {  	[tilespmem:s0+$0x12140] =	vst v4;
	v3 =	vld.idx.msk [tilespmem:v5+s3+$0x0], $0xffff  }
0x775: {  	v4 =	vld.idx.msk [tilespmem:v7+s3+$0x0], $0xffff  }
0x776: {  	v0 =	vld [tilespmem:s30+$0x6D70]  }
0x777: {  	v1 =	vld [tilespmem:s30+$0x6D60]  }
0x778: {  	v5 =	vld [tilespmem:s31+$0x6910];
	[tilespmem:s30+$0x12970] =	vst v2  }
0x779: {  	[tilespmem:s31+$0x12560] =	vst v3;
	v3 =	vld.idx.msk [tilespmem:v6+s3+$0x0], $0xffff  }
0x77a: {  	[tilespmem:s0+$0x12150] =	vst v4;
	v4 =	vld.idx.msk [tilespmem:v8+s3+$0x0], $0xffff  }
0x77b: {  	v6 =	vld.idx.msk [tilespmem:v9+s3+$0x0], $0xffff  }
0x77c: {  	v7 =	vld [tilespmem:s0+$0x6500]  }
0x77d: {  	v2 =	vld [tilespmem:s30+$0x6D50]  }
0x77e: {  	v8 =	vld [tilespmem:s0+$0x6510];
	[tilespmem:s30+$0x12D00] =	vst v3  }
0x77f: {  	[tilespmem:s31+$0x12570] =	vst v4;
	v4 =	vld.idx.msk [tilespmem:v10+s3+$0x0], $0xffff  }
0x780: {  	[tilespmem:s0+$0x12160] =	vst v6;
	v11 =	vld.idx.msk [tilespmem:v11+s3+$0x0], $0xffff  }
0x781: {  	s5 =	simm.s32 $0x600;
	s2 =	simm.s32 $0x180;
	v9 =	vld.idx.msk [tilespmem:v62+s3+$0x0], $0xffff  }
0x782: {  	s1 =	sand.u32 $0x1000, s5;
	s4 =	sand.u32 $0x380, s2;
	v3 =	vld [tilespmem:s30+$0x6D30]  }
0x783: {  	s1 =	sor.u32 s4, s1;
	v6 =	vld [tilespmem:s31+$0x6920]  }
0x784: {  	v10 =	vld [tilespmem:s1+$0x6100];
	[tilespmem:s30+$0x12D10] =	vst v4  }
0x785: {  	s4 =	simm.s32 $0x800;
	[tilespmem:s31+$0x12900] =	vst v11;
	v4 =	vld.idx.msk [tilespmem:v63+s3+$0x0], $0xffff  }
.LBB2_12:
0x786: {  	p0 =	sne.s32 s4, $0x1E00;
	[tilespmem:s0+$0x12170] =	vst v9;
	v5 =	vld.idx.msk [tilespmem:v5+s3+$0x0], $0xffff  }
0x787: {  	v7 =	vld.idx.msk [tilespmem:v7+s3+$0x0], $0xffff  }
0x788: {  	v9 =	vld [tilespmem:s30+$0x6D40]  }
0x789: {  	v11 =	vld [tilespmem:s31+$0x6930]  }
0x78a: {  	v12 =	vld [tilespmem:s0+$0x6520]  }
0x78b: {  	v13 =	vld [tilespmem:s1+$0x6110];
	[tilespmem:s30+$0x12D20] =	vst v4  }
0x78c: {  	[tilespmem:s31+$0x12910] =	vst v5;
	v3 =	vld.idx.msk [tilespmem:v3+s3+$0x0], $0xffff  }
0x78d: {  	[tilespmem:s0+$0x12500] =	vst v7;
	v4 =	vld.idx.msk [tilespmem:v6+s3+$0x0], $0xffff  }
0x78e: {  	v5 =	vld.idx.msk [tilespmem:v8+s3+$0x0], $0xffff  }
0x78f: {  	v6 =	vld.idx.msk [tilespmem:v10+s3+$0x0], $0xffff  }
0x790: {  	v7 =	vld [tilespmem:s31+$0x6940]  }
0x791: {  	v8 =	vld [tilespmem:s0+$0x6530]  }
0x792: {  	v10 =	vld [tilespmem:s1+$0x6120];
	[tilespmem:s30+$0x12D30] =	vst v3  }
0x793: {  	[tilespmem:s31+$0x12920] =	vst v4;
	v3 =	vld.idx.msk [tilespmem:v9+s3+$0x0], $0xffff  }
0x794: {  	[tilespmem:s0+$0x12510] =	vst v5;
	v4 =	vld.idx.msk [tilespmem:v11+s3+$0x0], $0xffff  }
0x795: {  	[tilespmem:s1+$0x12100] =	vst v6;
	v5 =	vld.idx.msk [tilespmem:v12+s3+$0x0], $0xffff  }
0x796: {  	v6 =	vld.idx.msk [tilespmem:v13+s3+$0x0], $0xffff  }
0x797: {  	v9 =	vld [tilespmem:s31+$0x6950]  }
0x798: {  	v11 =	vld [tilespmem:s0+$0x6540]  }
0x799: {  	v12 =	vld [tilespmem:s1+$0x6130];
	[tilespmem:s30+$0x12D40] =	vst v3  }
0x79a: {  	[tilespmem:s31+$0x12930] =	vst v4;
	v2 =	vld.idx.msk [tilespmem:v2+s3+$0x0], $0xffff  }
0x79b: {  	[tilespmem:s0+$0x12520] =	vst v5;
	v3 =	vld.idx.msk [tilespmem:v7+s3+$0x0], $0xffff  }
0x79c: {  	[tilespmem:s1+$0x12110] =	vst v6;
	v4 =	vld.idx.msk [tilespmem:v8+s3+$0x0], $0xffff  }
0x79d: {  	v5 =	vld.idx.msk [tilespmem:v10+s3+$0x0], $0xffff  }
0x79e: {  	v6 =	vld [tilespmem:s31+$0x6960]  }
0x79f: {  	v7 =	vld [tilespmem:s0+$0x6550]  }
0x7a0: {  	v8 =	vld [tilespmem:s1+$0x6140];
	[tilespmem:s30+$0x12D50] =	vst v2  }
0x7a1: {  	[tilespmem:s31+$0x12940] =	vst v3;
	v1 =	vld.idx.msk [tilespmem:v1+s3+$0x0], $0xffff  }
0x7a2: {  	[tilespmem:s0+$0x12530] =	vst v4;
	v2 =	vld.idx.msk [tilespmem:v9+s3+$0x0], $0xffff  }
0x7a3: {  	[tilespmem:s1+$0x12120] =	vst v5;
	v3 =	vld.idx.msk [tilespmem:v11+s3+$0x0], $0xffff  }
0x7a4: {  	v4 =	vld.idx.msk [tilespmem:v12+s3+$0x0], $0xffff  }
0x7a5: {  	v5 =	vld [tilespmem:s31+$0x6970]  }
0x7a6: {  	v9 =	vld [tilespmem:s0+$0x6560]  }
0x7a7: {  	v10 =	vld [tilespmem:s1+$0x6150];
	[tilespmem:s30+$0x12D60] =	vst v1  }
0x7a8: {  	[tilespmem:s31+$0x12950] =	vst v2;
	v1 =	vld.idx.msk [tilespmem:v0+s3+$0x0], $0xffff  }
0x7a9: {  	[tilespmem:s0+$0x12540] =	vst v3;
	v2 =	vld.idx.msk [tilespmem:v6+s3+$0x0], $0xffff  }
0x7aa: {  	[tilespmem:s1+$0x12130] =	vst v4;
	v3 =	vld.idx.msk [tilespmem:v7+s3+$0x0], $0xffff  }
0x7ab: {  	v4 =	vld.idx.msk [tilespmem:v8+s3+$0x0], $0xffff  }
0x7ac: {  	v0 =	vld [tilespmem:s31+$0x6D70]  }
0x7ad: {  	v6 =	vld [tilespmem:s31+$0x6D00]  }
0x7ae: {  	v7 =	vld [tilespmem:s0+$0x6570];
	[tilespmem:s30+$0x12D70] =	vst v1;
	s30 =	smov.u32 s31;
	s31 =	smov.u32 s0;
	s0 =	smov.u32 s1  }
0x7af: {  	v8 =	vld [tilespmem:s0+$0x6160];
	[tilespmem:s30+$0x12960] =	vst v2  }
0x7b0: {  	[tilespmem:s31+$0x12550] =	vst v3;
	v2 =	vld.idx.msk [tilespmem:v5+s3+$0x0], $0xffff  }
0x7b1: {  	[tilespmem:s0+$0x12140] =	vst v4;
	v3 =	vld.idx.msk [tilespmem:v9+s3+$0x0], $0xffff  }
0x7b2: {  	v4 =	vld.idx.msk [tilespmem:v10+s3+$0x0], $0xffff  }
0x7b3: {  	v1 =	vld [tilespmem:s30+$0x6D60]  }
0x7b4: {  	v9 =	vld [tilespmem:s30+$0x6D10]  }
0x7b5: {  	v10 =	vld [tilespmem:s31+$0x6900]  }
0x7b6: {  	v11 =	vld [tilespmem:s0+$0x6170];
	[tilespmem:s30+$0x12970] =	vst v2  }
0x7b7: {  	[tilespmem:s31+$0x12560] =	vst v3;
	v3 =	vld.idx.msk [tilespmem:v6+s3+$0x0], $0xffff  }
0x7b8: {  	[tilespmem:s0+$0x12150] =	vst v4;
	v4 =	vld.idx.msk [tilespmem:v7+s3+$0x0], $0xffff  }
0x7b9: {  	v6 =	vld.idx.msk [tilespmem:v8+s3+$0x0], $0xffff  }
0x7ba: {  	v2 =	vld [tilespmem:s30+$0x6D50]  }
0x7bb: {  	v12 =	vld [tilespmem:s30+$0x6D20]  }
0x7bc: {  	v5 =	vld [tilespmem:s31+$0x6910]  }
0x7bd: {  	v7 =	vld [tilespmem:s0+$0x6500];
	[tilespmem:s30+$0x12D00] =	vst v3  }
0x7be: {  	[tilespmem:s31+$0x12570] =	vst v4;
	v4 =	vld.idx.msk [tilespmem:v9+s3+$0x0], $0xffff  }
0x7bf: {  	[tilespmem:s0+$0x12160] =	vst v6;
	v13 =	vld.idx.msk [tilespmem:v10+s3+$0x0], $0xffff  }
0x7c0: {  	v9 =	vld.idx.msk [tilespmem:v11+s3+$0x0], $0xffff  }
.Ltmp5:
0x7c1: {  	s2 =	sadd.s32 $0x80, s2;
	v3 =	vld [tilespmem:s30+$0x6D30];
	(pc) =	sbr.rel @p0 .LBB2_12-.Ltmp5, $4  }
0x7c2: {  	s5 =	sand.u32 $0x380, s2;
	s1 =	sand.u32 $0x1000, s4;
	v6 =	vld [tilespmem:s31+$0x6920]  }
0x7c3: {  	s1 =	sor.u32 s5, s1;
	v8 =	vld [tilespmem:s0+$0x6510]  }
0x7c4: {  	v10 =	vld [tilespmem:s1+$0x6100];
	[tilespmem:s30+$0x12D10] =	vst v4  }
0x7c5: {  	s4 =	sadd.s32 $0x200, s4;
	[tilespmem:s31+$0x12900] =	vst v13;
	v4 =	vld.idx.msk [tilespmem:v12+s3+$0x0], $0xffff  }
0x7c6: {  	_ =	sdelay $0x4  }
0x7c7: {  	v11 =	vld [tilespmem:s1+$0x6110];
	_ =	sdelay $0x1  }
0x7c8: {  	v10 =	vld.idx.msk [tilespmem:v10+s3+$0x0], $0xffff;
	_ =	sdelay $0x3  }
0x7c9: {  	v12 =	vld [tilespmem:s1+$0x6120]  }
0x7ca: {  	[tilespmem:s1+$0x12100] =	vst v10  }
0x7cb: {  	v10 =	vld.idx.msk [tilespmem:v11+s3+$0x0], $0xffff;
	_ =	sdelay $0x3  }
0x7cc: {  	v34 =	vld [tilespmem:s1+$0x6130]  }
0x7cd: {  	[tilespmem:s1+$0x12110] =	vst v10  }
0x7ce: {  	v10 =	vld.idx.msk [tilespmem:v12+s3+$0x0], $0xffff;
	_ =	sdelay $0x3  }
0x7cf: {  	v35 =	vld [tilespmem:s1+$0x6140]  }
0x7d0: {  	[tilespmem:s1+$0x12120] =	vst v10  }
0x7d1: {  	v10 =	vld.idx.msk [tilespmem:v34+s3+$0x0], $0xffff;
	_ =	sdelay $0x3  }
0x7d2: {  	v36 =	vld [tilespmem:s1+$0x6150]  }
0x7d3: {  	[tilespmem:s1+$0x12130] =	vst v10  }
0x7d4: {  	v10 =	vld.idx.msk [tilespmem:v35+s3+$0x0], $0xffff;
	_ =	sdelay $0x3  }
0x7d5: {  	v37 =	vld [tilespmem:s1+$0x6160]  }
0x7d6: {  	[tilespmem:s1+$0x12140] =	vst v10  }
0x7d7: {  	v10 =	vld.idx.msk [tilespmem:v36+s3+$0x0], $0xffff;
	_ =	sdelay $0x3  }
0x7d8: {  	v38 =	vld [tilespmem:s1+$0x6170]  }
0x7d9: {  	[tilespmem:s1+$0x12150] =	vst v10  }
0x7da: {  	v10 =	vld.idx.msk [tilespmem:v37+s3+$0x0], $0xffff;
	_ =	sdelay $0x3  }
0x7db: {  	v39 =	vld [tilespmem:s1+$0x6500]  }
0x7dc: {  	[tilespmem:s1+$0x12160] =	vst v10  }
0x7dd: {  	v10 =	vld.idx.msk [tilespmem:v38+s3+$0x0], $0xffff;
	_ =	sdelay $0x3  }
0x7de: {  	[tilespmem:s0+$0x12170] =	vst v9;
	v40 =	vld [tilespmem:s1+$0x6510]  }
0x7df: {  	v7 =	vld.idx.msk [tilespmem:v7+s3+$0x0], $0xffff;
	[tilespmem:s1+$0x12170] =	vst v10  }
0x7e0: {  	v10 =	vld.idx.msk [tilespmem:v39+s3+$0x0], $0xffff;
	_ =	sdelay $0x2  }
0x7e1: {  	v41 =	vld [tilespmem:s0+$0x6520]  }
0x7e2: {  	v42 =	vld [tilespmem:s1+$0x6520];
	[tilespmem:s0+$0x12500] =	vst v7  }
0x7e3: {  	v8 =	vld.idx.msk [tilespmem:v8+s3+$0x0], $0xffff;
	[tilespmem:s1+$0x12500] =	vst v10  }
0x7e4: {  	v9 =	vld.idx.msk [tilespmem:v40+s3+$0x0], $0xffff;
	_ =	sdelay $0x2  }
0x7e5: {  	v43 =	vld [tilespmem:s0+$0x6530]  }
0x7e6: {  	v44 =	vld [tilespmem:s1+$0x6530];
	[tilespmem:s0+$0x12510] =	vst v8  }
0x7e7: {  	v11 =	vld.idx.msk [tilespmem:v41+s3+$0x0], $0xffff;
	[tilespmem:s1+$0x12510] =	vst v9  }
0x7e8: {  	v7 =	vld.idx.msk [tilespmem:v42+s3+$0x0], $0xffff;
	_ =	sdelay $0x2  }
0x7e9: {  	v46 =	vld [tilespmem:s0+$0x6540]  }
0x7ea: {  	v47 =	vld [tilespmem:s1+$0x6540];
	[tilespmem:s0+$0x12520] =	vst v11  }
0x7eb: {  	v10 =	vld.idx.msk [tilespmem:v43+s3+$0x0], $0xffff;
	[tilespmem:s1+$0x12520] =	vst v7  }
0x7ec: {  	v48 =	vld.idx.msk [tilespmem:v44+s3+$0x0], $0xffff  }
0x7ed: {  	v5 =	vld.idx.msk [tilespmem:v5+s3+$0x0], $0xffff;
	_ =	sdelay $0x1  }
0x7ee: {  	v50 =	vld [tilespmem:s0+$0x6550]  }
0x7ef: {  	v51 =	vld [tilespmem:s1+$0x6550];
	[tilespmem:s0+$0x12530] =	vst v10  }
0x7f0: {  	v12 =	vld.idx.msk [tilespmem:v46+s3+$0x0], $0xffff;
	[tilespmem:s1+$0x12530] =	vst v48  }
0x7f1: {  	[tilespmem:s31+$0x12910] =	vst v5;
	v5 =	vld.idx.msk [tilespmem:v47+s3+$0x0], $0xffff;
	_ =	sdelay $0x2  }
0x7f2: {  	v53 =	vld [tilespmem:s0+$0x6560]  }
0x7f3: {  	v54 =	vld [tilespmem:s1+$0x6560];
	[tilespmem:s0+$0x12540] =	vst v12  }
0x7f4: {  	v8 =	vld.idx.msk [tilespmem:v50+s3+$0x0], $0xffff;
	[tilespmem:s1+$0x12540] =	vst v5  }
0x7f5: {  	v5 =	vld.idx.msk [tilespmem:v51+s3+$0x0], $0xffff;
	_ =	sdelay $0x2  }
0x7f6: {  	v56 =	vld [tilespmem:s0+$0x6570]  }
0x7f7: {  	v57 =	vld [tilespmem:s1+$0x6570];
	[tilespmem:s0+$0x12550] =	vst v8  }
0x7f8: {  	v11 =	vld.idx.msk [tilespmem:v53+s3+$0x0], $0xffff;
	[tilespmem:s1+$0x12550] =	vst v5  }
0x7f9: {  	v5 =	vld.idx.msk [tilespmem:v54+s3+$0x0], $0xffff;
	_ =	sdelay $0x1  }
0x7fa: {  	v45 =	vld [tilespmem:s31+$0x6930]  }
0x7fb: {  	v59 =	vld [tilespmem:s0+$0x6900]  }
0x7fc: {  	v60 =	vld [tilespmem:s1+$0x6900];
	[tilespmem:s0+$0x12560] =	vst v11  }
0x7fd: {  	v10 =	vld.idx.msk [tilespmem:v56+s3+$0x0], $0xffff;
	[tilespmem:s1+$0x12560] =	vst v5  }
0x7fe: {  	v5 =	vld.idx.msk [tilespmem:v57+s3+$0x0], $0xffff  }
0x7ff: {  	v49 =	vld [tilespmem:s31+$0x6940]  }
0x800: {  	v52 =	vld [tilespmem:s31+$0x6950]  }
0x801: {  	v61 =	vld [tilespmem:s0+$0x6910]  }
0x802: {  	v62 =	vld [tilespmem:s1+$0x6910];
	[tilespmem:s0+$0x12570] =	vst v10  }
0x803: {  	v10 =	vld.idx.msk [tilespmem:v59+s3+$0x0], $0xffff;
	[tilespmem:s1+$0x12570] =	vst v5  }
0x804: {  	v5 =	vld.idx.msk [tilespmem:v60+s3+$0x0], $0xffff  }
0x805: {  	v55 =	vld [tilespmem:s31+$0x6960]  }
0x806: {  	v58 =	vld [tilespmem:s31+$0x6970]  }
0x807: {  	v13 =	vld [tilespmem:s0+$0x6920]  }
0x808: {  	v24 =	vld [tilespmem:s1+$0x6920];
	[tilespmem:s0+$0x12900] =	vst v10  }
0x809: {  	v7 =	vld.idx.msk [tilespmem:v61+s3+$0x0], $0xffff;
	[tilespmem:s1+$0x12900] =	vst v5  }
0x80a: {  	v5 =	vld.idx.msk [tilespmem:v62+s3+$0x0], $0xffff  }
0x80b: {  	v63 =	vld [tilespmem:s31+$0x6D70]  }
0x80c: {  	v6 =	vld.idx.msk [tilespmem:v6+s3+$0x0], $0xffff  }
0x80d: {  	v25 =	vld [tilespmem:s0+$0x6930]  }
0x80e: {  	v26 =	vld [tilespmem:s1+$0x6930];
	[tilespmem:s0+$0x12910] =	vst v7  }
0x80f: {  	v27 =	vld.idx.msk [tilespmem:v13+s3+$0x0], $0xffff;
	[tilespmem:s1+$0x12910] =	vst v5  }
0x810: {  	v5 =	vld.idx.msk [tilespmem:v24+s3+$0x0], $0xffff  }
0x811: {  	v23 =	vld [tilespmem:s31+$0x6D00];
	[tilespmem:s31+$0x12920] =	vst v6  }
0x812: {  	v6 =	vld.idx.msk [tilespmem:v45+s3+$0x0], $0xffff  }
0x813: {  	v14 =	vld [tilespmem:s0+$0x6940]  }
0x814: {  	v30 =	vld [tilespmem:s1+$0x6940];
	[tilespmem:s0+$0x12920] =	vst v27  }
0x815: {  	v8 =	vld.idx.msk [tilespmem:v25+s3+$0x0], $0xffff;
	[tilespmem:s1+$0x12920] =	vst v5  }
0x816: {  	v5 =	vld.idx.msk [tilespmem:v26+s3+$0x0], $0xffff  }
0x817: {  	v28 =	vld [tilespmem:s31+$0x6D60];
	[tilespmem:s31+$0x12930] =	vst v6  }
0x818: {  	v6 =	vld.idx.msk [tilespmem:v49+s3+$0x0], $0xffff  }
0x819: {  	v32 =	vld [tilespmem:s0+$0x6950]  }
0x81a: {  	v33 =	vld [tilespmem:s1+$0x6950];
	[tilespmem:s0+$0x12930] =	vst v8  }
0x81b: {  	v14 =	vld.idx.msk [tilespmem:v14+s3+$0x0], $0xffff;
	[tilespmem:s1+$0x12930] =	vst v5  }
0x81c: {  	v5 =	vld.idx.msk [tilespmem:v30+s3+$0x0], $0xffff  }
0x81d: {  	v29 =	vld [tilespmem:s31+$0x6D10];
	[tilespmem:s31+$0x12940] =	vst v6  }
0x81e: {  	v6 =	vld.idx.msk [tilespmem:v52+s3+$0x0], $0xffff  }
0x81f: {  	v16 =	vld [tilespmem:s0+$0x6960]  }
0x820: {  	v35 =	vld [tilespmem:s1+$0x6960];
	[tilespmem:s0+$0x12940] =	vst v14  }
0x821: {  	v12 =	vld.idx.msk [tilespmem:v32+s3+$0x0], $0xffff;
	[tilespmem:s1+$0x12940] =	vst v5  }
0x822: {  	v5 =	vld.idx.msk [tilespmem:v33+s3+$0x0], $0xffff  }
0x823: {  	v31 =	vld [tilespmem:s30+$0x6D40];
	[tilespmem:s31+$0x12950] =	vst v6  }
0x824: {  	v6 =	vld.idx.msk [tilespmem:v55+s3+$0x0], $0xffff  }
0x825: {  	v37 =	vld [tilespmem:s0+$0x6970]  }
0x826: {  	v38 =	vld [tilespmem:s1+$0x6970];
	[tilespmem:s0+$0x12950] =	vst v12  }
0x827: {  	v16 =	vld.idx.msk [tilespmem:v16+s3+$0x0], $0xffff;
	[tilespmem:s1+$0x12950] =	vst v5  }
0x828: {  	v5 =	vld.idx.msk [tilespmem:v35+s3+$0x0], $0xffff  }
0x829: {  	v15 =	vld [tilespmem:s31+$0x6D20];
	[tilespmem:s31+$0x12960] =	vst v6  }
0x82a: {  	v6 =	vld.idx.msk [tilespmem:v58+s3+$0x0], $0xffff  }
0x82b: {  	v17 =	vld [tilespmem:s0+$0x6D00]  }
0x82c: {  	v40 =	vld [tilespmem:s1+$0x6D00];
	[tilespmem:s0+$0x12960] =	vst v16  }
0x82d: {  	v13 =	vld.idx.msk [tilespmem:v37+s3+$0x0], $0xffff;
	[tilespmem:s1+$0x12960] =	vst v5  }
0x82e: {  	v5 =	vld.idx.msk [tilespmem:v38+s3+$0x0], $0xffff  }
0x82f: {  	v19 =	vld [tilespmem:s0+$0x6D10];
	[tilespmem:s31+$0x12970] =	vst v6  }
0x830: {  	v6 =	vld.idx.msk [tilespmem:v23+s3+$0x0], $0xffff  }
0x831: {  	v21 =	vld [tilespmem:s0+$0x6D20]  }
0x832: {  	v42 =	vld [tilespmem:s1+$0x6D10];
	[tilespmem:s0+$0x12970] =	vst v13  }
0x833: {  	v17 =	vld.idx.msk [tilespmem:v17+s3+$0x0], $0xffff;
	[tilespmem:s1+$0x12970] =	vst v5  }
0x834: {  	v5 =	vld.idx.msk [tilespmem:v40+s3+$0x0], $0xffff  }
0x835: {  	v22 =	vld [tilespmem:s1+$0x6D50];
	[tilespmem:s31+$0x12D00] =	vst v6  }
0x836: {  	v6 =	vld.idx.msk [tilespmem:v29+s3+$0x0], $0xffff  }
0x837: {  	v36 =	vld [tilespmem:s31+$0x6D30]  }
0x838: {  	v44 =	vld [tilespmem:s1+$0x6D20];
	[tilespmem:s0+$0x12D00] =	vst v17  }
0x839: {  	v19 =	vld.idx.msk [tilespmem:v19+s3+$0x0], $0xffff;
	[tilespmem:s1+$0x12D00] =	vst v5  }
0x83a: {  	[tilespmem:s30+$0x12D20] =	vst v4;
	v5 =	vld.idx.msk [tilespmem:v42+s3+$0x0], $0xffff  }
0x83b: {  	v3 =	vld.idx.msk [tilespmem:v3+s3+$0x0], $0xffff;
	[tilespmem:s31+$0x12D10] =	vst v6  }
0x83c: {  	v6 =	vld.idx.msk [tilespmem:v15+s3+$0x0], $0xffff  }
0x83d: {  	v46 =	vld [tilespmem:s0+$0x6D30]  }
0x83e: {  	v47 =	vld [tilespmem:s1+$0x6D30];
	[tilespmem:s0+$0x12D10] =	vst v19  }
0x83f: {  	v48 =	vld.idx.msk [tilespmem:v21+s3+$0x0], $0xffff;
	[tilespmem:s1+$0x12D10] =	vst v5  }
0x840: {  	v49 =	vld.idx.msk [tilespmem:v44+s3+$0x0], $0xffff  }
0x841: {  	v45 =	vld [tilespmem:s31+$0x6D40];
	[tilespmem:s31+$0x12D20] =	vst v6  }
0x842: {  	v6 =	vld.idx.msk [tilespmem:v36+s3+$0x0], $0xffff  }
0x843: {  	v50 =	vld [tilespmem:s0+$0x6D40]  }
0x844: {  	v51 =	vld [tilespmem:s1+$0x6D40];
	[tilespmem:s0+$0x12D20] =	vst v48  }
0x845: {  	v52 =	vld.idx.msk [tilespmem:v46+s3+$0x0], $0xffff;
	[tilespmem:s1+$0x12D20] =	vst v49  }
0x846: {  	[tilespmem:s30+$0x12D30] =	vst v3;
	v53 =	vld.idx.msk [tilespmem:v47+s3+$0x0], $0xffff  }
0x847: {  	v3 =	vld.idx.msk [tilespmem:v31+s3+$0x0], $0xffff  }
0x848: {  	v34 =	vld [tilespmem:s31+$0x6D50]  }
0x849: {  	v43 =	vld [tilespmem:s0+$0x6D50];
	[tilespmem:s31+$0x12D30] =	vst v6  }
0x84a: {  	v54 =	vld.idx.msk [tilespmem:v45+s3+$0x0], $0xffff;
	[tilespmem:s0+$0x12D30] =	vst v52  }
0x84b: {  	v55 =	vld.idx.msk [tilespmem:v50+s3+$0x0], $0xffff;
	[tilespmem:s1+$0x12D30] =	vst v53  }
0x84c: {  	v5 =	vld.idx.msk [tilespmem:v51+s3+$0x0], $0xffff  }
0x84d: {  	v20 =	vld [tilespmem:s1+$0x6D60];
	[tilespmem:s30+$0x12D40] =	vst v3  }
0x84e: {  	v2 =	vld.idx.msk [tilespmem:v2+s3+$0x0], $0xffff  }
0x84f: {  	v41 =	vld [tilespmem:s0+$0x6D60];
	[tilespmem:s31+$0x12D40] =	vst v54  }
0x850: {  	v56 =	vld.idx.msk [tilespmem:v34+s3+$0x0], $0xffff;
	[tilespmem:s0+$0x12D40] =	vst v55  }
0x851: {  	v57 =	vld.idx.msk [tilespmem:v43+s3+$0x0], $0xffff;
	[tilespmem:s1+$0x12D40] =	vst v5  }
0x852: {  	v5 =	vld.idx.msk [tilespmem:v22+s3+$0x0], $0xffff  }
0x853: {  	v18 =	vld [tilespmem:s1+$0x6D70];
	[tilespmem:s30+$0x12D50] =	vst v2  }
0x854: {  	v1 =	vld.idx.msk [tilespmem:v1+s3+$0x0], $0xffff  }
0x855: {  	v39 =	vld [tilespmem:s0+$0x6D70];
	[tilespmem:s31+$0x12D50] =	vst v56  }
0x856: {  	v58 =	vld.idx.msk [tilespmem:v28+s3+$0x0], $0xffff;
	[tilespmem:s0+$0x12D50] =	vst v57  }
0x857: {  	v59 =	vld.idx.msk [tilespmem:v41+s3+$0x0], $0xffff;
	[tilespmem:s1+$0x12D50] =	vst v5  }
0x858: {  	v60 =	vld.idx.msk [tilespmem:v20+s3+$0x0], $0xffff;
	_ =	sdelay $0x1  }
0x859: {  	[tilespmem:s30+$0x12D60] =	vst v1  }
0x85a: {  	v0 =	vld.idx.msk [tilespmem:v0+s3+$0x0], $0xffff;
	[tilespmem:s31+$0x12D60] =	vst v58  }
0x85b: {  	v61 =	vld.idx.msk [tilespmem:v63+s3+$0x0], $0xffff;
	[tilespmem:s0+$0x12D60] =	vst v59  }
0x85c: {  	v62 =	vld.idx.msk [tilespmem:v39+s3+$0x0], $0xffff;
	[tilespmem:s1+$0x12D60] =	vst v60  }
0x85d: {  	v63 =	vld.idx.msk [tilespmem:v18+s3+$0x0], $0xffff;
	_ =	sdelay $0x1  }
0x85e: {  	[tilespmem:s30+$0x12D70] =	vst v0  }
0x85f: {  	[tilespmem:s31+$0x12D70] =	vst v61  }
0x860: {  	[tilespmem:s0+$0x12D70] =	vst v62  }
0x861: {  	s29 =	sadd.s32 $0x1, s29;
	[tilespmem:s1+$0x12D70] =	vst v63  }
0x862: {  	[hbm4b:s15+s18] =	stream.strided.scatter [tilespmem:s25], [sflag:$0x5], $0x2000, s19, s18, $0x38;
	[tilespmem:$0x18100] =	vst v63  }
0x863: {  	p0 =	sne.s32 s29, s16;
	_ =	swait.ge [sflag:s26], $0x5000  }
.Ltmp6:
0x864: {  	[sflag:s26] =	ssyncset.done $0x0;
	(pc) =	sbr.rel @p0 .LBB2_1-.Ltmp6, $4  }
0x865: {  	[sflag:s26] =	ssyncadd.s32 $0xFFFFB000  }
0x866: {  	_ =	swait.ge [sflag:s28], $0x2000  }
0x867: {  	[sflag:s28] =	ssyncset.done $0x0  }
0x868: {  	[sflag:s28] =	ssyncadd.s32 $0xFFFFE000  }
0x869: {  	_ =	sfence.sel $0x180000  }
0x86a: {  	[bflag:$0x0] =	sbarrier.arrive $0xFFFF  }
0x86b: {  	_ =	strace $0x90000047  }
0x86c: {  	s0 =	stileid.u32;
	[bflag:$0x2] =	sbarrier.arrive $0xFFFF  }
0x86d: {  	p0 =	sne.s32 s0, $0x0;
	s0 =	rddreg [dreg:$0x3]  }
0x86e: {  	s0 =	sadd.s32 @!p0 $0x100000, s0  }
0x86f: {  	[sflag:s0] =	ssyncadd.tile.s32 @!p0 $0x1;
	_ =	shalt  }
.Lfunc_end2:
_tile_overlayer_lowered:
.L_overlay_start_2:
0x870: {  	(tag) =	ssettag $0x2  }
0x871: {  	s0 =	rddreg [dreg:$0x0];
	s2 =	stileid.u32  }
0x872: {  	s1 =	rddreg [dreg:$0x1];
	p0 =	sne.s32 s2, $0x0  }
0x873: {  	s3 =	rddreg [dreg:$0x2];
	[bflag:$0x3] =	sbarrier.arrive $0xFFFF;
	s2 =	simm.s32 @!p0 $0x1C06  }
0x874: {  	[timem:s3], [sflag:s2] =	dma.local @!p0 [hbm:s0], s1  }
0x875: {  	s0 =	simm.s32 @!p0 $0x6  }
0x876: {  	_ =	swait.ge @!p0 [sflag:s0], s1  }
0x877: {  	s1 =	ssub.s32 @!p0 $0x0, s1;
	[sflag:s0] =	ssyncset.done @!p0 $0x0  }
0x878: {  	[sflag:s0] =	ssyncadd.s32 @!p0 s1  }
0x879: {  	[bflag:$0x3] =	sbarrier.arrive $0xFFFF  }
0x87a: {  	_ =	shalt  }

</sc_bundles>
